<compile_context>
chip_gen: v7x
topology: tpu7x:2x2x1
jax: 0.10.2.dev20260603
libtpu: 0.0.44.dev20260713+nightly
codegen_flags: <defaults>
</compile_context>

<pallas_src>
import jax
import jax.numpy as jnp
from jax import lax
from jax.experimental import pallas as pl
from jax.experimental.pallas import tpu as pltpu
from jax.experimental.pallas import tpu_sc as plsc

B = 4096
NNUM = 13
NCAT = 26
V = 100000
D = 64

NC = 2
NS = 16
NW = NC * NS

WIN = 256
NWINF = 391
WTOT = NCAT * NWINF
WPW = (WTOT + NW - 1) // NW
TAIL0 = 390 * WIN
TAILN = V - TAIL0
OUTROWS = B * NCAT + 8
NBUF = 4


def _num_body(num_ref, w_ref, b_ref, out_ref):
    out_ref[...] = (num_ref[...][:, :, None] * w_ref[...][None, :, :]
                    + b_ref[...][None, :, :])


def _num_embed(numerical, num_W, num_bias):
    bb = 1024
    return pl.pallas_call(
        _num_body,
        grid=(B // bb,),
        in_specs=[
            pl.BlockSpec((bb, NNUM), lambda i: (i, 0)),
            pl.BlockSpec((NNUM, D), lambda i: (0, 0)),
            pl.BlockSpec((NNUM, D), lambda i: (0, 0)),
        ],
        out_specs=pl.BlockSpec((bb, NNUM, D), lambda i: (i, 0, 0)),
        out_shape=jax.ShapeDtypeStruct((B, NNUM, D), jnp.float32),
    )(numerical, num_W, num_bias)


def _sget(ref, i, lane):
    kv = ref[pl.ds((i // 16) * 16, 16)]
    return jnp.max(jnp.where(lane == i % 16, kv, jnp.int32(-2147483648)))


def _sc_body(keys_hbm, offs_hbm, tabT_hbm, tail_hbm, bias_hbm, out_hbm,
             win_v, stag_v, tailbuf_v, oidx_v, tidx_v, bias_v,
             keys_v, offs_v, gsems, ssems, tsem):
    wid = lax.axis_index("s") * NC + lax.axis_index("c")
    u0 = wid * WPW
    u1 = jnp.minimum(u0 + WPW, WTOT)
    f_lo = u0 // NWINF
    f_hi = (u1 - 1) // NWINF + 1
    lane = lax.iota(jnp.int32, 16)
    lane0 = lane == 0
    pad_row = B * NCAT + (wid % 8)

    pltpu.sync_copy(bias_hbm, bias_v)

    def stage_entry(tot, rowvals, rowid):
        p = tot % 128
        blk = tot // 128
        sl = lax.rem(blk, 2)
        pv = jnp.full((16,), p, jnp.int32)

        @pl.when((p == 0) & (blk >= 2))
        def _():
            pltpu.make_async_copy(tabT_hbm.at[0, :, pl.ds(0, WIN)],
                                  stag_v.at[sl], ssems.at[sl]).wait()

        for k in range(D // 16):
            stag_v[sl, p, pl.ds(16 * k, 16)] = rowvals[k]
        plsc.store_scatter(oidx_v.at[sl], [pv], rowid, mask=lane0)

        @pl.when(p == 127)
        def _():
            pltpu.async_copy(stag_v.at[sl], out_hbm.at[oidx_v.at[sl]],
                             ssems.at[sl])

        return tot + 1

    def field_step(f, tot_in):
        base = f * NWINF
        ws = jnp.maximum(u0, base) - base
        we = jnp.minimum(u1, base + NWINF) - base
        pltpu.sync_copy(keys_hbm.at[f], keys_v)
        pltpu.sync_copy(offs_hbm.at[f], offs_v)
        bias_regs = [bias_v[f, pl.ds(16 * k, 16)] for k in range(D // 16)]
        nstream = jnp.minimum(we, NWINF - 1) - ws

        def fire(w, slot):
            pltpu.async_copy(
                tabT_hbm.at[f, :, pl.ds(pl.multiple_of(w * WIN, 128), WIN)],
                win_v.at[slot], gsems.at[slot])

        for q in range(NBUF):
            @pl.when(q < nstream)
            def _():
                fire(ws + q, q)

        def win_step(w, tot):
            slot = lax.rem(w - ws, NBUF)
            ptr = _sget(offs_v, w, lane)
            end = _sget(offs_v, w + 1, lane)
            w0 = w * WIN
            pltpu.make_async_copy(tabT_hbm.at[0, :, pl.ds(0, WIN)],
                                  win_v.at[slot], gsems.at[slot]).wait()

            def key_step(j, tot_k):
                key = plsc.load_gather(keys_v, [jnp.full((16,), j, jnp.int32)])
                colv = (key >> 12) - w0
                rowid = (key & 4095) * NCAT + f
                rows = [plsc.load_gather(win_v.at[slot],
                                         [lane + 16 * k, colv])
                        + bias_regs[k] for k in range(D // 16)]
                return stage_entry(tot_k, rows, rowid)

            tot2 = lax.fori_loop(ptr, end, key_step, tot)

            @pl.when(w + NBUF < ws + nstream)
            def _():
                fire(w + NBUF, slot)

            return tot2

        tot_mid = lax.fori_loop(ws, ws + nstream, win_step, tot_in)

        def tail_mode(tot0):
            ptr = _sget(offs_v, NWINF - 1, lane)
            end = _sget(offs_v, NWINF, lane)
            for q in range(8):
                plsc.store_scatter(tidx_v.at[0], [lane + 16 * q],
                                   jnp.full((16,), wid * 4, jnp.int32))

            def fill_step(j, c):
                key = plsc.load_gather(keys_v, [jnp.full((16,), j, jnp.int32)])
                trow = (key >> 12) - TAIL0 + f * TAILN
                plsc.store_scatter(tidx_v.at[0],
                                   [jnp.full((16,), j - ptr, jnp.int32)],
                                   trow, mask=lane0)
                return c

            lax.fori_loop(ptr, end, fill_step, 0)
            pltpu.async_copy(tail_hbm.at[tidx_v.at[0]], tailbuf_v,
                             tsem).wait()

            def key_step(j, tot_k):
                key = plsc.load_gather(keys_v, [jnp.full((16,), j, jnp.int32)])
                rowid = (key & 4095) * NCAT + f
                jl = j - ptr
                rows = [tailbuf_v[jl, pl.ds(16 * k, 16)] + bias_regs[k]
                        for k in range(D // 16)]
                return stage_entry(tot_k, rows, rowid)

            return lax.fori_loop(ptr, end, key_step, tot0)

        return lax.cond(we == NWINF, tail_mode, lambda t: t, tot_mid)

    tot = lax.fori_loop(f_lo, f_hi, field_step, jnp.int32(0))

    blk_f = tot // 128

    @pl.when(blk_f >= 1)
    def _():
        pltpu.make_async_copy(tabT_hbm.at[0, :, pl.ds(0, WIN)],
                              stag_v.at[lax.rem(blk_f - 1, 2)],
                              ssems.at[lax.rem(blk_f - 1, 2)]).wait()

    @pl.when(tot % 128 != 0)
    def _():
        slf = lax.rem(blk_f, 2)
        pfin = jnp.full((16,), tot % 128, jnp.int32)
        for q in range(8):
            lq = lane + 16 * q
            plsc.store_scatter(oidx_v.at[slf], [lq],
                               jnp.full((16,), pad_row, jnp.int32),
                               mask=lq >= pfin)
        pltpu.async_copy(stag_v.at[slf], out_hbm.at[oidx_v.at[slf]],
                         ssems.at[slf]).wait()


def _cat_embed(keys, offs, tablesT, tail_pad, bias_pad):
    mesh = plsc.VectorSubcoreMesh(core_axis_name="c", subcore_axis_name="s",
                                  num_cores=NC, num_subcores=NS)
    run = pl.kernel(
        _sc_body,
        out_type=jax.ShapeDtypeStruct((OUTROWS, 128), jnp.float32),
        mesh=mesh,
        scratch_types=[
            pltpu.VMEM((NBUF, D, WIN), jnp.float32),
            pltpu.VMEM((2, 128, 128), jnp.float32),
            pltpu.VMEM((128, 128), jnp.float32),
            pltpu.VMEM((2, 128), jnp.int32),
            pltpu.VMEM((1, 128), jnp.int32),
            pltpu.VMEM((NCAT, 128), jnp.float32),
            pltpu.VMEM((B,), jnp.int32),
            pltpu.VMEM((512,), jnp.int32),
            pltpu.SemaphoreType.DMA((NBUF,)),
            pltpu.SemaphoreType.DMA((2,)),
            pltpu.SemaphoreType.DMA,
        ],
        compiler_params=pltpu.CompilerParams(use_tc_tiling_on_sc=True,
                                             needs_layout_passes=False),
    )
    return run(keys, offs, tablesT, tail_pad, bias_pad)


@jax.jit
def kernel(numerical, categorical, num_W, num_b, tables, num_token, cat_token,
           pos_enc):
    tablesT = jnp.transpose(tables, (0, 2, 1))
    catT = categorical.T
    keys = jnp.sort(catT * 4096 + jnp.arange(B, dtype=jnp.int32)[None, :],
                    axis=1)
    bounds = (jnp.arange(512, dtype=jnp.int32) << 20)
    offs = jnp.sum(keys[:, None, :] < bounds[None, :, None], axis=-1,
                   dtype=jnp.int32)
    tail_pad = jnp.pad(tables[:, TAIL0:, :],
                       ((0, 0), (0, 0), (0, 128 - D))).reshape(NCAT * TAILN,
                                                               128)
    bias_pad = jnp.pad(cat_token + pos_enc[NNUM:], ((0, 0), (0, 128 - D)))
    num_bias = num_b + num_token + pos_enc[:NNUM]
    num_e = _num_embed(numerical, num_W, num_bias)
    out_full = _cat_embed(keys, offs, tablesT, tail_pad, bias_pad)
    cat_e = out_full[:B * NCAT].reshape(B, NCAT, 128)[:, :, :D]
    return jnp.concatenate([num_e, cat_e], axis=1)

# --- scband reference (transcript-rebuilt; emitter-appended) ---
"""Pipeline reference for scband-feature-embedding-8014408974610 (READ-ONLY COPY).

The authoritative reference and input builder live on the scoring server;
editing this copy changes nothing except your own understanding.
"""

import jax, jax.numpy as jnp
import numpy as np

B = 4096
NNUM = 13
NCAT = 26
V = 100000
D = 64


def setup_inputs(seed: int = 0) -> dict:
    key = jax.random.key(seed)
    ks = jax.random.split(key, 8)
    numerical = jax.random.normal(ks[0], (B, NNUM), dtype=jnp.float32)
    categorical = jax.random.randint(ks[1], (B, NCAT), 0, V, dtype=jnp.int32)
    # per-feature Linear(1, D): weight vector [D] and bias [D] for each numerical feature
    num_W = jax.random.normal(ks[2], (NNUM, D), dtype=jnp.float32) * 0.05
    num_b = jax.random.normal(ks[3], (NNUM, D), dtype=jnp.float32) * 0.05
    # stacked embedding tables, one per categorical field
    tables = jax.random.normal(ks[4], (NCAT, V, D), dtype=jnp.float32) * 0.05
    num_token = jax.random.normal(ks[5], (1, D), dtype=jnp.float32) * 0.1
    cat_token = jax.random.normal(ks[6], (1, D), dtype=jnp.float32) * 0.1
    pos_enc = jax.random.normal(ks[7], (NNUM + NCAT, D), dtype=jnp.float32) * 0.1
    return {"numerical": numerical, "categorical": categorical, "num_W": num_W,
            "num_b": num_b, "tables": tables, "num_token": num_token,
            "cat_token": cat_token, "pos_enc": pos_enc}


def reference(numerical, categorical, num_W, num_b, tables, num_token, cat_token, pos_enc):
    # numerical embeddings: Linear(1, D) per feature -> [B, NNUM, D], plus numerical token
    num_e = numerical[:, :, None] * num_W[None, :, :] + num_b[None, :, :]
    num_e = num_e + num_token[None, :, :]
    # categorical embeddings: per-field table gather -> [B, NCAT, D], plus categorical token
    field_idx = jnp.arange(NCAT)[None, :]
    cat_e = tables[field_idx, categorical]  # (B, NCAT, D)
    cat_e = cat_e + cat_token[None, :, :]
    x = jnp.concatenate([num_e, cat_e], axis=1)  # (B, NNUM+NCAT, D)
    x = x + pos_enc[None, : x.shape[1], :]
    return x

if __name__ == "__main__":
    import jax
    _d = setup_inputs()
    print(jax.jit(kernel)(*tuple(_d.values())))

</pallas_src>

<mosaic_0001>
#map = affine_map<(d0, d1) -> (0, 0)>
#map1 = affine_map<(d0, d1) -> (0, 0, 0)>
module attributes {stable_mosaic.version = 14 : i64} {
  func.func @_sc_body(%arg0: i32, %arg1: i32, %arg2: memref<26x4096xi32, #tpu.memory_space<hbm>>, %arg3: memref<26x512xi32, #tpu.memory_space<hbm>>, %arg4: memref<26x64x100000xf32, #tpu.memory_space<hbm>>, %arg5: memref<4160x128xf32, #tpu.memory_space<hbm>>, %arg6: memref<26x128xf32, #tpu.memory_space<hbm>>, %arg7: memref<106504x128xf32, #tpu.memory_space<hbm>>, %arg8: memref<4x64x256xf32, #tpu.memory_space<vmem>>, %arg9: memref<2x128x128xf32, #tpu.memory_space<vmem>>, %arg10: memref<128x128xf32, #tpu.memory_space<vmem>>, %arg11: memref<2x128xi32, #tpu.memory_space<vmem>>, %arg12: memref<1x128xi32, #tpu.memory_space<vmem>>, %arg13: memref<26x128xf32, #tpu.memory_space<vmem>>, %arg14: memref<4096xi32, #tpu.memory_space<vmem>>, %arg15: memref<512xi32, #tpu.memory_space<vmem>>, %arg16: memref<4x!tpu.dma_semaphore, #tpu.memory_space<semaphore_mem>>, %arg17: memref<2x!tpu.dma_semaphore, #tpu.memory_space<semaphore_mem>>, %arg18: memref<!tpu.dma_semaphore, #tpu.memory_space<semaphore_mem>>) attributes {dimension_semantics = [#tpu.dimension_semantics<core_parallel>, #tpu.dimension_semantics<subcore_parallel>], iteration_bounds = array<i64: 2, 16>, scalar_prefetch = 0 : i64, scratch_operands = 11 : i64, tpu.core_type = #tpu.core_type<sc_vector_subcore>, window_params = [{transform_indices = #map}, {transform_indices = #map}, {transform_indices = #map1}, {transform_indices = #map}, {transform_indices = #map}, {transform_indices = #map}]} {
    %mul3A = arith.constant 2 : i32
    %mul3A_0 = arith.muli %arg1, %mul3A : i32
    %add3A = arith.addi %mul3A_0, %arg0 : i32
    %mul3A_1 = arith.constant 318 : i32
    %mul3A_2 = arith.muli %add3A, %mul3A_1 : i32
    %add3A_3 = arith.constant 318 : i32
    %add3A_4 = arith.addi %mul3A_2, %add3A_3 : i32
    %min3A = arith.constant 10166 : i32
    %min3A_5 = arith.minsi %add3A_4, %min3A : i32
    %jit3A = arith.constant 391 : i32
    %div3A = arith.divsi %mul3A_2, %jit3A : i32
    %sign3A = arith.constant 0 : i32
    %sign3A_6 = arith.cmpi sgt, %mul3A_2, %sign3A : i32
    %sign3A_7 = arith.extui %sign3A_6 : i1 to i32
    %sign3A_8 = arith.constant 0 : i32
    %sign3A_9 = arith.cmpi slt, %mul3A_2, %sign3A_8 : i32
    %sign3A_10 = arith.extui %sign3A_9 : i1 to i32
    %sign3A_11 = arith.subi %sign3A_7, %sign3A_10 : i32
    %sign3A_12 = arith.constant 0 : i32
    %sign3A_13 = arith.cmpi sgt, %jit3A, %sign3A_12 : i32
    %sign3A_14 = arith.extui %sign3A_13 : i1 to i32
    %sign3A_15 = arith.constant 0 : i32
    %sign3A_16 = arith.cmpi slt, %jit3A, %sign3A_15 : i32
    %sign3A_17 = arith.extui %sign3A_16 : i1 to i32
    %sign3A_18 = arith.subi %sign3A_14, %sign3A_17 : i32
    %ne3A = arith.cmpi ne, %sign3A_11, %sign3A_18 : i32
    %rem3A = arith.remsi %mul3A_2, %jit3A : i32
    %ne3A_19 = arith.constant 0 : i32
    %ne3A_20 = arith.cmpi ne, %rem3A, %ne3A_19 : i32
    %and3A = arith.andi %ne3A, %ne3A_20 : i1
    %sub3A = arith.constant 1 : i32
    %sub3A_21 = arith.subi %div3A, %sub3A : i32
    %select_n3A = arith.select %and3A, %sub3A_21, %div3A : i32
    %sub3A_22 = arith.constant 1 : i32
    %sub3A_23 = arith.subi %min3A_5, %sub3A_22 : i32
    %jit3A_24 = arith.constant 391 : i32
    %div3A_25 = arith.divsi %sub3A_23, %jit3A_24 : i32
    %sign3A_26 = arith.constant 0 : i32
    %sign3A_27 = arith.cmpi sgt, %sub3A_23, %sign3A_26 : i32
    %sign3A_28 = arith.extui %sign3A_27 : i1 to i32
    %sign3A_29 = arith.constant 0 : i32
    %sign3A_30 = arith.cmpi slt, %sub3A_23, %sign3A_29 : i32
    %sign3A_31 = arith.extui %sign3A_30 : i1 to i32
    %sign3A_32 = arith.subi %sign3A_28, %sign3A_31 : i32
    %sign3A_33 = arith.constant 0 : i32
    %sign3A_34 = arith.cmpi sgt, %jit3A_24, %sign3A_33 : i32
    %sign3A_35 = arith.extui %sign3A_34 : i1 to i32
    %sign3A_36 = arith.constant 0 : i32
    %sign3A_37 = arith.cmpi slt, %jit3A_24, %sign3A_36 : i32
    %sign3A_38 = arith.extui %sign3A_37 : i1 to i32
    %sign3A_39 = arith.subi %sign3A_35, %sign3A_38 : i32
    %ne3A_40 = arith.cmpi ne, %sign3A_32, %sign3A_39 : i32
    %rem3A_41 = arith.remsi %sub3A_23, %jit3A_24 : i32
    %ne3A_42 = arith.constant 0 : i32
    %ne3A_43 = arith.cmpi ne, %rem3A_41, %ne3A_42 : i32
    %and3A_44 = arith.andi %ne3A_40, %ne3A_43 : i1
    %sub3A_45 = arith.constant 1 : i32
    %sub3A_46 = arith.subi %div3A_25, %sub3A_45 : i32
    %select_n3A_47 = arith.select %and3A_44, %sub3A_46, %div3A_25 : i32
    %add3A_48 = arith.constant 1 : i32
    %add3A_49 = arith.addi %select_n3A_47, %add3A_48 : i32
    %iota3A = tpu.iota {dimensions = array<i32: 0>} : vector<16xi32>
    %eq3A = arith.constant 0 : i32
    %eq3A_50 = vector.broadcast %eq3A : i32 to vector<16xi32>
    %eq3A_51 = arith.cmpi eq, %iota3A, %eq3A_50 : vector<16xi32>
    %jit3A_52 = arith.constant 8 : i32
    %eq3A_53 = arith.constant 0 : i32
    %eq3A_54 = arith.cmpi eq, %jit3A_52, %eq3A_53 : i32
    %jit3A_55 = arith.constant 1 : i32
    %select_n3A_56 = arith.select %eq3A_54, %jit3A_55, %jit3A_52 : i32
    %rem3A_57 = arith.remsi %add3A, %select_n3A_56 : i32
    %ne3A_58 = arith.constant 0 : i32
    %ne3A_59 = arith.cmpi ne, %rem3A_57, %ne3A_58 : i32
    %lt3A = arith.constant 0 : i32
    %lt3A_60 = arith.cmpi slt, %rem3A_57, %lt3A : i32
    %lt3A_61 = arith.constant 0 : i32
    %lt3A_62 = arith.cmpi slt, %select_n3A_56, %lt3A_61 : i32
    %ne3A_63 = arith.xori %lt3A_60, %lt3A_62 : i1
    %and3A_64 = arith.andi %ne3A_63, %ne3A_59 : i1
    %add3A_65 = arith.addi %rem3A_57, %select_n3A_56 : i32
    %select_n3A_66 = arith.select %and3A_64, %add3A_65, %rem3A_57 : i32
    %add3A_67 = arith.constant 106496 : i32
    %add3A_68 = arith.addi %add3A_67, %select_n3A_66 : i32
    "tpu.region"() ({
      %run_scoped3A = tpu.sem_alloc : memref<!tpu.dma_semaphore, #tpu.memory_space<semaphore_mem>>
      tpu.enqueue_dma source(%arg6 : memref<26x128xf32, #tpu.memory_space<hbm>>) target(%arg13 : memref<26x128xf32, #tpu.memory_space<vmem>>) target_semaphore(%run_scoped3A : memref<!tpu.dma_semaphore, #tpu.memory_space<semaphore_mem>>)
      tpu.wait_dma2 semaphore(%run_scoped3A : memref<!tpu.dma_semaphore, #tpu.memory_space<semaphore_mem>>) src(%arg6 : memref<26x128xf32, #tpu.memory_space<hbm>>) dst(%arg13 : memref<26x128xf32, #tpu.memory_space<vmem>>)
      tpu.yield
    }) : () -> ()
    %while3A = arith.constant 0 : i32
    %while3A_69 = arith.subi %add3A_49, %select_n3A : i32
    %while3A_70 = arith.addi %select_n3A, %while3A_69 : i32
    %while3A_71 = arith.constant 1 : i32
    %while3A_72 = arith.divsi %while3A_69, %while3A_71 : i32
    %while3A_73 = arith.muli %while3A_72, %while3A_71 : i32
    %while3A_74 = arith.addi %select_n3A, %while3A_73 : i32
    %while3A_75 = arith.constant 1 : i32
    %while3A_76 = scf.for %while3A_126 = %select_n3A to %while3A_74 step %while3A_75 iter_args(%while3A_127 = %while3A) -> (i32)  : i32 {
      %mul3A_128 = arith.constant 391 : i32
      %mul3A_129 = arith.muli %while3A_126, %mul3A_128 : i32
      %max3A = arith.maxsi %mul3A_2, %mul3A_129 : i32
      %sub3A_130 = arith.subi %max3A, %mul3A_129 : i32
      %add3A_131 = arith.constant 391 : i32
      %add3A_132 = arith.addi %mul3A_129, %add3A_131 : i32
      %min3A_133 = arith.minsi %min3A_5, %add3A_132 : i32
      %sub3A_134 = arith.subi %min3A_133, %mul3A_129 : i32
      "tpu.region"() ({
        %run_scoped3A = tpu.sem_alloc : memref<!tpu.dma_semaphore, #tpu.memory_space<semaphore_mem>>
        %dma_start3A = arith.constant 0 : i32
        %dma_start3A_185 = tpu.memref_slice %arg2[%while3A_126, %dma_start3A] : memref<26x4096xi32, #tpu.memory_space<hbm>> -> memref<1x4096xi32, #tpu.memory_space<hbm>>
        %dma_start3A_186 = tpu.memref_squeeze %dma_start3A_185 : memref<1x4096xi32, #tpu.memory_space<hbm>> -> memref<4096xi32, #tpu.memory_space<hbm>>
        %dma_start3A_187 = arith.constant 0 : i32
        %dma_start3A_188 = tpu.memref_slice %arg2[%while3A_126, %dma_start3A_187] : memref<26x4096xi32, #tpu.memory_space<hbm>> -> memref<1x4096xi32, #tpu.memory_space<hbm>>
        %dma_start3A_189 = tpu.memref_squeeze %dma_start3A_188 : memref<1x4096xi32, #tpu.memory_space<hbm>> -> memref<4096xi32, #tpu.memory_space<hbm>>
        tpu.enqueue_dma source(%dma_start3A_189 : memref<4096xi32, #tpu.memory_space<hbm>>) target(%arg14 : memref<4096xi32, #tpu.memory_space<vmem>>) target_semaphore(%run_scoped3A : memref<!tpu.dma_semaphore, #tpu.memory_space<semaphore_mem>>)
        %dma_wait3A = arith.constant 0 : i32
        %dma_wait3A_190 = tpu.memref_slice %arg2[%while3A_126, %dma_wait3A] : memref<26x4096xi32, #tpu.memory_space<hbm>> -> memref<1x4096xi32, #tpu.memory_space<hbm>>
        %dma_wait3A_191 = tpu.memref_squeeze %dma_wait3A_190 : memref<1x4096xi32, #tpu.memory_space<hbm>> -> memref<4096xi32, #tpu.memory_space<hbm>>
        %dma_wait3A_192 = arith.constant 0 : i32
        %dma_wait3A_193 = tpu.memref_slice %arg2[%while3A_126, %dma_wait3A_192] : memref<26x4096xi32, #tpu.memory_space<hbm>> -> memref<1x4096xi32, #tpu.memory_space<hbm>>
        %dma_wait3A_194 = tpu.memref_squeeze %dma_wait3A_193 : memref<1x4096xi32, #tpu.memory_space<hbm>> -> memref<4096xi32, #tpu.memory_space<hbm>>
        tpu.wait_dma2 semaphore(%run_scoped3A : memref<!tpu.dma_semaphore, #tpu.memory_space<semaphore_mem>>) src(%dma_wait3A_194 : memref<4096xi32, #tpu.memory_space<hbm>>) dst(%arg14 : memref<4096xi32, #tpu.memory_space<vmem>>)
        tpu.yield
      }) : () -> ()
      "tpu.region"() ({
        %run_scoped3A = tpu.sem_alloc : memref<!tpu.dma_semaphore, #tpu.memory_space<semaphore_mem>>
        %dma_start3A = arith.constant 0 : i32
        %dma_start3A_185 = tpu.memref_slice %arg3[%while3A_126, %dma_start3A] : memref<26x512xi32, #tpu.memory_space<hbm>> -> memref<1x512xi32, #tpu.memory_space<hbm>>
        %dma_start3A_186 = tpu.memref_squeeze %dma_start3A_185 : memref<1x512xi32, #tpu.memory_space<hbm>> -> memref<512xi32, #tpu.memory_space<hbm>>
        %dma_start3A_187 = arith.constant 0 : i32
        %dma_start3A_188 = tpu.memref_slice %arg3[%while3A_126, %dma_start3A_187] : memref<26x512xi32, #tpu.memory_space<hbm>> -> memref<1x512xi32, #tpu.memory_space<hbm>>
        %dma_start3A_189 = tpu.memref_squeeze %dma_start3A_188 : memref<1x512xi32, #tpu.memory_space<hbm>> -> memref<512xi32, #tpu.memory_space<hbm>>
        tpu.enqueue_dma source(%dma_start3A_189 : memref<512xi32, #tpu.memory_space<hbm>>) target(%arg15 : memref<512xi32, #tpu.memory_space<vmem>>) target_semaphore(%run_scoped3A : memref<!tpu.dma_semaphore, #tpu.memory_space<semaphore_mem>>)
        %dma_wait3A = arith.constant 0 : i32
        %dma_wait3A_190 = tpu.memref_slice %arg3[%while3A_126, %dma_wait3A] : memref<26x512xi32, #tpu.memory_space<hbm>> -> memref<1x512xi32, #tpu.memory_space<hbm>>
        %dma_wait3A_191 = tpu.memref_squeeze %dma_wait3A_190 : memref<1x512xi32, #tpu.memory_space<hbm>> -> memref<512xi32, #tpu.memory_space<hbm>>
        %dma_wait3A_192 = arith.constant 0 : i32
        %dma_wait3A_193 = tpu.memref_slice %arg3[%while3A_126, %dma_wait3A_192] : memref<26x512xi32, #tpu.memory_space<hbm>> -> memref<1x512xi32, #tpu.memory_space<hbm>>
        %dma_wait3A_194 = tpu.memref_squeeze %dma_wait3A_193 : memref<1x512xi32, #tpu.memory_space<hbm>> -> memref<512xi32, #tpu.memory_space<hbm>>
        tpu.wait_dma2 semaphore(%run_scoped3A : memref<!tpu.dma_semaphore, #tpu.memory_space<semaphore_mem>>) src(%dma_wait3A_194 : memref<512xi32, #tpu.memory_space<hbm>>) dst(%arg15 : memref<512xi32, #tpu.memory_space<vmem>>)
        tpu.yield
      }) : () -> ()
      %get3A = arith.index_cast %while3A_126 : i32 to index
      %get3A_135 = arith.constant 0 : index
      %get3A_136 = tpu.vector_load %arg13[%get3A, %get3A_135] {strides = array<i32>} : memref<26x128xf32, #tpu.memory_space<vmem>>, vector<16xf32>,
      %get3A_137 = arith.index_cast %while3A_126 : i32 to index
      %get3A_138 = arith.constant 16 : index
      %get3A_139 = tpu.vector_load %arg13[%get3A_137, %get3A_138] {strides = array<i32>} : memref<26x128xf32, #tpu.memory_space<vmem>>, vector<16xf32>,
      %get3A_140 = arith.index_cast %while3A_126 : i32 to index
      %get3A_141 = arith.constant 32 : index
      %get3A_142 = tpu.vector_load %arg13[%get3A_140, %get3A_141] {strides = array<i32>} : memref<26x128xf32, #tpu.memory_space<vmem>>, vector<16xf32>,
      %get3A_143 = arith.index_cast %while3A_126 : i32 to index
      %get3A_144 = arith.constant 48 : index
      %get3A_145 = tpu.vector_load %arg13[%get3A_143, %get3A_144] {strides = array<i32>} : memref<26x128xf32, #tpu.memory_space<vmem>>, vector<16xf32>,
      %min3A_146 = arith.constant 390 : i32
      %min3A_147 = arith.minsi %sub3A_134, %min3A_146 : i32
      %sub3A_148 = arith.subi %min3A_147, %sub3A_130 : i32
      %gt3A = arith.constant 0 : i32
      %gt3A_149 = arith.cmpi sgt, %sub3A_148, %gt3A : i32
      %convert_element_type3A_150 = arith.extui %gt3A_149 : i1 to i32
      %cond3A_151 = arith.constant 0 : i32
      %cond3A_152 = arith.cmpi ne, %convert_element_type3A_150, %cond3A_151 : i32
      scf.if %cond3A_152 {
        %add3A_185 = arith.constant 0 : i32
        %add3A_186 = arith.addi %sub3A_130, %add3A_185 : i32
        %mul3A_187 = arith.constant 256 : i32
        %mul3A_188 = arith.muli %add3A_186, %mul3A_187 : i32
        %multiple_of3A = tpu.assume_multiple %mul3A_188, 128 : i32
        %dma_start3A = arith.constant 0 : i32
        %dma_start3A_189 = arith.constant 0 : i32
        %dma_start3A_190 = arith.constant 0 : i32
        %dma_start3A_191 = arith.constant 0 : i32
        %dma_start3A_192 = tpu.memref_slice %arg8[%dma_start3A, %dma_start3A_190, %dma_start3A_191] : memref<4x64x256xf32, #tpu.memory_space<vmem>> -> memref<1x64x256xf32, #tpu.memory_space<vmem>>
        %dma_start3A_193 = tpu.memref_squeeze %dma_start3A_192 : memref<1x64x256xf32, #tpu.memory_space<vmem>> -> memref<64x256xf32, #tpu.memory_space<vmem>>
        %dma_start3A_194 = arith.constant 0 : i32
        %dma_start3A_195 = tpu.memref_slice %arg4[%while3A_126, %dma_start3A_194, %multiple_of3A] : memref<26x64x100000xf32, #tpu.memory_space<hbm>> -> memref<1x64x256xf32, #tpu.memory_space<hbm>>
        %dma_start3A_196 = tpu.memref_squeeze %dma_start3A_195 : memref<1x64x256xf32, #tpu.memory_space<hbm>> -> memref<64x256xf32, #tpu.memory_space<hbm>>
        %dma_start3A_197 = tpu.memref_slice %arg16[%dma_start3A_189] : memref<4x!tpu.dma_semaphore, #tpu.memory_space<semaphore_mem>> -> memref<1x!tpu.dma_semaphore, #tpu.memory_space<semaphore_mem>>
        %dma_start3A_198 = tpu.memref_squeeze %dma_start3A_197 : memref<1x!tpu.dma_semaphore, #tpu.memory_space<semaphore_mem>> -> memref<!tpu.dma_semaphore, #tpu.memory_space<semaphore_mem>>
        %dma_start3A_199 = arith.constant 0 : i32
        %dma_start3A_200 = arith.constant 0 : i32
        %dma_start3A_201 = tpu.memref_slice %arg8[%dma_start3A, %dma_start3A_199, %dma_start3A_200] : memref<4x64x256xf32, #tpu.memory_space<vmem>> -> memref<1x64x256xf32, #tpu.memory_space<vmem>>
        %dma_start3A_202 = tpu.memref_squeeze %dma_start3A_201 : memref<1x64x256xf32, #tpu.memory_space<vmem>> -> memref<64x256xf32, #tpu.memory_space<vmem>>
        %dma_start3A_203 = arith.constant 0 : i32
        %dma_start3A_204 = tpu.memref_slice %arg4[%while3A_126, %dma_start3A_203, %multiple_of3A] : memref<26x64x100000xf32, #tpu.memory_space<hbm>> -> memref<1x64x256xf32, #tpu.memory_space<hbm>>
        %dma_start3A_205 = tpu.memref_squeeze %dma_start3A_204 : memref<1x64x256xf32, #tpu.memory_space<hbm>> -> memref<64x256xf32, #tpu.memory_space<hbm>>
        tpu.enqueue_dma source(%dma_start3A_205 : memref<64x256xf32, #tpu.memory_space<hbm>>) target(%dma_start3A_202 : memref<64x256xf32, #tpu.memory_space<vmem>>) target_semaphore(%dma_start3A_198 : memref<!tpu.dma_semaphore, #tpu.memory_space<semaphore_mem>>)
      } else {
      }
      %gt3A_153 = arith.constant 1 : i32
      %gt3A_154 = arith.cmpi sgt, %sub3A_148, %gt3A_153 : i32
      %convert_element_type3A_155 = arith.extui %gt3A_154 : i1 to i32
      %cond3A_156 = arith.constant 0 : i32
      %cond3A_157 = arith.cmpi ne, %convert_element_type3A_155, %cond3A_156 : i32
      scf.if %cond3A_157 {
        %add3A_185 = arith.constant 1 : i32
        %add3A_186 = arith.addi %sub3A_130, %add3A_185 : i32
        %mul3A_187 = arith.constant 256 : i32
        %mul3A_188 = arith.muli %add3A_186, %mul3A_187 : i32
        %multiple_of3A = tpu.assume_multiple %mul3A_188, 128 : i32
        %dma_start3A = arith.constant 1 : i32
        %dma_start3A_189 = arith.constant 1 : i32
        %dma_start3A_190 = arith.constant 0 : i32
        %dma_start3A_191 = arith.constant 0 : i32
        %dma_start3A_192 = tpu.memref_slice %arg8[%dma_start3A, %dma_start3A_190, %dma_start3A_191] : memref<4x64x256xf32, #tpu.memory_space<vmem>> -> memref<1x64x256xf32, #tpu.memory_space<vmem>>
        %dma_start3A_193 = tpu.memref_squeeze %dma_start3A_192 : memref<1x64x256xf32, #tpu.memory_space<vmem>> -> memref<64x256xf32, #tpu.memory_space<vmem>>
        %dma_start3A_194 = arith.constant 0 : i32
        %dma_start3A_195 = tpu.memref_slice %arg4[%while3A_126, %dma_start3A_194, %multiple_of3A] : memref<26x64x100000xf32, #tpu.memory_space<hbm>> -> memref<1x64x256xf32, #tpu.memory_space<hbm>>
        %dma_start3A_196 = tpu.memref_squeeze %dma_start3A_195 : memref<1x64x256xf32, #tpu.memory_space<hbm>> -> memref<64x256xf32, #tpu.memory_space<hbm>>
        %dma_start3A_197 = tpu.memref_slice %arg16[%dma_start3A_189] : memref<4x!tpu.dma_semaphore, #tpu.memory_space<semaphore_mem>> -> memref<1x!tpu.dma_semaphore, #tpu.memory_space<semaphore_mem>>
        %dma_start3A_198 = tpu.memref_squeeze %dma_start3A_197 : memref<1x!tpu.dma_semaphore, #tpu.memory_space<semaphore_mem>> -> memref<!tpu.dma_semaphore, #tpu.memory_space<semaphore_mem>>
        %dma_start3A_199 = arith.constant 0 : i32
        %dma_start3A_200 = arith.constant 0 : i32
        %dma_start3A_201 = tpu.memref_slice %arg8[%dma_start3A, %dma_start3A_199, %dma_start3A_200] : memref<4x64x256xf32, #tpu.memory_space<vmem>> -> memref<1x64x256xf32, #tpu.memory_space<vmem>>
        %dma_start3A_202 = tpu.memref_squeeze %dma_start3A_201 : memref<1x64x256xf32, #tpu.memory_space<vmem>> -> memref<64x256xf32, #tpu.memory_space<vmem>>
        %dma_start3A_203 = arith.constant 0 : i32
        %dma_start3A_204 = tpu.memref_slice %arg4[%while3A_126, %dma_start3A_203, %multiple_of3A] : memref<26x64x100000xf32, #tpu.memory_space<hbm>> -> memref<1x64x256xf32, #tpu.memory_space<hbm>>
        %dma_start3A_205 = tpu.memref_squeeze %dma_start3A_204 : memref<1x64x256xf32, #tpu.memory_space<hbm>> -> memref<64x256xf32, #tpu.memory_space<hbm>>
        tpu.enqueue_dma source(%dma_start3A_205 : memref<64x256xf32, #tpu.memory_space<hbm>>) target(%dma_start3A_202 : memref<64x256xf32, #tpu.memory_space<vmem>>) target_semaphore(%dma_start3A_198 : memref<!tpu.dma_semaphore, #tpu.memory_space<semaphore_mem>>)
      } else {
      }
      %gt3A_158 = arith.constant 2 : i32
      %gt3A_159 = arith.cmpi sgt, %sub3A_148, %gt3A_158 : i32
      %convert_element_type3A_160 = arith.extui %gt3A_159 : i1 to i32
      %cond3A_161 = arith.constant 0 : i32
      %cond3A_162 = arith.cmpi ne, %convert_element_type3A_160, %cond3A_161 : i32
      scf.if %cond3A_162 {
        %add3A_185 = arith.constant 2 : i32
        %add3A_186 = arith.addi %sub3A_130, %add3A_185 : i32
        %mul3A_187 = arith.constant 256 : i32
        %mul3A_188 = arith.muli %add3A_186, %mul3A_187 : i32
        %multiple_of3A = tpu.assume_multiple %mul3A_188, 128 : i32
        %dma_start3A = arith.constant 2 : i32
        %dma_start3A_189 = arith.constant 2 : i32
        %dma_start3A_190 = arith.constant 0 : i32
        %dma_start3A_191 = arith.constant 0 : i32
        %dma_start3A_192 = tpu.memref_slice %arg8[%dma_start3A, %dma_start3A_190, %dma_start3A_191] : memref<4x64x256xf32, #tpu.memory_space<vmem>> -> memref<1x64x256xf32, #tpu.memory_space<vmem>>
        %dma_start3A_193 = tpu.memref_squeeze %dma_start3A_192 : memref<1x64x256xf32, #tpu.memory_space<vmem>> -> memref<64x256xf32, #tpu.memory_space<vmem>>
        %dma_start3A_194 = arith.constant 0 : i32
        %dma_start3A_195 = tpu.memref_slice %arg4[%while3A_126, %dma_start3A_194, %multiple_of3A] : memref<26x64x100000xf32, #tpu.memory_space<hbm>> -> memref<1x64x256xf32, #tpu.memory_space<hbm>>
        %dma_start3A_196 = tpu.memref_squeeze %dma_start3A_195 : memref<1x64x256xf32, #tpu.memory_space<hbm>> -> memref<64x256xf32, #tpu.memory_space<hbm>>
        %dma_start3A_197 = tpu.memref_slice %arg16[%dma_start3A_189] : memref<4x!tpu.dma_semaphore, #tpu.memory_space<semaphore_mem>> -> memref<1x!tpu.dma_semaphore, #tpu.memory_space<semaphore_mem>>
        %dma_start3A_198 = tpu.memref_squeeze %dma_start3A_197 : memref<1x!tpu.dma_semaphore, #tpu.memory_space<semaphore_mem>> -> memref<!tpu.dma_semaphore, #tpu.memory_space<semaphore_mem>>
        %dma_start3A_199 = arith.constant 0 : i32
        %dma_start3A_200 = arith.constant 0 : i32
        %dma_start3A_201 = tpu.memref_slice %arg8[%dma_start3A, %dma_start3A_199, %dma_start3A_200] : memref<4x64x256xf32, #tpu.memory_space<vmem>> -> memref<1x64x256xf32, #tpu.memory_space<vmem>>
        %dma_start3A_202 = tpu.memref_squeeze %dma_start3A_201 : memref<1x64x256xf32, #tpu.memory_space<vmem>> -> memref<64x256xf32, #tpu.memory_space<vmem>>
        %dma_start3A_203 = arith.constant 0 : i32
        %dma_start3A_204 = tpu.memref_slice %arg4[%while3A_126, %dma_start3A_203, %multiple_of3A] : memref<26x64x100000xf32, #tpu.memory_space<hbm>> -> memref<1x64x256xf32, #tpu.memory_space<hbm>>
        %dma_start3A_205 = tpu.memref_squeeze %dma_start3A_204 : memref<1x64x256xf32, #tpu.memory_space<hbm>> -> memref<64x256xf32, #tpu.memory_space<hbm>>
        tpu.enqueue_dma source(%dma_start3A_205 : memref<64x256xf32, #tpu.memory_space<hbm>>) target(%dma_start3A_202 : memref<64x256xf32, #tpu.memory_space<vmem>>) target_semaphore(%dma_start3A_198 : memref<!tpu.dma_semaphore, #tpu.memory_space<semaphore_mem>>)
      } else {
      }
      %gt3A_163 = arith.constant 3 : i32
      %gt3A_164 = arith.cmpi sgt, %sub3A_148, %gt3A_163 : i32
      %convert_element_type3A_165 = arith.extui %gt3A_164 : i1 to i32
      %cond3A_166 = arith.constant 0 : i32
      %cond3A_167 = arith.cmpi ne, %convert_element_type3A_165, %cond3A_166 : i32
      scf.if %cond3A_167 {
        %add3A_185 = arith.constant 3 : i32
        %add3A_186 = arith.addi %sub3A_130, %add3A_185 : i32
        %mul3A_187 = arith.constant 256 : i32
        %mul3A_188 = arith.muli %add3A_186, %mul3A_187 : i32
        %multiple_of3A = tpu.assume_multiple %mul3A_188, 128 : i32
        %dma_start3A = arith.constant 3 : i32
        %dma_start3A_189 = arith.constant 3 : i32
        %dma_start3A_190 = arith.constant 0 : i32
        %dma_start3A_191 = arith.constant 0 : i32
        %dma_start3A_192 = tpu.memref_slice %arg8[%dma_start3A, %dma_start3A_190, %dma_start3A_191] : memref<4x64x256xf32, #tpu.memory_space<vmem>> -> memref<1x64x256xf32, #tpu.memory_space<vmem>>
        %dma_start3A_193 = tpu.memref_squeeze %dma_start3A_192 : memref<1x64x256xf32, #tpu.memory_space<vmem>> -> memref<64x256xf32, #tpu.memory_space<vmem>>
        %dma_start3A_194 = arith.constant 0 : i32
        %dma_start3A_195 = tpu.memref_slice %arg4[%while3A_126, %dma_start3A_194, %multiple_of3A] : memref<26x64x100000xf32, #tpu.memory_space<hbm>> -> memref<1x64x256xf32, #tpu.memory_space<hbm>>
        %dma_start3A_196 = tpu.memref_squeeze %dma_start3A_195 : memref<1x64x256xf32, #tpu.memory_space<hbm>> -> memref<64x256xf32, #tpu.memory_space<hbm>>
        %dma_start3A_197 = tpu.memref_slice %arg16[%dma_start3A_189] : memref<4x!tpu.dma_semaphore, #tpu.memory_space<semaphore_mem>> -> memref<1x!tpu.dma_semaphore, #tpu.memory_space<semaphore_mem>>
        %dma_start3A_198 = tpu.memref_squeeze %dma_start3A_197 : memref<1x!tpu.dma_semaphore, #tpu.memory_space<semaphore_mem>> -> memref<!tpu.dma_semaphore, #tpu.memory_space<semaphore_mem>>
        %dma_start3A_199 = arith.constant 0 : i32
        %dma_start3A_200 = arith.constant 0 : i32
        %dma_start3A_201 = tpu.memref_slice %arg8[%dma_start3A, %dma_start3A_199, %dma_start3A_200] : memref<4x64x256xf32, #tpu.memory_space<vmem>> -> memref<1x64x256xf32, #tpu.memory_space<vmem>>
        %dma_start3A_202 = tpu.memref_squeeze %dma_start3A_201 : memref<1x64x256xf32, #tpu.memory_space<vmem>> -> memref<64x256xf32, #tpu.memory_space<vmem>>
        %dma_start3A_203 = arith.constant 0 : i32
        %dma_start3A_204 = tpu.memref_slice %arg4[%while3A_126, %dma_start3A_203, %multiple_of3A] : memref<26x64x100000xf32, #tpu.memory_space<hbm>> -> memref<1x64x256xf32, #tpu.memory_space<hbm>>
        %dma_start3A_205 = tpu.memref_squeeze %dma_start3A_204 : memref<1x64x256xf32, #tpu.memory_space<hbm>> -> memref<64x256xf32, #tpu.memory_space<hbm>>
        tpu.enqueue_dma source(%dma_start3A_205 : memref<64x256xf32, #tpu.memory_space<hbm>>) target(%dma_start3A_202 : memref<64x256xf32, #tpu.memory_space<vmem>>) target_semaphore(%dma_start3A_198 : memref<!tpu.dma_semaphore, #tpu.memory_space<semaphore_mem>>)
      } else {
      }
      %add3A_168 = arith.addi %sub3A_130, %sub3A_148 : i32
      %while3A_169 = arith.subi %add3A_168, %sub3A_130 : i32
      %while3A_170 = arith.addi %sub3A_130, %while3A_169 : i32
      %while3A_171 = arith.constant 1 : i32
      %while3A_172 = arith.divsi %while3A_169, %while3A_171 : i32
      %while3A_173 = arith.muli %while3A_172, %while3A_171 : i32
      %while3A_174 = arith.addi %sub3A_130, %while3A_173 : i32
      %while3A_175 = arith.constant 1 : i32
      %while3A_176 = scf.for %while3A_185 = %sub3A_130 to %while3A_174 step %while3A_175 iter_args(%while3A_186 = %while3A_127) -> (i32)  : i32 {
        %sub3A_187 = arith.subi %while3A_185, %sub3A_130 : i32
        %rem3A_188 = arith.constant 4 : i32
        %rem3A_189 = arith.remsi %sub3A_187, %rem3A_188 : i32
        %jit3A_190 = arith.constant 16 : i32
        %div3A_191 = arith.divsi %while3A_185, %jit3A_190 : i32
        %sign3A_192 = arith.constant 0 : i32
        %sign3A_193 = arith.cmpi sgt, %while3A_185, %sign3A_192 : i32
        %sign3A_194 = arith.extui %sign3A_193 : i1 to i32
        %sign3A_195 = arith.constant 0 : i32
        %sign3A_196 = arith.cmpi slt, %while3A_185, %sign3A_195 : i32
        %sign3A_197 = arith.extui %sign3A_196 : i1 to i32
        %sign3A_198 = arith.subi %sign3A_194, %sign3A_197 : i32
        %sign3A_199 = arith.constant 0 : i32
        %sign3A_200 = arith.cmpi sgt, %jit3A_190, %sign3A_199 : i32
        %sign3A_201 = arith.extui %sign3A_200 : i1 to i32
        %sign3A_202 = arith.constant 0 : i32
        %sign3A_203 = arith.cmpi slt, %jit3A_190, %sign3A_202 : i32
        %sign3A_204 = arith.extui %sign3A_203 : i1 to i32
        %sign3A_205 = arith.subi %sign3A_201, %sign3A_204 : i32
        %ne3A_206 = arith.cmpi ne, %sign3A_198, %sign3A_205 : i32
        %rem3A_207 = arith.remsi %while3A_185, %jit3A_190 : i32
        %ne3A_208 = arith.constant 0 : i32
        %ne3A_209 = arith.cmpi ne, %rem3A_207, %ne3A_208 : i32
        %and3A_210 = arith.andi %ne3A_206, %ne3A_209 : i1
        %sub3A_211 = arith.constant 1 : i32
        %sub3A_212 = arith.subi %div3A_191, %sub3A_211 : i32
        %select_n3A_213 = arith.select %and3A_210, %sub3A_212, %div3A_191 : i32
        %mul3A_214 = arith.constant 16 : i32
        %mul3A_215 = arith.muli %select_n3A_213, %mul3A_214 : i32
        %get3A_216 = arith.index_cast %mul3A_215 : i32 to index
        %get3A_217 = tpu.vector_load %arg15[%get3A_216] {strides = array<i32>} : memref<512xi32, #tpu.memory_space<vmem>>, vector<16xi32>,
        %jit3A_218 = arith.constant 16 : i32
        %eq3A_219 = arith.constant 0 : i32
        %eq3A_220 = arith.cmpi eq, %jit3A_218, %eq3A_219 : i32
        %jit3A_221 = arith.constant 1 : i32
        %select_n3A_222 = arith.select %eq3A_220, %jit3A_221, %jit3A_218 : i32
        %rem3A_223 = arith.remsi %while3A_185, %select_n3A_222 : i32
        %ne3A_224 = arith.constant 0 : i32
        %ne3A_225 = arith.cmpi ne, %rem3A_223, %ne3A_224 : i32
        %lt3A_226 = arith.constant 0 : i32
        %lt3A_227 = arith.cmpi slt, %rem3A_223, %lt3A_226 : i32
        %lt3A_228 = arith.constant 0 : i32
        %lt3A_229 = arith.cmpi slt, %select_n3A_222, %lt3A_228 : i32
        %ne3A_230 = arith.xori %lt3A_227, %lt3A_229 : i1
        %and3A_231 = arith.andi %ne3A_230, %ne3A_225 : i1
        %add3A_232 = arith.addi %rem3A_223, %select_n3A_222 : i32
        %select_n3A_233 = arith.select %and3A_231, %add3A_232, %rem3A_223 : i32
        %eq3A_234 = vector.broadcast %select_n3A_233 : i32 to vector<16xi32>
        %eq3A_235 = arith.cmpi eq, %iota3A, %eq3A_234 : vector<16xi32>
        %jit3A_236 = arith.constant -2147483648 : i32
        %broadcast_in_dim3A = vector.broadcast %jit3A_236 : i32 to vector<16xi32>
        %select_n3A_237 = arith.select %eq3A_235, %get3A_217, %broadcast_in_dim3A : vector<16xi1>, vector<16xi32>
        %reduce_max3A = arith.constant true
        %reduce_max3A_238 = vector.broadcast %reduce_max3A : i1 to vector<16xi1>
        %reduce_max3A_239 = arith.constant -2147483648 : i32
        %reduce_max3A_240 = vector.broadcast %reduce_max3A_239 : i32 to vector<16xi32>
        %reduce_max3A_241 = arith.xori %select_n3A_237, %reduce_max3A_240 : vector<16xi32>
        %reduce_max3A_242 = tpu.scan <max>, %reduce_max3A_241 masked %reduce_max3A_238 : vector<16xi32>, vector<16xi1> -> vector<16xi32>
        %reduce_max3A_243 = arith.xori %reduce_max3A_242, %reduce_max3A_240 : vector<16xi32>
        %reduce_max3A_244 = vector.extract %reduce_max3A_243[15] : i32 from vector<16xi32>
        %add3A_245 = arith.constant 1 : i32
        %add3A_246 = arith.addi %while3A_185, %add3A_245 : i32
        %jit3A_247 = arith.constant 16 : i32
        %div3A_248 = arith.divsi %add3A_246, %jit3A_247 : i32
        %sign3A_249 = arith.constant 0 : i32
        %sign3A_250 = arith.cmpi sgt, %add3A_246, %sign3A_249 : i32
        %sign3A_251 = arith.extui %sign3A_250 : i1 to i32
        %sign3A_252 = arith.constant 0 : i32
        %sign3A_253 = arith.cmpi slt, %add3A_246, %sign3A_252 : i32
        %sign3A_254 = arith.extui %sign3A_253 : i1 to i32
        %sign3A_255 = arith.subi %sign3A_251, %sign3A_254 : i32
        %sign3A_256 = arith.constant 0 : i32
        %sign3A_257 = arith.cmpi sgt, %jit3A_247, %sign3A_256 : i32
        %sign3A_258 = arith.extui %sign3A_257 : i1 to i32
        %sign3A_259 = arith.constant 0 : i32
        %sign3A_260 = arith.cmpi slt, %jit3A_247, %sign3A_259 : i32
        %sign3A_261 = arith.extui %sign3A_260 : i1 to i32
        %sign3A_262 = arith.subi %sign3A_258, %sign3A_261 : i32
        %ne3A_263 = arith.cmpi ne, %sign3A_255, %sign3A_262 : i32
        %rem3A_264 = arith.remsi %add3A_246, %jit3A_247 : i32
        %ne3A_265 = arith.constant 0 : i32
        %ne3A_266 = arith.cmpi ne, %rem3A_264, %ne3A_265 : i32
        %and3A_267 = arith.andi %ne3A_263, %ne3A_266 : i1
        %sub3A_268 = arith.constant 1 : i32
        %sub3A_269 = arith.subi %div3A_248, %sub3A_268 : i32
        %select_n3A_270 = arith.select %and3A_267, %sub3A_269, %div3A_248 : i32
        %mul3A_271 = arith.constant 16 : i32
        %mul3A_272 = arith.muli %select_n3A_270, %mul3A_271 : i32
        %get3A_273 = arith.index_cast %mul3A_272 : i32 to index
        %get3A_274 = tpu.vector_load %arg15[%get3A_273] {strides = array<i32>} : memref<512xi32, #tpu.memory_space<vmem>>, vector<16xi32>,
        %jit3A_275 = arith.constant 16 : i32
        %eq3A_276 = arith.constant 0 : i32
        %eq3A_277 = arith.cmpi eq, %jit3A_275, %eq3A_276 : i32
        %jit3A_278 = arith.constant 1 : i32
        %select_n3A_279 = arith.select %eq3A_277, %jit3A_278, %jit3A_275 : i32
        %rem3A_280 = arith.remsi %add3A_246, %select_n3A_279 : i32
        %ne3A_281 = arith.constant 0 : i32
        %ne3A_282 = arith.cmpi ne, %rem3A_280, %ne3A_281 : i32
        %lt3A_283 = arith.constant 0 : i32
        %lt3A_284 = arith.cmpi slt, %rem3A_280, %lt3A_283 : i32
        %lt3A_285 = arith.constant 0 : i32
        %lt3A_286 = arith.cmpi slt, %select_n3A_279, %lt3A_285 : i32
        %ne3A_287 = arith.xori %lt3A_284, %lt3A_286 : i1
        %and3A_288 = arith.andi %ne3A_287, %ne3A_282 : i1
        %add3A_289 = arith.addi %rem3A_280, %select_n3A_279 : i32
        %select_n3A_290 = arith.select %and3A_288, %add3A_289, %rem3A_280 : i32
        %eq3A_291 = vector.broadcast %select_n3A_290 : i32 to vector<16xi32>
        %eq3A_292 = arith.cmpi eq, %iota3A, %eq3A_291 : vector<16xi32>
        %jit3A_293 = arith.constant -2147483648 : i32
        %broadcast_in_dim3A_294 = vector.broadcast %jit3A_293 : i32 to vector<16xi32>
        %select_n3A_295 = arith.select %eq3A_292, %get3A_274, %broadcast_in_dim3A_294 : vector<16xi1>, vector<16xi32>
        %reduce_max3A_296 = arith.constant true
        %reduce_max3A_297 = vector.broadcast %reduce_max3A_296 : i1 to vector<16xi1>
        %reduce_max3A_298 = arith.constant -2147483648 : i32
        %reduce_max3A_299 = vector.broadcast %reduce_max3A_298 : i32 to vector<16xi32>
        %reduce_max3A_300 = arith.xori %select_n3A_295, %reduce_max3A_299 : vector<16xi32>
        %reduce_max3A_301 = tpu.scan <max>, %reduce_max3A_300 masked %reduce_max3A_297 : vector<16xi32>, vector<16xi1> -> vector<16xi32>
        %reduce_max3A_302 = arith.xori %reduce_max3A_301, %reduce_max3A_299 : vector<16xi32>
        %reduce_max3A_303 = vector.extract %reduce_max3A_302[15] : i32 from vector<16xi32>
        %mul3A_304 = arith.constant 256 : i32
        %mul3A_305 = arith.muli %while3A_185, %mul3A_304 : i32
        %dma_wait3A = arith.constant 0 : i32
        %dma_wait3A_306 = arith.constant 0 : i32
        %dma_wait3A_307 = arith.constant 0 : i32
        %dma_wait3A_308 = tpu.memref_slice %arg8[%rem3A_189, %dma_wait3A_306, %dma_wait3A_307] : memref<4x64x256xf32, #tpu.memory_space<vmem>> -> memref<1x64x256xf32, #tpu.memory_space<vmem>>
        %dma_wait3A_309 = tpu.memref_squeeze %dma_wait3A_308 : memref<1x64x256xf32, #tpu.memory_space<vmem>> -> memref<64x256xf32, #tpu.memory_space<vmem>>
        %dma_wait3A_310 = arith.constant 0 : i32
        %dma_wait3A_311 = arith.constant 0 : i32
        %dma_wait3A_312 = tpu.memref_slice %arg4[%dma_wait3A, %dma_wait3A_310, %dma_wait3A_311] : memref<26x64x100000xf32, #tpu.memory_space<hbm>> -> memref<1x64x256xf32, #tpu.memory_space<hbm>>
        %dma_wait3A_313 = tpu.memref_squeeze %dma_wait3A_312 : memref<1x64x256xf32, #tpu.memory_space<hbm>> -> memref<64x256xf32, #tpu.memory_space<hbm>>
        %dma_wait3A_314 = tpu.memref_slice %arg16[%rem3A_189] : memref<4x!tpu.dma_semaphore, #tpu.memory_space<semaphore_mem>> -> memref<1x!tpu.dma_semaphore, #tpu.memory_space<semaphore_mem>>
        %dma_wait3A_315 = tpu.memref_squeeze %dma_wait3A_314 : memref<1x!tpu.dma_semaphore, #tpu.memory_space<semaphore_mem>> -> memref<!tpu.dma_semaphore, #tpu.memory_space<semaphore_mem>>
        %dma_wait3A_316 = arith.constant 0 : i32
        %dma_wait3A_317 = arith.constant 0 : i32
        %dma_wait3A_318 = tpu.memref_slice %arg8[%rem3A_189, %dma_wait3A_316, %dma_wait3A_317] : memref<4x64x256xf32, #tpu.memory_space<vmem>> -> memref<1x64x256xf32, #tpu.memory_space<vmem>>
        %dma_wait3A_319 = tpu.memref_squeeze %dma_wait3A_318 : memref<1x64x256xf32, #tpu.memory_space<vmem>> -> memref<64x256xf32, #tpu.memory_space<vmem>>
        %dma_wait3A_320 = arith.constant 0 : i32
        %dma_wait3A_321 = arith.constant 0 : i32
        %dma_wait3A_322 = tpu.memref_slice %arg4[%dma_wait3A, %dma_wait3A_320, %dma_wait3A_321] : memref<26x64x100000xf32, #tpu.memory_space<hbm>> -> memref<1x64x256xf32, #tpu.memory_space<hbm>>
        %dma_wait3A_323 = tpu.memref_squeeze %dma_wait3A_322 : memref<1x64x256xf32, #tpu.memory_space<hbm>> -> memref<64x256xf32, #tpu.memory_space<hbm>>
        tpu.wait_dma2 semaphore(%dma_wait3A_315 : memref<!tpu.dma_semaphore, #tpu.memory_space<semaphore_mem>>) src(%dma_wait3A_323 : memref<64x256xf32, #tpu.memory_space<hbm>>) dst(%dma_wait3A_319 : memref<64x256xf32, #tpu.memory_space<vmem>>)
        %while3A_324 = arith.subi %reduce_max3A_303, %reduce_max3A_244 : i32
        %while3A_325 = arith.addi %reduce_max3A_244, %while3A_324 : i32
        %while3A_326 = arith.constant 1 : i32
        %while3A_327 = arith.divsi %while3A_324, %while3A_326 : i32
        %while3A_328 = arith.muli %while3A_327, %while3A_326 : i32
        %while3A_329 = arith.addi %reduce_max3A_244, %while3A_328 : i32
        %while3A_330 = arith.constant 1 : i32
        %while3A_331 = scf.for %while3A_341 = %reduce_max3A_244 to %while3A_329 step %while3A_330 iter_args(%while3A_342 = %while3A_186) -> (i32)  : i32 {
          %broadcast_in_dim3A_343 = vector.broadcast %while3A_341 : i32 to vector<16xi32>
          %gather3A = tpu.vector_load_idx %arg14[%broadcast_in_dim3A_343] : memref<4096xi32, #tpu.memory_space<vmem>>[vector<16xi32>], vector<16xi32>,
          %shift_right_arithmetic3A = arith.constant 12 : i32
          %shift_right_arithmetic3A_344 = vector.broadcast %shift_right_arithmetic3A : i32 to vector<16xi32>
          %shift_right_arithmetic3A_345 = arith.shrsi %gather3A, %shift_right_arithmetic3A_344 : vector<16xi32>
          %sub3A_346 = vector.broadcast %mul3A_305 : i32 to vector<16xi32>
          %sub3A_347 = arith.subi %shift_right_arithmetic3A_345, %sub3A_346 : vector<16xi32>
          %and3A_348 = arith.constant 4095 : i32
          %and3A_349 = vector.broadcast %and3A_348 : i32 to vector<16xi32>
          %and3A_350 = arith.andi %gather3A, %and3A_349 : vector<16xi32>
          %mul3A_351 = arith.constant 26 : i32
          %mul3A_352 = vector.broadcast %mul3A_351 : i32 to vector<16xi32>
          %mul3A_353 = arith.muli %and3A_350, %mul3A_352 : vector<16xi32>
          %add3A_354 = vector.broadcast %while3A_126 : i32 to vector<16xi32>
          %add3A_355 = arith.addi %mul3A_353, %add3A_354 : vector<16xi32>
          %add3A_356 = arith.constant 0 : i32
          %add3A_357 = vector.broadcast %add3A_356 : i32 to vector<16xi32>
          %add3A_358 = arith.addi %iota3A, %add3A_357 : vector<16xi32>
          %gather3A_359 = arith.constant 0 : i32
          %gather3A_360 = arith.constant 0 : i32
          %gather3A_361 = tpu.memref_slice %arg8[%rem3A_189, %gather3A_359, %gather3A_360] : memref<4x64x256xf32, #tpu.memory_space<vmem>> -> memref<1x64x256xf32, #tpu.memory_space<vmem>>
          %gather3A_362 = tpu.memref_squeeze %gather3A_361 : memref<1x64x256xf32, #tpu.memory_space<vmem>> -> memref<64x256xf32, #tpu.memory_space<vmem>>
          %gather3A_363 = tpu.vector_load_idx %gather3A_362[%add3A_358, %sub3A_347] : memref<64x256xf32, #tpu.memory_space<vmem>>[vector<16xi32>, vector<16xi32>], vector<16xf32>,
          %add3A_364 = arith.addf %gather3A_363, %get3A_136 : vector<16xf32>
          %add3A_365 = arith.constant 16 : i32
          %add3A_366 = vector.broadcast %add3A_365 : i32 to vector<16xi32>
          %add3A_367 = arith.addi %iota3A, %add3A_366 : vector<16xi32>
          %gather3A_368 = arith.constant 0 : i32
          %gather3A_369 = arith.constant 0 : i32
          %gather3A_370 = tpu.memref_slice %arg8[%rem3A_189, %gather3A_368, %gather3A_369] : memref<4x64x256xf32, #tpu.memory_space<vmem>> -> memref<1x64x256xf32, #tpu.memory_space<vmem>>
          %gather3A_371 = tpu.memref_squeeze %gather3A_370 : memref<1x64x256xf32, #tpu.memory_space<vmem>> -> memref<64x256xf32, #tpu.memory_space<vmem>>
          %gather3A_372 = tpu.vector_load_idx %gather3A_371[%add3A_367, %sub3A_347] : memref<64x256xf32, #tpu.memory_space<vmem>>[vector<16xi32>, vector<16xi32>], vector<16xf32>,
          %add3A_373 = arith.addf %gather3A_372, %get3A_139 : vector<16xf32>
          %add3A_374 = arith.constant 32 : i32
          %add3A_375 = vector.broadcast %add3A_374 : i32 to vector<16xi32>
          %add3A_376 = arith.addi %iota3A, %add3A_375 : vector<16xi32>
          %gather3A_377 = arith.constant 0 : i32
          %gather3A_378 = arith.constant 0 : i32
          %gather3A_379 = tpu.memref_slice %arg8[%rem3A_189, %gather3A_377, %gather3A_378] : memref<4x64x256xf32, #tpu.memory_space<vmem>> -> memref<1x64x256xf32, #tpu.memory_space<vmem>>
          %gather3A_380 = tpu.memref_squeeze %gather3A_379 : memref<1x64x256xf32, #tpu.memory_space<vmem>> -> memref<64x256xf32, #tpu.memory_space<vmem>>
          %gather3A_381 = tpu.vector_load_idx %gather3A_380[%add3A_376, %sub3A_347] : memref<64x256xf32, #tpu.memory_space<vmem>>[vector<16xi32>, vector<16xi32>], vector<16xf32>,
          %add3A_382 = arith.addf %gather3A_381, %get3A_142 : vector<16xf32>
          %add3A_383 = arith.constant 48 : i32
          %add3A_384 = vector.broadcast %add3A_383 : i32 to vector<16xi32>
          %add3A_385 = arith.addi %iota3A, %add3A_384 : vector<16xi32>
          %gather3A_386 = arith.constant 0 : i32
          %gather3A_387 = arith.constant 0 : i32
          %gather3A_388 = tpu.memref_slice %arg8[%rem3A_189, %gather3A_386, %gather3A_387] : memref<4x64x256xf32, #tpu.memory_space<vmem>> -> memref<1x64x256xf32, #tpu.memory_space<vmem>>
          %gather3A_389 = tpu.memref_squeeze %gather3A_388 : memref<1x64x256xf32, #tpu.memory_space<vmem>> -> memref<64x256xf32, #tpu.memory_space<vmem>>
          %gather3A_390 = tpu.vector_load_idx %gather3A_389[%add3A_385, %sub3A_347] : memref<64x256xf32, #tpu.memory_space<vmem>>[vector<16xi32>, vector<16xi32>], vector<16xf32>,
          %add3A_391 = arith.addf %gather3A_390, %get3A_145 : vector<16xf32>
          %jit3A_392 = arith.constant 128 : i32
          %eq3A_393 = arith.constant 0 : i32
          %eq3A_394 = arith.cmpi eq, %jit3A_392, %eq3A_393 : i32
          %jit3A_395 = arith.constant 1 : i32
          %select_n3A_396 = arith.select %eq3A_394, %jit3A_395, %jit3A_392 : i32
          %rem3A_397 = arith.remsi %while3A_342, %select_n3A_396 : i32
          %ne3A_398 = arith.constant 0 : i32
          %ne3A_399 = arith.cmpi ne, %rem3A_397, %ne3A_398 : i32
          %lt3A_400 = arith.constant 0 : i32
          %lt3A_401 = arith.cmpi slt, %rem3A_397, %lt3A_400 : i32
          %lt3A_402 = arith.constant 0 : i32
          %lt3A_403 = arith.cmpi slt, %select_n3A_396, %lt3A_402 : i32
          %ne3A_404 = arith.xori %lt3A_401, %lt3A_403 : i1
          %and3A_405 = arith.andi %ne3A_404, %ne3A_399 : i1
          %add3A_406 = arith.addi %rem3A_397, %select_n3A_396 : i32
          %select_n3A_407 = arith.select %and3A_405, %add3A_406, %rem3A_397 : i32
          %jit3A_408 = arith.constant 128 : i32
          %div3A_409 = arith.divsi %while3A_342, %jit3A_408 : i32
          %sign3A_410 = arith.constant 0 : i32
          %sign3A_411 = arith.cmpi sgt, %while3A_342, %sign3A_410 : i32
          %sign3A_412 = arith.extui %sign3A_411 : i1 to i32
          %sign3A_413 = arith.constant 0 : i32
          %sign3A_414 = arith.cmpi slt, %while3A_342, %sign3A_413 : i32
          %sign3A_415 = arith.extui %sign3A_414 : i1 to i32
          %sign3A_416 = arith.subi %sign3A_412, %sign3A_415 : i32
          %sign3A_417 = arith.constant 0 : i32
          %sign3A_418 = arith.cmpi sgt, %jit3A_408, %sign3A_417 : i32
          %sign3A_419 = arith.extui %sign3A_418 : i1 to i32
          %sign3A_420 = arith.constant 0 : i32
          %sign3A_421 = arith.cmpi slt, %jit3A_408, %sign3A_420 : i32
          %sign3A_422 = arith.extui %sign3A_421 : i1 to i32
          %sign3A_423 = arith.subi %sign3A_419, %sign3A_422 : i32
          %ne3A_424 = arith.cmpi ne, %sign3A_416, %sign3A_423 : i32
          %rem3A_425 = arith.remsi %while3A_342, %jit3A_408 : i32
          %ne3A_426 = arith.constant 0 : i32
          %ne3A_427 = arith.cmpi ne, %rem3A_425, %ne3A_426 : i32
          %and3A_428 = arith.andi %ne3A_424, %ne3A_427 : i1
          %sub3A_429 = arith.constant 1 : i32
          %sub3A_430 = arith.subi %div3A_409, %sub3A_429 : i32
          %select_n3A_431 = arith.select %and3A_428, %sub3A_430, %div3A_409 : i32
          %rem3A_432 = arith.constant 2 : i32
          %rem3A_433 = arith.remsi %select_n3A_431, %rem3A_432 : i32
          %broadcast_in_dim3A_434 = vector.broadcast %select_n3A_407 : i32 to vector<16xi32>
          %eq3A_435 = arith.constant 0 : i32
          %eq3A_436 = arith.cmpi eq, %select_n3A_407, %eq3A_435 : i32
          %ge3A_437 = arith.constant 2 : i32
          %ge3A_438 = arith.cmpi sge, %select_n3A_431, %ge3A_437 : i32
          %and3A_439 = arith.andi %eq3A_436, %ge3A_438 : i1
          %convert_element_type3A_440 = arith.extui %and3A_439 : i1 to i32
          %cond3A_441 = arith.constant 0 : i32
          %cond3A_442 = arith.cmpi ne, %convert_element_type3A_440, %cond3A_441 : i32
          scf.if %cond3A_442 {
            %dma_wait3A_467 = arith.constant 0 : i32
            %dma_wait3A_468 = arith.constant 0 : i32
            %dma_wait3A_469 = arith.constant 0 : i32
            %dma_wait3A_470 = tpu.memref_slice %arg9[%rem3A_433, %dma_wait3A_468, %dma_wait3A_469] : memref<2x128x128xf32, #tpu.memory_space<vmem>> -> memref<1x128x128xf32, #tpu.memory_space<vmem>>
            %dma_wait3A_471 = tpu.memref_squeeze %dma_wait3A_470 : memref<1x128x128xf32, #tpu.memory_space<vmem>> -> memref<128x128xf32, #tpu.memory_space<vmem>>
            %dma_wait3A_472 = arith.constant 0 : i32
            %dma_wait3A_473 = arith.constant 0 : i32
            %dma_wait3A_474 = tpu.memref_slice %arg4[%dma_wait3A_467, %dma_wait3A_472, %dma_wait3A_473] : memref<26x64x100000xf32, #tpu.memory_space<hbm>> -> memref<1x64x256xf32, #tpu.memory_space<hbm>>
            %dma_wait3A_475 = tpu.memref_squeeze %dma_wait3A_474 : memref<1x64x256xf32, #tpu.memory_space<hbm>> -> memref<64x256xf32, #tpu.memory_space<hbm>>
            %dma_wait3A_476 = tpu.memref_slice %arg17[%rem3A_433] : memref<2x!tpu.dma_semaphore, #tpu.memory_space<semaphore_mem>> -> memref<1x!tpu.dma_semaphore, #tpu.memory_space<semaphore_mem>>
            %dma_wait3A_477 = tpu.memref_squeeze %dma_wait3A_476 : memref<1x!tpu.dma_semaphore, #tpu.memory_space<semaphore_mem>> -> memref<!tpu.dma_semaphore, #tpu.memory_space<semaphore_mem>>
            %dma_wait3A_478 = arith.constant 0 : i32
            %dma_wait3A_479 = arith.constant 0 : i32
            %dma_wait3A_480 = tpu.memref_slice %arg9[%rem3A_433, %dma_wait3A_478, %dma_wait3A_479] : memref<2x128x128xf32, #tpu.memory_space<vmem>> -> memref<1x128x128xf32, #tpu.memory_space<vmem>>
            %dma_wait3A_481 = tpu.memref_squeeze %dma_wait3A_480 : memref<1x128x128xf32, #tpu.memory_space<vmem>> -> memref<128x128xf32, #tpu.memory_space<vmem>>
            %dma_wait3A_482 = arith.constant 0 : i32
            %dma_wait3A_483 = arith.constant 0 : i32
            %dma_wait3A_484 = tpu.memref_slice %arg4[%dma_wait3A_467, %dma_wait3A_482, %dma_wait3A_483] : memref<26x64x100000xf32, #tpu.memory_space<hbm>> -> memref<1x64x256xf32, #tpu.memory_space<hbm>>
            %dma_wait3A_485 = tpu.memref_squeeze %dma_wait3A_484 : memref<1x64x256xf32, #tpu.memory_space<hbm>> -> memref<64x256xf32, #tpu.memory_space<hbm>>
            tpu.wait_dma2 semaphore(%dma_wait3A_477 : memref<!tpu.dma_semaphore, #tpu.memory_space<semaphore_mem>>) src(%dma_wait3A_485 : memref<64x256xf32, #tpu.memory_space<hbm>>) dst(%dma_wait3A_481 : memref<128x128xf32, #tpu.memory_space<vmem>>)
          } else {
          }
          %swap3A = arith.index_cast %rem3A_433 : i32 to index
          %swap3A_443 = arith.index_cast %select_n3A_407 : i32 to index
          %swap3A_444 = arith.constant 0 : index
          %swap3A_445 = tpu.vector_load %arg9[%swap3A, %swap3A_443, %swap3A_444] {strides = array<i32>} : memref<2x128x128xf32, #tpu.memory_space<vmem>>, vector<16xf32>,
          tpu.vector_store %arg9[%swap3A, %swap3A_443, %swap3A_444], %add3A_364 {strides = array<i32>} : memref<2x128x128xf32, #tpu.memory_space<vmem>>, vector<16xf32>,
          %swap3A_446 = arith.index_cast %rem3A_433 : i32 to index
          %swap3A_447 = arith.index_cast %select_n3A_407 : i32 to index
          %swap3A_448 = arith.constant 16 : index
          %swap3A_449 = tpu.vector_load %arg9[%swap3A_446, %swap3A_447, %swap3A_448] {strides = array<i32>} : memref<2x128x128xf32, #tpu.memory_space<vmem>>, vector<16xf32>,
          tpu.vector_store %arg9[%swap3A_446, %swap3A_447, %swap3A_448], %add3A_373 {strides = array<i32>} : memref<2x128x128xf32, #tpu.memory_space<vmem>>, vector<16xf32>,
          %swap3A_450 = arith.index_cast %rem3A_433 : i32 to index
          %swap3A_451 = arith.index_cast %select_n3A_407 : i32 to index
          %swap3A_452 = arith.constant 32 : index
          %swap3A_453 = tpu.vector_load %arg9[%swap3A_450, %swap3A_451, %swap3A_452] {strides = array<i32>} : memref<2x128x128xf32, #tpu.memory_space<vmem>>, vector<16xf32>,
          tpu.vector_store %arg9[%swap3A_450, %swap3A_451, %swap3A_452], %add3A_382 {strides = array<i32>} : memref<2x128x128xf32, #tpu.memory_space<vmem>>, vector<16xf32>,
          %swap3A_454 = arith.index_cast %rem3A_433 : i32 to index
          %swap3A_455 = arith.index_cast %select_n3A_407 : i32 to index
          %swap3A_456 = arith.constant 48 : index
          %swap3A_457 = tpu.vector_load %arg9[%swap3A_454, %swap3A_455, %swap3A_456] {strides = array<i32>} : memref<2x128x128xf32, #tpu.memory_space<vmem>>, vector<16xf32>,
          tpu.vector_store %arg9[%swap3A_454, %swap3A_455, %swap3A_456], %add3A_391 {strides = array<i32>} : memref<2x128x128xf32, #tpu.memory_space<vmem>>, vector<16xf32>,
          %scatter3A = arith.constant 0 : i32
          %scatter3A_458 = tpu.memref_slice %arg11[%rem3A_433, %scatter3A] : memref<2x128xi32, #tpu.memory_space<vmem>> -> memref<1x128xi32, #tpu.memory_space<vmem>>
          %scatter3A_459 = tpu.memref_squeeze %scatter3A_458 : memref<1x128xi32, #tpu.memory_space<vmem>> -> memref<128xi32, #tpu.memory_space<vmem>>
          tpu.vector_store_idx %scatter3A_459[%broadcast_in_dim3A_434], %add3A_355 masked %eq3A_51 : memref<128xi32, #tpu.memory_space<vmem>>[vector<16xi32>], vector<16xi32>, vector<16xi1>
          %eq3A_460 = arith.constant 127 : i32
          %eq3A_461 = arith.cmpi eq, %select_n3A_407, %eq3A_460 : i32
          %convert_element_type3A_462 = arith.extui %eq3A_461 : i1 to i32
          %cond3A_463 = arith.constant 0 : i32
          %cond3A_464 = arith.cmpi ne, %convert_element_type3A_462, %cond3A_463 : i32
          scf.if %cond3A_464 {
            %dma_start3A = arith.constant 0 : i32
            %dma_start3A_467 = arith.constant 0 : i32
            %dma_start3A_468 = tpu.memref_slice %arg9[%rem3A_433, %dma_start3A, %dma_start3A_467] : memref<2x128x128xf32, #tpu.memory_space<vmem>> -> memref<1x128x128xf32, #tpu.memory_space<vmem>>
            %dma_start3A_469 = tpu.memref_squeeze %dma_start3A_468 : memref<1x128x128xf32, #tpu.memory_space<vmem>> -> memref<128x128xf32, #tpu.memory_space<vmem>>
            %dma_start3A_470 = arith.constant 0 : i32
            %dma_start3A_471 = tpu.memref_slice %arg11[%rem3A_433, %dma_start3A_470] : memref<2x128xi32, #tpu.memory_space<vmem>> -> memref<1x128xi32, #tpu.memory_space<vmem>>
            %dma_start3A_472 = tpu.memref_squeeze %dma_start3A_471 : memref<1x128xi32, #tpu.memory_space<vmem>> -> memref<128xi32, #tpu.memory_space<vmem>>
            %dma_start3A_473 = arith.constant 0 : i32
            %dma_start3A_474 = arith.constant 0 : i32
            %dma_start3A_475 = tpu.memref_slice %arg7[%dma_start3A_473, %dma_start3A_474] : memref<106504x128xf32, #tpu.memory_space<hbm>> -> memref<106504x128xf32, #tpu.memory_space<hbm>>
            %dma_start3A_476 = tpu.memref_slice %arg17[%rem3A_433] : memref<2x!tpu.dma_semaphore, #tpu.memory_space<semaphore_mem>> -> memref<1x!tpu.dma_semaphore, #tpu.memory_space<semaphore_mem>>
            %dma_start3A_477 = tpu.memref_squeeze %dma_start3A_476 : memref<1x!tpu.dma_semaphore, #tpu.memory_space<semaphore_mem>> -> memref<!tpu.dma_semaphore, #tpu.memory_space<semaphore_mem>>
            tpu.enqueue_indirect_dma source(%dma_start3A_469 : memref<128x128xf32, #tpu.memory_space<vmem>>) target(%dma_start3A_475 : memref<106504x128xf32, #tpu.memory_space<hbm>>) offsets(%dma_start3A_472 : memref<128xi32, #tpu.memory_space<vmem>>) semaphore(%dma_start3A_477 : memref<!tpu.dma_semaphore, #tpu.memory_space<semaphore_mem>>)
          } else {
          }
          %add3A_465 = arith.constant 1 : i32
          %add3A_466 = arith.addi %while3A_342, %add3A_465 : i32
          scf.yield %add3A_466 : i32
        }
        %while3A_332 = arith.constant 1 : i32
        %while3A_333 = scf.for %while3A_341 = %while3A_329 to %while3A_325 step %while3A_332 iter_args(%while3A_342 = %while3A_331) -> (i32)  : i32 {
          %broadcast_in_dim3A_343 = vector.broadcast %while3A_341 : i32 to vector<16xi32>
          %gather3A = tpu.vector_load_idx %arg14[%broadcast_in_dim3A_343] : memref<4096xi32, #tpu.memory_space<vmem>>[vector<16xi32>], vector<16xi32>,
          %shift_right_arithmetic3A = arith.constant 12 : i32
          %shift_right_arithmetic3A_344 = vector.broadcast %shift_right_arithmetic3A : i32 to vector<16xi32>
          %shift_right_arithmetic3A_345 = arith.shrsi %gather3A, %shift_right_arithmetic3A_344 : vector<16xi32>
          %sub3A_346 = vector.broadcast %mul3A_305 : i32 to vector<16xi32>
          %sub3A_347 = arith.subi %shift_right_arithmetic3A_345, %sub3A_346 : vector<16xi32>
          %and3A_348 = arith.constant 4095 : i32
          %and3A_349 = vector.broadcast %and3A_348 : i32 to vector<16xi32>
          %and3A_350 = arith.andi %gather3A, %and3A_349 : vector<16xi32>
          %mul3A_351 = arith.constant 26 : i32
          %mul3A_352 = vector.broadcast %mul3A_351 : i32 to vector<16xi32>
          %mul3A_353 = arith.muli %and3A_350, %mul3A_352 : vector<16xi32>
          %add3A_354 = vector.broadcast %while3A_126 : i32 to vector<16xi32>
          %add3A_355 = arith.addi %mul3A_353, %add3A_354 : vector<16xi32>
          %add3A_356 = arith.constant 0 : i32
          %add3A_357 = vector.broadcast %add3A_356 : i32 to vector<16xi32>
          %add3A_358 = arith.addi %iota3A, %add3A_357 : vector<16xi32>
          %gather3A_359 = arith.constant 0 : i32
          %gather3A_360 = arith.constant 0 : i32
          %gather3A_361 = tpu.memref_slice %arg8[%rem3A_189, %gather3A_359, %gather3A_360] : memref<4x64x256xf32, #tpu.memory_space<vmem>> -> memref<1x64x256xf32, #tpu.memory_space<vmem>>
          %gather3A_362 = tpu.memref_squeeze %gather3A_361 : memref<1x64x256xf32, #tpu.memory_space<vmem>> -> memref<64x256xf32, #tpu.memory_space<vmem>>
          %gather3A_363 = tpu.vector_load_idx %gather3A_362[%add3A_358, %sub3A_347] : memref<64x256xf32, #tpu.memory_space<vmem>>[vector<16xi32>, vector<16xi32>], vector<16xf32>,
          %add3A_364 = arith.addf %gather3A_363, %get3A_136 : vector<16xf32>
          %add3A_365 = arith.constant 16 : i32
          %add3A_366 = vector.broadcast %add3A_365 : i32 to vector<16xi32>
          %add3A_367 = arith.addi %iota3A, %add3A_366 : vector<16xi32>
          %gather3A_368 = arith.constant 0 : i32
          %gather3A_369 = arith.constant 0 : i32
          %gather3A_370 = tpu.memref_slice %arg8[%rem3A_189, %gather3A_368, %gather3A_369] : memref<4x64x256xf32, #tpu.memory_space<vmem>> -> memref<1x64x256xf32, #tpu.memory_space<vmem>>
          %gather3A_371 = tpu.memref_squeeze %gather3A_370 : memref<1x64x256xf32, #tpu.memory_space<vmem>> -> memref<64x256xf32, #tpu.memory_space<vmem>>
          %gather3A_372 = tpu.vector_load_idx %gather3A_371[%add3A_367, %sub3A_347] : memref<64x256xf32, #tpu.memory_space<vmem>>[vector<16xi32>, vector<16xi32>], vector<16xf32>,
          %add3A_373 = arith.addf %gather3A_372, %get3A_139 : vector<16xf32>
          %add3A_374 = arith.constant 32 : i32
          %add3A_375 = vector.broadcast %add3A_374 : i32 to vector<16xi32>
          %add3A_376 = arith.addi %iota3A, %add3A_375 : vector<16xi32>
          %gather3A_377 = arith.constant 0 : i32
          %gather3A_378 = arith.constant 0 : i32
          %gather3A_379 = tpu.memref_slice %arg8[%rem3A_189, %gather3A_377, %gather3A_378] : memref<4x64x256xf32, #tpu.memory_space<vmem>> -> memref<1x64x256xf32, #tpu.memory_space<vmem>>
          %gather3A_380 = tpu.memref_squeeze %gather3A_379 : memref<1x64x256xf32, #tpu.memory_space<vmem>> -> memref<64x256xf32, #tpu.memory_space<vmem>>
          %gather3A_381 = tpu.vector_load_idx %gather3A_380[%add3A_376, %sub3A_347] : memref<64x256xf32, #tpu.memory_space<vmem>>[vector<16xi32>, vector<16xi32>], vector<16xf32>,
          %add3A_382 = arith.addf %gather3A_381, %get3A_142 : vector<16xf32>
          %add3A_383 = arith.constant 48 : i32
          %add3A_384 = vector.broadcast %add3A_383 : i32 to vector<16xi32>
          %add3A_385 = arith.addi %iota3A, %add3A_384 : vector<16xi32>
          %gather3A_386 = arith.constant 0 : i32
          %gather3A_387 = arith.constant 0 : i32
          %gather3A_388 = tpu.memref_slice %arg8[%rem3A_189, %gather3A_386, %gather3A_387] : memref<4x64x256xf32, #tpu.memory_space<vmem>> -> memref<1x64x256xf32, #tpu.memory_space<vmem>>
          %gather3A_389 = tpu.memref_squeeze %gather3A_388 : memref<1x64x256xf32, #tpu.memory_space<vmem>> -> memref<64x256xf32, #tpu.memory_space<vmem>>
          %gather3A_390 = tpu.vector_load_idx %gather3A_389[%add3A_385, %sub3A_347] : memref<64x256xf32, #tpu.memory_space<vmem>>[vector<16xi32>, vector<16xi32>], vector<16xf32>,
          %add3A_391 = arith.addf %gather3A_390, %get3A_145 : vector<16xf32>
          %jit3A_392 = arith.constant 128 : i32
          %eq3A_393 = arith.constant 0 : i32
          %eq3A_394 = arith.cmpi eq, %jit3A_392, %eq3A_393 : i32
          %jit3A_395 = arith.constant 1 : i32
          %select_n3A_396 = arith.select %eq3A_394, %jit3A_395, %jit3A_392 : i32
          %rem3A_397 = arith.remsi %while3A_342, %select_n3A_396 : i32
          %ne3A_398 = arith.constant 0 : i32
          %ne3A_399 = arith.cmpi ne, %rem3A_397, %ne3A_398 : i32
          %lt3A_400 = arith.constant 0 : i32
          %lt3A_401 = arith.cmpi slt, %rem3A_397, %lt3A_400 : i32
          %lt3A_402 = arith.constant 0 : i32
          %lt3A_403 = arith.cmpi slt, %select_n3A_396, %lt3A_402 : i32
          %ne3A_404 = arith.xori %lt3A_401, %lt3A_403 : i1
          %and3A_405 = arith.andi %ne3A_404, %ne3A_399 : i1
          %add3A_406 = arith.addi %rem3A_397, %select_n3A_396 : i32
          %select_n3A_407 = arith.select %and3A_405, %add3A_406, %rem3A_397 : i32
          %jit3A_408 = arith.constant 128 : i32
          %div3A_409 = arith.divsi %while3A_342, %jit3A_408 : i32
          %sign3A_410 = arith.constant 0 : i32
          %sign3A_411 = arith.cmpi sgt, %while3A_342, %sign3A_410 : i32
          %sign3A_412 = arith.extui %sign3A_411 : i1 to i32
          %sign3A_413 = arith.constant 0 : i32
          %sign3A_414 = arith.cmpi slt, %while3A_342, %sign3A_413 : i32
          %sign3A_415 = arith.extui %sign3A_414 : i1 to i32
          %sign3A_416 = arith.subi %sign3A_412, %sign3A_415 : i32
          %sign3A_417 = arith.constant 0 : i32
          %sign3A_418 = arith.cmpi sgt, %jit3A_408, %sign3A_417 : i32
          %sign3A_419 = arith.extui %sign3A_418 : i1 to i32
          %sign3A_420 = arith.constant 0 : i32
          %sign3A_421 = arith.cmpi slt, %jit3A_408, %sign3A_420 : i32
          %sign3A_422 = arith.extui %sign3A_421 : i1 to i32
          %sign3A_423 = arith.subi %sign3A_419, %sign3A_422 : i32
          %ne3A_424 = arith.cmpi ne, %sign3A_416, %sign3A_423 : i32
          %rem3A_425 = arith.remsi %while3A_342, %jit3A_408 : i32
          %ne3A_426 = arith.constant 0 : i32
          %ne3A_427 = arith.cmpi ne, %rem3A_425, %ne3A_426 : i32
          %and3A_428 = arith.andi %ne3A_424, %ne3A_427 : i1
          %sub3A_429 = arith.constant 1 : i32
          %sub3A_430 = arith.subi %div3A_409, %sub3A_429 : i32
          %select_n3A_431 = arith.select %and3A_428, %sub3A_430, %div3A_409 : i32
          %rem3A_432 = arith.constant 2 : i32
          %rem3A_433 = arith.remsi %select_n3A_431, %rem3A_432 : i32
          %broadcast_in_dim3A_434 = vector.broadcast %select_n3A_407 : i32 to vector<16xi32>
          %eq3A_435 = arith.constant 0 : i32
          %eq3A_436 = arith.cmpi eq, %select_n3A_407, %eq3A_435 : i32
          %ge3A_437 = arith.constant 2 : i32
          %ge3A_438 = arith.cmpi sge, %select_n3A_431, %ge3A_437 : i32
          %and3A_439 = arith.andi %eq3A_436, %ge3A_438 : i1
          %convert_element_type3A_440 = arith.extui %and3A_439 : i1 to i32
          %cond3A_441 = arith.constant 0 : i32
          %cond3A_442 = arith.cmpi ne, %convert_element_type3A_440, %cond3A_441 : i32
          scf.if %cond3A_442 {
            %dma_wait3A_467 = arith.constant 0 : i32
            %dma_wait3A_468 = arith.constant 0 : i32
            %dma_wait3A_469 = arith.constant 0 : i32
            %dma_wait3A_470 = tpu.memref_slice %arg9[%rem3A_433, %dma_wait3A_468, %dma_wait3A_469] : memref<2x128x128xf32, #tpu.memory_space<vmem>> -> memref<1x128x128xf32, #tpu.memory_space<vmem>>
            %dma_wait3A_471 = tpu.memref_squeeze %dma_wait3A_470 : memref<1x128x128xf32, #tpu.memory_space<vmem>> -> memref<128x128xf32, #tpu.memory_space<vmem>>
            %dma_wait3A_472 = arith.constant 0 : i32
            %dma_wait3A_473 = arith.constant 0 : i32
            %dma_wait3A_474 = tpu.memref_slice %arg4[%dma_wait3A_467, %dma_wait3A_472, %dma_wait3A_473] : memref<26x64x100000xf32, #tpu.memory_space<hbm>> -> memref<1x64x256xf32, #tpu.memory_space<hbm>>
            %dma_wait3A_475 = tpu.memref_squeeze %dma_wait3A_474 : memref<1x64x256xf32, #tpu.memory_space<hbm>> -> memref<64x256xf32, #tpu.memory_space<hbm>>
            %dma_wait3A_476 = tpu.memref_slice %arg17[%rem3A_433] : memref<2x!tpu.dma_semaphore, #tpu.memory_space<semaphore_mem>> -> memref<1x!tpu.dma_semaphore, #tpu.memory_space<semaphore_mem>>
            %dma_wait3A_477 = tpu.memref_squeeze %dma_wait3A_476 : memref<1x!tpu.dma_semaphore, #tpu.memory_space<semaphore_mem>> -> memref<!tpu.dma_semaphore, #tpu.memory_space<semaphore_mem>>
            %dma_wait3A_478 = arith.constant 0 : i32
            %dma_wait3A_479 = arith.constant 0 : i32
            %dma_wait3A_480 = tpu.memref_slice %arg9[%rem3A_433, %dma_wait3A_478, %dma_wait3A_479] : memref<2x128x128xf32, #tpu.memory_space<vmem>> -> memref<1x128x128xf32, #tpu.memory_space<vmem>>
            %dma_wait3A_481 = tpu.memref_squeeze %dma_wait3A_480 : memref<1x128x128xf32, #tpu.memory_space<vmem>> -> memref<128x128xf32, #tpu.memory_space<vmem>>
            %dma_wait3A_482 = arith.constant 0 : i32
            %dma_wait3A_483 = arith.constant 0 : i32
            %dma_wait3A_484 = tpu.memref_slice %arg4[%dma_wait3A_467, %dma_wait3A_482, %dma_wait3A_483] : memref<26x64x100000xf32, #tpu.memory_space<hbm>> -> memref<1x64x256xf32, #tpu.memory_space<hbm>>
            %dma_wait3A_485 = tpu.memref_squeeze %dma_wait3A_484 : memref<1x64x256xf32, #tpu.memory_space<hbm>> -> memref<64x256xf32, #tpu.memory_space<hbm>>
            tpu.wait_dma2 semaphore(%dma_wait3A_477 : memref<!tpu.dma_semaphore, #tpu.memory_space<semaphore_mem>>) src(%dma_wait3A_485 : memref<64x256xf32, #tpu.memory_space<hbm>>) dst(%dma_wait3A_481 : memref<128x128xf32, #tpu.memory_space<vmem>>)
          } else {
          }
          %swap3A = arith.index_cast %rem3A_433 : i32 to index
          %swap3A_443 = arith.index_cast %select_n3A_407 : i32 to index
          %swap3A_444 = arith.constant 0 : index
          %swap3A_445 = tpu.vector_load %arg9[%swap3A, %swap3A_443, %swap3A_444] {strides = array<i32>} : memref<2x128x128xf32, #tpu.memory_space<vmem>>, vector<16xf32>,
          tpu.vector_store %arg9[%swap3A, %swap3A_443, %swap3A_444], %add3A_364 {strides = array<i32>} : memref<2x128x128xf32, #tpu.memory_space<vmem>>, vector<16xf32>,
          %swap3A_446 = arith.index_cast %rem3A_433 : i32 to index
          %swap3A_447 = arith.index_cast %select_n3A_407 : i32 to index
          %swap3A_448 = arith.constant 16 : index
          %swap3A_449 = tpu.vector_load %arg9[%swap3A_446, %swap3A_447, %swap3A_448] {strides = array<i32>} : memref<2x128x128xf32, #tpu.memory_space<vmem>>, vector<16xf32>,
          tpu.vector_store %arg9[%swap3A_446, %swap3A_447, %swap3A_448], %add3A_373 {strides = array<i32>} : memref<2x128x128xf32, #tpu.memory_space<vmem>>, vector<16xf32>,
          %swap3A_450 = arith.index_cast %rem3A_433 : i32 to index
          %swap3A_451 = arith.index_cast %select_n3A_407 : i32 to index
          %swap3A_452 = arith.constant 32 : index
          %swap3A_453 = tpu.vector_load %arg9[%swap3A_450, %swap3A_451, %swap3A_452] {strides = array<i32>} : memref<2x128x128xf32, #tpu.memory_space<vmem>>, vector<16xf32>,
          tpu.vector_store %arg9[%swap3A_450, %swap3A_451, %swap3A_452], %add3A_382 {strides = array<i32>} : memref<2x128x128xf32, #tpu.memory_space<vmem>>, vector<16xf32>,
          %swap3A_454 = arith.index_cast %rem3A_433 : i32 to index
          %swap3A_455 = arith.index_cast %select_n3A_407 : i32 to index
          %swap3A_456 = arith.constant 48 : index
          %swap3A_457 = tpu.vector_load %arg9[%swap3A_454, %swap3A_455, %swap3A_456] {strides = array<i32>} : memref<2x128x128xf32, #tpu.memory_space<vmem>>, vector<16xf32>,
          tpu.vector_store %arg9[%swap3A_454, %swap3A_455, %swap3A_456], %add3A_391 {strides = array<i32>} : memref<2x128x128xf32, #tpu.memory_space<vmem>>, vector<16xf32>,
          %scatter3A = arith.constant 0 : i32
          %scatter3A_458 = tpu.memref_slice %arg11[%rem3A_433, %scatter3A] : memref<2x128xi32, #tpu.memory_space<vmem>> -> memref<1x128xi32, #tpu.memory_space<vmem>>
          %scatter3A_459 = tpu.memref_squeeze %scatter3A_458 : memref<1x128xi32, #tpu.memory_space<vmem>> -> memref<128xi32, #tpu.memory_space<vmem>>
          tpu.vector_store_idx %scatter3A_459[%broadcast_in_dim3A_434], %add3A_355 masked %eq3A_51 : memref<128xi32, #tpu.memory_space<vmem>>[vector<16xi32>], vector<16xi32>, vector<16xi1>
          %eq3A_460 = arith.constant 127 : i32
          %eq3A_461 = arith.cmpi eq, %select_n3A_407, %eq3A_460 : i32
          %convert_element_type3A_462 = arith.extui %eq3A_461 : i1 to i32
          %cond3A_463 = arith.constant 0 : i32
          %cond3A_464 = arith.cmpi ne, %convert_element_type3A_462, %cond3A_463 : i32
          scf.if %cond3A_464 {
            %dma_start3A = arith.constant 0 : i32
            %dma_start3A_467 = arith.constant 0 : i32
            %dma_start3A_468 = tpu.memref_slice %arg9[%rem3A_433, %dma_start3A, %dma_start3A_467] : memref<2x128x128xf32, #tpu.memory_space<vmem>> -> memref<1x128x128xf32, #tpu.memory_space<vmem>>
            %dma_start3A_469 = tpu.memref_squeeze %dma_start3A_468 : memref<1x128x128xf32, #tpu.memory_space<vmem>> -> memref<128x128xf32, #tpu.memory_space<vmem>>
            %dma_start3A_470 = arith.constant 0 : i32
            %dma_start3A_471 = tpu.memref_slice %arg11[%rem3A_433, %dma_start3A_470] : memref<2x128xi32, #tpu.memory_space<vmem>> -> memref<1x128xi32, #tpu.memory_space<vmem>>
            %dma_start3A_472 = tpu.memref_squeeze %dma_start3A_471 : memref<1x128xi32, #tpu.memory_space<vmem>> -> memref<128xi32, #tpu.memory_space<vmem>>
            %dma_start3A_473 = arith.constant 0 : i32
            %dma_start3A_474 = arith.constant 0 : i32
            %dma_start3A_475 = tpu.memref_slice %arg7[%dma_start3A_473, %dma_start3A_474] : memref<106504x128xf32, #tpu.memory_space<hbm>> -> memref<106504x128xf32, #tpu.memory_space<hbm>>
            %dma_start3A_476 = tpu.memref_slice %arg17[%rem3A_433] : memref<2x!tpu.dma_semaphore, #tpu.memory_space<semaphore_mem>> -> memref<1x!tpu.dma_semaphore, #tpu.memory_space<semaphore_mem>>
            %dma_start3A_477 = tpu.memref_squeeze %dma_start3A_476 : memref<1x!tpu.dma_semaphore, #tpu.memory_space<semaphore_mem>> -> memref<!tpu.dma_semaphore, #tpu.memory_space<semaphore_mem>>
            tpu.enqueue_indirect_dma source(%dma_start3A_469 : memref<128x128xf32, #tpu.memory_space<vmem>>) target(%dma_start3A_475 : memref<106504x128xf32, #tpu.memory_space<hbm>>) offsets(%dma_start3A_472 : memref<128xi32, #tpu.memory_space<vmem>>) semaphore(%dma_start3A_477 : memref<!tpu.dma_semaphore, #tpu.memory_space<semaphore_mem>>)
          } else {
          }
          %add3A_465 = arith.constant 1 : i32
          %add3A_466 = arith.addi %while3A_342, %add3A_465 : i32
          scf.yield %add3A_466 : i32
        }
        %add3A_334 = arith.constant 4 : i32
        %add3A_335 = arith.addi %while3A_185, %add3A_334 : i32
        %add3A_336 = arith.addi %sub3A_130, %sub3A_148 : i32
        %lt3A_337 = arith.cmpi slt, %add3A_335, %add3A_336 : i32
        %convert_element_type3A_338 = arith.extui %lt3A_337 : i1 to i32
        %cond3A_339 = arith.constant 0 : i32
        %cond3A_340 = arith.cmpi ne, %convert_element_type3A_338, %cond3A_339 : i32
        scf.if %cond3A_340 {
          %add3A_341 = arith.constant 4 : i32
          %add3A_342 = arith.addi %while3A_185, %add3A_341 : i32
          %mul3A_343 = arith.constant 256 : i32
          %mul3A_344 = arith.muli %add3A_342, %mul3A_343 : i32
          %multiple_of3A = tpu.assume_multiple %mul3A_344, 128 : i32
          %dma_start3A = arith.constant 0 : i32
          %dma_start3A_345 = arith.constant 0 : i32
          %dma_start3A_346 = tpu.memref_slice %arg8[%rem3A_189, %dma_start3A, %dma_start3A_345] : memref<4x64x256xf32, #tpu.memory_space<vmem>> -> memref<1x64x256xf32, #tpu.memory_space<vmem>>
          %dma_start3A_347 = tpu.memref_squeeze %dma_start3A_346 : memref<1x64x256xf32, #tpu.memory_space<vmem>> -> memref<64x256xf32, #tpu.memory_space<vmem>>
          %dma_start3A_348 = arith.constant 0 : i32
          %dma_start3A_349 = tpu.memref_slice %arg4[%while3A_126, %dma_start3A_348, %multiple_of3A] : memref<26x64x100000xf32, #tpu.memory_space<hbm>> -> memref<1x64x256xf32, #tpu.memory_space<hbm>>
          %dma_start3A_350 = tpu.memref_squeeze %dma_start3A_349 : memref<1x64x256xf32, #tpu.memory_space<hbm>> -> memref<64x256xf32, #tpu.memory_space<hbm>>
          %dma_start3A_351 = tpu.memref_slice %arg16[%rem3A_189] : memref<4x!tpu.dma_semaphore, #tpu.memory_space<semaphore_mem>> -> memref<1x!tpu.dma_semaphore, #tpu.memory_space<semaphore_mem>>
          %dma_start3A_352 = tpu.memref_squeeze %dma_start3A_351 : memref<1x!tpu.dma_semaphore, #tpu.memory_space<semaphore_mem>> -> memref<!tpu.dma_semaphore, #tpu.memory_space<semaphore_mem>>
          %dma_start3A_353 = arith.constant 0 : i32
          %dma_start3A_354 = arith.constant 0 : i32
          %dma_start3A_355 = tpu.memref_slice %arg8[%rem3A_189, %dma_start3A_353, %dma_start3A_354] : memref<4x64x256xf32, #tpu.memory_space<vmem>> -> memref<1x64x256xf32, #tpu.memory_space<vmem>>
          %dma_start3A_356 = tpu.memref_squeeze %dma_start3A_355 : memref<1x64x256xf32, #tpu.memory_space<vmem>> -> memref<64x256xf32, #tpu.memory_space<vmem>>
          %dma_start3A_357 = arith.constant 0 : i32
          %dma_start3A_358 = tpu.memref_slice %arg4[%while3A_126, %dma_start3A_357, %multiple_of3A] : memref<26x64x100000xf32, #tpu.memory_space<hbm>> -> memref<1x64x256xf32, #tpu.memory_space<hbm>>
          %dma_start3A_359 = tpu.memref_squeeze %dma_start3A_358 : memref<1x64x256xf32, #tpu.memory_space<hbm>> -> memref<64x256xf32, #tpu.memory_space<hbm>>
          tpu.enqueue_dma source(%dma_start3A_359 : memref<64x256xf32, #tpu.memory_space<hbm>>) target(%dma_start3A_356 : memref<64x256xf32, #tpu.memory_space<vmem>>) target_semaphore(%dma_start3A_352 : memref<!tpu.dma_semaphore, #tpu.memory_space<semaphore_mem>>)
        } else {
        }
        scf.yield %while3A_333 : i32
      }
      %while3A_177 = arith.constant 1 : i32
      %while3A_178 = scf.for %while3A_185 = %while3A_174 to %while3A_170 step %while3A_177 iter_args(%while3A_186 = %while3A_176) -> (i32)  : i32 {
        %sub3A_187 = arith.subi %while3A_185, %sub3A_130 : i32
        %rem3A_188 = arith.constant 4 : i32
        %rem3A_189 = arith.remsi %sub3A_187, %rem3A_188 : i32
        %jit3A_190 = arith.constant 16 : i32
        %div3A_191 = arith.divsi %while3A_185, %jit3A_190 : i32
        %sign3A_192 = arith.constant 0 : i32
        %sign3A_193 = arith.cmpi sgt, %while3A_185, %sign3A_192 : i32
        %sign3A_194 = arith.extui %sign3A_193 : i1 to i32
        %sign3A_195 = arith.constant 0 : i32
        %sign3A_196 = arith.cmpi slt, %while3A_185, %sign3A_195 : i32
        %sign3A_197 = arith.extui %sign3A_196 : i1 to i32
        %sign3A_198 = arith.subi %sign3A_194, %sign3A_197 : i32
        %sign3A_199 = arith.constant 0 : i32
        %sign3A_200 = arith.cmpi sgt, %jit3A_190, %sign3A_199 : i32
        %sign3A_201 = arith.extui %sign3A_200 : i1 to i32
        %sign3A_202 = arith.constant 0 : i32
        %sign3A_203 = arith.cmpi slt, %jit3A_190, %sign3A_202 : i32
        %sign3A_204 = arith.extui %sign3A_203 : i1 to i32
        %sign3A_205 = arith.subi %sign3A_201, %sign3A_204 : i32
        %ne3A_206 = arith.cmpi ne, %sign3A_198, %sign3A_205 : i32
        %rem3A_207 = arith.remsi %while3A_185, %jit3A_190 : i32
        %ne3A_208 = arith.constant 0 : i32
        %ne3A_209 = arith.cmpi ne, %rem3A_207, %ne3A_208 : i32
        %and3A_210 = arith.andi %ne3A_206, %ne3A_209 : i1
        %sub3A_211 = arith.constant 1 : i32
        %sub3A_212 = arith.subi %div3A_191, %sub3A_211 : i32
        %select_n3A_213 = arith.select %and3A_210, %sub3A_212, %div3A_191 : i32
        %mul3A_214 = arith.constant 16 : i32
        %mul3A_215 = arith.muli %select_n3A_213, %mul3A_214 : i32
        %get3A_216 = arith.index_cast %mul3A_215 : i32 to index
        %get3A_217 = tpu.vector_load %arg15[%get3A_216] {strides = array<i32>} : memref<512xi32, #tpu.memory_space<vmem>>, vector<16xi32>,
        %jit3A_218 = arith.constant 16 : i32
        %eq3A_219 = arith.constant 0 : i32
        %eq3A_220 = arith.cmpi eq, %jit3A_218, %eq3A_219 : i32
        %jit3A_221 = arith.constant 1 : i32
        %select_n3A_222 = arith.select %eq3A_220, %jit3A_221, %jit3A_218 : i32
        %rem3A_223 = arith.remsi %while3A_185, %select_n3A_222 : i32
        %ne3A_224 = arith.constant 0 : i32
        %ne3A_225 = arith.cmpi ne, %rem3A_223, %ne3A_224 : i32
        %lt3A_226 = arith.constant 0 : i32
        %lt3A_227 = arith.cmpi slt, %rem3A_223, %lt3A_226 : i32
        %lt3A_228 = arith.constant 0 : i32
        %lt3A_229 = arith.cmpi slt, %select_n3A_222, %lt3A_228 : i32
        %ne3A_230 = arith.xori %lt3A_227, %lt3A_229 : i1
        %and3A_231 = arith.andi %ne3A_230, %ne3A_225 : i1
        %add3A_232 = arith.addi %rem3A_223, %select_n3A_222 : i32
        %select_n3A_233 = arith.select %and3A_231, %add3A_232, %rem3A_223 : i32
        %eq3A_234 = vector.broadcast %select_n3A_233 : i32 to vector<16xi32>
        %eq3A_235 = arith.cmpi eq, %iota3A, %eq3A_234 : vector<16xi32>
        %jit3A_236 = arith.constant -2147483648 : i32
        %broadcast_in_dim3A = vector.broadcast %jit3A_236 : i32 to vector<16xi32>
        %select_n3A_237 = arith.select %eq3A_235, %get3A_217, %broadcast_in_dim3A : vector<16xi1>, vector<16xi32>
        %reduce_max3A = arith.constant true
        %reduce_max3A_238 = vector.broadcast %reduce_max3A : i1 to vector<16xi1>
        %reduce_max3A_239 = arith.constant -2147483648 : i32
        %reduce_max3A_240 = vector.broadcast %reduce_max3A_239 : i32 to vector<16xi32>
        %reduce_max3A_241 = arith.xori %select_n3A_237, %reduce_max3A_240 : vector<16xi32>
        %reduce_max3A_242 = tpu.scan <max>, %reduce_max3A_241 masked %reduce_max3A_238 : vector<16xi32>, vector<16xi1> -> vector<16xi32>
        %reduce_max3A_243 = arith.xori %reduce_max3A_242, %reduce_max3A_240 : vector<16xi32>
        %reduce_max3A_244 = vector.extract %reduce_max3A_243[15] : i32 from vector<16xi32>
        %add3A_245 = arith.constant 1 : i32
        %add3A_246 = arith.addi %while3A_185, %add3A_245 : i32
        %jit3A_247 = arith.constant 16 : i32
        %div3A_248 = arith.divsi %add3A_246, %jit3A_247 : i32
        %sign3A_249 = arith.constant 0 : i32
        %sign3A_250 = arith.cmpi sgt, %add3A_246, %sign3A_249 : i32
        %sign3A_251 = arith.extui %sign3A_250 : i1 to i32
        %sign3A_252 = arith.constant 0 : i32
        %sign3A_253 = arith.cmpi slt, %add3A_246, %sign3A_252 : i32
        %sign3A_254 = arith.extui %sign3A_253 : i1 to i32
        %sign3A_255 = arith.subi %sign3A_251, %sign3A_254 : i32
        %sign3A_256 = arith.constant 0 : i32
        %sign3A_257 = arith.cmpi sgt, %jit3A_247, %sign3A_256 : i32
        %sign3A_258 = arith.extui %sign3A_257 : i1 to i32
        %sign3A_259 = arith.constant 0 : i32
        %sign3A_260 = arith.cmpi slt, %jit3A_247, %sign3A_259 : i32
        %sign3A_261 = arith.extui %sign3A_260 : i1 to i32
        %sign3A_262 = arith.subi %sign3A_258, %sign3A_261 : i32
        %ne3A_263 = arith.cmpi ne, %sign3A_255, %sign3A_262 : i32
        %rem3A_264 = arith.remsi %add3A_246, %jit3A_247 : i32
        %ne3A_265 = arith.constant 0 : i32
        %ne3A_266 = arith.cmpi ne, %rem3A_264, %ne3A_265 : i32
        %and3A_267 = arith.andi %ne3A_263, %ne3A_266 : i1
        %sub3A_268 = arith.constant 1 : i32
        %sub3A_269 = arith.subi %div3A_248, %sub3A_268 : i32
        %select_n3A_270 = arith.select %and3A_267, %sub3A_269, %div3A_248 : i32
        %mul3A_271 = arith.constant 16 : i32
        %mul3A_272 = arith.muli %select_n3A_270, %mul3A_271 : i32
        %get3A_273 = arith.index_cast %mul3A_272 : i32 to index
        %get3A_274 = tpu.vector_load %arg15[%get3A_273] {strides = array<i32>} : memref<512xi32, #tpu.memory_space<vmem>>, vector<16xi32>,
        %jit3A_275 = arith.constant 16 : i32
        %eq3A_276 = arith.constant 0 : i32
        %eq3A_277 = arith.cmpi eq, %jit3A_275, %eq3A_276 : i32
        %jit3A_278 = arith.constant 1 : i32
        %select_n3A_279 = arith.select %eq3A_277, %jit3A_278, %jit3A_275 : i32
        %rem3A_280 = arith.remsi %add3A_246, %select_n3A_279 : i32
        %ne3A_281 = arith.constant 0 : i32
        %ne3A_282 = arith.cmpi ne, %rem3A_280, %ne3A_281 : i32
        %lt3A_283 = arith.constant 0 : i32
        %lt3A_284 = arith.cmpi slt, %rem3A_280, %lt3A_283 : i32
        %lt3A_285 = arith.constant 0 : i32
        %lt3A_286 = arith.cmpi slt, %select_n3A_279, %lt3A_285 : i32
        %ne3A_287 = arith.xori %lt3A_284, %lt3A_286 : i1
        %and3A_288 = arith.andi %ne3A_287, %ne3A_282 : i1
        %add3A_289 = arith.addi %rem3A_280, %select_n3A_279 : i32
        %select_n3A_290 = arith.select %and3A_288, %add3A_289, %rem3A_280 : i32
        %eq3A_291 = vector.broadcast %select_n3A_290 : i32 to vector<16xi32>
        %eq3A_292 = arith.cmpi eq, %iota3A, %eq3A_291 : vector<16xi32>
        %jit3A_293 = arith.constant -2147483648 : i32
        %broadcast_in_dim3A_294 = vector.broadcast %jit3A_293 : i32 to vector<16xi32>
        %select_n3A_295 = arith.select %eq3A_292, %get3A_274, %broadcast_in_dim3A_294 : vector<16xi1>, vector<16xi32>
        %reduce_max3A_296 = arith.constant true
        %reduce_max3A_297 = vector.broadcast %reduce_max3A_296 : i1 to vector<16xi1>
        %reduce_max3A_298 = arith.constant -2147483648 : i32
        %reduce_max3A_299 = vector.broadcast %reduce_max3A_298 : i32 to vector<16xi32>
        %reduce_max3A_300 = arith.xori %select_n3A_295, %reduce_max3A_299 : vector<16xi32>
        %reduce_max3A_301 = tpu.scan <max>, %reduce_max3A_300 masked %reduce_max3A_297 : vector<16xi32>, vector<16xi1> -> vector<16xi32>
        %reduce_max3A_302 = arith.xori %reduce_max3A_301, %reduce_max3A_299 : vector<16xi32>
        %reduce_max3A_303 = vector.extract %reduce_max3A_302[15] : i32 from vector<16xi32>
        %mul3A_304 = arith.constant 256 : i32
        %mul3A_305 = arith.muli %while3A_185, %mul3A_304 : i32
        %dma_wait3A = arith.constant 0 : i32
        %dma_wait3A_306 = arith.constant 0 : i32
        %dma_wait3A_307 = arith.constant 0 : i32
        %dma_wait3A_308 = tpu.memref_slice %arg8[%rem3A_189, %dma_wait3A_306, %dma_wait3A_307] : memref<4x64x256xf32, #tpu.memory_space<vmem>> -> memref<1x64x256xf32, #tpu.memory_space<vmem>>
        %dma_wait3A_309 = tpu.memref_squeeze %dma_wait3A_308 : memref<1x64x256xf32, #tpu.memory_space<vmem>> -> memref<64x256xf32, #tpu.memory_space<vmem>>
        %dma_wait3A_310 = arith.constant 0 : i32
        %dma_wait3A_311 = arith.constant 0 : i32
        %dma_wait3A_312 = tpu.memref_slice %arg4[%dma_wait3A, %dma_wait3A_310, %dma_wait3A_311] : memref<26x64x100000xf32, #tpu.memory_space<hbm>> -> memref<1x64x256xf32, #tpu.memory_space<hbm>>
        %dma_wait3A_313 = tpu.memref_squeeze %dma_wait3A_312 : memref<1x64x256xf32, #tpu.memory_space<hbm>> -> memref<64x256xf32, #tpu.memory_space<hbm>>
        %dma_wait3A_314 = tpu.memref_slice %arg16[%rem3A_189] : memref<4x!tpu.dma_semaphore, #tpu.memory_space<semaphore_mem>> -> memref<1x!tpu.dma_semaphore, #tpu.memory_space<semaphore_mem>>
        %dma_wait3A_315 = tpu.memref_squeeze %dma_wait3A_314 : memref<1x!tpu.dma_semaphore, #tpu.memory_space<semaphore_mem>> -> memref<!tpu.dma_semaphore, #tpu.memory_space<semaphore_mem>>
        %dma_wait3A_316 = arith.constant 0 : i32
        %dma_wait3A_317 = arith.constant 0 : i32
        %dma_wait3A_318 = tpu.memref_slice %arg8[%rem3A_189, %dma_wait3A_316, %dma_wait3A_317] : memref<4x64x256xf32, #tpu.memory_space<vmem>> -> memref<1x64x256xf32, #tpu.memory_space<vmem>>
        %dma_wait3A_319 = tpu.memref_squeeze %dma_wait3A_318 : memref<1x64x256xf32, #tpu.memory_space<vmem>> -> memref<64x256xf32, #tpu.memory_space<vmem>>
        %dma_wait3A_320 = arith.constant 0 : i32
        %dma_wait3A_321 = arith.constant 0 : i32
        %dma_wait3A_322 = tpu.memref_slice %arg4[%dma_wait3A, %dma_wait3A_320, %dma_wait3A_321] : memref<26x64x100000xf32, #tpu.memory_space<hbm>> -> memref<1x64x256xf32, #tpu.memory_space<hbm>>
        %dma_wait3A_323 = tpu.memref_squeeze %dma_wait3A_322 : memref<1x64x256xf32, #tpu.memory_space<hbm>> -> memref<64x256xf32, #tpu.memory_space<hbm>>
        tpu.wait_dma2 semaphore(%dma_wait3A_315 : memref<!tpu.dma_semaphore, #tpu.memory_space<semaphore_mem>>) src(%dma_wait3A_323 : memref<64x256xf32, #tpu.memory_space<hbm>>) dst(%dma_wait3A_319 : memref<64x256xf32, #tpu.memory_space<vmem>>)
        %while3A_324 = arith.subi %reduce_max3A_303, %reduce_max3A_244 : i32
        %while3A_325 = arith.addi %reduce_max3A_244, %while3A_324 : i32
        %while3A_326 = arith.constant 1 : i32
        %while3A_327 = arith.divsi %while3A_324, %while3A_326 : i32
        %while3A_328 = arith.muli %while3A_327, %while3A_326 : i32
        %while3A_329 = arith.addi %reduce_max3A_244, %while3A_328 : i32
        %while3A_330 = arith.constant 1 : i32
        %while3A_331 = scf.for %while3A_341 = %reduce_max3A_244 to %while3A_329 step %while3A_330 iter_args(%while3A_342 = %while3A_186) -> (i32)  : i32 {
          %broadcast_in_dim3A_343 = vector.broadcast %while3A_341 : i32 to vector<16xi32>
          %gather3A = tpu.vector_load_idx %arg14[%broadcast_in_dim3A_343] : memref<4096xi32, #tpu.memory_space<vmem>>[vector<16xi32>], vector<16xi32>,
          %shift_right_arithmetic3A = arith.constant 12 : i32
          %shift_right_arithmetic3A_344 = vector.broadcast %shift_right_arithmetic3A : i32 to vector<16xi32>
          %shift_right_arithmetic3A_345 = arith.shrsi %gather3A, %shift_right_arithmetic3A_344 : vector<16xi32>
          %sub3A_346 = vector.broadcast %mul3A_305 : i32 to vector<16xi32>
          %sub3A_347 = arith.subi %shift_right_arithmetic3A_345, %sub3A_346 : vector<16xi32>
          %and3A_348 = arith.constant 4095 : i32
          %and3A_349 = vector.broadcast %and3A_348 : i32 to vector<16xi32>
          %and3A_350 = arith.andi %gather3A, %and3A_349 : vector<16xi32>
          %mul3A_351 = arith.constant 26 : i32
          %mul3A_352 = vector.broadcast %mul3A_351 : i32 to vector<16xi32>
          %mul3A_353 = arith.muli %and3A_350, %mul3A_352 : vector<16xi32>
          %add3A_354 = vector.broadcast %while3A_126 : i32 to vector<16xi32>
          %add3A_355 = arith.addi %mul3A_353, %add3A_354 : vector<16xi32>
          %add3A_356 = arith.constant 0 : i32
          %add3A_357 = vector.broadcast %add3A_356 : i32 to vector<16xi32>
          %add3A_358 = arith.addi %iota3A, %add3A_357 : vector<16xi32>
          %gather3A_359 = arith.constant 0 : i32
          %gather3A_360 = arith.constant 0 : i32
          %gather3A_361 = tpu.memref_slice %arg8[%rem3A_189, %gather3A_359, %gather3A_360] : memref<4x64x256xf32, #tpu.memory_space<vmem>> -> memref<1x64x256xf32, #tpu.memory_space<vmem>>
          %gather3A_362 = tpu.memref_squeeze %gather3A_361 : memref<1x64x256xf32, #tpu.memory_space<vmem>> -> memref<64x256xf32, #tpu.memory_space<vmem>>
          %gather3A_363 = tpu.vector_load_idx %gather3A_362[%add3A_358, %sub3A_347] : memref<64x256xf32, #tpu.memory_space<vmem>>[vector<16xi32>, vector<16xi32>], vector<16xf32>,
          %add3A_364 = arith.addf %gather3A_363, %get3A_136 : vector<16xf32>
          %add3A_365 = arith.constant 16 : i32
          %add3A_366 = vector.broadcast %add3A_365 : i32 to vector<16xi32>
          %add3A_367 = arith.addi %iota3A, %add3A_366 : vector<16xi32>
          %gather3A_368 = arith.constant 0 : i32
          %gather3A_369 = arith.constant 0 : i32
          %gather3A_370 = tpu.memref_slice %arg8[%rem3A_189, %gather3A_368, %gather3A_369] : memref<4x64x256xf32, #tpu.memory_space<vmem>> -> memref<1x64x256xf32, #tpu.memory_space<vmem>>
          %gather3A_371 = tpu.memref_squeeze %gather3A_370 : memref<1x64x256xf32, #tpu.memory_space<vmem>> -> memref<64x256xf32, #tpu.memory_space<vmem>>
          %gather3A_372 = tpu.vector_load_idx %gather3A_371[%add3A_367, %sub3A_347] : memref<64x256xf32, #tpu.memory_space<vmem>>[vector<16xi32>, vector<16xi32>], vector<16xf32>,
          %add3A_373 = arith.addf %gather3A_372, %get3A_139 : vector<16xf32>
          %add3A_374 = arith.constant 32 : i32
          %add3A_375 = vector.broadcast %add3A_374 : i32 to vector<16xi32>
          %add3A_376 = arith.addi %iota3A, %add3A_375 : vector<16xi32>
          %gather3A_377 = arith.constant 0 : i32
          %gather3A_378 = arith.constant 0 : i32
          %gather3A_379 = tpu.memref_slice %arg8[%rem3A_189, %gather3A_377, %gather3A_378] : memref<4x64x256xf32, #tpu.memory_space<vmem>> -> memref<1x64x256xf32, #tpu.memory_space<vmem>>
          %gather3A_380 = tpu.memref_squeeze %gather3A_379 : memref<1x64x256xf32, #tpu.memory_space<vmem>> -> memref<64x256xf32, #tpu.memory_space<vmem>>
          %gather3A_381 = tpu.vector_load_idx %gather3A_380[%add3A_376, %sub3A_347] : memref<64x256xf32, #tpu.memory_space<vmem>>[vector<16xi32>, vector<16xi32>], vector<16xf32>,
          %add3A_382 = arith.addf %gather3A_381, %get3A_142 : vector<16xf32>
          %add3A_383 = arith.constant 48 : i32
          %add3A_384 = vector.broadcast %add3A_383 : i32 to vector<16xi32>
          %add3A_385 = arith.addi %iota3A, %add3A_384 : vector<16xi32>
          %gather3A_386 = arith.constant 0 : i32
          %gather3A_387 = arith.constant 0 : i32
          %gather3A_388 = tpu.memref_slice %arg8[%rem3A_189, %gather3A_386, %gather3A_387] : memref<4x64x256xf32, #tpu.memory_space<vmem>> -> memref<1x64x256xf32, #tpu.memory_space<vmem>>
          %gather3A_389 = tpu.memref_squeeze %gather3A_388 : memref<1x64x256xf32, #tpu.memory_space<vmem>> -> memref<64x256xf32, #tpu.memory_space<vmem>>
          %gather3A_390 = tpu.vector_load_idx %gather3A_389[%add3A_385, %sub3A_347] : memref<64x256xf32, #tpu.memory_space<vmem>>[vector<16xi32>, vector<16xi32>], vector<16xf32>,
          %add3A_391 = arith.addf %gather3A_390, %get3A_145 : vector<16xf32>
          %jit3A_392 = arith.constant 128 : i32
          %eq3A_393 = arith.constant 0 : i32
          %eq3A_394 = arith.cmpi eq, %jit3A_392, %eq3A_393 : i32
          %jit3A_395 = arith.constant 1 : i32
          %select_n3A_396 = arith.select %eq3A_394, %jit3A_395, %jit3A_392 : i32
          %rem3A_397 = arith.remsi %while3A_342, %select_n3A_396 : i32
          %ne3A_398 = arith.constant 0 : i32
          %ne3A_399 = arith.cmpi ne, %rem3A_397, %ne3A_398 : i32
          %lt3A_400 = arith.constant 0 : i32
          %lt3A_401 = arith.cmpi slt, %rem3A_397, %lt3A_400 : i32
          %lt3A_402 = arith.constant 0 : i32
          %lt3A_403 = arith.cmpi slt, %select_n3A_396, %lt3A_402 : i32
          %ne3A_404 = arith.xori %lt3A_401, %lt3A_403 : i1
          %and3A_405 = arith.andi %ne3A_404, %ne3A_399 : i1
          %add3A_406 = arith.addi %rem3A_397, %select_n3A_396 : i32
          %select_n3A_407 = arith.select %and3A_405, %add3A_406, %rem3A_397 : i32
          %jit3A_408 = arith.constant 128 : i32
          %div3A_409 = arith.divsi %while3A_342, %jit3A_408 : i32
          %sign3A_410 = arith.constant 0 : i32
          %sign3A_411 = arith.cmpi sgt, %while3A_342, %sign3A_410 : i32
          %sign3A_412 = arith.extui %sign3A_411 : i1 to i32
          %sign3A_413 = arith.constant 0 : i32
          %sign3A_414 = arith.cmpi slt, %while3A_342, %sign3A_413 : i32
          %sign3A_415 = arith.extui %sign3A_414 : i1 to i32
          %sign3A_416 = arith.subi %sign3A_412, %sign3A_415 : i32
          %sign3A_417 = arith.constant 0 : i32
          %sign3A_418 = arith.cmpi sgt, %jit3A_408, %sign3A_417 : i32
          %sign3A_419 = arith.extui %sign3A_418 : i1 to i32
          %sign3A_420 = arith.constant 0 : i32
          %sign3A_421 = arith.cmpi slt, %jit3A_408, %sign3A_420 : i32
          %sign3A_422 = arith.extui %sign3A_421 : i1 to i32
          %sign3A_423 = arith.subi %sign3A_419, %sign3A_422 : i32
          %ne3A_424 = arith.cmpi ne, %sign3A_416, %sign3A_423 : i32
          %rem3A_425 = arith.remsi %while3A_342, %jit3A_408 : i32
          %ne3A_426 = arith.constant 0 : i32
          %ne3A_427 = arith.cmpi ne, %rem3A_425, %ne3A_426 : i32
          %and3A_428 = arith.andi %ne3A_424, %ne3A_427 : i1
          %sub3A_429 = arith.constant 1 : i32
          %sub3A_430 = arith.subi %div3A_409, %sub3A_429 : i32
          %select_n3A_431 = arith.select %and3A_428, %sub3A_430, %div3A_409 : i32
          %rem3A_432 = arith.constant 2 : i32
          %rem3A_433 = arith.remsi %select_n3A_431, %rem3A_432 : i32
          %broadcast_in_dim3A_434 = vector.broadcast %select_n3A_407 : i32 to vector<16xi32>
          %eq3A_435 = arith.constant 0 : i32
          %eq3A_436 = arith.cmpi eq, %select_n3A_407, %eq3A_435 : i32
          %ge3A_437 = arith.constant 2 : i32
          %ge3A_438 = arith.cmpi sge, %select_n3A_431, %ge3A_437 : i32
          %and3A_439 = arith.andi %eq3A_436, %ge3A_438 : i1
          %convert_element_type3A_440 = arith.extui %and3A_439 : i1 to i32
          %cond3A_441 = arith.constant 0 : i32
          %cond3A_442 = arith.cmpi ne, %convert_element_type3A_440, %cond3A_441 : i32
          scf.if %cond3A_442 {
            %dma_wait3A_467 = arith.constant 0 : i32
            %dma_wait3A_468 = arith.constant 0 : i32
            %dma_wait3A_469 = arith.constant 0 : i32
            %dma_wait3A_470 = tpu.memref_slice %arg9[%rem3A_433, %dma_wait3A_468, %dma_wait3A_469] : memref<2x128x128xf32, #tpu.memory_space<vmem>> -> memref<1x128x128xf32, #tpu.memory_space<vmem>>
            %dma_wait3A_471 = tpu.memref_squeeze %dma_wait3A_470 : memref<1x128x128xf32, #tpu.memory_space<vmem>> -> memref<128x128xf32, #tpu.memory_space<vmem>>
            %dma_wait3A_472 = arith.constant 0 : i32
            %dma_wait3A_473 = arith.constant 0 : i32
            %dma_wait3A_474 = tpu.memref_slice %arg4[%dma_wait3A_467, %dma_wait3A_472, %dma_wait3A_473] : memref<26x64x100000xf32, #tpu.memory_space<hbm>> -> memref<1x64x256xf32, #tpu.memory_space<hbm>>
            %dma_wait3A_475 = tpu.memref_squeeze %dma_wait3A_474 : memref<1x64x256xf32, #tpu.memory_space<hbm>> -> memref<64x256xf32, #tpu.memory_space<hbm>>
            %dma_wait3A_476 = tpu.memref_slice %arg17[%rem3A_433] : memref<2x!tpu.dma_semaphore, #tpu.memory_space<semaphore_mem>> -> memref<1x!tpu.dma_semaphore, #tpu.memory_space<semaphore_mem>>
            %dma_wait3A_477 = tpu.memref_squeeze %dma_wait3A_476 : memref<1x!tpu.dma_semaphore, #tpu.memory_space<semaphore_mem>> -> memref<!tpu.dma_semaphore, #tpu.memory_space<semaphore_mem>>
            %dma_wait3A_478 = arith.constant 0 : i32
            %dma_wait3A_479 = arith.constant 0 : i32
            %dma_wait3A_480 = tpu.memref_slice %arg9[%rem3A_433, %dma_wait3A_478, %dma_wait3A_479] : memref<2x128x128xf32, #tpu.memory_space<vmem>> -> memref<1x128x128xf32, #tpu.memory_space<vmem>>
            %dma_wait3A_481 = tpu.memref_squeeze %dma_wait3A_480 : memref<1x128x128xf32, #tpu.memory_space<vmem>> -> memref<128x128xf32, #tpu.memory_space<vmem>>
            %dma_wait3A_482 = arith.constant 0 : i32
            %dma_wait3A_483 = arith.constant 0 : i32
            %dma_wait3A_484 = tpu.memref_slice %arg4[%dma_wait3A_467, %dma_wait3A_482, %dma_wait3A_483] : memref<26x64x100000xf32, #tpu.memory_space<hbm>> -> memref<1x64x256xf32, #tpu.memory_space<hbm>>
            %dma_wait3A_485 = tpu.memref_squeeze %dma_wait3A_484 : memref<1x64x256xf32, #tpu.memory_space<hbm>> -> memref<64x256xf32, #tpu.memory_space<hbm>>
            tpu.wait_dma2 semaphore(%dma_wait3A_477 : memref<!tpu.dma_semaphore, #tpu.memory_space<semaphore_mem>>) src(%dma_wait3A_485 : memref<64x256xf32, #tpu.memory_space<hbm>>) dst(%dma_wait3A_481 : memref<128x128xf32, #tpu.memory_space<vmem>>)
          } else {
          }
          %swap3A = arith.index_cast %rem3A_433 : i32 to index
          %swap3A_443 = arith.index_cast %select_n3A_407 : i32 to index
          %swap3A_444 = arith.constant 0 : index
          %swap3A_445 = tpu.vector_load %arg9[%swap3A, %swap3A_443, %swap3A_444] {strides = array<i32>} : memref<2x128x128xf32, #tpu.memory_space<vmem>>, vector<16xf32>,
          tpu.vector_store %arg9[%swap3A, %swap3A_443, %swap3A_444], %add3A_364 {strides = array<i32>} : memref<2x128x128xf32, #tpu.memory_space<vmem>>, vector<16xf32>,
          %swap3A_446 = arith.index_cast %rem3A_433 : i32 to index
          %swap3A_447 = arith.index_cast %select_n3A_407 : i32 to index
          %swap3A_448 = arith.constant 16 : index
          %swap3A_449 = tpu.vector_load %arg9[%swap3A_446, %swap3A_447, %swap3A_448] {strides = array<i32>} : memref<2x128x128xf32, #tpu.memory_space<vmem>>, vector<16xf32>,
          tpu.vector_store %arg9[%swap3A_446, %swap3A_447, %swap3A_448], %add3A_373 {strides = array<i32>} : memref<2x128x128xf32, #tpu.memory_space<vmem>>, vector<16xf32>,
          %swap3A_450 = arith.index_cast %rem3A_433 : i32 to index
          %swap3A_451 = arith.index_cast %select_n3A_407 : i32 to index
          %swap3A_452 = arith.constant 32 : index
          %swap3A_453 = tpu.vector_load %arg9[%swap3A_450, %swap3A_451, %swap3A_452] {strides = array<i32>} : memref<2x128x128xf32, #tpu.memory_space<vmem>>, vector<16xf32>,
          tpu.vector_store %arg9[%swap3A_450, %swap3A_451, %swap3A_452], %add3A_382 {strides = array<i32>} : memref<2x128x128xf32, #tpu.memory_space<vmem>>, vector<16xf32>,
          %swap3A_454 = arith.index_cast %rem3A_433 : i32 to index
          %swap3A_455 = arith.index_cast %select_n3A_407 : i32 to index
          %swap3A_456 = arith.constant 48 : index
          %swap3A_457 = tpu.vector_load %arg9[%swap3A_454, %swap3A_455, %swap3A_456] {strides = array<i32>} : memref<2x128x128xf32, #tpu.memory_space<vmem>>, vector<16xf32>,
          tpu.vector_store %arg9[%swap3A_454, %swap3A_455, %swap3A_456], %add3A_391 {strides = array<i32>} : memref<2x128x128xf32, #tpu.memory_space<vmem>>, vector<16xf32>,
          %scatter3A = arith.constant 0 : i32
          %scatter3A_458 = tpu.memref_slice %arg11[%rem3A_433, %scatter3A] : memref<2x128xi32, #tpu.memory_space<vmem>> -> memref<1x128xi32, #tpu.memory_space<vmem>>
          %scatter3A_459 = tpu.memref_squeeze %scatter3A_458 : memref<1x128xi32, #tpu.memory_space<vmem>> -> memref<128xi32, #tpu.memory_space<vmem>>
          tpu.vector_store_idx %scatter3A_459[%broadcast_in_dim3A_434], %add3A_355 masked %eq3A_51 : memref<128xi32, #tpu.memory_space<vmem>>[vector<16xi32>], vector<16xi32>, vector<16xi1>
          %eq3A_460 = arith.constant 127 : i32
          %eq3A_461 = arith.cmpi eq, %select_n3A_407, %eq3A_460 : i32
          %convert_element_type3A_462 = arith.extui %eq3A_461 : i1 to i32
          %cond3A_463 = arith.constant 0 : i32
          %cond3A_464 = arith.cmpi ne, %convert_element_type3A_462, %cond3A_463 : i32
          scf.if %cond3A_464 {
            %dma_start3A = arith.constant 0 : i32
            %dma_start3A_467 = arith.constant 0 : i32
            %dma_start3A_468 = tpu.memref_slice %arg9[%rem3A_433, %dma_start3A, %dma_start3A_467] : memref<2x128x128xf32, #tpu.memory_space<vmem>> -> memref<1x128x128xf32, #tpu.memory_space<vmem>>
            %dma_start3A_469 = tpu.memref_squeeze %dma_start3A_468 : memref<1x128x128xf32, #tpu.memory_space<vmem>> -> memref<128x128xf32, #tpu.memory_space<vmem>>
            %dma_start3A_470 = arith.constant 0 : i32
            %dma_start3A_471 = tpu.memref_slice %arg11[%rem3A_433, %dma_start3A_470] : memref<2x128xi32, #tpu.memory_space<vmem>> -> memref<1x128xi32, #tpu.memory_space<vmem>>
            %dma_start3A_472 = tpu.memref_squeeze %dma_start3A_471 : memref<1x128xi32, #tpu.memory_space<vmem>> -> memref<128xi32, #tpu.memory_space<vmem>>
            %dma_start3A_473 = arith.constant 0 : i32
            %dma_start3A_474 = arith.constant 0 : i32
            %dma_start3A_475 = tpu.memref_slice %arg7[%dma_start3A_473, %dma_start3A_474] : memref<106504x128xf32, #tpu.memory_space<hbm>> -> memref<106504x128xf32, #tpu.memory_space<hbm>>
            %dma_start3A_476 = tpu.memref_slice %arg17[%rem3A_433] : memref<2x!tpu.dma_semaphore, #tpu.memory_space<semaphore_mem>> -> memref<1x!tpu.dma_semaphore, #tpu.memory_space<semaphore_mem>>
            %dma_start3A_477 = tpu.memref_squeeze %dma_start3A_476 : memref<1x!tpu.dma_semaphore, #tpu.memory_space<semaphore_mem>> -> memref<!tpu.dma_semaphore, #tpu.memory_space<semaphore_mem>>
            tpu.enqueue_indirect_dma source(%dma_start3A_469 : memref<128x128xf32, #tpu.memory_space<vmem>>) target(%dma_start3A_475 : memref<106504x128xf32, #tpu.memory_space<hbm>>) offsets(%dma_start3A_472 : memref<128xi32, #tpu.memory_space<vmem>>) semaphore(%dma_start3A_477 : memref<!tpu.dma_semaphore, #tpu.memory_space<semaphore_mem>>)
          } else {
          }
          %add3A_465 = arith.constant 1 : i32
          %add3A_466 = arith.addi %while3A_342, %add3A_465 : i32
          scf.yield %add3A_466 : i32
        }
        %while3A_332 = arith.constant 1 : i32
        %while3A_333 = scf.for %while3A_341 = %while3A_329 to %while3A_325 step %while3A_332 iter_args(%while3A_342 = %while3A_331) -> (i32)  : i32 {
          %broadcast_in_dim3A_343 = vector.broadcast %while3A_341 : i32 to vector<16xi32>
          %gather3A = tpu.vector_load_idx %arg14[%broadcast_in_dim3A_343] : memref<4096xi32, #tpu.memory_space<vmem>>[vector<16xi32>], vector<16xi32>,
          %shift_right_arithmetic3A = arith.constant 12 : i32
          %shift_right_arithmetic3A_344 = vector.broadcast %shift_right_arithmetic3A : i32 to vector<16xi32>
          %shift_right_arithmetic3A_345 = arith.shrsi %gather3A, %shift_right_arithmetic3A_344 : vector<16xi32>
          %sub3A_346 = vector.broadcast %mul3A_305 : i32 to vector<16xi32>
          %sub3A_347 = arith.subi %shift_right_arithmetic3A_345, %sub3A_346 : vector<16xi32>
          %and3A_348 = arith.constant 4095 : i32
          %and3A_349 = vector.broadcast %and3A_348 : i32 to vector<16xi32>
          %and3A_350 = arith.andi %gather3A, %and3A_349 : vector<16xi32>
          %mul3A_351 = arith.constant 26 : i32
          %mul3A_352 = vector.broadcast %mul3A_351 : i32 to vector<16xi32>
          %mul3A_353 = arith.muli %and3A_350, %mul3A_352 : vector<16xi32>
          %add3A_354 = vector.broadcast %while3A_126 : i32 to vector<16xi32>
          %add3A_355 = arith.addi %mul3A_353, %add3A_354 : vector<16xi32>
          %add3A_356 = arith.constant 0 : i32
          %add3A_357 = vector.broadcast %add3A_356 : i32 to vector<16xi32>
          %add3A_358 = arith.addi %iota3A, %add3A_357 : vector<16xi32>
          %gather3A_359 = arith.constant 0 : i32
          %gather3A_360 = arith.constant 0 : i32
          %gather3A_361 = tpu.memref_slice %arg8[%rem3A_189, %gather3A_359, %gather3A_360] : memref<4x64x256xf32, #tpu.memory_space<vmem>> -> memref<1x64x256xf32, #tpu.memory_space<vmem>>
          %gather3A_362 = tpu.memref_squeeze %gather3A_361 : memref<1x64x256xf32, #tpu.memory_space<vmem>> -> memref<64x256xf32, #tpu.memory_space<vmem>>
          %gather3A_363 = tpu.vector_load_idx %gather3A_362[%add3A_358, %sub3A_347] : memref<64x256xf32, #tpu.memory_space<vmem>>[vector<16xi32>, vector<16xi32>], vector<16xf32>,
          %add3A_364 = arith.addf %gather3A_363, %get3A_136 : vector<16xf32>
          %add3A_365 = arith.constant 16 : i32
          %add3A_366 = vector.broadcast %add3A_365 : i32 to vector<16xi32>
          %add3A_367 = arith.addi %iota3A, %add3A_366 : vector<16xi32>
          %gather3A_368 = arith.constant 0 : i32
          %gather3A_369 = arith.constant 0 : i32
          %gather3A_370 = tpu.memref_slice %arg8[%rem3A_189, %gather3A_368, %gather3A_369] : memref<4x64x256xf32, #tpu.memory_space<vmem>> -> memref<1x64x256xf32, #tpu.memory_space<vmem>>
          %gather3A_371 = tpu.memref_squeeze %gather3A_370 : memref<1x64x256xf32, #tpu.memory_space<vmem>> -> memref<64x256xf32, #tpu.memory_space<vmem>>
          %gather3A_372 = tpu.vector_load_idx %gather3A_371[%add3A_367, %sub3A_347] : memref<64x256xf32, #tpu.memory_space<vmem>>[vector<16xi32>, vector<16xi32>], vector<16xf32>,
          %add3A_373 = arith.addf %gather3A_372, %get3A_139 : vector<16xf32>
          %add3A_374 = arith.constant 32 : i32
          %add3A_375 = vector.broadcast %add3A_374 : i32 to vector<16xi32>
          %add3A_376 = arith.addi %iota3A, %add3A_375 : vector<16xi32>
          %gather3A_377 = arith.constant 0 : i32
          %gather3A_378 = arith.constant 0 : i32
          %gather3A_379 = tpu.memref_slice %arg8[%rem3A_189, %gather3A_377, %gather3A_378] : memref<4x64x256xf32, #tpu.memory_space<vmem>> -> memref<1x64x256xf32, #tpu.memory_space<vmem>>
          %gather3A_380 = tpu.memref_squeeze %gather3A_379 : memref<1x64x256xf32, #tpu.memory_space<vmem>> -> memref<64x256xf32, #tpu.memory_space<vmem>>
          %gather3A_381 = tpu.vector_load_idx %gather3A_380[%add3A_376, %sub3A_347] : memref<64x256xf32, #tpu.memory_space<vmem>>[vector<16xi32>, vector<16xi32>], vector<16xf32>,
          %add3A_382 = arith.addf %gather3A_381, %get3A_142 : vector<16xf32>
          %add3A_383 = arith.constant 48 : i32
          %add3A_384 = vector.broadcast %add3A_383 : i32 to vector<16xi32>
          %add3A_385 = arith.addi %iota3A, %add3A_384 : vector<16xi32>
          %gather3A_386 = arith.constant 0 : i32
          %gather3A_387 = arith.constant 0 : i32
          %gather3A_388 = tpu.memref_slice %arg8[%rem3A_189, %gather3A_386, %gather3A_387] : memref<4x64x256xf32, #tpu.memory_space<vmem>> -> memref<1x64x256xf32, #tpu.memory_space<vmem>>
          %gather3A_389 = tpu.memref_squeeze %gather3A_388 : memref<1x64x256xf32, #tpu.memory_space<vmem>> -> memref<64x256xf32, #tpu.memory_space<vmem>>
          %gather3A_390 = tpu.vector_load_idx %gather3A_389[%add3A_385, %sub3A_347] : memref<64x256xf32, #tpu.memory_space<vmem>>[vector<16xi32>, vector<16xi32>], vector<16xf32>,
          %add3A_391 = arith.addf %gather3A_390, %get3A_145 : vector<16xf32>
          %jit3A_392 = arith.constant 128 : i32
          %eq3A_393 = arith.constant 0 : i32
          %eq3A_394 = arith.cmpi eq, %jit3A_392, %eq3A_393 : i32
          %jit3A_395 = arith.constant 1 : i32
          %select_n3A_396 = arith.select %eq3A_394, %jit3A_395, %jit3A_392 : i32
          %rem3A_397 = arith.remsi %while3A_342, %select_n3A_396 : i32
          %ne3A_398 = arith.constant 0 : i32
          %ne3A_399 = arith.cmpi ne, %rem3A_397, %ne3A_398 : i32
          %lt3A_400 = arith.constant 0 : i32
          %lt3A_401 = arith.cmpi slt, %rem3A_397, %lt3A_400 : i32
          %lt3A_402 = arith.constant 0 : i32
          %lt3A_403 = arith.cmpi slt, %select_n3A_396, %lt3A_402 : i32
          %ne3A_404 = arith.xori %lt3A_401, %lt3A_403 : i1
          %and3A_405 = arith.andi %ne3A_404, %ne3A_399 : i1
          %add3A_406 = arith.addi %rem3A_397, %select_n3A_396 : i32
          %select_n3A_407 = arith.select %and3A_405, %add3A_406, %rem3A_397 : i32
          %jit3A_408 = arith.constant 128 : i32
          %div3A_409 = arith.divsi %while3A_342, %jit3A_408 : i32
          %sign3A_410 = arith.constant 0 : i32
          %sign3A_411 = arith.cmpi sgt, %while3A_342, %sign3A_410 : i32
          %sign3A_412 = arith.extui %sign3A_411 : i1 to i32
          %sign3A_413 = arith.constant 0 : i32
          %sign3A_414 = arith.cmpi slt, %while3A_342, %sign3A_413 : i32
          %sign3A_415 = arith.extui %sign3A_414 : i1 to i32
          %sign3A_416 = arith.subi %sign3A_412, %sign3A_415 : i32
          %sign3A_417 = arith.constant 0 : i32
          %sign3A_418 = arith.cmpi sgt, %jit3A_408, %sign3A_417 : i32
          %sign3A_419 = arith.extui %sign3A_418 : i1 to i32
          %sign3A_420 = arith.constant 0 : i32
          %sign3A_421 = arith.cmpi slt, %jit3A_408, %sign3A_420 : i32
          %sign3A_422 = arith.extui %sign3A_421 : i1 to i32
          %sign3A_423 = arith.subi %sign3A_419, %sign3A_422 : i32
          %ne3A_424 = arith.cmpi ne, %sign3A_416, %sign3A_423 : i32
          %rem3A_425 = arith.remsi %while3A_342, %jit3A_408 : i32
          %ne3A_426 = arith.constant 0 : i32
          %ne3A_427 = arith.cmpi ne, %rem3A_425, %ne3A_426 : i32
          %and3A_428 = arith.andi %ne3A_424, %ne3A_427 : i1
          %sub3A_429 = arith.constant 1 : i32
          %sub3A_430 = arith.subi %div3A_409, %sub3A_429 : i32
          %select_n3A_431 = arith.select %and3A_428, %sub3A_430, %div3A_409 : i32
          %rem3A_432 = arith.constant 2 : i32
          %rem3A_433 = arith.remsi %select_n3A_431, %rem3A_432 : i32
          %broadcast_in_dim3A_434 = vector.broadcast %select_n3A_407 : i32 to vector<16xi32>
          %eq3A_435 = arith.constant 0 : i32
          %eq3A_436 = arith.cmpi eq, %select_n3A_407, %eq3A_435 : i32
          %ge3A_437 = arith.constant 2 : i32
          %ge3A_438 = arith.cmpi sge, %select_n3A_431, %ge3A_437 : i32
          %and3A_439 = arith.andi %eq3A_436, %ge3A_438 : i1
          %convert_element_type3A_440 = arith.extui %and3A_439 : i1 to i32
          %cond3A_441 = arith.constant 0 : i32
          %cond3A_442 = arith.cmpi ne, %convert_element_type3A_440, %cond3A_441 : i32
          scf.if %cond3A_442 {
            %dma_wait3A_467 = arith.constant 0 : i32
            %dma_wait3A_468 = arith.constant 0 : i32
            %dma_wait3A_469 = arith.constant 0 : i32
            %dma_wait3A_470 = tpu.memref_slice %arg9[%rem3A_433, %dma_wait3A_468, %dma_wait3A_469] : memref<2x128x128xf32, #tpu.memory_space<vmem>> -> memref<1x128x128xf32, #tpu.memory_space<vmem>>
            %dma_wait3A_471 = tpu.memref_squeeze %dma_wait3A_470 : memref<1x128x128xf32, #tpu.memory_space<vmem>> -> memref<128x128xf32, #tpu.memory_space<vmem>>
            %dma_wait3A_472 = arith.constant 0 : i32
            %dma_wait3A_473 = arith.constant 0 : i32
            %dma_wait3A_474 = tpu.memref_slice %arg4[%dma_wait3A_467, %dma_wait3A_472, %dma_wait3A_473] : memref<26x64x100000xf32, #tpu.memory_space<hbm>> -> memref<1x64x256xf32, #tpu.memory_space<hbm>>
            %dma_wait3A_475 = tpu.memref_squeeze %dma_wait3A_474 : memref<1x64x256xf32, #tpu.memory_space<hbm>> -> memref<64x256xf32, #tpu.memory_space<hbm>>
            %dma_wait3A_476 = tpu.memref_slice %arg17[%rem3A_433] : memref<2x!tpu.dma_semaphore, #tpu.memory_space<semaphore_mem>> -> memref<1x!tpu.dma_semaphore, #tpu.memory_space<semaphore_mem>>
            %dma_wait3A_477 = tpu.memref_squeeze %dma_wait3A_476 : memref<1x!tpu.dma_semaphore, #tpu.memory_space<semaphore_mem>> -> memref<!tpu.dma_semaphore, #tpu.memory_space<semaphore_mem>>
            %dma_wait3A_478 = arith.constant 0 : i32
            %dma_wait3A_479 = arith.constant 0 : i32
            %dma_wait3A_480 = tpu.memref_slice %arg9[%rem3A_433, %dma_wait3A_478, %dma_wait3A_479] : memref<2x128x128xf32, #tpu.memory_space<vmem>> -> memref<1x128x128xf32, #tpu.memory_space<vmem>>
            %dma_wait3A_481 = tpu.memref_squeeze %dma_wait3A_480 : memref<1x128x128xf32, #tpu.memory_space<vmem>> -> memref<128x128xf32, #tpu.memory_space<vmem>>
            %dma_wait3A_482 = arith.constant 0 : i32
            %dma_wait3A_483 = arith.constant 0 : i32
            %dma_wait3A_484 = tpu.memref_slice %arg4[%dma_wait3A_467, %dma_wait3A_482, %dma_wait3A_483] : memref<26x64x100000xf32, #tpu.memory_space<hbm>> -> memref<1x64x256xf32, #tpu.memory_space<hbm>>
            %dma_wait3A_485 = tpu.memref_squeeze %dma_wait3A_484 : memref<1x64x256xf32, #tpu.memory_space<hbm>> -> memref<64x256xf32, #tpu.memory_space<hbm>>
            tpu.wait_dma2 semaphore(%dma_wait3A_477 : memref<!tpu.dma_semaphore, #tpu.memory_space<semaphore_mem>>) src(%dma_wait3A_485 : memref<64x256xf32, #tpu.memory_space<hbm>>) dst(%dma_wait3A_481 : memref<128x128xf32, #tpu.memory_space<vmem>>)
          } else {
          }
          %swap3A = arith.index_cast %rem3A_433 : i32 to index
          %swap3A_443 = arith.index_cast %select_n3A_407 : i32 to index
          %swap3A_444 = arith.constant 0 : index
          %swap3A_445 = tpu.vector_load %arg9[%swap3A, %swap3A_443, %swap3A_444] {strides = array<i32>} : memref<2x128x128xf32, #tpu.memory_space<vmem>>, vector<16xf32>,
          tpu.vector_store %arg9[%swap3A, %swap3A_443, %swap3A_444], %add3A_364 {strides = array<i32>} : memref<2x128x128xf32, #tpu.memory_space<vmem>>, vector<16xf32>,
          %swap3A_446 = arith.index_cast %rem3A_433 : i32 to index
          %swap3A_447 = arith.index_cast %select_n3A_407 : i32 to index
          %swap3A_448 = arith.constant 16 : index
          %swap3A_449 = tpu.vector_load %arg9[%swap3A_446, %swap3A_447, %swap3A_448] {strides = array<i32>} : memref<2x128x128xf32, #tpu.memory_space<vmem>>, vector<16xf32>,
          tpu.vector_store %arg9[%swap3A_446, %swap3A_447, %swap3A_448], %add3A_373 {strides = array<i32>} : memref<2x128x128xf32, #tpu.memory_space<vmem>>, vector<16xf32>,
          %swap3A_450 = arith.index_cast %rem3A_433 : i32 to index
          %swap3A_451 = arith.index_cast %select_n3A_407 : i32 to index
          %swap3A_452 = arith.constant 32 : index
          %swap3A_453 = tpu.vector_load %arg9[%swap3A_450, %swap3A_451, %swap3A_452] {strides = array<i32>} : memref<2x128x128xf32, #tpu.memory_space<vmem>>, vector<16xf32>,
          tpu.vector_store %arg9[%swap3A_450, %swap3A_451, %swap3A_452], %add3A_382 {strides = array<i32>} : memref<2x128x128xf32, #tpu.memory_space<vmem>>, vector<16xf32>,
          %swap3A_454 = arith.index_cast %rem3A_433 : i32 to index
          %swap3A_455 = arith.index_cast %select_n3A_407 : i32 to index
          %swap3A_456 = arith.constant 48 : index
          %swap3A_457 = tpu.vector_load %arg9[%swap3A_454, %swap3A_455, %swap3A_456] {strides = array<i32>} : memref<2x128x128xf32, #tpu.memory_space<vmem>>, vector<16xf32>,
          tpu.vector_store %arg9[%swap3A_454, %swap3A_455, %swap3A_456], %add3A_391 {strides = array<i32>} : memref<2x128x128xf32, #tpu.memory_space<vmem>>, vector<16xf32>,
          %scatter3A = arith.constant 0 : i32
          %scatter3A_458 = tpu.memref_slice %arg11[%rem3A_433, %scatter3A] : memref<2x128xi32, #tpu.memory_space<vmem>> -> memref<1x128xi32, #tpu.memory_space<vmem>>
          %scatter3A_459 = tpu.memref_squeeze %scatter3A_458 : memref<1x128xi32, #tpu.memory_space<vmem>> -> memref<128xi32, #tpu.memory_space<vmem>>
          tpu.vector_store_idx %scatter3A_459[%broadcast_in_dim3A_434], %add3A_355 masked %eq3A_51 : memref<128xi32, #tpu.memory_space<vmem>>[vector<16xi32>], vector<16xi32>, vector<16xi1>
          %eq3A_460 = arith.constant 127 : i32
          %eq3A_461 = arith.cmpi eq, %select_n3A_407, %eq3A_460 : i32
          %convert_element_type3A_462 = arith.extui %eq3A_461 : i1 to i32
          %cond3A_463 = arith.constant 0 : i32
          %cond3A_464 = arith.cmpi ne, %convert_element_type3A_462, %cond3A_463 : i32
          scf.if %cond3A_464 {
            %dma_start3A = arith.constant 0 : i32
            %dma_start3A_467 = arith.constant 0 : i32
            %dma_start3A_468 = tpu.memref_slice %arg9[%rem3A_433, %dma_start3A, %dma_start3A_467] : memref<2x128x128xf32, #tpu.memory_space<vmem>> -> memref<1x128x128xf32, #tpu.memory_space<vmem>>
            %dma_start3A_469 = tpu.memref_squeeze %dma_start3A_468 : memref<1x128x128xf32, #tpu.memory_space<vmem>> -> memref<128x128xf32, #tpu.memory_space<vmem>>
            %dma_start3A_470 = arith.constant 0 : i32
            %dma_start3A_471 = tpu.memref_slice %arg11[%rem3A_433, %dma_start3A_470] : memref<2x128xi32, #tpu.memory_space<vmem>> -> memref<1x128xi32, #tpu.memory_space<vmem>>
            %dma_start3A_472 = tpu.memref_squeeze %dma_start3A_471 : memref<1x128xi32, #tpu.memory_space<vmem>> -> memref<128xi32, #tpu.memory_space<vmem>>
            %dma_start3A_473 = arith.constant 0 : i32
            %dma_start3A_474 = arith.constant 0 : i32
            %dma_start3A_475 = tpu.memref_slice %arg7[%dma_start3A_473, %dma_start3A_474] : memref<106504x128xf32, #tpu.memory_space<hbm>> -> memref<106504x128xf32, #tpu.memory_space<hbm>>
            %dma_start3A_476 = tpu.memref_slice %arg17[%rem3A_433] : memref<2x!tpu.dma_semaphore, #tpu.memory_space<semaphore_mem>> -> memref<1x!tpu.dma_semaphore, #tpu.memory_space<semaphore_mem>>
            %dma_start3A_477 = tpu.memref_squeeze %dma_start3A_476 : memref<1x!tpu.dma_semaphore, #tpu.memory_space<semaphore_mem>> -> memref<!tpu.dma_semaphore, #tpu.memory_space<semaphore_mem>>
            tpu.enqueue_indirect_dma source(%dma_start3A_469 : memref<128x128xf32, #tpu.memory_space<vmem>>) target(%dma_start3A_475 : memref<106504x128xf32, #tpu.memory_space<hbm>>) offsets(%dma_start3A_472 : memref<128xi32, #tpu.memory_space<vmem>>) semaphore(%dma_start3A_477 : memref<!tpu.dma_semaphore, #tpu.memory_space<semaphore_mem>>)
          } else {
          }
          %add3A_465 = arith.constant 1 : i32
          %add3A_466 = arith.addi %while3A_342, %add3A_465 : i32
          scf.yield %add3A_466 : i32
        }
        %add3A_334 = arith.constant 4 : i32
        %add3A_335 = arith.addi %while3A_185, %add3A_334 : i32
        %add3A_336 = arith.addi %sub3A_130, %sub3A_148 : i32
        %lt3A_337 = arith.cmpi slt, %add3A_335, %add3A_336 : i32
        %convert_element_type3A_338 = arith.extui %lt3A_337 : i1 to i32
        %cond3A_339 = arith.constant 0 : i32
        %cond3A_340 = arith.cmpi ne, %convert_element_type3A_338, %cond3A_339 : i32
        scf.if %cond3A_340 {
          %add3A_341 = arith.constant 4 : i32
          %add3A_342 = arith.addi %while3A_185, %add3A_341 : i32
          %mul3A_343 = arith.constant 256 : i32
          %mul3A_344 = arith.muli %add3A_342, %mul3A_343 : i32
          %multiple_of3A = tpu.assume_multiple %mul3A_344, 128 : i32
          %dma_start3A = arith.constant 0 : i32
          %dma_start3A_345 = arith.constant 0 : i32
          %dma_start3A_346 = tpu.memref_slice %arg8[%rem3A_189, %dma_start3A, %dma_start3A_345] : memref<4x64x256xf32, #tpu.memory_space<vmem>> -> memref<1x64x256xf32, #tpu.memory_space<vmem>>
          %dma_start3A_347 = tpu.memref_squeeze %dma_start3A_346 : memref<1x64x256xf32, #tpu.memory_space<vmem>> -> memref<64x256xf32, #tpu.memory_space<vmem>>
          %dma_start3A_348 = arith.constant 0 : i32
          %dma_start3A_349 = tpu.memref_slice %arg4[%while3A_126, %dma_start3A_348, %multiple_of3A] : memref<26x64x100000xf32, #tpu.memory_space<hbm>> -> memref<1x64x256xf32, #tpu.memory_space<hbm>>
          %dma_start3A_350 = tpu.memref_squeeze %dma_start3A_349 : memref<1x64x256xf32, #tpu.memory_space<hbm>> -> memref<64x256xf32, #tpu.memory_space<hbm>>
          %dma_start3A_351 = tpu.memref_slice %arg16[%rem3A_189] : memref<4x!tpu.dma_semaphore, #tpu.memory_space<semaphore_mem>> -> memref<1x!tpu.dma_semaphore, #tpu.memory_space<semaphore_mem>>
          %dma_start3A_352 = tpu.memref_squeeze %dma_start3A_351 : memref<1x!tpu.dma_semaphore, #tpu.memory_space<semaphore_mem>> -> memref<!tpu.dma_semaphore, #tpu.memory_space<semaphore_mem>>
          %dma_start3A_353 = arith.constant 0 : i32
          %dma_start3A_354 = arith.constant 0 : i32
          %dma_start3A_355 = tpu.memref_slice %arg8[%rem3A_189, %dma_start3A_353, %dma_start3A_354] : memref<4x64x256xf32, #tpu.memory_space<vmem>> -> memref<1x64x256xf32, #tpu.memory_space<vmem>>
          %dma_start3A_356 = tpu.memref_squeeze %dma_start3A_355 : memref<1x64x256xf32, #tpu.memory_space<vmem>> -> memref<64x256xf32, #tpu.memory_space<vmem>>
          %dma_start3A_357 = arith.constant 0 : i32
          %dma_start3A_358 = tpu.memref_slice %arg4[%while3A_126, %dma_start3A_357, %multiple_of3A] : memref<26x64x100000xf32, #tpu.memory_space<hbm>> -> memref<1x64x256xf32, #tpu.memory_space<hbm>>
          %dma_start3A_359 = tpu.memref_squeeze %dma_start3A_358 : memref<1x64x256xf32, #tpu.memory_space<hbm>> -> memref<64x256xf32, #tpu.memory_space<hbm>>
          tpu.enqueue_dma source(%dma_start3A_359 : memref<64x256xf32, #tpu.memory_space<hbm>>) target(%dma_start3A_356 : memref<64x256xf32, #tpu.memory_space<vmem>>) target_semaphore(%dma_start3A_352 : memref<!tpu.dma_semaphore, #tpu.memory_space<semaphore_mem>>)
        } else {
        }
        scf.yield %while3A_333 : i32
      }
      %eq3A_179 = arith.constant 391 : i32
      %eq3A_180 = arith.cmpi eq, %sub3A_134, %eq3A_179 : i32
      %convert_element_type3A_181 = arith.extui %eq3A_180 : i1 to i32
      %cond3A_182 = arith.constant 0 : i32
      %cond3A_183 = arith.cmpi ne, %convert_element_type3A_181, %cond3A_182 : i32
      %cond3A_184 = scf.if %cond3A_183 -> (i32) {
        %get3A_185 = arith.constant 384 : index
        %get3A_186 = tpu.vector_load %arg15[%get3A_185] {strides = array<i32>} : memref<512xi32, #tpu.memory_space<vmem>>, vector<16xi32>,
        %eq3A_187 = arith.constant 6 : i32
        %eq3A_188 = vector.broadcast %eq3A_187 : i32 to vector<16xi32>
        %eq3A_189 = arith.cmpi eq, %iota3A, %eq3A_188 : vector<16xi32>
        %jit3A_190 = arith.constant -2147483648 : i32
        %broadcast_in_dim3A = vector.broadcast %jit3A_190 : i32 to vector<16xi32>
        %select_n3A_191 = arith.select %eq3A_189, %get3A_186, %broadcast_in_dim3A : vector<16xi1>, vector<16xi32>
        %reduce_max3A = arith.constant true
        %reduce_max3A_192 = vector.broadcast %reduce_max3A : i1 to vector<16xi1>
        %reduce_max3A_193 = arith.constant -2147483648 : i32
        %reduce_max3A_194 = vector.broadcast %reduce_max3A_193 : i32 to vector<16xi32>
        %reduce_max3A_195 = arith.xori %select_n3A_191, %reduce_max3A_194 : vector<16xi32>
        %reduce_max3A_196 = tpu.scan <max>, %reduce_max3A_195 masked %reduce_max3A_192 : vector<16xi32>, vector<16xi1> -> vector<16xi32>
        %reduce_max3A_197 = arith.xori %reduce_max3A_196, %reduce_max3A_194 : vector<16xi32>
        %reduce_max3A_198 = vector.extract %reduce_max3A_197[15] : i32 from vector<16xi32>
        %get3A_199 = arith.constant 384 : index
        %get3A_200 = tpu.vector_load %arg15[%get3A_199] {strides = array<i32>} : memref<512xi32, #tpu.memory_space<vmem>>, vector<16xi32>,
        %eq3A_201 = arith.constant 7 : i32
        %eq3A_202 = vector.broadcast %eq3A_201 : i32 to vector<16xi32>
        %eq3A_203 = arith.cmpi eq, %iota3A, %eq3A_202 : vector<16xi32>
        %jit3A_204 = arith.constant -2147483648 : i32
        %broadcast_in_dim3A_205 = vector.broadcast %jit3A_204 : i32 to vector<16xi32>
        %select_n3A_206 = arith.select %eq3A_203, %get3A_200, %broadcast_in_dim3A_205 : vector<16xi1>, vector<16xi32>
        %reduce_max3A_207 = arith.constant true
        %reduce_max3A_208 = vector.broadcast %reduce_max3A_207 : i1 to vector<16xi1>
        %reduce_max3A_209 = arith.constant -2147483648 : i32
        %reduce_max3A_210 = vector.broadcast %reduce_max3A_209 : i32 to vector<16xi32>
        %reduce_max3A_211 = arith.xori %select_n3A_206, %reduce_max3A_210 : vector<16xi32>
        %reduce_max3A_212 = tpu.scan <max>, %reduce_max3A_211 masked %reduce_max3A_208 : vector<16xi32>, vector<16xi1> -> vector<16xi32>
        %reduce_max3A_213 = arith.xori %reduce_max3A_212, %reduce_max3A_210 : vector<16xi32>
        %reduce_max3A_214 = vector.extract %reduce_max3A_213[15] : i32 from vector<16xi32>
        %add3A_215 = arith.constant 0 : i32
        %add3A_216 = vector.broadcast %add3A_215 : i32 to vector<16xi32>
        %add3A_217 = arith.addi %iota3A, %add3A_216 : vector<16xi32>
        %mul3A_218 = arith.constant 4 : i32
        %mul3A_219 = arith.muli %add3A, %mul3A_218 : i32
        %broadcast_in_dim3A_220 = vector.broadcast %mul3A_219 : i32 to vector<16xi32>
        %scatter3A = arith.constant 0 : i32
        %scatter3A_221 = arith.constant 0 : i32
        %scatter3A_222 = tpu.memref_slice %arg12[%scatter3A, %scatter3A_221] : memref<1x128xi32, #tpu.memory_space<vmem>> -> memref<1x128xi32, #tpu.memory_space<vmem>>
        %scatter3A_223 = tpu.memref_squeeze %scatter3A_222 : memref<1x128xi32, #tpu.memory_space<vmem>> -> memref<128xi32, #tpu.memory_space<vmem>>
        tpu.vector_store_idx %scatter3A_223[%add3A_217], %broadcast_in_dim3A_220 : memref<128xi32, #tpu.memory_space<vmem>>[vector<16xi32>], vector<16xi32>,
        %add3A_224 = arith.constant 16 : i32
        %add3A_225 = vector.broadcast %add3A_224 : i32 to vector<16xi32>
        %add3A_226 = arith.addi %iota3A, %add3A_225 : vector<16xi32>
        %mul3A_227 = arith.constant 4 : i32
        %mul3A_228 = arith.muli %add3A, %mul3A_227 : i32
        %broadcast_in_dim3A_229 = vector.broadcast %mul3A_228 : i32 to vector<16xi32>
        %scatter3A_230 = arith.constant 0 : i32
        %scatter3A_231 = arith.constant 0 : i32
        %scatter3A_232 = tpu.memref_slice %arg12[%scatter3A_230, %scatter3A_231] : memref<1x128xi32, #tpu.memory_space<vmem>> -> memref<1x128xi32, #tpu.memory_space<vmem>>
        %scatter3A_233 = tpu.memref_squeeze %scatter3A_232 : memref<1x128xi32, #tpu.memory_space<vmem>> -> memref<128xi32, #tpu.memory_space<vmem>>
        tpu.vector_store_idx %scatter3A_233[%add3A_226], %broadcast_in_dim3A_229 : memref<128xi32, #tpu.memory_space<vmem>>[vector<16xi32>], vector<16xi32>,
        %add3A_234 = arith.constant 32 : i32
        %add3A_235 = vector.broadcast %add3A_234 : i32 to vector<16xi32>
        %add3A_236 = arith.addi %iota3A, %add3A_235 : vector<16xi32>
        %mul3A_237 = arith.constant 4 : i32
        %mul3A_238 = arith.muli %add3A, %mul3A_237 : i32
        %broadcast_in_dim3A_239 = vector.broadcast %mul3A_238 : i32 to vector<16xi32>
        %scatter3A_240 = arith.constant 0 : i32
        %scatter3A_241 = arith.constant 0 : i32
        %scatter3A_242 = tpu.memref_slice %arg12[%scatter3A_240, %scatter3A_241] : memref<1x128xi32, #tpu.memory_space<vmem>> -> memref<1x128xi32, #tpu.memory_space<vmem>>
        %scatter3A_243 = tpu.memref_squeeze %scatter3A_242 : memref<1x128xi32, #tpu.memory_space<vmem>> -> memref<128xi32, #tpu.memory_space<vmem>>
        tpu.vector_store_idx %scatter3A_243[%add3A_236], %broadcast_in_dim3A_239 : memref<128xi32, #tpu.memory_space<vmem>>[vector<16xi32>], vector<16xi32>,
        %add3A_244 = arith.constant 48 : i32
        %add3A_245 = vector.broadcast %add3A_244 : i32 to vector<16xi32>
        %add3A_246 = arith.addi %iota3A, %add3A_245 : vector<16xi32>
        %mul3A_247 = arith.constant 4 : i32
        %mul3A_248 = arith.muli %add3A, %mul3A_247 : i32
        %broadcast_in_dim3A_249 = vector.broadcast %mul3A_248 : i32 to vector<16xi32>
        %scatter3A_250 = arith.constant 0 : i32
        %scatter3A_251 = arith.constant 0 : i32
        %scatter3A_252 = tpu.memref_slice %arg12[%scatter3A_250, %scatter3A_251] : memref<1x128xi32, #tpu.memory_space<vmem>> -> memref<1x128xi32, #tpu.memory_space<vmem>>
        %scatter3A_253 = tpu.memref_squeeze %scatter3A_252 : memref<1x128xi32, #tpu.memory_space<vmem>> -> memref<128xi32, #tpu.memory_space<vmem>>
        tpu.vector_store_idx %scatter3A_253[%add3A_246], %broadcast_in_dim3A_249 : memref<128xi32, #tpu.memory_space<vmem>>[vector<16xi32>], vector<16xi32>,
        %add3A_254 = arith.constant 64 : i32
        %add3A_255 = vector.broadcast %add3A_254 : i32 to vector<16xi32>
        %add3A_256 = arith.addi %iota3A, %add3A_255 : vector<16xi32>
        %mul3A_257 = arith.constant 4 : i32
        %mul3A_258 = arith.muli %add3A, %mul3A_257 : i32
        %broadcast_in_dim3A_259 = vector.broadcast %mul3A_258 : i32 to vector<16xi32>
        %scatter3A_260 = arith.constant 0 : i32
        %scatter3A_261 = arith.constant 0 : i32
        %scatter3A_262 = tpu.memref_slice %arg12[%scatter3A_260, %scatter3A_261] : memref<1x128xi32, #tpu.memory_space<vmem>> -> memref<1x128xi32, #tpu.memory_space<vmem>>
        %scatter3A_263 = tpu.memref_squeeze %scatter3A_262 : memref<1x128xi32, #tpu.memory_space<vmem>> -> memref<128xi32, #tpu.memory_space<vmem>>
        tpu.vector_store_idx %scatter3A_263[%add3A_256], %broadcast_in_dim3A_259 : memref<128xi32, #tpu.memory_space<vmem>>[vector<16xi32>], vector<16xi32>,
        %add3A_264 = arith.constant 80 : i32
        %add3A_265 = vector.broadcast %add3A_264 : i32 to vector<16xi32>
        %add3A_266 = arith.addi %iota3A, %add3A_265 : vector<16xi32>
        %mul3A_267 = arith.constant 4 : i32
        %mul3A_268 = arith.muli %add3A, %mul3A_267 : i32
        %broadcast_in_dim3A_269 = vector.broadcast %mul3A_268 : i32 to vector<16xi32>
        %scatter3A_270 = arith.constant 0 : i32
        %scatter3A_271 = arith.constant 0 : i32
        %scatter3A_272 = tpu.memref_slice %arg12[%scatter3A_270, %scatter3A_271] : memref<1x128xi32, #tpu.memory_space<vmem>> -> memref<1x128xi32, #tpu.memory_space<vmem>>
        %scatter3A_273 = tpu.memref_squeeze %scatter3A_272 : memref<1x128xi32, #tpu.memory_space<vmem>> -> memref<128xi32, #tpu.memory_space<vmem>>
        tpu.vector_store_idx %scatter3A_273[%add3A_266], %broadcast_in_dim3A_269 : memref<128xi32, #tpu.memory_space<vmem>>[vector<16xi32>], vector<16xi32>,
        %add3A_274 = arith.constant 96 : i32
        %add3A_275 = vector.broadcast %add3A_274 : i32 to vector<16xi32>
        %add3A_276 = arith.addi %iota3A, %add3A_275 : vector<16xi32>
        %mul3A_277 = arith.constant 4 : i32
        %mul3A_278 = arith.muli %add3A, %mul3A_277 : i32
        %broadcast_in_dim3A_279 = vector.broadcast %mul3A_278 : i32 to vector<16xi32>
        %scatter3A_280 = arith.constant 0 : i32
        %scatter3A_281 = arith.constant 0 : i32
        %scatter3A_282 = tpu.memref_slice %arg12[%scatter3A_280, %scatter3A_281] : memref<1x128xi32, #tpu.memory_space<vmem>> -> memref<1x128xi32, #tpu.memory_space<vmem>>
        %scatter3A_283 = tpu.memref_squeeze %scatter3A_282 : memref<1x128xi32, #tpu.memory_space<vmem>> -> memref<128xi32, #tpu.memory_space<vmem>>
        tpu.vector_store_idx %scatter3A_283[%add3A_276], %broadcast_in_dim3A_279 : memref<128xi32, #tpu.memory_space<vmem>>[vector<16xi32>], vector<16xi32>,
        %add3A_284 = arith.constant 112 : i32
        %add3A_285 = vector.broadcast %add3A_284 : i32 to vector<16xi32>
        %add3A_286 = arith.addi %iota3A, %add3A_285 : vector<16xi32>
        %mul3A_287 = arith.constant 4 : i32
        %mul3A_288 = arith.muli %add3A, %mul3A_287 : i32
        %broadcast_in_dim3A_289 = vector.broadcast %mul3A_288 : i32 to vector<16xi32>
        %scatter3A_290 = arith.constant 0 : i32
        %scatter3A_291 = arith.constant 0 : i32
        %scatter3A_292 = tpu.memref_slice %arg12[%scatter3A_290, %scatter3A_291] : memref<1x128xi32, #tpu.memory_space<vmem>> -> memref<1x128xi32, #tpu.memory_space<vmem>>
        %scatter3A_293 = tpu.memref_squeeze %scatter3A_292 : memref<1x128xi32, #tpu.memory_space<vmem>> -> memref<128xi32, #tpu.memory_space<vmem>>
        tpu.vector_store_idx %scatter3A_293[%add3A_286], %broadcast_in_dim3A_289 : memref<128xi32, #tpu.memory_space<vmem>>[vector<16xi32>], vector<16xi32>,
        %while3A_294 = arith.constant 0 : i32
        %while3A_295 = arith.subi %reduce_max3A_214, %reduce_max3A_198 : i32
        %while3A_296 = arith.addi %reduce_max3A_198, %while3A_295 : i32
        %while3A_297 = arith.constant 1 : i32
        %while3A_298 = arith.divsi %while3A_295, %while3A_297 : i32
        %while3A_299 = arith.muli %while3A_298, %while3A_297 : i32
        %while3A_300 = arith.addi %reduce_max3A_198, %while3A_299 : i32
        %while3A_301 = arith.constant 1 : i32
        scf.for %while3A_325 = %reduce_max3A_198 to %while3A_300 step %while3A_301  : i32 {
          %broadcast_in_dim3A_326 = vector.broadcast %while3A_325 : i32 to vector<16xi32>
          %gather3A = tpu.vector_load_idx %arg14[%broadcast_in_dim3A_326] : memref<4096xi32, #tpu.memory_space<vmem>>[vector<16xi32>], vector<16xi32>,
          %shift_right_arithmetic3A = arith.constant 12 : i32
          %shift_right_arithmetic3A_327 = vector.broadcast %shift_right_arithmetic3A : i32 to vector<16xi32>
          %shift_right_arithmetic3A_328 = arith.shrsi %gather3A, %shift_right_arithmetic3A_327 : vector<16xi32>
          %sub3A_329 = arith.constant 99840 : i32
          %sub3A_330 = vector.broadcast %sub3A_329 : i32 to vector<16xi32>
          %sub3A_331 = arith.subi %shift_right_arithmetic3A_328, %sub3A_330 : vector<16xi32>
          %mul3A_332 = arith.constant 160 : i32
          %mul3A_333 = arith.muli %while3A_126, %mul3A_332 : i32
          %add3A_334 = vector.broadcast %mul3A_333 : i32 to vector<16xi32>
          %add3A_335 = arith.addi %sub3A_331, %add3A_334 : vector<16xi32>
          %sub3A_336 = arith.subi %while3A_325, %reduce_max3A_198 : i32
          %broadcast_in_dim3A_337 = vector.broadcast %sub3A_336 : i32 to vector<16xi32>
          %scatter3A_338 = arith.constant 0 : i32
          %scatter3A_339 = arith.constant 0 : i32
          %scatter3A_340 = tpu.memref_slice %arg12[%scatter3A_338, %scatter3A_339] : memref<1x128xi32, #tpu.memory_space<vmem>> -> memref<1x128xi32, #tpu.memory_space<vmem>>
          %scatter3A_341 = tpu.memref_squeeze %scatter3A_340 : memref<1x128xi32, #tpu.memory_space<vmem>> -> memref<128xi32, #tpu.memory_space<vmem>>
          tpu.vector_store_idx %scatter3A_341[%broadcast_in_dim3A_337], %add3A_335 masked %eq3A_51 : memref<128xi32, #tpu.memory_space<vmem>>[vector<16xi32>], vector<16xi32>, vector<16xi1>
        }
        %while3A_302 = arith.constant 1 : i32
        scf.for %while3A_325 = %while3A_300 to %while3A_296 step %while3A_302  : i32 {
          %broadcast_in_dim3A_326 = vector.broadcast %while3A_325 : i32 to vector<16xi32>
          %gather3A = tpu.vector_load_idx %arg14[%broadcast_in_dim3A_326] : memref<4096xi32, #tpu.memory_space<vmem>>[vector<16xi32>], vector<16xi32>,
          %shift_right_arithmetic3A = arith.constant 12 : i32
          %shift_right_arithmetic3A_327 = vector.broadcast %shift_right_arithmetic3A : i32 to vector<16xi32>
          %shift_right_arithmetic3A_328 = arith.shrsi %gather3A, %shift_right_arithmetic3A_327 : vector<16xi32>
          %sub3A_329 = arith.constant 99840 : i32
          %sub3A_330 = vector.broadcast %sub3A_329 : i32 to vector<16xi32>
          %sub3A_331 = arith.subi %shift_right_arithmetic3A_328, %sub3A_330 : vector<16xi32>
          %mul3A_332 = arith.constant 160 : i32
          %mul3A_333 = arith.muli %while3A_126, %mul3A_332 : i32
          %add3A_334 = vector.broadcast %mul3A_333 : i32 to vector<16xi32>
          %add3A_335 = arith.addi %sub3A_331, %add3A_334 : vector<16xi32>
          %sub3A_336 = arith.subi %while3A_325, %reduce_max3A_198 : i32
          %broadcast_in_dim3A_337 = vector.broadcast %sub3A_336 : i32 to vector<16xi32>
          %scatter3A_338 = arith.constant 0 : i32
          %scatter3A_339 = arith.constant 0 : i32
          %scatter3A_340 = tpu.memref_slice %arg12[%scatter3A_338, %scatter3A_339] : memref<1x128xi32, #tpu.memory_space<vmem>> -> memref<1x128xi32, #tpu.memory_space<vmem>>
          %scatter3A_341 = tpu.memref_squeeze %scatter3A_340 : memref<1x128xi32, #tpu.memory_space<vmem>> -> memref<128xi32, #tpu.memory_space<vmem>>
          tpu.vector_store_idx %scatter3A_341[%broadcast_in_dim3A_337], %add3A_335 masked %eq3A_51 : memref<128xi32, #tpu.memory_space<vmem>>[vector<16xi32>], vector<16xi32>, vector<16xi1>
        }
        %dma_start3A = arith.constant 0 : i32
        %dma_start3A_303 = arith.constant 0 : i32
        %dma_start3A_304 = tpu.memref_slice %arg12[%dma_start3A, %dma_start3A_303] : memref<1x128xi32, #tpu.memory_space<vmem>> -> memref<1x128xi32, #tpu.memory_space<vmem>>
        %dma_start3A_305 = tpu.memref_squeeze %dma_start3A_304 : memref<1x128xi32, #tpu.memory_space<vmem>> -> memref<128xi32, #tpu.memory_space<vmem>>
        %dma_start3A_306 = arith.constant 0 : i32
        %dma_start3A_307 = arith.constant 0 : i32
        %dma_start3A_308 = tpu.memref_slice %arg5[%dma_start3A_306, %dma_start3A_307] : memref<4160x128xf32, #tpu.memory_space<hbm>> -> memref<4160x128xf32, #tpu.memory_space<hbm>>
        tpu.enqueue_indirect_dma source(%dma_start3A_308 : memref<4160x128xf32, #tpu.memory_space<hbm>>) target(%arg10 : memref<128x128xf32, #tpu.memory_space<vmem>>) offsets(%dma_start3A_305 : memref<128xi32, #tpu.memory_space<vmem>>) semaphore(%arg18 : memref<!tpu.dma_semaphore, #tpu.memory_space<semaphore_mem>>)
        %dma_wait3A = arith.constant 0 : i32
        %dma_wait3A_309 = arith.constant 0 : i32
        %dma_wait3A_310 = tpu.memref_slice %arg12[%dma_wait3A, %dma_wait3A_309] : memref<1x128xi32, #tpu.memory_space<vmem>> -> memref<1x128xi32, #tpu.memory_space<vmem>>
        %dma_wait3A_311 = tpu.memref_squeeze %dma_wait3A_310 : memref<1x128xi32, #tpu.memory_space<vmem>> -> memref<128xi32, #tpu.memory_space<vmem>>
        %dma_wait3A_312 = arith.constant 0 : i32
        %dma_wait3A_313 = arith.constant 0 : i32
        %dma_wait3A_314 = tpu.memref_slice %arg5[%dma_wait3A_312, %dma_wait3A_313] : memref<4160x128xf32, #tpu.memory_space<hbm>> -> memref<4160x128xf32, #tpu.memory_space<hbm>>
        tpu.wait_indirect_dma semaphore(%arg18 : memref<!tpu.dma_semaphore, #tpu.memory_space<semaphore_mem>>) src(%dma_wait3A_314 : memref<4160x128xf32, #tpu.memory_space<hbm>>) dst(%arg10 : memref<128x128xf32, #tpu.memory_space<vmem>>)
        %while3A_315 = arith.subi %reduce_max3A_214, %reduce_max3A_198 : i32
        %while3A_316 = arith.addi %reduce_max3A_198, %while3A_315 : i32
        %while3A_317 = arith.constant 1 : i32
        %while3A_318 = arith.divsi %while3A_315, %while3A_317 : i32
        %while3A_319 = arith.muli %while3A_318, %while3A_317 : i32
        %while3A_320 = arith.addi %reduce_max3A_198, %while3A_319 : i32
        %while3A_321 = arith.constant 1 : i32
        %while3A_322 = scf.for %while3A_325 = %reduce_max3A_198 to %while3A_320 step %while3A_321 iter_args(%while3A_326 = %while3A_178) -> (i32)  : i32 {
          %broadcast_in_dim3A_327 = vector.broadcast %while3A_325 : i32 to vector<16xi32>
          %gather3A = tpu.vector_load_idx %arg14[%broadcast_in_dim3A_327] : memref<4096xi32, #tpu.memory_space<vmem>>[vector<16xi32>], vector<16xi32>,
          %and3A_328 = arith.constant 4095 : i32
          %and3A_329 = vector.broadcast %and3A_328 : i32 to vector<16xi32>
          %and3A_330 = arith.andi %gather3A, %and3A_329 : vector<16xi32>
          %mul3A_331 = arith.constant 26 : i32
          %mul3A_332 = vector.broadcast %mul3A_331 : i32 to vector<16xi32>
          %mul3A_333 = arith.muli %and3A_330, %mul3A_332 : vector<16xi32>
          %add3A_334 = vector.broadcast %while3A_126 : i32 to vector<16xi32>
          %add3A_335 = arith.addi %mul3A_333, %add3A_334 : vector<16xi32>
          %sub3A_336 = arith.subi %while3A_325, %reduce_max3A_198 : i32
          %get3A_337 = arith.index_cast %sub3A_336 : i32 to index
          %get3A_338 = arith.constant 0 : index
          %get3A_339 = tpu.vector_load %arg10[%get3A_337, %get3A_338] {strides = array<i32>} : memref<128x128xf32, #tpu.memory_space<vmem>>, vector<16xf32>,
          %add3A_340 = arith.addf %get3A_339, %get3A_136 : vector<16xf32>
          %get3A_341 = arith.index_cast %sub3A_336 : i32 to index
          %get3A_342 = arith.constant 16 : index
          %get3A_343 = tpu.vector_load %arg10[%get3A_341, %get3A_342] {strides = array<i32>} : memref<128x128xf32, #tpu.memory_space<vmem>>, vector<16xf32>,
          %add3A_344 = arith.addf %get3A_343, %get3A_139 : vector<16xf32>
          %get3A_345 = arith.index_cast %sub3A_336 : i32 to index
          %get3A_346 = arith.constant 32 : index
          %get3A_347 = tpu.vector_load %arg10[%get3A_345, %get3A_346] {strides = array<i32>} : memref<128x128xf32, #tpu.memory_space<vmem>>, vector<16xf32>,
          %add3A_348 = arith.addf %get3A_347, %get3A_142 : vector<16xf32>
          %get3A_349 = arith.index_cast %sub3A_336 : i32 to index
          %get3A_350 = arith.constant 48 : index
          %get3A_351 = tpu.vector_load %arg10[%get3A_349, %get3A_350] {strides = array<i32>} : memref<128x128xf32, #tpu.memory_space<vmem>>, vector<16xf32>,
          %add3A_352 = arith.addf %get3A_351, %get3A_145 : vector<16xf32>
          %jit3A_353 = arith.constant 128 : i32
          %eq3A_354 = arith.constant 0 : i32
          %eq3A_355 = arith.cmpi eq, %jit3A_353, %eq3A_354 : i32
          %jit3A_356 = arith.constant 1 : i32
          %select_n3A_357 = arith.select %eq3A_355, %jit3A_356, %jit3A_353 : i32
          %rem3A_358 = arith.remsi %while3A_326, %select_n3A_357 : i32
          %ne3A_359 = arith.constant 0 : i32
          %ne3A_360 = arith.cmpi ne, %rem3A_358, %ne3A_359 : i32
          %lt3A_361 = arith.constant 0 : i32
          %lt3A_362 = arith.cmpi slt, %rem3A_358, %lt3A_361 : i32
          %lt3A_363 = arith.constant 0 : i32
          %lt3A_364 = arith.cmpi slt, %select_n3A_357, %lt3A_363 : i32
          %ne3A_365 = arith.xori %lt3A_362, %lt3A_364 : i1
          %and3A_366 = arith.andi %ne3A_365, %ne3A_360 : i1
          %add3A_367 = arith.addi %rem3A_358, %select_n3A_357 : i32
          %select_n3A_368 = arith.select %and3A_366, %add3A_367, %rem3A_358 : i32
          %jit3A_369 = arith.constant 128 : i32
          %div3A_370 = arith.divsi %while3A_326, %jit3A_369 : i32
          %sign3A_371 = arith.constant 0 : i32
          %sign3A_372 = arith.cmpi sgt, %while3A_326, %sign3A_371 : i32
          %sign3A_373 = arith.extui %sign3A_372 : i1 to i32
          %sign3A_374 = arith.constant 0 : i32
          %sign3A_375 = arith.cmpi slt, %while3A_326, %sign3A_374 : i32
          %sign3A_376 = arith.extui %sign3A_375 : i1 to i32
          %sign3A_377 = arith.subi %sign3A_373, %sign3A_376 : i32
          %sign3A_378 = arith.constant 0 : i32
          %sign3A_379 = arith.cmpi sgt, %jit3A_369, %sign3A_378 : i32
          %sign3A_380 = arith.extui %sign3A_379 : i1 to i32
          %sign3A_381 = arith.constant 0 : i32
          %sign3A_382 = arith.cmpi slt, %jit3A_369, %sign3A_381 : i32
          %sign3A_383 = arith.extui %sign3A_382 : i1 to i32
          %sign3A_384 = arith.subi %sign3A_380, %sign3A_383 : i32
          %ne3A_385 = arith.cmpi ne, %sign3A_377, %sign3A_384 : i32
          %rem3A_386 = arith.remsi %while3A_326, %jit3A_369 : i32
          %ne3A_387 = arith.constant 0 : i32
          %ne3A_388 = arith.cmpi ne, %rem3A_386, %ne3A_387 : i32
          %and3A_389 = arith.andi %ne3A_385, %ne3A_388 : i1
          %sub3A_390 = arith.constant 1 : i32
          %sub3A_391 = arith.subi %div3A_370, %sub3A_390 : i32
          %select_n3A_392 = arith.select %and3A_389, %sub3A_391, %div3A_370 : i32
          %rem3A_393 = arith.constant 2 : i32
          %rem3A_394 = arith.remsi %select_n3A_392, %rem3A_393 : i32
          %broadcast_in_dim3A_395 = vector.broadcast %select_n3A_368 : i32 to vector<16xi32>
          %eq3A_396 = arith.constant 0 : i32
          %eq3A_397 = arith.cmpi eq, %select_n3A_368, %eq3A_396 : i32
          %ge3A_398 = arith.constant 2 : i32
          %ge3A_399 = arith.cmpi sge, %select_n3A_392, %ge3A_398 : i32
          %and3A_400 = arith.andi %eq3A_397, %ge3A_399 : i1
          %convert_element_type3A_401 = arith.extui %and3A_400 : i1 to i32
          %cond3A_402 = arith.constant 0 : i32
          %cond3A_403 = arith.cmpi ne, %convert_element_type3A_401, %cond3A_402 : i32
          scf.if %cond3A_403 {
            %dma_wait3A_429 = arith.constant 0 : i32
            %dma_wait3A_430 = arith.constant 0 : i32
            %dma_wait3A_431 = arith.constant 0 : i32
            %dma_wait3A_432 = tpu.memref_slice %arg9[%rem3A_394, %dma_wait3A_430, %dma_wait3A_431] : memref<2x128x128xf32, #tpu.memory_space<vmem>> -> memref<1x128x128xf32, #tpu.memory_space<vmem>>
            %dma_wait3A_433 = tpu.memref_squeeze %dma_wait3A_432 : memref<1x128x128xf32, #tpu.memory_space<vmem>> -> memref<128x128xf32, #tpu.memory_space<vmem>>
            %dma_wait3A_434 = arith.constant 0 : i32
            %dma_wait3A_435 = arith.constant 0 : i32
            %dma_wait3A_436 = tpu.memref_slice %arg4[%dma_wait3A_429, %dma_wait3A_434, %dma_wait3A_435] : memref<26x64x100000xf32, #tpu.memory_space<hbm>> -> memref<1x64x256xf32, #tpu.memory_space<hbm>>
            %dma_wait3A_437 = tpu.memref_squeeze %dma_wait3A_436 : memref<1x64x256xf32, #tpu.memory_space<hbm>> -> memref<64x256xf32, #tpu.memory_space<hbm>>
            %dma_wait3A_438 = tpu.memref_slice %arg17[%rem3A_394] : memref<2x!tpu.dma_semaphore, #tpu.memory_space<semaphore_mem>> -> memref<1x!tpu.dma_semaphore, #tpu.memory_space<semaphore_mem>>
            %dma_wait3A_439 = tpu.memref_squeeze %dma_wait3A_438 : memref<1x!tpu.dma_semaphore, #tpu.memory_space<semaphore_mem>> -> memref<!tpu.dma_semaphore, #tpu.memory_space<semaphore_mem>>
            %dma_wait3A_440 = arith.constant 0 : i32
            %dma_wait3A_441 = arith.constant 0 : i32
            %dma_wait3A_442 = tpu.memref_slice %arg9[%rem3A_394, %dma_wait3A_440, %dma_wait3A_441] : memref<2x128x128xf32, #tpu.memory_space<vmem>> -> memref<1x128x128xf32, #tpu.memory_space<vmem>>
            %dma_wait3A_443 = tpu.memref_squeeze %dma_wait3A_442 : memref<1x128x128xf32, #tpu.memory_space<vmem>> -> memref<128x128xf32, #tpu.memory_space<vmem>>
            %dma_wait3A_444 = arith.constant 0 : i32
            %dma_wait3A_445 = arith.constant 0 : i32
            %dma_wait3A_446 = tpu.memref_slice %arg4[%dma_wait3A_429, %dma_wait3A_444, %dma_wait3A_445] : memref<26x64x100000xf32, #tpu.memory_space<hbm>> -> memref<1x64x256xf32, #tpu.memory_space<hbm>>
            %dma_wait3A_447 = tpu.memref_squeeze %dma_wait3A_446 : memref<1x64x256xf32, #tpu.memory_space<hbm>> -> memref<64x256xf32, #tpu.memory_space<hbm>>
            tpu.wait_dma2 semaphore(%dma_wait3A_439 : memref<!tpu.dma_semaphore, #tpu.memory_space<semaphore_mem>>) src(%dma_wait3A_447 : memref<64x256xf32, #tpu.memory_space<hbm>>) dst(%dma_wait3A_443 : memref<128x128xf32, #tpu.memory_space<vmem>>)
          } else {
          }
          %swap3A = arith.index_cast %rem3A_394 : i32 to index
          %swap3A_404 = arith.index_cast %select_n3A_368 : i32 to index
          %swap3A_405 = arith.constant 0 : index
          %swap3A_406 = tpu.vector_load %arg9[%swap3A, %swap3A_404, %swap3A_405] {strides = array<i32>} : memref<2x128x128xf32, #tpu.memory_space<vmem>>, vector<16xf32>,
          tpu.vector_store %arg9[%swap3A, %swap3A_404, %swap3A_405], %add3A_340 {strides = array<i32>} : memref<2x128x128xf32, #tpu.memory_space<vmem>>, vector<16xf32>,
          %swap3A_407 = arith.index_cast %rem3A_394 : i32 to index
          %swap3A_408 = arith.index_cast %select_n3A_368 : i32 to index
          %swap3A_409 = arith.constant 16 : index
          %swap3A_410 = tpu.vector_load %arg9[%swap3A_407, %swap3A_408, %swap3A_409] {strides = array<i32>} : memref<2x128x128xf32, #tpu.memory_space<vmem>>, vector<16xf32>,
          tpu.vector_store %arg9[%swap3A_407, %swap3A_408, %swap3A_409], %add3A_344 {strides = array<i32>} : memref<2x128x128xf32, #tpu.memory_space<vmem>>, vector<16xf32>,
          %swap3A_411 = arith.index_cast %rem3A_394 : i32 to index
          %swap3A_412 = arith.index_cast %select_n3A_368 : i32 to index
          %swap3A_413 = arith.constant 32 : index
          %swap3A_414 = tpu.vector_load %arg9[%swap3A_411, %swap3A_412, %swap3A_413] {strides = array<i32>} : memref<2x128x128xf32, #tpu.memory_space<vmem>>, vector<16xf32>,
          tpu.vector_store %arg9[%swap3A_411, %swap3A_412, %swap3A_413], %add3A_348 {strides = array<i32>} : memref<2x128x128xf32, #tpu.memory_space<vmem>>, vector<16xf32>,
          %swap3A_415 = arith.index_cast %rem3A_394 : i32 to index
          %swap3A_416 = arith.index_cast %select_n3A_368 : i32 to index
          %swap3A_417 = arith.constant 48 : index
          %swap3A_418 = tpu.vector_load %arg9[%swap3A_415, %swap3A_416, %swap3A_417] {strides = array<i32>} : memref<2x128x128xf32, #tpu.memory_space<vmem>>, vector<16xf32>,
          tpu.vector_store %arg9[%swap3A_415, %swap3A_416, %swap3A_417], %add3A_352 {strides = array<i32>} : memref<2x128x128xf32, #tpu.memory_space<vmem>>, vector<16xf32>,
          %scatter3A_419 = arith.constant 0 : i32
          %scatter3A_420 = tpu.memref_slice %arg11[%rem3A_394, %scatter3A_419] : memref<2x128xi32, #tpu.memory_space<vmem>> -> memref<1x128xi32, #tpu.memory_space<vmem>>
          %scatter3A_421 = tpu.memref_squeeze %scatter3A_420 : memref<1x128xi32, #tpu.memory_space<vmem>> -> memref<128xi32, #tpu.memory_space<vmem>>
          tpu.vector_store_idx %scatter3A_421[%broadcast_in_dim3A_395], %add3A_335 masked %eq3A_51 : memref<128xi32, #tpu.memory_space<vmem>>[vector<16xi32>], vector<16xi32>, vector<16xi1>
          %eq3A_422 = arith.constant 127 : i32
          %eq3A_423 = arith.cmpi eq, %select_n3A_368, %eq3A_422 : i32
          %convert_element_type3A_424 = arith.extui %eq3A_423 : i1 to i32
          %cond3A_425 = arith.constant 0 : i32
          %cond3A_426 = arith.cmpi ne, %convert_element_type3A_424, %cond3A_425 : i32
          scf.if %cond3A_426 {
            %dma_start3A_429 = arith.constant 0 : i32
            %dma_start3A_430 = arith.constant 0 : i32
            %dma_start3A_431 = tpu.memref_slice %arg9[%rem3A_394, %dma_start3A_429, %dma_start3A_430] : memref<2x128x128xf32, #tpu.memory_space<vmem>> -> memref<1x128x128xf32, #tpu.memory_space<vmem>>
            %dma_start3A_432 = tpu.memref_squeeze %dma_start3A_431 : memref<1x128x128xf32, #tpu.memory_space<vmem>> -> memref<128x128xf32, #tpu.memory_space<vmem>>
            %dma_start3A_433 = arith.constant 0 : i32
            %dma_start3A_434 = tpu.memref_slice %arg11[%rem3A_394, %dma_start3A_433] : memref<2x128xi32, #tpu.memory_space<vmem>> -> memref<1x128xi32, #tpu.memory_space<vmem>>
            %dma_start3A_435 = tpu.memref_squeeze %dma_start3A_434 : memref<1x128xi32, #tpu.memory_space<vmem>> -> memref<128xi32, #tpu.memory_space<vmem>>
            %dma_start3A_436 = arith.constant 0 : i32
            %dma_start3A_437 = arith.constant 0 : i32
            %dma_start3A_438 = tpu.memref_slice %arg7[%dma_start3A_436, %dma_start3A_437] : memref<106504x128xf32, #tpu.memory_space<hbm>> -> memref<106504x128xf32, #tpu.memory_space<hbm>>
            %dma_start3A_439 = tpu.memref_slice %arg17[%rem3A_394] : memref<2x!tpu.dma_semaphore, #tpu.memory_space<semaphore_mem>> -> memref<1x!tpu.dma_semaphore, #tpu.memory_space<semaphore_mem>>
            %dma_start3A_440 = tpu.memref_squeeze %dma_start3A_439 : memref<1x!tpu.dma_semaphore, #tpu.memory_space<semaphore_mem>> -> memref<!tpu.dma_semaphore, #tpu.memory_space<semaphore_mem>>
            tpu.enqueue_indirect_dma source(%dma_start3A_432 : memref<128x128xf32, #tpu.memory_space<vmem>>) target(%dma_start3A_438 : memref<106504x128xf32, #tpu.memory_space<hbm>>) offsets(%dma_start3A_435 : memref<128xi32, #tpu.memory_space<vmem>>) semaphore(%dma_start3A_440 : memref<!tpu.dma_semaphore, #tpu.memory_space<semaphore_mem>>)
          } else {
          }
          %add3A_427 = arith.constant 1 : i32
          %add3A_428 = arith.addi %while3A_326, %add3A_427 : i32
          scf.yield %add3A_428 : i32
        }
        %while3A_323 = arith.constant 1 : i32
        %while3A_324 = scf.for %while3A_325 = %while3A_320 to %while3A_316 step %while3A_323 iter_args(%while3A_326 = %while3A_322) -> (i32)  : i32 {
          %broadcast_in_dim3A_327 = vector.broadcast %while3A_325 : i32 to vector<16xi32>
          %gather3A = tpu.vector_load_idx %arg14[%broadcast_in_dim3A_327] : memref<4096xi32, #tpu.memory_space<vmem>>[vector<16xi32>], vector<16xi32>,
          %and3A_328 = arith.constant 4095 : i32
          %and3A_329 = vector.broadcast %and3A_328 : i32 to vector<16xi32>
          %and3A_330 = arith.andi %gather3A, %and3A_329 : vector<16xi32>
          %mul3A_331 = arith.constant 26 : i32
          %mul3A_332 = vector.broadcast %mul3A_331 : i32 to vector<16xi32>
          %mul3A_333 = arith.muli %and3A_330, %mul3A_332 : vector<16xi32>
          %add3A_334 = vector.broadcast %while3A_126 : i32 to vector<16xi32>
          %add3A_335 = arith.addi %mul3A_333, %add3A_334 : vector<16xi32>
          %sub3A_336 = arith.subi %while3A_325, %reduce_max3A_198 : i32
          %get3A_337 = arith.index_cast %sub3A_336 : i32 to index
          %get3A_338 = arith.constant 0 : index
          %get3A_339 = tpu.vector_load %arg10[%get3A_337, %get3A_338] {strides = array<i32>} : memref<128x128xf32, #tpu.memory_space<vmem>>, vector<16xf32>,
          %add3A_340 = arith.addf %get3A_339, %get3A_136 : vector<16xf32>
          %get3A_341 = arith.index_cast %sub3A_336 : i32 to index
          %get3A_342 = arith.constant 16 : index
          %get3A_343 = tpu.vector_load %arg10[%get3A_341, %get3A_342] {strides = array<i32>} : memref<128x128xf32, #tpu.memory_space<vmem>>, vector<16xf32>,
          %add3A_344 = arith.addf %get3A_343, %get3A_139 : vector<16xf32>
          %get3A_345 = arith.index_cast %sub3A_336 : i32 to index
          %get3A_346 = arith.constant 32 : index
          %get3A_347 = tpu.vector_load %arg10[%get3A_345, %get3A_346] {strides = array<i32>} : memref<128x128xf32, #tpu.memory_space<vmem>>, vector<16xf32>,
          %add3A_348 = arith.addf %get3A_347, %get3A_142 : vector<16xf32>
          %get3A_349 = arith.index_cast %sub3A_336 : i32 to index
          %get3A_350 = arith.constant 48 : index
          %get3A_351 = tpu.vector_load %arg10[%get3A_349, %get3A_350] {strides = array<i32>} : memref<128x128xf32, #tpu.memory_space<vmem>>, vector<16xf32>,
          %add3A_352 = arith.addf %get3A_351, %get3A_145 : vector<16xf32>
          %jit3A_353 = arith.constant 128 : i32
          %eq3A_354 = arith.constant 0 : i32
          %eq3A_355 = arith.cmpi eq, %jit3A_353, %eq3A_354 : i32
          %jit3A_356 = arith.constant 1 : i32
          %select_n3A_357 = arith.select %eq3A_355, %jit3A_356, %jit3A_353 : i32
          %rem3A_358 = arith.remsi %while3A_326, %select_n3A_357 : i32
          %ne3A_359 = arith.constant 0 : i32
          %ne3A_360 = arith.cmpi ne, %rem3A_358, %ne3A_359 : i32
          %lt3A_361 = arith.constant 0 : i32
          %lt3A_362 = arith.cmpi slt, %rem3A_358, %lt3A_361 : i32
          %lt3A_363 = arith.constant 0 : i32
          %lt3A_364 = arith.cmpi slt, %select_n3A_357, %lt3A_363 : i32
          %ne3A_365 = arith.xori %lt3A_362, %lt3A_364 : i1
          %and3A_366 = arith.andi %ne3A_365, %ne3A_360 : i1
          %add3A_367 = arith.addi %rem3A_358, %select_n3A_357 : i32
          %select_n3A_368 = arith.select %and3A_366, %add3A_367, %rem3A_358 : i32
          %jit3A_369 = arith.constant 128 : i32
          %div3A_370 = arith.divsi %while3A_326, %jit3A_369 : i32
          %sign3A_371 = arith.constant 0 : i32
          %sign3A_372 = arith.cmpi sgt, %while3A_326, %sign3A_371 : i32
          %sign3A_373 = arith.extui %sign3A_372 : i1 to i32
          %sign3A_374 = arith.constant 0 : i32
          %sign3A_375 = arith.cmpi slt, %while3A_326, %sign3A_374 : i32
          %sign3A_376 = arith.extui %sign3A_375 : i1 to i32
          %sign3A_377 = arith.subi %sign3A_373, %sign3A_376 : i32
          %sign3A_378 = arith.constant 0 : i32
          %sign3A_379 = arith.cmpi sgt, %jit3A_369, %sign3A_378 : i32
          %sign3A_380 = arith.extui %sign3A_379 : i1 to i32
          %sign3A_381 = arith.constant 0 : i32
          %sign3A_382 = arith.cmpi slt, %jit3A_369, %sign3A_381 : i32
          %sign3A_383 = arith.extui %sign3A_382 : i1 to i32
          %sign3A_384 = arith.subi %sign3A_380, %sign3A_383 : i32
          %ne3A_385 = arith.cmpi ne, %sign3A_377, %sign3A_384 : i32
          %rem3A_386 = arith.remsi %while3A_326, %jit3A_369 : i32
          %ne3A_387 = arith.constant 0 : i32
          %ne3A_388 = arith.cmpi ne, %rem3A_386, %ne3A_387 : i32
          %and3A_389 = arith.andi %ne3A_385, %ne3A_388 : i1
          %sub3A_390 = arith.constant 1 : i32
          %sub3A_391 = arith.subi %div3A_370, %sub3A_390 : i32
          %select_n3A_392 = arith.select %and3A_389, %sub3A_391, %div3A_370 : i32
          %rem3A_393 = arith.constant 2 : i32
          %rem3A_394 = arith.remsi %select_n3A_392, %rem3A_393 : i32
          %broadcast_in_dim3A_395 = vector.broadcast %select_n3A_368 : i32 to vector<16xi32>
          %eq3A_396 = arith.constant 0 : i32
          %eq3A_397 = arith.cmpi eq, %select_n3A_368, %eq3A_396 : i32
          %ge3A_398 = arith.constant 2 : i32
          %ge3A_399 = arith.cmpi sge, %select_n3A_392, %ge3A_398 : i32
          %and3A_400 = arith.andi %eq3A_397, %ge3A_399 : i1
          %convert_element_type3A_401 = arith.extui %and3A_400 : i1 to i32
          %cond3A_402 = arith.constant 0 : i32
          %cond3A_403 = arith.cmpi ne, %convert_element_type3A_401, %cond3A_402 : i32
          scf.if %cond3A_403 {
            %dma_wait3A_429 = arith.constant 0 : i32
            %dma_wait3A_430 = arith.constant 0 : i32
            %dma_wait3A_431 = arith.constant 0 : i32
            %dma_wait3A_432 = tpu.memref_slice %arg9[%rem3A_394, %dma_wait3A_430, %dma_wait3A_431] : memref<2x128x128xf32, #tpu.memory_space<vmem>> -> memref<1x128x128xf32, #tpu.memory_space<vmem>>
            %dma_wait3A_433 = tpu.memref_squeeze %dma_wait3A_432 : memref<1x128x128xf32, #tpu.memory_space<vmem>> -> memref<128x128xf32, #tpu.memory_space<vmem>>
            %dma_wait3A_434 = arith.constant 0 : i32
            %dma_wait3A_435 = arith.constant 0 : i32
            %dma_wait3A_436 = tpu.memref_slice %arg4[%dma_wait3A_429, %dma_wait3A_434, %dma_wait3A_435] : memref<26x64x100000xf32, #tpu.memory_space<hbm>> -> memref<1x64x256xf32, #tpu.memory_space<hbm>>
            %dma_wait3A_437 = tpu.memref_squeeze %dma_wait3A_436 : memref<1x64x256xf32, #tpu.memory_space<hbm>> -> memref<64x256xf32, #tpu.memory_space<hbm>>
            %dma_wait3A_438 = tpu.memref_slice %arg17[%rem3A_394] : memref<2x!tpu.dma_semaphore, #tpu.memory_space<semaphore_mem>> -> memref<1x!tpu.dma_semaphore, #tpu.memory_space<semaphore_mem>>
            %dma_wait3A_439 = tpu.memref_squeeze %dma_wait3A_438 : memref<1x!tpu.dma_semaphore, #tpu.memory_space<semaphore_mem>> -> memref<!tpu.dma_semaphore, #tpu.memory_space<semaphore_mem>>
            %dma_wait3A_440 = arith.constant 0 : i32
            %dma_wait3A_441 = arith.constant 0 : i32
            %dma_wait3A_442 = tpu.memref_slice %arg9[%rem3A_394, %dma_wait3A_440, %dma_wait3A_441] : memref<2x128x128xf32, #tpu.memory_space<vmem>> -> memref<1x128x128xf32, #tpu.memory_space<vmem>>
            %dma_wait3A_443 = tpu.memref_squeeze %dma_wait3A_442 : memref<1x128x128xf32, #tpu.memory_space<vmem>> -> memref<128x128xf32, #tpu.memory_space<vmem>>
            %dma_wait3A_444 = arith.constant 0 : i32
            %dma_wait3A_445 = arith.constant 0 : i32
            %dma_wait3A_446 = tpu.memref_slice %arg4[%dma_wait3A_429, %dma_wait3A_444, %dma_wait3A_445] : memref<26x64x100000xf32, #tpu.memory_space<hbm>> -> memref<1x64x256xf32, #tpu.memory_space<hbm>>
            %dma_wait3A_447 = tpu.memref_squeeze %dma_wait3A_446 : memref<1x64x256xf32, #tpu.memory_space<hbm>> -> memref<64x256xf32, #tpu.memory_space<hbm>>
            tpu.wait_dma2 semaphore(%dma_wait3A_439 : memref<!tpu.dma_semaphore, #tpu.memory_space<semaphore_mem>>) src(%dma_wait3A_447 : memref<64x256xf32, #tpu.memory_space<hbm>>) dst(%dma_wait3A_443 : memref<128x128xf32, #tpu.memory_space<vmem>>)
          } else {
          }
          %swap3A = arith.index_cast %rem3A_394 : i32 to index
          %swap3A_404 = arith.index_cast %select_n3A_368 : i32 to index
          %swap3A_405 = arith.constant 0 : index
          %swap3A_406 = tpu.vector_load %arg9[%swap3A, %swap3A_404, %swap3A_405] {strides = array<i32>} : memref<2x128x128xf32, #tpu.memory_space<vmem>>, vector<16xf32>,
          tpu.vector_store %arg9[%swap3A, %swap3A_404, %swap3A_405], %add3A_340 {strides = array<i32>} : memref<2x128x128xf32, #tpu.memory_space<vmem>>, vector<16xf32>,
          %swap3A_407 = arith.index_cast %rem3A_394 : i32 to index
          %swap3A_408 = arith.index_cast %select_n3A_368 : i32 to index
          %swap3A_409 = arith.constant 16 : index
          %swap3A_410 = tpu.vector_load %arg9[%swap3A_407, %swap3A_408, %swap3A_409] {strides = array<i32>} : memref<2x128x128xf32, #tpu.memory_space<vmem>>, vector<16xf32>,
          tpu.vector_store %arg9[%swap3A_407, %swap3A_408, %swap3A_409], %add3A_344 {strides = array<i32>} : memref<2x128x128xf32, #tpu.memory_space<vmem>>, vector<16xf32>,
          %swap3A_411 = arith.index_cast %rem3A_394 : i32 to index
          %swap3A_412 = arith.index_cast %select_n3A_368 : i32 to index
          %swap3A_413 = arith.constant 32 : index
          %swap3A_414 = tpu.vector_load %arg9[%swap3A_411, %swap3A_412, %swap3A_413] {strides = array<i32>} : memref<2x128x128xf32, #tpu.memory_space<vmem>>, vector<16xf32>,
          tpu.vector_store %arg9[%swap3A_411, %swap3A_412, %swap3A_413], %add3A_348 {strides = array<i32>} : memref<2x128x128xf32, #tpu.memory_space<vmem>>, vector<16xf32>,
          %swap3A_415 = arith.index_cast %rem3A_394 : i32 to index
          %swap3A_416 = arith.index_cast %select_n3A_368 : i32 to index
          %swap3A_417 = arith.constant 48 : index
          %swap3A_418 = tpu.vector_load %arg9[%swap3A_415, %swap3A_416, %swap3A_417] {strides = array<i32>} : memref<2x128x128xf32, #tpu.memory_space<vmem>>, vector<16xf32>,
          tpu.vector_store %arg9[%swap3A_415, %swap3A_416, %swap3A_417], %add3A_352 {strides = array<i32>} : memref<2x128x128xf32, #tpu.memory_space<vmem>>, vector<16xf32>,
          %scatter3A_419 = arith.constant 0 : i32
          %scatter3A_420 = tpu.memref_slice %arg11[%rem3A_394, %scatter3A_419] : memref<2x128xi32, #tpu.memory_space<vmem>> -> memref<1x128xi32, #tpu.memory_space<vmem>>
          %scatter3A_421 = tpu.memref_squeeze %scatter3A_420 : memref<1x128xi32, #tpu.memory_space<vmem>> -> memref<128xi32, #tpu.memory_space<vmem>>
          tpu.vector_store_idx %scatter3A_421[%broadcast_in_dim3A_395], %add3A_335 masked %eq3A_51 : memref<128xi32, #tpu.memory_space<vmem>>[vector<16xi32>], vector<16xi32>, vector<16xi1>
          %eq3A_422 = arith.constant 127 : i32
          %eq3A_423 = arith.cmpi eq, %select_n3A_368, %eq3A_422 : i32
          %convert_element_type3A_424 = arith.extui %eq3A_423 : i1 to i32
          %cond3A_425 = arith.constant 0 : i32
          %cond3A_426 = arith.cmpi ne, %convert_element_type3A_424, %cond3A_425 : i32
          scf.if %cond3A_426 {
            %dma_start3A_429 = arith.constant 0 : i32
            %dma_start3A_430 = arith.constant 0 : i32
            %dma_start3A_431 = tpu.memref_slice %arg9[%rem3A_394, %dma_start3A_429, %dma_start3A_430] : memref<2x128x128xf32, #tpu.memory_space<vmem>> -> memref<1x128x128xf32, #tpu.memory_space<vmem>>
            %dma_start3A_432 = tpu.memref_squeeze %dma_start3A_431 : memref<1x128x128xf32, #tpu.memory_space<vmem>> -> memref<128x128xf32, #tpu.memory_space<vmem>>
            %dma_start3A_433 = arith.constant 0 : i32
            %dma_start3A_434 = tpu.memref_slice %arg11[%rem3A_394, %dma_start3A_433] : memref<2x128xi32, #tpu.memory_space<vmem>> -> memref<1x128xi32, #tpu.memory_space<vmem>>
            %dma_start3A_435 = tpu.memref_squeeze %dma_start3A_434 : memref<1x128xi32, #tpu.memory_space<vmem>> -> memref<128xi32, #tpu.memory_space<vmem>>
            %dma_start3A_436 = arith.constant 0 : i32
            %dma_start3A_437 = arith.constant 0 : i32
            %dma_start3A_438 = tpu.memref_slice %arg7[%dma_start3A_436, %dma_start3A_437] : memref<106504x128xf32, #tpu.memory_space<hbm>> -> memref<106504x128xf32, #tpu.memory_space<hbm>>
            %dma_start3A_439 = tpu.memref_slice %arg17[%rem3A_394] : memref<2x!tpu.dma_semaphore, #tpu.memory_space<semaphore_mem>> -> memref<1x!tpu.dma_semaphore, #tpu.memory_space<semaphore_mem>>
            %dma_start3A_440 = tpu.memref_squeeze %dma_start3A_439 : memref<1x!tpu.dma_semaphore, #tpu.memory_space<semaphore_mem>> -> memref<!tpu.dma_semaphore, #tpu.memory_space<semaphore_mem>>
            tpu.enqueue_indirect_dma source(%dma_start3A_432 : memref<128x128xf32, #tpu.memory_space<vmem>>) target(%dma_start3A_438 : memref<106504x128xf32, #tpu.memory_space<hbm>>) offsets(%dma_start3A_435 : memref<128xi32, #tpu.memory_space<vmem>>) semaphore(%dma_start3A_440 : memref<!tpu.dma_semaphore, #tpu.memory_space<semaphore_mem>>)
          } else {
          }
          %add3A_427 = arith.constant 1 : i32
          %add3A_428 = arith.addi %while3A_326, %add3A_427 : i32
          scf.yield %add3A_428 : i32
        }
        scf.yield %while3A_324 : i32
      } else {
        scf.yield %while3A_178 : i32
      }
      scf.yield %cond3A_184 : i32
    }
    %while3A_77 = arith.constant 1 : i32
    %while3A_78 = scf.for %while3A_126 = %while3A_74 to %while3A_70 step %while3A_77 iter_args(%while3A_127 = %while3A_76) -> (i32)  : i32 {
      %mul3A_128 = arith.constant 391 : i32
      %mul3A_129 = arith.muli %while3A_126, %mul3A_128 : i32
      %max3A = arith.maxsi %mul3A_2, %mul3A_129 : i32
      %sub3A_130 = arith.subi %max3A, %mul3A_129 : i32
      %add3A_131 = arith.constant 391 : i32
      %add3A_132 = arith.addi %mul3A_129, %add3A_131 : i32
      %min3A_133 = arith.minsi %min3A_5, %add3A_132 : i32
      %sub3A_134 = arith.subi %min3A_133, %mul3A_129 : i32
      "tpu.region"() ({
        %run_scoped3A = tpu.sem_alloc : memref<!tpu.dma_semaphore, #tpu.memory_space<semaphore_mem>>
        %dma_start3A = arith.constant 0 : i32
        %dma_start3A_185 = tpu.memref_slice %arg2[%while3A_126, %dma_start3A] : memref<26x4096xi32, #tpu.memory_space<hbm>> -> memref<1x4096xi32, #tpu.memory_space<hbm>>
        %dma_start3A_186 = tpu.memref_squeeze %dma_start3A_185 : memref<1x4096xi32, #tpu.memory_space<hbm>> -> memref<4096xi32, #tpu.memory_space<hbm>>
        %dma_start3A_187 = arith.constant 0 : i32
        %dma_start3A_188 = tpu.memref_slice %arg2[%while3A_126, %dma_start3A_187] : memref<26x4096xi32, #tpu.memory_space<hbm>> -> memref<1x4096xi32, #tpu.memory_space<hbm>>
        %dma_start3A_189 = tpu.memref_squeeze %dma_start3A_188 : memref<1x4096xi32, #tpu.memory_space<hbm>> -> memref<4096xi32, #tpu.memory_space<hbm>>
        tpu.enqueue_dma source(%dma_start3A_189 : memref<4096xi32, #tpu.memory_space<hbm>>) target(%arg14 : memref<4096xi32, #tpu.memory_space<vmem>>) target_semaphore(%run_scoped3A : memref<!tpu.dma_semaphore, #tpu.memory_space<semaphore_mem>>)
        %dma_wait3A = arith.constant 0 : i32
        %dma_wait3A_190 = tpu.memref_slice %arg2[%while3A_126, %dma_wait3A] : memref<26x4096xi32, #tpu.memory_space<hbm>> -> memref<1x4096xi32, #tpu.memory_space<hbm>>
        %dma_wait3A_191 = tpu.memref_squeeze %dma_wait3A_190 : memref<1x4096xi32, #tpu.memory_space<hbm>> -> memref<4096xi32, #tpu.memory_space<hbm>>
        %dma_wait3A_192 = arith.constant 0 : i32
        %dma_wait3A_193 = tpu.memref_slice %arg2[%while3A_126, %dma_wait3A_192] : memref<26x4096xi32, #tpu.memory_space<hbm>> -> memref<1x4096xi32, #tpu.memory_space<hbm>>
        %dma_wait3A_194 = tpu.memref_squeeze %dma_wait3A_193 : memref<1x4096xi32, #tpu.memory_space<hbm>> -> memref<4096xi32, #tpu.memory_space<hbm>>
        tpu.wait_dma2 semaphore(%run_scoped3A : memref<!tpu.dma_semaphore, #tpu.memory_space<semaphore_mem>>) src(%dma_wait3A_194 : memref<4096xi32, #tpu.memory_space<hbm>>) dst(%arg14 : memref<4096xi32, #tpu.memory_space<vmem>>)
        tpu.yield
      }) : () -> ()
      "tpu.region"() ({
        %run_scoped3A = tpu.sem_alloc : memref<!tpu.dma_semaphore, #tpu.memory_space<semaphore_mem>>
        %dma_start3A = arith.constant 0 : i32
        %dma_start3A_185 = tpu.memref_slice %arg3[%while3A_126, %dma_start3A] : memref<26x512xi32, #tpu.memory_space<hbm>> -> memref<1x512xi32, #tpu.memory_space<hbm>>
        %dma_start3A_186 = tpu.memref_squeeze %dma_start3A_185 : memref<1x512xi32, #tpu.memory_space<hbm>> -> memref<512xi32, #tpu.memory_space<hbm>>
        %dma_start3A_187 = arith.constant 0 : i32
        %dma_start3A_188 = tpu.memref_slice %arg3[%while3A_126, %dma_start3A_187] : memref<26x512xi32, #tpu.memory_space<hbm>> -> memref<1x512xi32, #tpu.memory_space<hbm>>
        %dma_start3A_189 = tpu.memref_squeeze %dma_start3A_188 : memref<1x512xi32, #tpu.memory_space<hbm>> -> memref<512xi32, #tpu.memory_space<hbm>>
        tpu.enqueue_dma source(%dma_start3A_189 : memref<512xi32, #tpu.memory_space<hbm>>) target(%arg15 : memref<512xi32, #tpu.memory_space<vmem>>) target_semaphore(%run_scoped3A : memref<!tpu.dma_semaphore, #tpu.memory_space<semaphore_mem>>)
        %dma_wait3A = arith.constant 0 : i32
        %dma_wait3A_190 = tpu.memref_slice %arg3[%while3A_126, %dma_wait3A] : memref<26x512xi32, #tpu.memory_space<hbm>> -> memref<1x512xi32, #tpu.memory_space<hbm>>
        %dma_wait3A_191 = tpu.memref_squeeze %dma_wait3A_190 : memref<1x512xi32, #tpu.memory_space<hbm>> -> memref<512xi32, #tpu.memory_space<hbm>>
        %dma_wait3A_192 = arith.constant 0 : i32
        %dma_wait3A_193 = tpu.memref_slice %arg3[%while3A_126, %dma_wait3A_192] : memref<26x512xi32, #tpu.memory_space<hbm>> -> memref<1x512xi32, #tpu.memory_space<hbm>>
        %dma_wait3A_194 = tpu.memref_squeeze %dma_wait3A_193 : memref<1x512xi32, #tpu.memory_space<hbm>> -> memref<512xi32, #tpu.memory_space<hbm>>
        tpu.wait_dma2 semaphore(%run_scoped3A : memref<!tpu.dma_semaphore, #tpu.memory_space<semaphore_mem>>) src(%dma_wait3A_194 : memref<512xi32, #tpu.memory_space<hbm>>) dst(%arg15 : memref<512xi32, #tpu.memory_space<vmem>>)
        tpu.yield
      }) : () -> ()
      %get3A = arith.index_cast %while3A_126 : i32 to index
      %get3A_135 = arith.constant 0 : index
      %get3A_136 = tpu.vector_load %arg13[%get3A, %get3A_135] {strides = array<i32>} : memref<26x128xf32, #tpu.memory_space<vmem>>, vector<16xf32>,
      %get3A_137 = arith.index_cast %while3A_126 : i32 to index
      %get3A_138 = arith.constant 16 : index
      %get3A_139 = tpu.vector_load %arg13[%get3A_137, %get3A_138] {strides = array<i32>} : memref<26x128xf32, #tpu.memory_space<vmem>>, vector<16xf32>,
      %get3A_140 = arith.index_cast %while3A_126 : i32 to index
      %get3A_141 = arith.constant 32 : index
      %get3A_142 = tpu.vector_load %arg13[%get3A_140, %get3A_141] {strides = array<i32>} : memref<26x128xf32, #tpu.memory_space<vmem>>, vector<16xf32>,
      %get3A_143 = arith.index_cast %while3A_126 : i32 to index
      %get3A_144 = arith.constant 48 : index
      %get3A_145 = tpu.vector_load %arg13[%get3A_143, %get3A_144] {strides = array<i32>} : memref<26x128xf32, #tpu.memory_space<vmem>>, vector<16xf32>,
      %min3A_146 = arith.constant 390 : i32
      %min3A_147 = arith.minsi %sub3A_134, %min3A_146 : i32
      %sub3A_148 = arith.subi %min3A_147, %sub3A_130 : i32
      %gt3A = arith.constant 0 : i32
      %gt3A_149 = arith.cmpi sgt, %sub3A_148, %gt3A : i32
      %convert_element_type3A_150 = arith.extui %gt3A_149 : i1 to i32
      %cond3A_151 = arith.constant 0 : i32
      %cond3A_152 = arith.cmpi ne, %convert_element_type3A_150, %cond3A_151 : i32
      scf.if %cond3A_152 {
        %add3A_185 = arith.constant 0 : i32
        %add3A_186 = arith.addi %sub3A_130, %add3A_185 : i32
        %mul3A_187 = arith.constant 256 : i32
        %mul3A_188 = arith.muli %add3A_186, %mul3A_187 : i32
        %multiple_of3A = tpu.assume_multiple %mul3A_188, 128 : i32
        %dma_start3A = arith.constant 0 : i32
        %dma_start3A_189 = arith.constant 0 : i32
        %dma_start3A_190 = arith.constant 0 : i32
        %dma_start3A_191 = arith.constant 0 : i32
        %dma_start3A_192 = tpu.memref_slice %arg8[%dma_start3A, %dma_start3A_190, %dma_start3A_191] : memref<4x64x256xf32, #tpu.memory_space<vmem>> -> memref<1x64x256xf32, #tpu.memory_space<vmem>>
        %dma_start3A_193 = tpu.memref_squeeze %dma_start3A_192 : memref<1x64x256xf32, #tpu.memory_space<vmem>> -> memref<64x256xf32, #tpu.memory_space<vmem>>
        %dma_start3A_194 = arith.constant 0 : i32
        %dma_start3A_195 = tpu.memref_slice %arg4[%while3A_126, %dma_start3A_194, %multiple_of3A] : memref<26x64x100000xf32, #tpu.memory_space<hbm>> -> memref<1x64x256xf32, #tpu.memory_space<hbm>>
        %dma_start3A_196 = tpu.memref_squeeze %dma_start3A_195 : memref<1x64x256xf32, #tpu.memory_space<hbm>> -> memref<64x256xf32, #tpu.memory_space<hbm>>
        %dma_start3A_197 = tpu.memref_slice %arg16[%dma_start3A_189] : memref<4x!tpu.dma_semaphore, #tpu.memory_space<semaphore_mem>> -> memref<1x!tpu.dma_semaphore, #tpu.memory_space<semaphore_mem>>
        %dma_start3A_198 = tpu.memref_squeeze %dma_start3A_197 : memref<1x!tpu.dma_semaphore, #tpu.memory_space<semaphore_mem>> -> memref<!tpu.dma_semaphore, #tpu.memory_space<semaphore_mem>>
        %dma_start3A_199 = arith.constant 0 : i32
        %dma_start3A_200 = arith.constant 0 : i32
        %dma_start3A_201 = tpu.memref_slice %arg8[%dma_start3A, %dma_start3A_199, %dma_start3A_200] : memref<4x64x256xf32, #tpu.memory_space<vmem>> -> memref<1x64x256xf32, #tpu.memory_space<vmem>>
        %dma_start3A_202 = tpu.memref_squeeze %dma_start3A_201 : memref<1x64x256xf32, #tpu.memory_space<vmem>> -> memref<64x256xf32, #tpu.memory_space<vmem>>
        %dma_start3A_203 = arith.constant 0 : i32
        %dma_start3A_204 = tpu.memref_slice %arg4[%while3A_126, %dma_start3A_203, %multiple_of3A] : memref<26x64x100000xf32, #tpu.memory_space<hbm>> -> memref<1x64x256xf32, #tpu.memory_space<hbm>>
        %dma_start3A_205 = tpu.memref_squeeze %dma_start3A_204 : memref<1x64x256xf32, #tpu.memory_space<hbm>> -> memref<64x256xf32, #tpu.memory_space<hbm>>
        tpu.enqueue_dma source(%dma_start3A_205 : memref<64x256xf32, #tpu.memory_space<hbm>>) target(%dma_start3A_202 : memref<64x256xf32, #tpu.memory_space<vmem>>) target_semaphore(%dma_start3A_198 : memref<!tpu.dma_semaphore, #tpu.memory_space<semaphore_mem>>)
      } else {
      }
      %gt3A_153 = arith.constant 1 : i32
      %gt3A_154 = arith.cmpi sgt, %sub3A_148, %gt3A_153 : i32
      %convert_element_type3A_155 = arith.extui %gt3A_154 : i1 to i32
      %cond3A_156 = arith.constant 0 : i32
      %cond3A_157 = arith.cmpi ne, %convert_element_type3A_155, %cond3A_156 : i32
      scf.if %cond3A_157 {
        %add3A_185 = arith.constant 1 : i32
        %add3A_186 = arith.addi %sub3A_130, %add3A_185 : i32
        %mul3A_187 = arith.constant 256 : i32
        %mul3A_188 = arith.muli %add3A_186, %mul3A_187 : i32
        %multiple_of3A = tpu.assume_multiple %mul3A_188, 128 : i32
        %dma_start3A = arith.constant 1 : i32
        %dma_start3A_189 = arith.constant 1 : i32
        %dma_start3A_190 = arith.constant 0 : i32
        %dma_start3A_191 = arith.constant 0 : i32
        %dma_start3A_192 = tpu.memref_slice %arg8[%dma_start3A, %dma_start3A_190, %dma_start3A_191] : memref<4x64x256xf32, #tpu.memory_space<vmem>> -> memref<1x64x256xf32, #tpu.memory_space<vmem>>
        %dma_start3A_193 = tpu.memref_squeeze %dma_start3A_192 : memref<1x64x256xf32, #tpu.memory_space<vmem>> -> memref<64x256xf32, #tpu.memory_space<vmem>>
        %dma_start3A_194 = arith.constant 0 : i32
        %dma_start3A_195 = tpu.memref_slice %arg4[%while3A_126, %dma_start3A_194, %multiple_of3A] : memref<26x64x100000xf32, #tpu.memory_space<hbm>> -> memref<1x64x256xf32, #tpu.memory_space<hbm>>
        %dma_start3A_196 = tpu.memref_squeeze %dma_start3A_195 : memref<1x64x256xf32, #tpu.memory_space<hbm>> -> memref<64x256xf32, #tpu.memory_space<hbm>>
        %dma_start3A_197 = tpu.memref_slice %arg16[%dma_start3A_189] : memref<4x!tpu.dma_semaphore, #tpu.memory_space<semaphore_mem>> -> memref<1x!tpu.dma_semaphore, #tpu.memory_space<semaphore_mem>>
        %dma_start3A_198 = tpu.memref_squeeze %dma_start3A_197 : memref<1x!tpu.dma_semaphore, #tpu.memory_space<semaphore_mem>> -> memref<!tpu.dma_semaphore, #tpu.memory_space<semaphore_mem>>
        %dma_start3A_199 = arith.constant 0 : i32
        %dma_start3A_200 = arith.constant 0 : i32
        %dma_start3A_201 = tpu.memref_slice %arg8[%dma_start3A, %dma_start3A_199, %dma_start3A_200] : memref<4x64x256xf32, #tpu.memory_space<vmem>> -> memref<1x64x256xf32, #tpu.memory_space<vmem>>
        %dma_start3A_202 = tpu.memref_squeeze %dma_start3A_201 : memref<1x64x256xf32, #tpu.memory_space<vmem>> -> memref<64x256xf32, #tpu.memory_space<vmem>>
        %dma_start3A_203 = arith.constant 0 : i32
        %dma_start3A_204 = tpu.memref_slice %arg4[%while3A_126, %dma_start3A_203, %multiple_of3A] : memref<26x64x100000xf32, #tpu.memory_space<hbm>> -> memref<1x64x256xf32, #tpu.memory_space<hbm>>
        %dma_start3A_205 = tpu.memref_squeeze %dma_start3A_204 : memref<1x64x256xf32, #tpu.memory_space<hbm>> -> memref<64x256xf32, #tpu.memory_space<hbm>>
        tpu.enqueue_dma source(%dma_start3A_205 : memref<64x256xf32, #tpu.memory_space<hbm>>) target(%dma_start3A_202 : memref<64x256xf32, #tpu.memory_space<vmem>>) target_semaphore(%dma_start3A_198 : memref<!tpu.dma_semaphore, #tpu.memory_space<semaphore_mem>>)
      } else {
      }
      %gt3A_158 = arith.constant 2 : i32
      %gt3A_159 = arith.cmpi sgt, %sub3A_148, %gt3A_158 : i32
      %convert_element_type3A_160 = arith.extui %gt3A_159 : i1 to i32
      %cond3A_161 = arith.constant 0 : i32
      %cond3A_162 = arith.cmpi ne, %convert_element_type3A_160, %cond3A_161 : i32
      scf.if %cond3A_162 {
        %add3A_185 = arith.constant 2 : i32
        %add3A_186 = arith.addi %sub3A_130, %add3A_185 : i32
        %mul3A_187 = arith.constant 256 : i32
        %mul3A_188 = arith.muli %add3A_186, %mul3A_187 : i32
        %multiple_of3A = tpu.assume_multiple %mul3A_188, 128 : i32
        %dma_start3A = arith.constant 2 : i32
        %dma_start3A_189 = arith.constant 2 : i32
        %dma_start3A_190 = arith.constant 0 : i32
        %dma_start3A_191 = arith.constant 0 : i32
        %dma_start3A_192 = tpu.memref_slice %arg8[%dma_start3A, %dma_start3A_190, %dma_start3A_191] : memref<4x64x256xf32, #tpu.memory_space<vmem>> -> memref<1x64x256xf32, #tpu.memory_space<vmem>>
        %dma_start3A_193 = tpu.memref_squeeze %dma_start3A_192 : memref<1x64x256xf32, #tpu.memory_space<vmem>> -> memref<64x256xf32, #tpu.memory_space<vmem>>
        %dma_start3A_194 = arith.constant 0 : i32
        %dma_start3A_195 = tpu.memref_slice %arg4[%while3A_126, %dma_start3A_194, %multiple_of3A] : memref<26x64x100000xf32, #tpu.memory_space<hbm>> -> memref<1x64x256xf32, #tpu.memory_space<hbm>>
        %dma_start3A_196 = tpu.memref_squeeze %dma_start3A_195 : memref<1x64x256xf32, #tpu.memory_space<hbm>> -> memref<64x256xf32, #tpu.memory_space<hbm>>
        %dma_start3A_197 = tpu.memref_slice %arg16[%dma_start3A_189] : memref<4x!tpu.dma_semaphore, #tpu.memory_space<semaphore_mem>> -> memref<1x!tpu.dma_semaphore, #tpu.memory_space<semaphore_mem>>
        %dma_start3A_198 = tpu.memref_squeeze %dma_start3A_197 : memref<1x!tpu.dma_semaphore, #tpu.memory_space<semaphore_mem>> -> memref<!tpu.dma_semaphore, #tpu.memory_space<semaphore_mem>>
        %dma_start3A_199 = arith.constant 0 : i32
        %dma_start3A_200 = arith.constant 0 : i32
        %dma_start3A_201 = tpu.memref_slice %arg8[%dma_start3A, %dma_start3A_199, %dma_start3A_200] : memref<4x64x256xf32, #tpu.memory_space<vmem>> -> memref<1x64x256xf32, #tpu.memory_space<vmem>>
        %dma_start3A_202 = tpu.memref_squeeze %dma_start3A_201 : memref<1x64x256xf32, #tpu.memory_space<vmem>> -> memref<64x256xf32, #tpu.memory_space<vmem>>
        %dma_start3A_203 = arith.constant 0 : i32
        %dma_start3A_204 = tpu.memref_slice %arg4[%while3A_126, %dma_start3A_203, %multiple_of3A] : memref<26x64x100000xf32, #tpu.memory_space<hbm>> -> memref<1x64x256xf32, #tpu.memory_space<hbm>>
        %dma_start3A_205 = tpu.memref_squeeze %dma_start3A_204 : memref<1x64x256xf32, #tpu.memory_space<hbm>> -> memref<64x256xf32, #tpu.memory_space<hbm>>
        tpu.enqueue_dma source(%dma_start3A_205 : memref<64x256xf32, #tpu.memory_space<hbm>>) target(%dma_start3A_202 : memref<64x256xf32, #tpu.memory_space<vmem>>) target_semaphore(%dma_start3A_198 : memref<!tpu.dma_semaphore, #tpu.memory_space<semaphore_mem>>)
      } else {
      }
      %gt3A_163 = arith.constant 3 : i32
      %gt3A_164 = arith.cmpi sgt, %sub3A_148, %gt3A_163 : i32
      %convert_element_type3A_165 = arith.extui %gt3A_164 : i1 to i32
      %cond3A_166 = arith.constant 0 : i32
      %cond3A_167 = arith.cmpi ne, %convert_element_type3A_165, %cond3A_166 : i32
      scf.if %cond3A_167 {
        %add3A_185 = arith.constant 3 : i32
        %add3A_186 = arith.addi %sub3A_130, %add3A_185 : i32
        %mul3A_187 = arith.constant 256 : i32
        %mul3A_188 = arith.muli %add3A_186, %mul3A_187 : i32
        %multiple_of3A = tpu.assume_multiple %mul3A_188, 128 : i32
        %dma_start3A = arith.constant 3 : i32
        %dma_start3A_189 = arith.constant 3 : i32
        %dma_start3A_190 = arith.constant 0 : i32
        %dma_start3A_191 = arith.constant 0 : i32
        %dma_start3A_192 = tpu.memref_slice %arg8[%dma_start3A, %dma_start3A_190, %dma_start3A_191] : memref<4x64x256xf32, #tpu.memory_space<vmem>> -> memref<1x64x256xf32, #tpu.memory_space<vmem>>
        %dma_start3A_193 = tpu.memref_squeeze %dma_start3A_192 : memref<1x64x256xf32, #tpu.memory_space<vmem>> -> memref<64x256xf32, #tpu.memory_space<vmem>>
        %dma_start3A_194 = arith.constant 0 : i32
        %dma_start3A_195 = tpu.memref_slice %arg4[%while3A_126, %dma_start3A_194, %multiple_of3A] : memref<26x64x100000xf32, #tpu.memory_space<hbm>> -> memref<1x64x256xf32, #tpu.memory_space<hbm>>
        %dma_start3A_196 = tpu.memref_squeeze %dma_start3A_195 : memref<1x64x256xf32, #tpu.memory_space<hbm>> -> memref<64x256xf32, #tpu.memory_space<hbm>>
        %dma_start3A_197 = tpu.memref_slice %arg16[%dma_start3A_189] : memref<4x!tpu.dma_semaphore, #tpu.memory_space<semaphore_mem>> -> memref<1x!tpu.dma_semaphore, #tpu.memory_space<semaphore_mem>>
        %dma_start3A_198 = tpu.memref_squeeze %dma_start3A_197 : memref<1x!tpu.dma_semaphore, #tpu.memory_space<semaphore_mem>> -> memref<!tpu.dma_semaphore, #tpu.memory_space<semaphore_mem>>
        %dma_start3A_199 = arith.constant 0 : i32
        %dma_start3A_200 = arith.constant 0 : i32
        %dma_start3A_201 = tpu.memref_slice %arg8[%dma_start3A, %dma_start3A_199, %dma_start3A_200] : memref<4x64x256xf32, #tpu.memory_space<vmem>> -> memref<1x64x256xf32, #tpu.memory_space<vmem>>
        %dma_start3A_202 = tpu.memref_squeeze %dma_start3A_201 : memref<1x64x256xf32, #tpu.memory_space<vmem>> -> memref<64x256xf32, #tpu.memory_space<vmem>>
        %dma_start3A_203 = arith.constant 0 : i32
        %dma_start3A_204 = tpu.memref_slice %arg4[%while3A_126, %dma_start3A_203, %multiple_of3A] : memref<26x64x100000xf32, #tpu.memory_space<hbm>> -> memref<1x64x256xf32, #tpu.memory_space<hbm>>
        %dma_start3A_205 = tpu.memref_squeeze %dma_start3A_204 : memref<1x64x256xf32, #tpu.memory_space<hbm>> -> memref<64x256xf32, #tpu.memory_space<hbm>>
        tpu.enqueue_dma source(%dma_start3A_205 : memref<64x256xf32, #tpu.memory_space<hbm>>) target(%dma_start3A_202 : memref<64x256xf32, #tpu.memory_space<vmem>>) target_semaphore(%dma_start3A_198 : memref<!tpu.dma_semaphore, #tpu.memory_space<semaphore_mem>>)
      } else {
      }
      %add3A_168 = arith.addi %sub3A_130, %sub3A_148 : i32
      %while3A_169 = arith.subi %add3A_168, %sub3A_130 : i32
      %while3A_170 = arith.addi %sub3A_130, %while3A_169 : i32
      %while3A_171 = arith.constant 1 : i32
      %while3A_172 = arith.divsi %while3A_169, %while3A_171 : i32
      %while3A_173 = arith.muli %while3A_172, %while3A_171 : i32
      %while3A_174 = arith.addi %sub3A_130, %while3A_173 : i32
      %while3A_175 = arith.constant 1 : i32
      %while3A_176 = scf.for %while3A_185 = %sub3A_130 to %while3A_174 step %while3A_175 iter_args(%while3A_186 = %while3A_127) -> (i32)  : i32 {
        %sub3A_187 = arith.subi %while3A_185, %sub3A_130 : i32
        %rem3A_188 = arith.constant 4 : i32
        %rem3A_189 = arith.remsi %sub3A_187, %rem3A_188 : i32
        %jit3A_190 = arith.constant 16 : i32
        %div3A_191 = arith.divsi %while3A_185, %jit3A_190 : i32
        %sign3A_192 = arith.constant 0 : i32
        %sign3A_193 = arith.cmpi sgt, %while3A_185, %sign3A_192 : i32
        %sign3A_194 = arith.extui %sign3A_193 : i1 to i32
        %sign3A_195 = arith.constant 0 : i32
        %sign3A_196 = arith.cmpi slt, %while3A_185, %sign3A_195 : i32
        %sign3A_197 = arith.extui %sign3A_196 : i1 to i32
        %sign3A_198 = arith.subi %sign3A_194, %sign3A_197 : i32
        %sign3A_199 = arith.constant 0 : i32
        %sign3A_200 = arith.cmpi sgt, %jit3A_190, %sign3A_199 : i32
        %sign3A_201 = arith.extui %sign3A_200 : i1 to i32
        %sign3A_202 = arith.constant 0 : i32
        %sign3A_203 = arith.cmpi slt, %jit3A_190, %sign3A_202 : i32
        %sign3A_204 = arith.extui %sign3A_203 : i1 to i32
        %sign3A_205 = arith.subi %sign3A_201, %sign3A_204 : i32
        %ne3A_206 = arith.cmpi ne, %sign3A_198, %sign3A_205 : i32
        %rem3A_207 = arith.remsi %while3A_185, %jit3A_190 : i32
        %ne3A_208 = arith.constant 0 : i32
        %ne3A_209 = arith.cmpi ne, %rem3A_207, %ne3A_208 : i32
        %and3A_210 = arith.andi %ne3A_206, %ne3A_209 : i1
        %sub3A_211 = arith.constant 1 : i32
        %sub3A_212 = arith.subi %div3A_191, %sub3A_211 : i32
        %select_n3A_213 = arith.select %and3A_210, %sub3A_212, %div3A_191 : i32
        %mul3A_214 = arith.constant 16 : i32
        %mul3A_215 = arith.muli %select_n3A_213, %mul3A_214 : i32
        %get3A_216 = arith.index_cast %mul3A_215 : i32 to index
        %get3A_217 = tpu.vector_load %arg15[%get3A_216] {strides = array<i32>} : memref<512xi32, #tpu.memory_space<vmem>>, vector<16xi32>,
        %jit3A_218 = arith.constant 16 : i32
        %eq3A_219 = arith.constant 0 : i32
        %eq3A_220 = arith.cmpi eq, %jit3A_218, %eq3A_219 : i32
        %jit3A_221 = arith.constant 1 : i32
        %select_n3A_222 = arith.select %eq3A_220, %jit3A_221, %jit3A_218 : i32
        %rem3A_223 = arith.remsi %while3A_185, %select_n3A_222 : i32
        %ne3A_224 = arith.constant 0 : i32
        %ne3A_225 = arith.cmpi ne, %rem3A_223, %ne3A_224 : i32
        %lt3A_226 = arith.constant 0 : i32
        %lt3A_227 = arith.cmpi slt, %rem3A_223, %lt3A_226 : i32
        %lt3A_228 = arith.constant 0 : i32
        %lt3A_229 = arith.cmpi slt, %select_n3A_222, %lt3A_228 : i32
        %ne3A_230 = arith.xori %lt3A_227, %lt3A_229 : i1
        %and3A_231 = arith.andi %ne3A_230, %ne3A_225 : i1
        %add3A_232 = arith.addi %rem3A_223, %select_n3A_222 : i32
        %select_n3A_233 = arith.select %and3A_231, %add3A_232, %rem3A_223 : i32
        %eq3A_234 = vector.broadcast %select_n3A_233 : i32 to vector<16xi32>
        %eq3A_235 = arith.cmpi eq, %iota3A, %eq3A_234 : vector<16xi32>
        %jit3A_236 = arith.constant -2147483648 : i32
        %broadcast_in_dim3A = vector.broadcast %jit3A_236 : i32 to vector<16xi32>
        %select_n3A_237 = arith.select %eq3A_235, %get3A_217, %broadcast_in_dim3A : vector<16xi1>, vector<16xi32>
        %reduce_max3A = arith.constant true
        %reduce_max3A_238 = vector.broadcast %reduce_max3A : i1 to vector<16xi1>
        %reduce_max3A_239 = arith.constant -2147483648 : i32
        %reduce_max3A_240 = vector.broadcast %reduce_max3A_239 : i32 to vector<16xi32>
        %reduce_max3A_241 = arith.xori %select_n3A_237, %reduce_max3A_240 : vector<16xi32>
        %reduce_max3A_242 = tpu.scan <max>, %reduce_max3A_241 masked %reduce_max3A_238 : vector<16xi32>, vector<16xi1> -> vector<16xi32>
        %reduce_max3A_243 = arith.xori %reduce_max3A_242, %reduce_max3A_240 : vector<16xi32>
        %reduce_max3A_244 = vector.extract %reduce_max3A_243[15] : i32 from vector<16xi32>
        %add3A_245 = arith.constant 1 : i32
        %add3A_246 = arith.addi %while3A_185, %add3A_245 : i32
        %jit3A_247 = arith.constant 16 : i32
        %div3A_248 = arith.divsi %add3A_246, %jit3A_247 : i32
        %sign3A_249 = arith.constant 0 : i32
        %sign3A_250 = arith.cmpi sgt, %add3A_246, %sign3A_249 : i32
        %sign3A_251 = arith.extui %sign3A_250 : i1 to i32
        %sign3A_252 = arith.constant 0 : i32
        %sign3A_253 = arith.cmpi slt, %add3A_246, %sign3A_252 : i32
        %sign3A_254 = arith.extui %sign3A_253 : i1 to i32
        %sign3A_255 = arith.subi %sign3A_251, %sign3A_254 : i32
        %sign3A_256 = arith.constant 0 : i32
        %sign3A_257 = arith.cmpi sgt, %jit3A_247, %sign3A_256 : i32
        %sign3A_258 = arith.extui %sign3A_257 : i1 to i32
        %sign3A_259 = arith.constant 0 : i32
        %sign3A_260 = arith.cmpi slt, %jit3A_247, %sign3A_259 : i32
        %sign3A_261 = arith.extui %sign3A_260 : i1 to i32
        %sign3A_262 = arith.subi %sign3A_258, %sign3A_261 : i32
        %ne3A_263 = arith.cmpi ne, %sign3A_255, %sign3A_262 : i32
        %rem3A_264 = arith.remsi %add3A_246, %jit3A_247 : i32
        %ne3A_265 = arith.constant 0 : i32
        %ne3A_266 = arith.cmpi ne, %rem3A_264, %ne3A_265 : i32
        %and3A_267 = arith.andi %ne3A_263, %ne3A_266 : i1
        %sub3A_268 = arith.constant 1 : i32
        %sub3A_269 = arith.subi %div3A_248, %sub3A_268 : i32
        %select_n3A_270 = arith.select %and3A_267, %sub3A_269, %div3A_248 : i32
        %mul3A_271 = arith.constant 16 : i32
        %mul3A_272 = arith.muli %select_n3A_270, %mul3A_271 : i32
        %get3A_273 = arith.index_cast %mul3A_272 : i32 to index
        %get3A_274 = tpu.vector_load %arg15[%get3A_273] {strides = array<i32>} : memref<512xi32, #tpu.memory_space<vmem>>, vector<16xi32>,
        %jit3A_275 = arith.constant 16 : i32
        %eq3A_276 = arith.constant 0 : i32
        %eq3A_277 = arith.cmpi eq, %jit3A_275, %eq3A_276 : i32
        %jit3A_278 = arith.constant 1 : i32
        %select_n3A_279 = arith.select %eq3A_277, %jit3A_278, %jit3A_275 : i32
        %rem3A_280 = arith.remsi %add3A_246, %select_n3A_279 : i32
        %ne3A_281 = arith.constant 0 : i32
        %ne3A_282 = arith.cmpi ne, %rem3A_280, %ne3A_281 : i32
        %lt3A_283 = arith.constant 0 : i32
        %lt3A_284 = arith.cmpi slt, %rem3A_280, %lt3A_283 : i32
        %lt3A_285 = arith.constant 0 : i32
        %lt3A_286 = arith.cmpi slt, %select_n3A_279, %lt3A_285 : i32
        %ne3A_287 = arith.xori %lt3A_284, %lt3A_286 : i1
        %and3A_288 = arith.andi %ne3A_287, %ne3A_282 : i1
        %add3A_289 = arith.addi %rem3A_280, %select_n3A_279 : i32
        %select_n3A_290 = arith.select %and3A_288, %add3A_289, %rem3A_280 : i32
        %eq3A_291 = vector.broadcast %select_n3A_290 : i32 to vector<16xi32>
        %eq3A_292 = arith.cmpi eq, %iota3A, %eq3A_291 : vector<16xi32>
        %jit3A_293 = arith.constant -2147483648 : i32
        %broadcast_in_dim3A_294 = vector.broadcast %jit3A_293 : i32 to vector<16xi32>
        %select_n3A_295 = arith.select %eq3A_292, %get3A_274, %broadcast_in_dim3A_294 : vector<16xi1>, vector<16xi32>
        %reduce_max3A_296 = arith.constant true
        %reduce_max3A_297 = vector.broadcast %reduce_max3A_296 : i1 to vector<16xi1>
        %reduce_max3A_298 = arith.constant -2147483648 : i32
        %reduce_max3A_299 = vector.broadcast %reduce_max3A_298 : i32 to vector<16xi32>
        %reduce_max3A_300 = arith.xori %select_n3A_295, %reduce_max3A_299 : vector<16xi32>
        %reduce_max3A_301 = tpu.scan <max>, %reduce_max3A_300 masked %reduce_max3A_297 : vector<16xi32>, vector<16xi1> -> vector<16xi32>
        %reduce_max3A_302 = arith.xori %reduce_max3A_301, %reduce_max3A_299 : vector<16xi32>
        %reduce_max3A_303 = vector.extract %reduce_max3A_302[15] : i32 from vector<16xi32>
        %mul3A_304 = arith.constant 256 : i32
        %mul3A_305 = arith.muli %while3A_185, %mul3A_304 : i32
        %dma_wait3A = arith.constant 0 : i32
        %dma_wait3A_306 = arith.constant 0 : i32
        %dma_wait3A_307 = arith.constant 0 : i32
        %dma_wait3A_308 = tpu.memref_slice %arg8[%rem3A_189, %dma_wait3A_306, %dma_wait3A_307] : memref<4x64x256xf32, #tpu.memory_space<vmem>> -> memref<1x64x256xf32, #tpu.memory_space<vmem>>
        %dma_wait3A_309 = tpu.memref_squeeze %dma_wait3A_308 : memref<1x64x256xf32, #tpu.memory_space<vmem>> -> memref<64x256xf32, #tpu.memory_space<vmem>>
        %dma_wait3A_310 = arith.constant 0 : i32
        %dma_wait3A_311 = arith.constant 0 : i32
        %dma_wait3A_312 = tpu.memref_slice %arg4[%dma_wait3A, %dma_wait3A_310, %dma_wait3A_311] : memref<26x64x100000xf32, #tpu.memory_space<hbm>> -> memref<1x64x256xf32, #tpu.memory_space<hbm>>
        %dma_wait3A_313 = tpu.memref_squeeze %dma_wait3A_312 : memref<1x64x256xf32, #tpu.memory_space<hbm>> -> memref<64x256xf32, #tpu.memory_space<hbm>>
        %dma_wait3A_314 = tpu.memref_slice %arg16[%rem3A_189] : memref<4x!tpu.dma_semaphore, #tpu.memory_space<semaphore_mem>> -> memref<1x!tpu.dma_semaphore, #tpu.memory_space<semaphore_mem>>
        %dma_wait3A_315 = tpu.memref_squeeze %dma_wait3A_314 : memref<1x!tpu.dma_semaphore, #tpu.memory_space<semaphore_mem>> -> memref<!tpu.dma_semaphore, #tpu.memory_space<semaphore_mem>>
        %dma_wait3A_316 = arith.constant 0 : i32
        %dma_wait3A_317 = arith.constant 0 : i32
        %dma_wait3A_318 = tpu.memref_slice %arg8[%rem3A_189, %dma_wait3A_316, %dma_wait3A_317] : memref<4x64x256xf32, #tpu.memory_space<vmem>> -> memref<1x64x256xf32, #tpu.memory_space<vmem>>
        %dma_wait3A_319 = tpu.memref_squeeze %dma_wait3A_318 : memref<1x64x256xf32, #tpu.memory_space<vmem>> -> memref<64x256xf32, #tpu.memory_space<vmem>>
        %dma_wait3A_320 = arith.constant 0 : i32
        %dma_wait3A_321 = arith.constant 0 : i32
        %dma_wait3A_322 = tpu.memref_slice %arg4[%dma_wait3A, %dma_wait3A_320, %dma_wait3A_321] : memref<26x64x100000xf32, #tpu.memory_space<hbm>> -> memref<1x64x256xf32, #tpu.memory_space<hbm>>
        %dma_wait3A_323 = tpu.memref_squeeze %dma_wait3A_322 : memref<1x64x256xf32, #tpu.memory_space<hbm>> -> memref<64x256xf32, #tpu.memory_space<hbm>>
        tpu.wait_dma2 semaphore(%dma_wait3A_315 : memref<!tpu.dma_semaphore, #tpu.memory_space<semaphore_mem>>) src(%dma_wait3A_323 : memref<64x256xf32, #tpu.memory_space<hbm>>) dst(%dma_wait3A_319 : memref<64x256xf32, #tpu.memory_space<vmem>>)
        %while3A_324 = arith.subi %reduce_max3A_303, %reduce_max3A_244 : i32
        %while3A_325 = arith.addi %reduce_max3A_244, %while3A_324 : i32
        %while3A_326 = arith.constant 1 : i32
        %while3A_327 = arith.divsi %while3A_324, %while3A_326 : i32
        %while3A_328 = arith.muli %while3A_327, %while3A_326 : i32
        %while3A_329 = arith.addi %reduce_max3A_244, %while3A_328 : i32
        %while3A_330 = arith.constant 1 : i32
        %while3A_331 = scf.for %while3A_341 = %reduce_max3A_244 to %while3A_329 step %while3A_330 iter_args(%while3A_342 = %while3A_186) -> (i32)  : i32 {
          %broadcast_in_dim3A_343 = vector.broadcast %while3A_341 : i32 to vector<16xi32>
          %gather3A = tpu.vector_load_idx %arg14[%broadcast_in_dim3A_343] : memref<4096xi32, #tpu.memory_space<vmem>>[vector<16xi32>], vector<16xi32>,
          %shift_right_arithmetic3A = arith.constant 12 : i32
          %shift_right_arithmetic3A_344 = vector.broadcast %shift_right_arithmetic3A : i32 to vector<16xi32>
          %shift_right_arithmetic3A_345 = arith.shrsi %gather3A, %shift_right_arithmetic3A_344 : vector<16xi32>
          %sub3A_346 = vector.broadcast %mul3A_305 : i32 to vector<16xi32>
          %sub3A_347 = arith.subi %shift_right_arithmetic3A_345, %sub3A_346 : vector<16xi32>
          %and3A_348 = arith.constant 4095 : i32
          %and3A_349 = vector.broadcast %and3A_348 : i32 to vector<16xi32>
          %and3A_350 = arith.andi %gather3A, %and3A_349 : vector<16xi32>
          %mul3A_351 = arith.constant 26 : i32
          %mul3A_352 = vector.broadcast %mul3A_351 : i32 to vector<16xi32>
          %mul3A_353 = arith.muli %and3A_350, %mul3A_352 : vector<16xi32>
          %add3A_354 = vector.broadcast %while3A_126 : i32 to vector<16xi32>
          %add3A_355 = arith.addi %mul3A_353, %add3A_354 : vector<16xi32>
          %add3A_356 = arith.constant 0 : i32
          %add3A_357 = vector.broadcast %add3A_356 : i32 to vector<16xi32>
          %add3A_358 = arith.addi %iota3A, %add3A_357 : vector<16xi32>
          %gather3A_359 = arith.constant 0 : i32
          %gather3A_360 = arith.constant 0 : i32
          %gather3A_361 = tpu.memref_slice %arg8[%rem3A_189, %gather3A_359, %gather3A_360] : memref<4x64x256xf32, #tpu.memory_space<vmem>> -> memref<1x64x256xf32, #tpu.memory_space<vmem>>
          %gather3A_362 = tpu.memref_squeeze %gather3A_361 : memref<1x64x256xf32, #tpu.memory_space<vmem>> -> memref<64x256xf32, #tpu.memory_space<vmem>>
          %gather3A_363 = tpu.vector_load_idx %gather3A_362[%add3A_358, %sub3A_347] : memref<64x256xf32, #tpu.memory_space<vmem>>[vector<16xi32>, vector<16xi32>], vector<16xf32>,
          %add3A_364 = arith.addf %gather3A_363, %get3A_136 : vector<16xf32>
          %add3A_365 = arith.constant 16 : i32
          %add3A_366 = vector.broadcast %add3A_365 : i32 to vector<16xi32>
          %add3A_367 = arith.addi %iota3A, %add3A_366 : vector<16xi32>
          %gather3A_368 = arith.constant 0 : i32
          %gather3A_369 = arith.constant 0 : i32
          %gather3A_370 = tpu.memref_slice %arg8[%rem3A_189, %gather3A_368, %gather3A_369] : memref<4x64x256xf32, #tpu.memory_space<vmem>> -> memref<1x64x256xf32, #tpu.memory_space<vmem>>
          %gather3A_371 = tpu.memref_squeeze %gather3A_370 : memref<1x64x256xf32, #tpu.memory_space<vmem>> -> memref<64x256xf32, #tpu.memory_space<vmem>>
          %gather3A_372 = tpu.vector_load_idx %gather3A_371[%add3A_367, %sub3A_347] : memref<64x256xf32, #tpu.memory_space<vmem>>[vector<16xi32>, vector<16xi32>], vector<16xf32>,
          %add3A_373 = arith.addf %gather3A_372, %get3A_139 : vector<16xf32>
          %add3A_374 = arith.constant 32 : i32
          %add3A_375 = vector.broadcast %add3A_374 : i32 to vector<16xi32>
          %add3A_376 = arith.addi %iota3A, %add3A_375 : vector<16xi32>
          %gather3A_377 = arith.constant 0 : i32
          %gather3A_378 = arith.constant 0 : i32
          %gather3A_379 = tpu.memref_slice %arg8[%rem3A_189, %gather3A_377, %gather3A_378] : memref<4x64x256xf32, #tpu.memory_space<vmem>> -> memref<1x64x256xf32, #tpu.memory_space<vmem>>
          %gather3A_380 = tpu.memref_squeeze %gather3A_379 : memref<1x64x256xf32, #tpu.memory_space<vmem>> -> memref<64x256xf32, #tpu.memory_space<vmem>>
          %gather3A_381 = tpu.vector_load_idx %gather3A_380[%add3A_376, %sub3A_347] : memref<64x256xf32, #tpu.memory_space<vmem>>[vector<16xi32>, vector<16xi32>], vector<16xf32>,
          %add3A_382 = arith.addf %gather3A_381, %get3A_142 : vector<16xf32>
          %add3A_383 = arith.constant 48 : i32
          %add3A_384 = vector.broadcast %add3A_383 : i32 to vector<16xi32>
          %add3A_385 = arith.addi %iota3A, %add3A_384 : vector<16xi32>
          %gather3A_386 = arith.constant 0 : i32
          %gather3A_387 = arith.constant 0 : i32
          %gather3A_388 = tpu.memref_slice %arg8[%rem3A_189, %gather3A_386, %gather3A_387] : memref<4x64x256xf32, #tpu.memory_space<vmem>> -> memref<1x64x256xf32, #tpu.memory_space<vmem>>
          %gather3A_389 = tpu.memref_squeeze %gather3A_388 : memref<1x64x256xf32, #tpu.memory_space<vmem>> -> memref<64x256xf32, #tpu.memory_space<vmem>>
          %gather3A_390 = tpu.vector_load_idx %gather3A_389[%add3A_385, %sub3A_347] : memref<64x256xf32, #tpu.memory_space<vmem>>[vector<16xi32>, vector<16xi32>], vector<16xf32>,
          %add3A_391 = arith.addf %gather3A_390, %get3A_145 : vector<16xf32>
          %jit3A_392 = arith.constant 128 : i32
          %eq3A_393 = arith.constant 0 : i32
          %eq3A_394 = arith.cmpi eq, %jit3A_392, %eq3A_393 : i32
          %jit3A_395 = arith.constant 1 : i32
          %select_n3A_396 = arith.select %eq3A_394, %jit3A_395, %jit3A_392 : i32
          %rem3A_397 = arith.remsi %while3A_342, %select_n3A_396 : i32
          %ne3A_398 = arith.constant 0 : i32
          %ne3A_399 = arith.cmpi ne, %rem3A_397, %ne3A_398 : i32
          %lt3A_400 = arith.constant 0 : i32
          %lt3A_401 = arith.cmpi slt, %rem3A_397, %lt3A_400 : i32
          %lt3A_402 = arith.constant 0 : i32
          %lt3A_403 = arith.cmpi slt, %select_n3A_396, %lt3A_402 : i32
          %ne3A_404 = arith.xori %lt3A_401, %lt3A_403 : i1
          %and3A_405 = arith.andi %ne3A_404, %ne3A_399 : i1
          %add3A_406 = arith.addi %rem3A_397, %select_n3A_396 : i32
          %select_n3A_407 = arith.select %and3A_405, %add3A_406, %rem3A_397 : i32
          %jit3A_408 = arith.constant 128 : i32
          %div3A_409 = arith.divsi %while3A_342, %jit3A_408 : i32
          %sign3A_410 = arith.constant 0 : i32
          %sign3A_411 = arith.cmpi sgt, %while3A_342, %sign3A_410 : i32
          %sign3A_412 = arith.extui %sign3A_411 : i1 to i32
          %sign3A_413 = arith.constant 0 : i32
          %sign3A_414 = arith.cmpi slt, %while3A_342, %sign3A_413 : i32
          %sign3A_415 = arith.extui %sign3A_414 : i1 to i32
          %sign3A_416 = arith.subi %sign3A_412, %sign3A_415 : i32
          %sign3A_417 = arith.constant 0 : i32
          %sign3A_418 = arith.cmpi sgt, %jit3A_408, %sign3A_417 : i32
          %sign3A_419 = arith.extui %sign3A_418 : i1 to i32
          %sign3A_420 = arith.constant 0 : i32
          %sign3A_421 = arith.cmpi slt, %jit3A_408, %sign3A_420 : i32
          %sign3A_422 = arith.extui %sign3A_421 : i1 to i32
          %sign3A_423 = arith.subi %sign3A_419, %sign3A_422 : i32
          %ne3A_424 = arith.cmpi ne, %sign3A_416, %sign3A_423 : i32
          %rem3A_425 = arith.remsi %while3A_342, %jit3A_408 : i32
          %ne3A_426 = arith.constant 0 : i32
          %ne3A_427 = arith.cmpi ne, %rem3A_425, %ne3A_426 : i32
          %and3A_428 = arith.andi %ne3A_424, %ne3A_427 : i1
          %sub3A_429 = arith.constant 1 : i32
          %sub3A_430 = arith.subi %div3A_409, %sub3A_429 : i32
          %select_n3A_431 = arith.select %and3A_428, %sub3A_430, %div3A_409 : i32
          %rem3A_432 = arith.constant 2 : i32
          %rem3A_433 = arith.remsi %select_n3A_431, %rem3A_432 : i32
          %broadcast_in_dim3A_434 = vector.broadcast %select_n3A_407 : i32 to vector<16xi32>
          %eq3A_435 = arith.constant 0 : i32
          %eq3A_436 = arith.cmpi eq, %select_n3A_407, %eq3A_435 : i32
          %ge3A_437 = arith.constant 2 : i32
          %ge3A_438 = arith.cmpi sge, %select_n3A_431, %ge3A_437 : i32
          %and3A_439 = arith.andi %eq3A_436, %ge3A_438 : i1
          %convert_element_type3A_440 = arith.extui %and3A_439 : i1 to i32
          %cond3A_441 = arith.constant 0 : i32
          %cond3A_442 = arith.cmpi ne, %convert_element_type3A_440, %cond3A_441 : i32
          scf.if %cond3A_442 {
            %dma_wait3A_467 = arith.constant 0 : i32
            %dma_wait3A_468 = arith.constant 0 : i32
            %dma_wait3A_469 = arith.constant 0 : i32
            %dma_wait3A_470 = tpu.memref_slice %arg9[%rem3A_433, %dma_wait3A_468, %dma_wait3A_469] : memref<2x128x128xf32, #tpu.memory_space<vmem>> -> memref<1x128x128xf32, #tpu.memory_space<vmem>>
            %dma_wait3A_471 = tpu.memref_squeeze %dma_wait3A_470 : memref<1x128x128xf32, #tpu.memory_space<vmem>> -> memref<128x128xf32, #tpu.memory_space<vmem>>
            %dma_wait3A_472 = arith.constant 0 : i32
            %dma_wait3A_473 = arith.constant 0 : i32
            %dma_wait3A_474 = tpu.memref_slice %arg4[%dma_wait3A_467, %dma_wait3A_472, %dma_wait3A_473] : memref<26x64x100000xf32, #tpu.memory_space<hbm>> -> memref<1x64x256xf32, #tpu.memory_space<hbm>>
            %dma_wait3A_475 = tpu.memref_squeeze %dma_wait3A_474 : memref<1x64x256xf32, #tpu.memory_space<hbm>> -> memref<64x256xf32, #tpu.memory_space<hbm>>
            %dma_wait3A_476 = tpu.memref_slice %arg17[%rem3A_433] : memref<2x!tpu.dma_semaphore, #tpu.memory_space<semaphore_mem>> -> memref<1x!tpu.dma_semaphore, #tpu.memory_space<semaphore_mem>>
            %dma_wait3A_477 = tpu.memref_squeeze %dma_wait3A_476 : memref<1x!tpu.dma_semaphore, #tpu.memory_space<semaphore_mem>> -> memref<!tpu.dma_semaphore, #tpu.memory_space<semaphore_mem>>
            %dma_wait3A_478 = arith.constant 0 : i32
            %dma_wait3A_479 = arith.constant 0 : i32
            %dma_wait3A_480 = tpu.memref_slice %arg9[%rem3A_433, %dma_wait3A_478, %dma_wait3A_479] : memref<2x128x128xf32, #tpu.memory_space<vmem>> -> memref<1x128x128xf32, #tpu.memory_space<vmem>>
            %dma_wait3A_481 = tpu.memref_squeeze %dma_wait3A_480 : memref<1x128x128xf32, #tpu.memory_space<vmem>> -> memref<128x128xf32, #tpu.memory_space<vmem>>
            %dma_wait3A_482 = arith.constant 0 : i32
            %dma_wait3A_483 = arith.constant 0 : i32
            %dma_wait3A_484 = tpu.memref_slice %arg4[%dma_wait3A_467, %dma_wait3A_482, %dma_wait3A_483] : memref<26x64x100000xf32, #tpu.memory_space<hbm>> -> memref<1x64x256xf32, #tpu.memory_space<hbm>>
            %dma_wait3A_485 = tpu.memref_squeeze %dma_wait3A_484 : memref<1x64x256xf32, #tpu.memory_space<hbm>> -> memref<64x256xf32, #tpu.memory_space<hbm>>
            tpu.wait_dma2 semaphore(%dma_wait3A_477 : memref<!tpu.dma_semaphore, #tpu.memory_space<semaphore_mem>>) src(%dma_wait3A_485 : memref<64x256xf32, #tpu.memory_space<hbm>>) dst(%dma_wait3A_481 : memref<128x128xf32, #tpu.memory_space<vmem>>)
          } else {
          }
          %swap3A = arith.index_cast %rem3A_433 : i32 to index
          %swap3A_443 = arith.index_cast %select_n3A_407 : i32 to index
          %swap3A_444 = arith.constant 0 : index
          %swap3A_445 = tpu.vector_load %arg9[%swap3A, %swap3A_443, %swap3A_444] {strides = array<i32>} : memref<2x128x128xf32, #tpu.memory_space<vmem>>, vector<16xf32>,
          tpu.vector_store %arg9[%swap3A, %swap3A_443, %swap3A_444], %add3A_364 {strides = array<i32>} : memref<2x128x128xf32, #tpu.memory_space<vmem>>, vector<16xf32>,
          %swap3A_446 = arith.index_cast %rem3A_433 : i32 to index
          %swap3A_447 = arith.index_cast %select_n3A_407 : i32 to index
          %swap3A_448 = arith.constant 16 : index
          %swap3A_449 = tpu.vector_load %arg9[%swap3A_446, %swap3A_447, %swap3A_448] {strides = array<i32>} : memref<2x128x128xf32, #tpu.memory_space<vmem>>, vector<16xf32>,
          tpu.vector_store %arg9[%swap3A_446, %swap3A_447, %swap3A_448], %add3A_373 {strides = array<i32>} : memref<2x128x128xf32, #tpu.memory_space<vmem>>, vector<16xf32>,
          %swap3A_450 = arith.index_cast %rem3A_433 : i32 to index
          %swap3A_451 = arith.index_cast %select_n3A_407 : i32 to index
          %swap3A_452 = arith.constant 32 : index
          %swap3A_453 = tpu.vector_load %arg9[%swap3A_450, %swap3A_451, %swap3A_452] {strides = array<i32>} : memref<2x128x128xf32, #tpu.memory_space<vmem>>, vector<16xf32>,
          tpu.vector_store %arg9[%swap3A_450, %swap3A_451, %swap3A_452], %add3A_382 {strides = array<i32>} : memref<2x128x128xf32, #tpu.memory_space<vmem>>, vector<16xf32>,
          %swap3A_454 = arith.index_cast %rem3A_433 : i32 to index
          %swap3A_455 = arith.index_cast %select_n3A_407 : i32 to index
          %swap3A_456 = arith.constant 48 : index
          %swap3A_457 = tpu.vector_load %arg9[%swap3A_454, %swap3A_455, %swap3A_456] {strides = array<i32>} : memref<2x128x128xf32, #tpu.memory_space<vmem>>, vector<16xf32>,
          tpu.vector_store %arg9[%swap3A_454, %swap3A_455, %swap3A_456], %add3A_391 {strides = array<i32>} : memref<2x128x128xf32, #tpu.memory_space<vmem>>, vector<16xf32>,
          %scatter3A = arith.constant 0 : i32
          %scatter3A_458 = tpu.memref_slice %arg11[%rem3A_433, %scatter3A] : memref<2x128xi32, #tpu.memory_space<vmem>> -> memref<1x128xi32, #tpu.memory_space<vmem>>
          %scatter3A_459 = tpu.memref_squeeze %scatter3A_458 : memref<1x128xi32, #tpu.memory_space<vmem>> -> memref<128xi32, #tpu.memory_space<vmem>>
          tpu.vector_store_idx %scatter3A_459[%broadcast_in_dim3A_434], %add3A_355 masked %eq3A_51 : memref<128xi32, #tpu.memory_space<vmem>>[vector<16xi32>], vector<16xi32>, vector<16xi1>
          %eq3A_460 = arith.constant 127 : i32
          %eq3A_461 = arith.cmpi eq, %select_n3A_407, %eq3A_460 : i32
          %convert_element_type3A_462 = arith.extui %eq3A_461 : i1 to i32
          %cond3A_463 = arith.constant 0 : i32
          %cond3A_464 = arith.cmpi ne, %convert_element_type3A_462, %cond3A_463 : i32
          scf.if %cond3A_464 {
            %dma_start3A = arith.constant 0 : i32
            %dma_start3A_467 = arith.constant 0 : i32
            %dma_start3A_468 = tpu.memref_slice %arg9[%rem3A_433, %dma_start3A, %dma_start3A_467] : memref<2x128x128xf32, #tpu.memory_space<vmem>> -> memref<1x128x128xf32, #tpu.memory_space<vmem>>
            %dma_start3A_469 = tpu.memref_squeeze %dma_start3A_468 : memref<1x128x128xf32, #tpu.memory_space<vmem>> -> memref<128x128xf32, #tpu.memory_space<vmem>>
            %dma_start3A_470 = arith.constant 0 : i32
            %dma_start3A_471 = tpu.memref_slice %arg11[%rem3A_433, %dma_start3A_470] : memref<2x128xi32, #tpu.memory_space<vmem>> -> memref<1x128xi32, #tpu.memory_space<vmem>>
            %dma_start3A_472 = tpu.memref_squeeze %dma_start3A_471 : memref<1x128xi32, #tpu.memory_space<vmem>> -> memref<128xi32, #tpu.memory_space<vmem>>
            %dma_start3A_473 = arith.constant 0 : i32
            %dma_start3A_474 = arith.constant 0 : i32
            %dma_start3A_475 = tpu.memref_slice %arg7[%dma_start3A_473, %dma_start3A_474] : memref<106504x128xf32, #tpu.memory_space<hbm>> -> memref<106504x128xf32, #tpu.memory_space<hbm>>
            %dma_start3A_476 = tpu.memref_slice %arg17[%rem3A_433] : memref<2x!tpu.dma_semaphore, #tpu.memory_space<semaphore_mem>> -> memref<1x!tpu.dma_semaphore, #tpu.memory_space<semaphore_mem>>
            %dma_start3A_477 = tpu.memref_squeeze %dma_start3A_476 : memref<1x!tpu.dma_semaphore, #tpu.memory_space<semaphore_mem>> -> memref<!tpu.dma_semaphore, #tpu.memory_space<semaphore_mem>>
            tpu.enqueue_indirect_dma source(%dma_start3A_469 : memref<128x128xf32, #tpu.memory_space<vmem>>) target(%dma_start3A_475 : memref<106504x128xf32, #tpu.memory_space<hbm>>) offsets(%dma_start3A_472 : memref<128xi32, #tpu.memory_space<vmem>>) semaphore(%dma_start3A_477 : memref<!tpu.dma_semaphore, #tpu.memory_space<semaphore_mem>>)
          } else {
          }
          %add3A_465 = arith.constant 1 : i32
          %add3A_466 = arith.addi %while3A_342, %add3A_465 : i32
          scf.yield %add3A_466 : i32
        }
        %while3A_332 = arith.constant 1 : i32
        %while3A_333 = scf.for %while3A_341 = %while3A_329 to %while3A_325 step %while3A_332 iter_args(%while3A_342 = %while3A_331) -> (i32)  : i32 {
          %broadcast_in_dim3A_343 = vector.broadcast %while3A_341 : i32 to vector<16xi32>
          %gather3A = tpu.vector_load_idx %arg14[%broadcast_in_dim3A_343] : memref<4096xi32, #tpu.memory_space<vmem>>[vector<16xi32>], vector<16xi32>,
          %shift_right_arithmetic3A = arith.constant 12 : i32
          %shift_right_arithmetic3A_344 = vector.broadcast %shift_right_arithmetic3A : i32 to vector<16xi32>
          %shift_right_arithmetic3A_345 = arith.shrsi %gather3A, %shift_right_arithmetic3A_344 : vector<16xi32>
          %sub3A_346 = vector.broadcast %mul3A_305 : i32 to vector<16xi32>
          %sub3A_347 = arith.subi %shift_right_arithmetic3A_345, %sub3A_346 : vector<16xi32>
          %and3A_348 = arith.constant 4095 : i32
          %and3A_349 = vector.broadcast %and3A_348 : i32 to vector<16xi32>
          %and3A_350 = arith.andi %gather3A, %and3A_349 : vector<16xi32>
          %mul3A_351 = arith.constant 26 : i32
          %mul3A_352 = vector.broadcast %mul3A_351 : i32 to vector<16xi32>
          %mul3A_353 = arith.muli %and3A_350, %mul3A_352 : vector<16xi32>
          %add3A_354 = vector.broadcast %while3A_126 : i32 to vector<16xi32>
          %add3A_355 = arith.addi %mul3A_353, %add3A_354 : vector<16xi32>
          %add3A_356 = arith.constant 0 : i32
          %add3A_357 = vector.broadcast %add3A_356 : i32 to vector<16xi32>
          %add3A_358 = arith.addi %iota3A, %add3A_357 : vector<16xi32>
          %gather3A_359 = arith.constant 0 : i32
          %gather3A_360 = arith.constant 0 : i32
          %gather3A_361 = tpu.memref_slice %arg8[%rem3A_189, %gather3A_359, %gather3A_360] : memref<4x64x256xf32, #tpu.memory_space<vmem>> -> memref<1x64x256xf32, #tpu.memory_space<vmem>>
          %gather3A_362 = tpu.memref_squeeze %gather3A_361 : memref<1x64x256xf32, #tpu.memory_space<vmem>> -> memref<64x256xf32, #tpu.memory_space<vmem>>
          %gather3A_363 = tpu.vector_load_idx %gather3A_362[%add3A_358, %sub3A_347] : memref<64x256xf32, #tpu.memory_space<vmem>>[vector<16xi32>, vector<16xi32>], vector<16xf32>,
          %add3A_364 = arith.addf %gather3A_363, %get3A_136 : vector<16xf32>
          %add3A_365 = arith.constant 16 : i32
          %add3A_366 = vector.broadcast %add3A_365 : i32 to vector<16xi32>
          %add3A_367 = arith.addi %iota3A, %add3A_366 : vector<16xi32>
          %gather3A_368 = arith.constant 0 : i32
          %gather3A_369 = arith.constant 0 : i32
          %gather3A_370 = tpu.memref_slice %arg8[%rem3A_189, %gather3A_368, %gather3A_369] : memref<4x64x256xf32, #tpu.memory_space<vmem>> -> memref<1x64x256xf32, #tpu.memory_space<vmem>>
          %gather3A_371 = tpu.memref_squeeze %gather3A_370 : memref<1x64x256xf32, #tpu.memory_space<vmem>> -> memref<64x256xf32, #tpu.memory_space<vmem>>
          %gather3A_372 = tpu.vector_load_idx %gather3A_371[%add3A_367, %sub3A_347] : memref<64x256xf32, #tpu.memory_space<vmem>>[vector<16xi32>, vector<16xi32>], vector<16xf32>,
          %add3A_373 = arith.addf %gather3A_372, %get3A_139 : vector<16xf32>
          %add3A_374 = arith.constant 32 : i32
          %add3A_375 = vector.broadcast %add3A_374 : i32 to vector<16xi32>
          %add3A_376 = arith.addi %iota3A, %add3A_375 : vector<16xi32>
          %gather3A_377 = arith.constant 0 : i32
          %gather3A_378 = arith.constant 0 : i32
          %gather3A_379 = tpu.memref_slice %arg8[%rem3A_189, %gather3A_377, %gather3A_378] : memref<4x64x256xf32, #tpu.memory_space<vmem>> -> memref<1x64x256xf32, #tpu.memory_space<vmem>>
          %gather3A_380 = tpu.memref_squeeze %gather3A_379 : memref<1x64x256xf32, #tpu.memory_space<vmem>> -> memref<64x256xf32, #tpu.memory_space<vmem>>
          %gather3A_381 = tpu.vector_load_idx %gather3A_380[%add3A_376, %sub3A_347] : memref<64x256xf32, #tpu.memory_space<vmem>>[vector<16xi32>, vector<16xi32>], vector<16xf32>,
          %add3A_382 = arith.addf %gather3A_381, %get3A_142 : vector<16xf32>
          %add3A_383 = arith.constant 48 : i32
          %add3A_384 = vector.broadcast %add3A_383 : i32 to vector<16xi32>
          %add3A_385 = arith.addi %iota3A, %add3A_384 : vector<16xi32>
          %gather3A_386 = arith.constant 0 : i32
          %gather3A_387 = arith.constant 0 : i32
          %gather3A_388 = tpu.memref_slice %arg8[%rem3A_189, %gather3A_386, %gather3A_387] : memref<4x64x256xf32, #tpu.memory_space<vmem>> -> memref<1x64x256xf32, #tpu.memory_space<vmem>>
          %gather3A_389 = tpu.memref_squeeze %gather3A_388 : memref<1x64x256xf32, #tpu.memory_space<vmem>> -> memref<64x256xf32, #tpu.memory_space<vmem>>
          %gather3A_390 = tpu.vector_load_idx %gather3A_389[%add3A_385, %sub3A_347] : memref<64x256xf32, #tpu.memory_space<vmem>>[vector<16xi32>, vector<16xi32>], vector<16xf32>,
          %add3A_391 = arith.addf %gather3A_390, %get3A_145 : vector<16xf32>
          %jit3A_392 = arith.constant 128 : i32
          %eq3A_393 = arith.constant 0 : i32
          %eq3A_394 = arith.cmpi eq, %jit3A_392, %eq3A_393 : i32
          %jit3A_395 = arith.constant 1 : i32
          %select_n3A_396 = arith.select %eq3A_394, %jit3A_395, %jit3A_392 : i32
          %rem3A_397 = arith.remsi %while3A_342, %select_n3A_396 : i32
          %ne3A_398 = arith.constant 0 : i32
          %ne3A_399 = arith.cmpi ne, %rem3A_397, %ne3A_398 : i32
          %lt3A_400 = arith.constant 0 : i32
          %lt3A_401 = arith.cmpi slt, %rem3A_397, %lt3A_400 : i32
          %lt3A_402 = arith.constant 0 : i32
          %lt3A_403 = arith.cmpi slt, %select_n3A_396, %lt3A_402 : i32
          %ne3A_404 = arith.xori %lt3A_401, %lt3A_403 : i1
          %and3A_405 = arith.andi %ne3A_404, %ne3A_399 : i1
          %add3A_406 = arith.addi %rem3A_397, %select_n3A_396 : i32
          %select_n3A_407 = arith.select %and3A_405, %add3A_406, %rem3A_397 : i32
          %jit3A_408 = arith.constant 128 : i32
          %div3A_409 = arith.divsi %while3A_342, %jit3A_408 : i32
          %sign3A_410 = arith.constant 0 : i32
          %sign3A_411 = arith.cmpi sgt, %while3A_342, %sign3A_410 : i32
          %sign3A_412 = arith.extui %sign3A_411 : i1 to i32
          %sign3A_413 = arith.constant 0 : i32
          %sign3A_414 = arith.cmpi slt, %while3A_342, %sign3A_413 : i32
          %sign3A_415 = arith.extui %sign3A_414 : i1 to i32
          %sign3A_416 = arith.subi %sign3A_412, %sign3A_415 : i32
          %sign3A_417 = arith.constant 0 : i32
          %sign3A_418 = arith.cmpi sgt, %jit3A_408, %sign3A_417 : i32
          %sign3A_419 = arith.extui %sign3A_418 : i1 to i32
          %sign3A_420 = arith.constant 0 : i32
          %sign3A_421 = arith.cmpi slt, %jit3A_408, %sign3A_420 : i32
          %sign3A_422 = arith.extui %sign3A_421 : i1 to i32
          %sign3A_423 = arith.subi %sign3A_419, %sign3A_422 : i32
          %ne3A_424 = arith.cmpi ne, %sign3A_416, %sign3A_423 : i32
          %rem3A_425 = arith.remsi %while3A_342, %jit3A_408 : i32
          %ne3A_426 = arith.constant 0 : i32
          %ne3A_427 = arith.cmpi ne, %rem3A_425, %ne3A_426 : i32
          %and3A_428 = arith.andi %ne3A_424, %ne3A_427 : i1
          %sub3A_429 = arith.constant 1 : i32
          %sub3A_430 = arith.subi %div3A_409, %sub3A_429 : i32
          %select_n3A_431 = arith.select %and3A_428, %sub3A_430, %div3A_409 : i32
          %rem3A_432 = arith.constant 2 : i32
          %rem3A_433 = arith.remsi %select_n3A_431, %rem3A_432 : i32
          %broadcast_in_dim3A_434 = vector.broadcast %select_n3A_407 : i32 to vector<16xi32>
          %eq3A_435 = arith.constant 0 : i32
          %eq3A_436 = arith.cmpi eq, %select_n3A_407, %eq3A_435 : i32
          %ge3A_437 = arith.constant 2 : i32
          %ge3A_438 = arith.cmpi sge, %select_n3A_431, %ge3A_437 : i32
          %and3A_439 = arith.andi %eq3A_436, %ge3A_438 : i1
          %convert_element_type3A_440 = arith.extui %and3A_439 : i1 to i32
          %cond3A_441 = arith.constant 0 : i32
          %cond3A_442 = arith.cmpi ne, %convert_element_type3A_440, %cond3A_441 : i32
          scf.if %cond3A_442 {
            %dma_wait3A_467 = arith.constant 0 : i32
            %dma_wait3A_468 = arith.constant 0 : i32
            %dma_wait3A_469 = arith.constant 0 : i32
            %dma_wait3A_470 = tpu.memref_slice %arg9[%rem3A_433, %dma_wait3A_468, %dma_wait3A_469] : memref<2x128x128xf32, #tpu.memory_space<vmem>> -> memref<1x128x128xf32, #tpu.memory_space<vmem>>
            %dma_wait3A_471 = tpu.memref_squeeze %dma_wait3A_470 : memref<1x128x128xf32, #tpu.memory_space<vmem>> -> memref<128x128xf32, #tpu.memory_space<vmem>>
            %dma_wait3A_472 = arith.constant 0 : i32
            %dma_wait3A_473 = arith.constant 0 : i32
            %dma_wait3A_474 = tpu.memref_slice %arg4[%dma_wait3A_467, %dma_wait3A_472, %dma_wait3A_473] : memref<26x64x100000xf32, #tpu.memory_space<hbm>> -> memref<1x64x256xf32, #tpu.memory_space<hbm>>
            %dma_wait3A_475 = tpu.memref_squeeze %dma_wait3A_474 : memref<1x64x256xf32, #tpu.memory_space<hbm>> -> memref<64x256xf32, #tpu.memory_space<hbm>>
            %dma_wait3A_476 = tpu.memref_slice %arg17[%rem3A_433] : memref<2x!tpu.dma_semaphore, #tpu.memory_space<semaphore_mem>> -> memref<1x!tpu.dma_semaphore, #tpu.memory_space<semaphore_mem>>
            %dma_wait3A_477 = tpu.memref_squeeze %dma_wait3A_476 : memref<1x!tpu.dma_semaphore, #tpu.memory_space<semaphore_mem>> -> memref<!tpu.dma_semaphore, #tpu.memory_space<semaphore_mem>>
            %dma_wait3A_478 = arith.constant 0 : i32
            %dma_wait3A_479 = arith.constant 0 : i32
            %dma_wait3A_480 = tpu.memref_slice %arg9[%rem3A_433, %dma_wait3A_478, %dma_wait3A_479] : memref<2x128x128xf32, #tpu.memory_space<vmem>> -> memref<1x128x128xf32, #tpu.memory_space<vmem>>
            %dma_wait3A_481 = tpu.memref_squeeze %dma_wait3A_480 : memref<1x128x128xf32, #tpu.memory_space<vmem>> -> memref<128x128xf32, #tpu.memory_space<vmem>>
            %dma_wait3A_482 = arith.constant 0 : i32
            %dma_wait3A_483 = arith.constant 0 : i32
            %dma_wait3A_484 = tpu.memref_slice %arg4[%dma_wait3A_467, %dma_wait3A_482, %dma_wait3A_483] : memref<26x64x100000xf32, #tpu.memory_space<hbm>> -> memref<1x64x256xf32, #tpu.memory_space<hbm>>
            %dma_wait3A_485 = tpu.memref_squeeze %dma_wait3A_484 : memref<1x64x256xf32, #tpu.memory_space<hbm>> -> memref<64x256xf32, #tpu.memory_space<hbm>>
            tpu.wait_dma2 semaphore(%dma_wait3A_477 : memref<!tpu.dma_semaphore, #tpu.memory_space<semaphore_mem>>) src(%dma_wait3A_485 : memref<64x256xf32, #tpu.memory_space<hbm>>) dst(%dma_wait3A_481 : memref<128x128xf32, #tpu.memory_space<vmem>>)
          } else {
          }
          %swap3A = arith.index_cast %rem3A_433 : i32 to index
          %swap3A_443 = arith.index_cast %select_n3A_407 : i32 to index
          %swap3A_444 = arith.constant 0 : index
          %swap3A_445 = tpu.vector_load %arg9[%swap3A, %swap3A_443, %swap3A_444] {strides = array<i32>} : memref<2x128x128xf32, #tpu.memory_space<vmem>>, vector<16xf32>,
          tpu.vector_store %arg9[%swap3A, %swap3A_443, %swap3A_444], %add3A_364 {strides = array<i32>} : memref<2x128x128xf32, #tpu.memory_space<vmem>>, vector<16xf32>,
          %swap3A_446 = arith.index_cast %rem3A_433 : i32 to index
          %swap3A_447 = arith.index_cast %select_n3A_407 : i32 to index
          %swap3A_448 = arith.constant 16 : index
          %swap3A_449 = tpu.vector_load %arg9[%swap3A_446, %swap3A_447, %swap3A_448] {strides = array<i32>} : memref<2x128x128xf32, #tpu.memory_space<vmem>>, vector<16xf32>,
          tpu.vector_store %arg9[%swap3A_446, %swap3A_447, %swap3A_448], %add3A_373 {strides = array<i32>} : memref<2x128x128xf32, #tpu.memory_space<vmem>>, vector<16xf32>,
          %swap3A_450 = arith.index_cast %rem3A_433 : i32 to index
          %swap3A_451 = arith.index_cast %select_n3A_407 : i32 to index
          %swap3A_452 = arith.constant 32 : index
          %swap3A_453 = tpu.vector_load %arg9[%swap3A_450, %swap3A_451, %swap3A_452] {strides = array<i32>} : memref<2x128x128xf32, #tpu.memory_space<vmem>>, vector<16xf32>,
          tpu.vector_store %arg9[%swap3A_450, %swap3A_451, %swap3A_452], %add3A_382 {strides = array<i32>} : memref<2x128x128xf32, #tpu.memory_space<vmem>>, vector<16xf32>,
          %swap3A_454 = arith.index_cast %rem3A_433 : i32 to index
          %swap3A_455 = arith.index_cast %select_n3A_407 : i32 to index
          %swap3A_456 = arith.constant 48 : index
          %swap3A_457 = tpu.vector_load %arg9[%swap3A_454, %swap3A_455, %swap3A_456] {strides = array<i32>} : memref<2x128x128xf32, #tpu.memory_space<vmem>>, vector<16xf32>,
          tpu.vector_store %arg9[%swap3A_454, %swap3A_455, %swap3A_456], %add3A_391 {strides = array<i32>} : memref<2x128x128xf32, #tpu.memory_space<vmem>>, vector<16xf32>,
          %scatter3A = arith.constant 0 : i32
          %scatter3A_458 = tpu.memref_slice %arg11[%rem3A_433, %scatter3A] : memref<2x128xi32, #tpu.memory_space<vmem>> -> memref<1x128xi32, #tpu.memory_space<vmem>>
          %scatter3A_459 = tpu.memref_squeeze %scatter3A_458 : memref<1x128xi32, #tpu.memory_space<vmem>> -> memref<128xi32, #tpu.memory_space<vmem>>
          tpu.vector_store_idx %scatter3A_459[%broadcast_in_dim3A_434], %add3A_355 masked %eq3A_51 : memref<128xi32, #tpu.memory_space<vmem>>[vector<16xi32>], vector<16xi32>, vector<16xi1>
          %eq3A_460 = arith.constant 127 : i32
          %eq3A_461 = arith.cmpi eq, %select_n3A_407, %eq3A_460 : i32
          %convert_element_type3A_462 = arith.extui %eq3A_461 : i1 to i32
          %cond3A_463 = arith.constant 0 : i32
          %cond3A_464 = arith.cmpi ne, %convert_element_type3A_462, %cond3A_463 : i32
          scf.if %cond3A_464 {
            %dma_start3A = arith.constant 0 : i32
            %dma_start3A_467 = arith.constant 0 : i32
            %dma_start3A_468 = tpu.memref_slice %arg9[%rem3A_433, %dma_start3A, %dma_start3A_467] : memref<2x128x128xf32, #tpu.memory_space<vmem>> -> memref<1x128x128xf32, #tpu.memory_space<vmem>>
            %dma_start3A_469 = tpu.memref_squeeze %dma_start3A_468 : memref<1x128x128xf32, #tpu.memory_space<vmem>> -> memref<128x128xf32, #tpu.memory_space<vmem>>
            %dma_start3A_470 = arith.constant 0 : i32
            %dma_start3A_471 = tpu.memref_slice %arg11[%rem3A_433, %dma_start3A_470] : memref<2x128xi32, #tpu.memory_space<vmem>> -> memref<1x128xi32, #tpu.memory_space<vmem>>
            %dma_start3A_472 = tpu.memref_squeeze %dma_start3A_471 : memref<1x128xi32, #tpu.memory_space<vmem>> -> memref<128xi32, #tpu.memory_space<vmem>>
            %dma_start3A_473 = arith.constant 0 : i32
            %dma_start3A_474 = arith.constant 0 : i32
            %dma_start3A_475 = tpu.memref_slice %arg7[%dma_start3A_473, %dma_start3A_474] : memref<106504x128xf32, #tpu.memory_space<hbm>> -> memref<106504x128xf32, #tpu.memory_space<hbm>>
            %dma_start3A_476 = tpu.memref_slice %arg17[%rem3A_433] : memref<2x!tpu.dma_semaphore, #tpu.memory_space<semaphore_mem>> -> memref<1x!tpu.dma_semaphore, #tpu.memory_space<semaphore_mem>>
            %dma_start3A_477 = tpu.memref_squeeze %dma_start3A_476 : memref<1x!tpu.dma_semaphore, #tpu.memory_space<semaphore_mem>> -> memref<!tpu.dma_semaphore, #tpu.memory_space<semaphore_mem>>
            tpu.enqueue_indirect_dma source(%dma_start3A_469 : memref<128x128xf32, #tpu.memory_space<vmem>>) target(%dma_start3A_475 : memref<106504x128xf32, #tpu.memory_space<hbm>>) offsets(%dma_start3A_472 : memref<128xi32, #tpu.memory_space<vmem>>) semaphore(%dma_start3A_477 : memref<!tpu.dma_semaphore, #tpu.memory_space<semaphore_mem>>)
          } else {
          }
          %add3A_465 = arith.constant 1 : i32
          %add3A_466 = arith.addi %while3A_342, %add3A_465 : i32
          scf.yield %add3A_466 : i32
        }
        %add3A_334 = arith.constant 4 : i32
        %add3A_335 = arith.addi %while3A_185, %add3A_334 : i32
        %add3A_336 = arith.addi %sub3A_130, %sub3A_148 : i32
        %lt3A_337 = arith.cmpi slt, %add3A_335, %add3A_336 : i32
        %convert_element_type3A_338 = arith.extui %lt3A_337 : i1 to i32
        %cond3A_339 = arith.constant 0 : i32
        %cond3A_340 = arith.cmpi ne, %convert_element_type3A_338, %cond3A_339 : i32
        scf.if %cond3A_340 {
          %add3A_341 = arith.constant 4 : i32
          %add3A_342 = arith.addi %while3A_185, %add3A_341 : i32
          %mul3A_343 = arith.constant 256 : i32
          %mul3A_344 = arith.muli %add3A_342, %mul3A_343 : i32
          %multiple_of3A = tpu.assume_multiple %mul3A_344, 128 : i32
          %dma_start3A = arith.constant 0 : i32
          %dma_start3A_345 = arith.constant 0 : i32
          %dma_start3A_346 = tpu.memref_slice %arg8[%rem3A_189, %dma_start3A, %dma_start3A_345] : memref<4x64x256xf32, #tpu.memory_space<vmem>> -> memref<1x64x256xf32, #tpu.memory_space<vmem>>
          %dma_start3A_347 = tpu.memref_squeeze %dma_start3A_346 : memref<1x64x256xf32, #tpu.memory_space<vmem>> -> memref<64x256xf32, #tpu.memory_space<vmem>>
          %dma_start3A_348 = arith.constant 0 : i32
          %dma_start3A_349 = tpu.memref_slice %arg4[%while3A_126, %dma_start3A_348, %multiple_of3A] : memref<26x64x100000xf32, #tpu.memory_space<hbm>> -> memref<1x64x256xf32, #tpu.memory_space<hbm>>
          %dma_start3A_350 = tpu.memref_squeeze %dma_start3A_349 : memref<1x64x256xf32, #tpu.memory_space<hbm>> -> memref<64x256xf32, #tpu.memory_space<hbm>>
          %dma_start3A_351 = tpu.memref_slice %arg16[%rem3A_189] : memref<4x!tpu.dma_semaphore, #tpu.memory_space<semaphore_mem>> -> memref<1x!tpu.dma_semaphore, #tpu.memory_space<semaphore_mem>>
          %dma_start3A_352 = tpu.memref_squeeze %dma_start3A_351 : memref<1x!tpu.dma_semaphore, #tpu.memory_space<semaphore_mem>> -> memref<!tpu.dma_semaphore, #tpu.memory_space<semaphore_mem>>
          %dma_start3A_353 = arith.constant 0 : i32
          %dma_start3A_354 = arith.constant 0 : i32
          %dma_start3A_355 = tpu.memref_slice %arg8[%rem3A_189, %dma_start3A_353, %dma_start3A_354] : memref<4x64x256xf32, #tpu.memory_space<vmem>> -> memref<1x64x256xf32, #tpu.memory_space<vmem>>
          %dma_start3A_356 = tpu.memref_squeeze %dma_start3A_355 : memref<1x64x256xf32, #tpu.memory_space<vmem>> -> memref<64x256xf32, #tpu.memory_space<vmem>>
          %dma_start3A_357 = arith.constant 0 : i32
          %dma_start3A_358 = tpu.memref_slice %arg4[%while3A_126, %dma_start3A_357, %multiple_of3A] : memref<26x64x100000xf32, #tpu.memory_space<hbm>> -> memref<1x64x256xf32, #tpu.memory_space<hbm>>
          %dma_start3A_359 = tpu.memref_squeeze %dma_start3A_358 : memref<1x64x256xf32, #tpu.memory_space<hbm>> -> memref<64x256xf32, #tpu.memory_space<hbm>>
          tpu.enqueue_dma source(%dma_start3A_359 : memref<64x256xf32, #tpu.memory_space<hbm>>) target(%dma_start3A_356 : memref<64x256xf32, #tpu.memory_space<vmem>>) target_semaphore(%dma_start3A_352 : memref<!tpu.dma_semaphore, #tpu.memory_space<semaphore_mem>>)
        } else {
        }
        scf.yield %while3A_333 : i32
      }
      %while3A_177 = arith.constant 1 : i32
      %while3A_178 = scf.for %while3A_185 = %while3A_174 to %while3A_170 step %while3A_177 iter_args(%while3A_186 = %while3A_176) -> (i32)  : i32 {
        %sub3A_187 = arith.subi %while3A_185, %sub3A_130 : i32
        %rem3A_188 = arith.constant 4 : i32
        %rem3A_189 = arith.remsi %sub3A_187, %rem3A_188 : i32
        %jit3A_190 = arith.constant 16 : i32
        %div3A_191 = arith.divsi %while3A_185, %jit3A_190 : i32
        %sign3A_192 = arith.constant 0 : i32
        %sign3A_193 = arith.cmpi sgt, %while3A_185, %sign3A_192 : i32
        %sign3A_194 = arith.extui %sign3A_193 : i1 to i32
        %sign3A_195 = arith.constant 0 : i32
        %sign3A_196 = arith.cmpi slt, %while3A_185, %sign3A_195 : i32
        %sign3A_197 = arith.extui %sign3A_196 : i1 to i32
        %sign3A_198 = arith.subi %sign3A_194, %sign3A_197 : i32
        %sign3A_199 = arith.constant 0 : i32
        %sign3A_200 = arith.cmpi sgt, %jit3A_190, %sign3A_199 : i32
        %sign3A_201 = arith.extui %sign3A_200 : i1 to i32
        %sign3A_202 = arith.constant 0 : i32
        %sign3A_203 = arith.cmpi slt, %jit3A_190, %sign3A_202 : i32
        %sign3A_204 = arith.extui %sign3A_203 : i1 to i32
        %sign3A_205 = arith.subi %sign3A_201, %sign3A_204 : i32
        %ne3A_206 = arith.cmpi ne, %sign3A_198, %sign3A_205 : i32
        %rem3A_207 = arith.remsi %while3A_185, %jit3A_190 : i32
        %ne3A_208 = arith.constant 0 : i32
        %ne3A_209 = arith.cmpi ne, %rem3A_207, %ne3A_208 : i32
        %and3A_210 = arith.andi %ne3A_206, %ne3A_209 : i1
        %sub3A_211 = arith.constant 1 : i32
        %sub3A_212 = arith.subi %div3A_191, %sub3A_211 : i32
        %select_n3A_213 = arith.select %and3A_210, %sub3A_212, %div3A_191 : i32
        %mul3A_214 = arith.constant 16 : i32
        %mul3A_215 = arith.muli %select_n3A_213, %mul3A_214 : i32
        %get3A_216 = arith.index_cast %mul3A_215 : i32 to index
        %get3A_217 = tpu.vector_load %arg15[%get3A_216] {strides = array<i32>} : memref<512xi32, #tpu.memory_space<vmem>>, vector<16xi32>,
        %jit3A_218 = arith.constant 16 : i32
        %eq3A_219 = arith.constant 0 : i32
        %eq3A_220 = arith.cmpi eq, %jit3A_218, %eq3A_219 : i32
        %jit3A_221 = arith.constant 1 : i32
        %select_n3A_222 = arith.select %eq3A_220, %jit3A_221, %jit3A_218 : i32
        %rem3A_223 = arith.remsi %while3A_185, %select_n3A_222 : i32
        %ne3A_224 = arith.constant 0 : i32
        %ne3A_225 = arith.cmpi ne, %rem3A_223, %ne3A_224 : i32
        %lt3A_226 = arith.constant 0 : i32
        %lt3A_227 = arith.cmpi slt, %rem3A_223, %lt3A_226 : i32
        %lt3A_228 = arith.constant 0 : i32
        %lt3A_229 = arith.cmpi slt, %select_n3A_222, %lt3A_228 : i32
        %ne3A_230 = arith.xori %lt3A_227, %lt3A_229 : i1
        %and3A_231 = arith.andi %ne3A_230, %ne3A_225 : i1
        %add3A_232 = arith.addi %rem3A_223, %select_n3A_222 : i32
        %select_n3A_233 = arith.select %and3A_231, %add3A_232, %rem3A_223 : i32
        %eq3A_234 = vector.broadcast %select_n3A_233 : i32 to vector<16xi32>
        %eq3A_235 = arith.cmpi eq, %iota3A, %eq3A_234 : vector<16xi32>
        %jit3A_236 = arith.constant -2147483648 : i32
        %broadcast_in_dim3A = vector.broadcast %jit3A_236 : i32 to vector<16xi32>
        %select_n3A_237 = arith.select %eq3A_235, %get3A_217, %broadcast_in_dim3A : vector<16xi1>, vector<16xi32>
        %reduce_max3A = arith.constant true
        %reduce_max3A_238 = vector.broadcast %reduce_max3A : i1 to vector<16xi1>
        %reduce_max3A_239 = arith.constant -2147483648 : i32
        %reduce_max3A_240 = vector.broadcast %reduce_max3A_239 : i32 to vector<16xi32>
        %reduce_max3A_241 = arith.xori %select_n3A_237, %reduce_max3A_240 : vector<16xi32>
        %reduce_max3A_242 = tpu.scan <max>, %reduce_max3A_241 masked %reduce_max3A_238 : vector<16xi32>, vector<16xi1> -> vector<16xi32>
        %reduce_max3A_243 = arith.xori %reduce_max3A_242, %reduce_max3A_240 : vector<16xi32>
        %reduce_max3A_244 = vector.extract %reduce_max3A_243[15] : i32 from vector<16xi32>
        %add3A_245 = arith.constant 1 : i32
        %add3A_246 = arith.addi %while3A_185, %add3A_245 : i32
        %jit3A_247 = arith.constant 16 : i32
        %div3A_248 = arith.divsi %add3A_246, %jit3A_247 : i32
        %sign3A_249 = arith.constant 0 : i32
        %sign3A_250 = arith.cmpi sgt, %add3A_246, %sign3A_249 : i32
        %sign3A_251 = arith.extui %sign3A_250 : i1 to i32
        %sign3A_252 = arith.constant 0 : i32
        %sign3A_253 = arith.cmpi slt, %add3A_246, %sign3A_252 : i32
        %sign3A_254 = arith.extui %sign3A_253 : i1 to i32
        %sign3A_255 = arith.subi %sign3A_251, %sign3A_254 : i32
        %sign3A_256 = arith.constant 0 : i32
        %sign3A_257 = arith.cmpi sgt, %jit3A_247, %sign3A_256 : i32
        %sign3A_258 = arith.extui %sign3A_257 : i1 to i32
        %sign3A_259 = arith.constant 0 : i32
        %sign3A_260 = arith.cmpi slt, %jit3A_247, %sign3A_259 : i32
        %sign3A_261 = arith.extui %sign3A_260 : i1 to i32
        %sign3A_262 = arith.subi %sign3A_258, %sign3A_261 : i32
        %ne3A_263 = arith.cmpi ne, %sign3A_255, %sign3A_262 : i32
        %rem3A_264 = arith.remsi %add3A_246, %jit3A_247 : i32
        %ne3A_265 = arith.constant 0 : i32
        %ne3A_266 = arith.cmpi ne, %rem3A_264, %ne3A_265 : i32
        %and3A_267 = arith.andi %ne3A_263, %ne3A_266 : i1
        %sub3A_268 = arith.constant 1 : i32
        %sub3A_269 = arith.subi %div3A_248, %sub3A_268 : i32
        %select_n3A_270 = arith.select %and3A_267, %sub3A_269, %div3A_248 : i32
        %mul3A_271 = arith.constant 16 : i32
        %mul3A_272 = arith.muli %select_n3A_270, %mul3A_271 : i32
        %get3A_273 = arith.index_cast %mul3A_272 : i32 to index
        %get3A_274 = tpu.vector_load %arg15[%get3A_273] {strides = array<i32>} : memref<512xi32, #tpu.memory_space<vmem>>, vector<16xi32>,
        %jit3A_275 = arith.constant 16 : i32
        %eq3A_276 = arith.constant 0 : i32
        %eq3A_277 = arith.cmpi eq, %jit3A_275, %eq3A_276 : i32
        %jit3A_278 = arith.constant 1 : i32
        %select_n3A_279 = arith.select %eq3A_277, %jit3A_278, %jit3A_275 : i32
        %rem3A_280 = arith.remsi %add3A_246, %select_n3A_279 : i32
        %ne3A_281 = arith.constant 0 : i32
        %ne3A_282 = arith.cmpi ne, %rem3A_280, %ne3A_281 : i32
        %lt3A_283 = arith.constant 0 : i32
        %lt3A_284 = arith.cmpi slt, %rem3A_280, %lt3A_283 : i32
        %lt3A_285 = arith.constant 0 : i32
        %lt3A_286 = arith.cmpi slt, %select_n3A_279, %lt3A_285 : i32
        %ne3A_287 = arith.xori %lt3A_284, %lt3A_286 : i1
        %and3A_288 = arith.andi %ne3A_287, %ne3A_282 : i1
        %add3A_289 = arith.addi %rem3A_280, %select_n3A_279 : i32
        %select_n3A_290 = arith.select %and3A_288, %add3A_289, %rem3A_280 : i32
        %eq3A_291 = vector.broadcast %select_n3A_290 : i32 to vector<16xi32>
        %eq3A_292 = arith.cmpi eq, %iota3A, %eq3A_291 : vector<16xi32>
        %jit3A_293 = arith.constant -2147483648 : i32
        %broadcast_in_dim3A_294 = vector.broadcast %jit3A_293 : i32 to vector<16xi32>
        %select_n3A_295 = arith.select %eq3A_292, %get3A_274, %broadcast_in_dim3A_294 : vector<16xi1>, vector<16xi32>
        %reduce_max3A_296 = arith.constant true
        %reduce_max3A_297 = vector.broadcast %reduce_max3A_296 : i1 to vector<16xi1>
        %reduce_max3A_298 = arith.constant -2147483648 : i32
        %reduce_max3A_299 = vector.broadcast %reduce_max3A_298 : i32 to vector<16xi32>
        %reduce_max3A_300 = arith.xori %select_n3A_295, %reduce_max3A_299 : vector<16xi32>
        %reduce_max3A_301 = tpu.scan <max>, %reduce_max3A_300 masked %reduce_max3A_297 : vector<16xi32>, vector<16xi1> -> vector<16xi32>
        %reduce_max3A_302 = arith.xori %reduce_max3A_301, %reduce_max3A_299 : vector<16xi32>
        %reduce_max3A_303 = vector.extract %reduce_max3A_302[15] : i32 from vector<16xi32>
        %mul3A_304 = arith.constant 256 : i32
        %mul3A_305 = arith.muli %while3A_185, %mul3A_304 : i32
        %dma_wait3A = arith.constant 0 : i32
        %dma_wait3A_306 = arith.constant 0 : i32
        %dma_wait3A_307 = arith.constant 0 : i32
        %dma_wait3A_308 = tpu.memref_slice %arg8[%rem3A_189, %dma_wait3A_306, %dma_wait3A_307] : memref<4x64x256xf32, #tpu.memory_space<vmem>> -> memref<1x64x256xf32, #tpu.memory_space<vmem>>
        %dma_wait3A_309 = tpu.memref_squeeze %dma_wait3A_308 : memref<1x64x256xf32, #tpu.memory_space<vmem>> -> memref<64x256xf32, #tpu.memory_space<vmem>>
        %dma_wait3A_310 = arith.constant 0 : i32
        %dma_wait3A_311 = arith.constant 0 : i32
        %dma_wait3A_312 = tpu.memref_slice %arg4[%dma_wait3A, %dma_wait3A_310, %dma_wait3A_311] : memref<26x64x100000xf32, #tpu.memory_space<hbm>> -> memref<1x64x256xf32, #tpu.memory_space<hbm>>
        %dma_wait3A_313 = tpu.memref_squeeze %dma_wait3A_312 : memref<1x64x256xf32, #tpu.memory_space<hbm>> -> memref<64x256xf32, #tpu.memory_space<hbm>>
        %dma_wait3A_314 = tpu.memref_slice %arg16[%rem3A_189] : memref<4x!tpu.dma_semaphore, #tpu.memory_space<semaphore_mem>> -> memref<1x!tpu.dma_semaphore, #tpu.memory_space<semaphore_mem>>
        %dma_wait3A_315 = tpu.memref_squeeze %dma_wait3A_314 : memref<1x!tpu.dma_semaphore, #tpu.memory_space<semaphore_mem>> -> memref<!tpu.dma_semaphore, #tpu.memory_space<semaphore_mem>>
        %dma_wait3A_316 = arith.constant 0 : i32
        %dma_wait3A_317 = arith.constant 0 : i32
        %dma_wait3A_318 = tpu.memref_slice %arg8[%rem3A_189, %dma_wait3A_316, %dma_wait3A_317] : memref<4x64x256xf32, #tpu.memory_space<vmem>> -> memref<1x64x256xf32, #tpu.memory_space<vmem>>
        %dma_wait3A_319 = tpu.memref_squeeze %dma_wait3A_318 : memref<1x64x256xf32, #tpu.memory_space<vmem>> -> memref<64x256xf32, #tpu.memory_space<vmem>>
        %dma_wait3A_320 = arith.constant 0 : i32
        %dma_wait3A_321 = arith.constant 0 : i32
        %dma_wait3A_322 = tpu.memref_slice %arg4[%dma_wait3A, %dma_wait3A_320, %dma_wait3A_321] : memref<26x64x100000xf32, #tpu.memory_space<hbm>> -> memref<1x64x256xf32, #tpu.memory_space<hbm>>
        %dma_wait3A_323 = tpu.memref_squeeze %dma_wait3A_322 : memref<1x64x256xf32, #tpu.memory_space<hbm>> -> memref<64x256xf32, #tpu.memory_space<hbm>>
        tpu.wait_dma2 semaphore(%dma_wait3A_315 : memref<!tpu.dma_semaphore, #tpu.memory_space<semaphore_mem>>) src(%dma_wait3A_323 : memref<64x256xf32, #tpu.memory_space<hbm>>) dst(%dma_wait3A_319 : memref<64x256xf32, #tpu.memory_space<vmem>>)
        %while3A_324 = arith.subi %reduce_max3A_303, %reduce_max3A_244 : i32
        %while3A_325 = arith.addi %reduce_max3A_244, %while3A_324 : i32
        %while3A_326 = arith.constant 1 : i32
        %while3A_327 = arith.divsi %while3A_324, %while3A_326 : i32
        %while3A_328 = arith.muli %while3A_327, %while3A_326 : i32
        %while3A_329 = arith.addi %reduce_max3A_244, %while3A_328 : i32
        %while3A_330 = arith.constant 1 : i32
        %while3A_331 = scf.for %while3A_341 = %reduce_max3A_244 to %while3A_329 step %while3A_330 iter_args(%while3A_342 = %while3A_186) -> (i32)  : i32 {
          %broadcast_in_dim3A_343 = vector.broadcast %while3A_341 : i32 to vector<16xi32>
          %gather3A = tpu.vector_load_idx %arg14[%broadcast_in_dim3A_343] : memref<4096xi32, #tpu.memory_space<vmem>>[vector<16xi32>], vector<16xi32>,
          %shift_right_arithmetic3A = arith.constant 12 : i32
          %shift_right_arithmetic3A_344 = vector.broadcast %shift_right_arithmetic3A : i32 to vector<16xi32>
          %shift_right_arithmetic3A_345 = arith.shrsi %gather3A, %shift_right_arithmetic3A_344 : vector<16xi32>
          %sub3A_346 = vector.broadcast %mul3A_305 : i32 to vector<16xi32>
          %sub3A_347 = arith.subi %shift_right_arithmetic3A_345, %sub3A_346 : vector<16xi32>
          %and3A_348 = arith.constant 4095 : i32
          %and3A_349 = vector.broadcast %and3A_348 : i32 to vector<16xi32>
          %and3A_350 = arith.andi %gather3A, %and3A_349 : vector<16xi32>
          %mul3A_351 = arith.constant 26 : i32
          %mul3A_352 = vector.broadcast %mul3A_351 : i32 to vector<16xi32>
          %mul3A_353 = arith.muli %and3A_350, %mul3A_352 : vector<16xi32>
          %add3A_354 = vector.broadcast %while3A_126 : i32 to vector<16xi32>
          %add3A_355 = arith.addi %mul3A_353, %add3A_354 : vector<16xi32>
          %add3A_356 = arith.constant 0 : i32
          %add3A_357 = vector.broadcast %add3A_356 : i32 to vector<16xi32>
          %add3A_358 = arith.addi %iota3A, %add3A_357 : vector<16xi32>
          %gather3A_359 = arith.constant 0 : i32
          %gather3A_360 = arith.constant 0 : i32
          %gather3A_361 = tpu.memref_slice %arg8[%rem3A_189, %gather3A_359, %gather3A_360] : memref<4x64x256xf32, #tpu.memory_space<vmem>> -> memref<1x64x256xf32, #tpu.memory_space<vmem>>
          %gather3A_362 = tpu.memref_squeeze %gather3A_361 : memref<1x64x256xf32, #tpu.memory_space<vmem>> -> memref<64x256xf32, #tpu.memory_space<vmem>>
          %gather3A_363 = tpu.vector_load_idx %gather3A_362[%add3A_358, %sub3A_347] : memref<64x256xf32, #tpu.memory_space<vmem>>[vector<16xi32>, vector<16xi32>], vector<16xf32>,
          %add3A_364 = arith.addf %gather3A_363, %get3A_136 : vector<16xf32>
          %add3A_365 = arith.constant 16 : i32
          %add3A_366 = vector.broadcast %add3A_365 : i32 to vector<16xi32>
          %add3A_367 = arith.addi %iota3A, %add3A_366 : vector<16xi32>
          %gather3A_368 = arith.constant 0 : i32
          %gather3A_369 = arith.constant 0 : i32
          %gather3A_370 = tpu.memref_slice %arg8[%rem3A_189, %gather3A_368, %gather3A_369] : memref<4x64x256xf32, #tpu.memory_space<vmem>> -> memref<1x64x256xf32, #tpu.memory_space<vmem>>
          %gather3A_371 = tpu.memref_squeeze %gather3A_370 : memref<1x64x256xf32, #tpu.memory_space<vmem>> -> memref<64x256xf32, #tpu.memory_space<vmem>>
          %gather3A_372 = tpu.vector_load_idx %gather3A_371[%add3A_367, %sub3A_347] : memref<64x256xf32, #tpu.memory_space<vmem>>[vector<16xi32>, vector<16xi32>], vector<16xf32>,
          %add3A_373 = arith.addf %gather3A_372, %get3A_139 : vector<16xf32>
          %add3A_374 = arith.constant 32 : i32
          %add3A_375 = vector.broadcast %add3A_374 : i32 to vector<16xi32>
          %add3A_376 = arith.addi %iota3A, %add3A_375 : vector<16xi32>
          %gather3A_377 = arith.constant 0 : i32
          %gather3A_378 = arith.constant 0 : i32
          %gather3A_379 = tpu.memref_slice %arg8[%rem3A_189, %gather3A_377, %gather3A_378] : memref<4x64x256xf32, #tpu.memory_space<vmem>> -> memref<1x64x256xf32, #tpu.memory_space<vmem>>
          %gather3A_380 = tpu.memref_squeeze %gather3A_379 : memref<1x64x256xf32, #tpu.memory_space<vmem>> -> memref<64x256xf32, #tpu.memory_space<vmem>>
          %gather3A_381 = tpu.vector_load_idx %gather3A_380[%add3A_376, %sub3A_347] : memref<64x256xf32, #tpu.memory_space<vmem>>[vector<16xi32>, vector<16xi32>], vector<16xf32>,
          %add3A_382 = arith.addf %gather3A_381, %get3A_142 : vector<16xf32>
          %add3A_383 = arith.constant 48 : i32
          %add3A_384 = vector.broadcast %add3A_383 : i32 to vector<16xi32>
          %add3A_385 = arith.addi %iota3A, %add3A_384 : vector<16xi32>
          %gather3A_386 = arith.constant 0 : i32
          %gather3A_387 = arith.constant 0 : i32
          %gather3A_388 = tpu.memref_slice %arg8[%rem3A_189, %gather3A_386, %gather3A_387] : memref<4x64x256xf32, #tpu.memory_space<vmem>> -> memref<1x64x256xf32, #tpu.memory_space<vmem>>
          %gather3A_389 = tpu.memref_squeeze %gather3A_388 : memref<1x64x256xf32, #tpu.memory_space<vmem>> -> memref<64x256xf32, #tpu.memory_space<vmem>>
          %gather3A_390 = tpu.vector_load_idx %gather3A_389[%add3A_385, %sub3A_347] : memref<64x256xf32, #tpu.memory_space<vmem>>[vector<16xi32>, vector<16xi32>], vector<16xf32>,
          %add3A_391 = arith.addf %gather3A_390, %get3A_145 : vector<16xf32>
          %jit3A_392 = arith.constant 128 : i32
          %eq3A_393 = arith.constant 0 : i32
          %eq3A_394 = arith.cmpi eq, %jit3A_392, %eq3A_393 : i32
          %jit3A_395 = arith.constant 1 : i32
          %select_n3A_396 = arith.select %eq3A_394, %jit3A_395, %jit3A_392 : i32
          %rem3A_397 = arith.remsi %while3A_342, %select_n3A_396 : i32
          %ne3A_398 = arith.constant 0 : i32
          %ne3A_399 = arith.cmpi ne, %rem3A_397, %ne3A_398 : i32
          %lt3A_400 = arith.constant 0 : i32
          %lt3A_401 = arith.cmpi slt, %rem3A_397, %lt3A_400 : i32
          %lt3A_402 = arith.constant 0 : i32
          %lt3A_403 = arith.cmpi slt, %select_n3A_396, %lt3A_402 : i32
          %ne3A_404 = arith.xori %lt3A_401, %lt3A_403 : i1
          %and3A_405 = arith.andi %ne3A_404, %ne3A_399 : i1
          %add3A_406 = arith.addi %rem3A_397, %select_n3A_396 : i32
          %select_n3A_407 = arith.select %and3A_405, %add3A_406, %rem3A_397 : i32
          %jit3A_408 = arith.constant 128 : i32
          %div3A_409 = arith.divsi %while3A_342, %jit3A_408 : i32
          %sign3A_410 = arith.constant 0 : i32
          %sign3A_411 = arith.cmpi sgt, %while3A_342, %sign3A_410 : i32
          %sign3A_412 = arith.extui %sign3A_411 : i1 to i32
          %sign3A_413 = arith.constant 0 : i32
          %sign3A_414 = arith.cmpi slt, %while3A_342, %sign3A_413 : i32
          %sign3A_415 = arith.extui %sign3A_414 : i1 to i32
          %sign3A_416 = arith.subi %sign3A_412, %sign3A_415 : i32
          %sign3A_417 = arith.constant 0 : i32
          %sign3A_418 = arith.cmpi sgt, %jit3A_408, %sign3A_417 : i32
          %sign3A_419 = arith.extui %sign3A_418 : i1 to i32
          %sign3A_420 = arith.constant 0 : i32
          %sign3A_421 = arith.cmpi slt, %jit3A_408, %sign3A_420 : i32
          %sign3A_422 = arith.extui %sign3A_421 : i1 to i32
          %sign3A_423 = arith.subi %sign3A_419, %sign3A_422 : i32
          %ne3A_424 = arith.cmpi ne, %sign3A_416, %sign3A_423 : i32
          %rem3A_425 = arith.remsi %while3A_342, %jit3A_408 : i32
          %ne3A_426 = arith.constant 0 : i32
          %ne3A_427 = arith.cmpi ne, %rem3A_425, %ne3A_426 : i32
          %and3A_428 = arith.andi %ne3A_424, %ne3A_427 : i1
          %sub3A_429 = arith.constant 1 : i32
          %sub3A_430 = arith.subi %div3A_409, %sub3A_429 : i32
          %select_n3A_431 = arith.select %and3A_428, %sub3A_430, %div3A_409 : i32
          %rem3A_432 = arith.constant 2 : i32
          %rem3A_433 = arith.remsi %select_n3A_431, %rem3A_432 : i32
          %broadcast_in_dim3A_434 = vector.broadcast %select_n3A_407 : i32 to vector<16xi32>
          %eq3A_435 = arith.constant 0 : i32
          %eq3A_436 = arith.cmpi eq, %select_n3A_407, %eq3A_435 : i32
          %ge3A_437 = arith.constant 2 : i32
          %ge3A_438 = arith.cmpi sge, %select_n3A_431, %ge3A_437 : i32
          %and3A_439 = arith.andi %eq3A_436, %ge3A_438 : i1
          %convert_element_type3A_440 = arith.extui %and3A_439 : i1 to i32
          %cond3A_441 = arith.constant 0 : i32
          %cond3A_442 = arith.cmpi ne, %convert_element_type3A_440, %cond3A_441 : i32
          scf.if %cond3A_442 {
            %dma_wait3A_467 = arith.constant 0 : i32
            %dma_wait3A_468 = arith.constant 0 : i32
            %dma_wait3A_469 = arith.constant 0 : i32
            %dma_wait3A_470 = tpu.memref_slice %arg9[%rem3A_433, %dma_wait3A_468, %dma_wait3A_469] : memref<2x128x128xf32, #tpu.memory_space<vmem>> -> memref<1x128x128xf32, #tpu.memory_space<vmem>>
            %dma_wait3A_471 = tpu.memref_squeeze %dma_wait3A_470 : memref<1x128x128xf32, #tpu.memory_space<vmem>> -> memref<128x128xf32, #tpu.memory_space<vmem>>
            %dma_wait3A_472 = arith.constant 0 : i32
            %dma_wait3A_473 = arith.constant 0 : i32
            %dma_wait3A_474 = tpu.memref_slice %arg4[%dma_wait3A_467, %dma_wait3A_472, %dma_wait3A_473] : memref<26x64x100000xf32, #tpu.memory_space<hbm>> -> memref<1x64x256xf32, #tpu.memory_space<hbm>>
            %dma_wait3A_475 = tpu.memref_squeeze %dma_wait3A_474 : memref<1x64x256xf32, #tpu.memory_space<hbm>> -> memref<64x256xf32, #tpu.memory_space<hbm>>
            %dma_wait3A_476 = tpu.memref_slice %arg17[%rem3A_433] : memref<2x!tpu.dma_semaphore, #tpu.memory_space<semaphore_mem>> -> memref<1x!tpu.dma_semaphore, #tpu.memory_space<semaphore_mem>>
            %dma_wait3A_477 = tpu.memref_squeeze %dma_wait3A_476 : memref<1x!tpu.dma_semaphore, #tpu.memory_space<semaphore_mem>> -> memref<!tpu.dma_semaphore, #tpu.memory_space<semaphore_mem>>
            %dma_wait3A_478 = arith.constant 0 : i32
            %dma_wait3A_479 = arith.constant 0 : i32
            %dma_wait3A_480 = tpu.memref_slice %arg9[%rem3A_433, %dma_wait3A_478, %dma_wait3A_479] : memref<2x128x128xf32, #tpu.memory_space<vmem>> -> memref<1x128x128xf32, #tpu.memory_space<vmem>>
            %dma_wait3A_481 = tpu.memref_squeeze %dma_wait3A_480 : memref<1x128x128xf32, #tpu.memory_space<vmem>> -> memref<128x128xf32, #tpu.memory_space<vmem>>
            %dma_wait3A_482 = arith.constant 0 : i32
            %dma_wait3A_483 = arith.constant 0 : i32
            %dma_wait3A_484 = tpu.memref_slice %arg4[%dma_wait3A_467, %dma_wait3A_482, %dma_wait3A_483] : memref<26x64x100000xf32, #tpu.memory_space<hbm>> -> memref<1x64x256xf32, #tpu.memory_space<hbm>>
            %dma_wait3A_485 = tpu.memref_squeeze %dma_wait3A_484 : memref<1x64x256xf32, #tpu.memory_space<hbm>> -> memref<64x256xf32, #tpu.memory_space<hbm>>
            tpu.wait_dma2 semaphore(%dma_wait3A_477 : memref<!tpu.dma_semaphore, #tpu.memory_space<semaphore_mem>>) src(%dma_wait3A_485 : memref<64x256xf32, #tpu.memory_space<hbm>>) dst(%dma_wait3A_481 : memref<128x128xf32, #tpu.memory_space<vmem>>)
          } else {
          }
          %swap3A = arith.index_cast %rem3A_433 : i32 to index
          %swap3A_443 = arith.index_cast %select_n3A_407 : i32 to index
          %swap3A_444 = arith.constant 0 : index
          %swap3A_445 = tpu.vector_load %arg9[%swap3A, %swap3A_443, %swap3A_444] {strides = array<i32>} : memref<2x128x128xf32, #tpu.memory_space<vmem>>, vector<16xf32>,
          tpu.vector_store %arg9[%swap3A, %swap3A_443, %swap3A_444], %add3A_364 {strides = array<i32>} : memref<2x128x128xf32, #tpu.memory_space<vmem>>, vector<16xf32>,
          %swap3A_446 = arith.index_cast %rem3A_433 : i32 to index
          %swap3A_447 = arith.index_cast %select_n3A_407 : i32 to index
          %swap3A_448 = arith.constant 16 : index
          %swap3A_449 = tpu.vector_load %arg9[%swap3A_446, %swap3A_447, %swap3A_448] {strides = array<i32>} : memref<2x128x128xf32, #tpu.memory_space<vmem>>, vector<16xf32>,
          tpu.vector_store %arg9[%swap3A_446, %swap3A_447, %swap3A_448], %add3A_373 {strides = array<i32>} : memref<2x128x128xf32, #tpu.memory_space<vmem>>, vector<16xf32>,
          %swap3A_450 = arith.index_cast %rem3A_433 : i32 to index
          %swap3A_451 = arith.index_cast %select_n3A_407 : i32 to index
          %swap3A_452 = arith.constant 32 : index
          %swap3A_453 = tpu.vector_load %arg9[%swap3A_450, %swap3A_451, %swap3A_452] {strides = array<i32>} : memref<2x128x128xf32, #tpu.memory_space<vmem>>, vector<16xf32>,
          tpu.vector_store %arg9[%swap3A_450, %swap3A_451, %swap3A_452], %add3A_382 {strides = array<i32>} : memref<2x128x128xf32, #tpu.memory_space<vmem>>, vector<16xf32>,
          %swap3A_454 = arith.index_cast %rem3A_433 : i32 to index
          %swap3A_455 = arith.index_cast %select_n3A_407 : i32 to index
          %swap3A_456 = arith.constant 48 : index
          %swap3A_457 = tpu.vector_load %arg9[%swap3A_454, %swap3A_455, %swap3A_456] {strides = array<i32>} : memref<2x128x128xf32, #tpu.memory_space<vmem>>, vector<16xf32>,
          tpu.vector_store %arg9[%swap3A_454, %swap3A_455, %swap3A_456], %add3A_391 {strides = array<i32>} : memref<2x128x128xf32, #tpu.memory_space<vmem>>, vector<16xf32>,
          %scatter3A = arith.constant 0 : i32
          %scatter3A_458 = tpu.memref_slice %arg11[%rem3A_433, %scatter3A] : memref<2x128xi32, #tpu.memory_space<vmem>> -> memref<1x128xi32, #tpu.memory_space<vmem>>
          %scatter3A_459 = tpu.memref_squeeze %scatter3A_458 : memref<1x128xi32, #tpu.memory_space<vmem>> -> memref<128xi32, #tpu.memory_space<vmem>>
          tpu.vector_store_idx %scatter3A_459[%broadcast_in_dim3A_434], %add3A_355 masked %eq3A_51 : memref<128xi32, #tpu.memory_space<vmem>>[vector<16xi32>], vector<16xi32>, vector<16xi1>
          %eq3A_460 = arith.constant 127 : i32
          %eq3A_461 = arith.cmpi eq, %select_n3A_407, %eq3A_460 : i32
          %convert_element_type3A_462 = arith.extui %eq3A_461 : i1 to i32
          %cond3A_463 = arith.constant 0 : i32
          %cond3A_464 = arith.cmpi ne, %convert_element_type3A_462, %cond3A_463 : i32
          scf.if %cond3A_464 {
            %dma_start3A = arith.constant 0 : i32
            %dma_start3A_467 = arith.constant 0 : i32
            %dma_start3A_468 = tpu.memref_slice %arg9[%rem3A_433, %dma_start3A, %dma_start3A_467] : memref<2x128x128xf32, #tpu.memory_space<vmem>> -> memref<1x128x128xf32, #tpu.memory_space<vmem>>
            %dma_start3A_469 = tpu.memref_squeeze %dma_start3A_468 : memref<1x128x128xf32, #tpu.memory_space<vmem>> -> memref<128x128xf32, #tpu.memory_space<vmem>>
            %dma_start3A_470 = arith.constant 0 : i32
            %dma_start3A_471 = tpu.memref_slice %arg11[%rem3A_433, %dma_start3A_470] : memref<2x128xi32, #tpu.memory_space<vmem>> -> memref<1x128xi32, #tpu.memory_space<vmem>>
            %dma_start3A_472 = tpu.memref_squeeze %dma_start3A_471 : memref<1x128xi32, #tpu.memory_space<vmem>> -> memref<128xi32, #tpu.memory_space<vmem>>
            %dma_start3A_473 = arith.constant 0 : i32
            %dma_start3A_474 = arith.constant 0 : i32
            %dma_start3A_475 = tpu.memref_slice %arg7[%dma_start3A_473, %dma_start3A_474] : memref<106504x128xf32, #tpu.memory_space<hbm>> -> memref<106504x128xf32, #tpu.memory_space<hbm>>
            %dma_start3A_476 = tpu.memref_slice %arg17[%rem3A_433] : memref<2x!tpu.dma_semaphore, #tpu.memory_space<semaphore_mem>> -> memref<1x!tpu.dma_semaphore, #tpu.memory_space<semaphore_mem>>
            %dma_start3A_477 = tpu.memref_squeeze %dma_start3A_476 : memref<1x!tpu.dma_semaphore, #tpu.memory_space<semaphore_mem>> -> memref<!tpu.dma_semaphore, #tpu.memory_space<semaphore_mem>>
            tpu.enqueue_indirect_dma source(%dma_start3A_469 : memref<128x128xf32, #tpu.memory_space<vmem>>) target(%dma_start3A_475 : memref<106504x128xf32, #tpu.memory_space<hbm>>) offsets(%dma_start3A_472 : memref<128xi32, #tpu.memory_space<vmem>>) semaphore(%dma_start3A_477 : memref<!tpu.dma_semaphore, #tpu.memory_space<semaphore_mem>>)
          } else {
          }
          %add3A_465 = arith.constant 1 : i32
          %add3A_466 = arith.addi %while3A_342, %add3A_465 : i32
          scf.yield %add3A_466 : i32
        }
        %while3A_332 = arith.constant 1 : i32
        %while3A_333 = scf.for %while3A_341 = %while3A_329 to %while3A_325 step %while3A_332 iter_args(%while3A_342 = %while3A_331) -> (i32)  : i32 {
          %broadcast_in_dim3A_343 = vector.broadcast %while3A_341 : i32 to vector<16xi32>
          %gather3A = tpu.vector_load_idx %arg14[%broadcast_in_dim3A_343] : memref<4096xi32, #tpu.memory_space<vmem>>[vector<16xi32>], vector<16xi32>,
          %shift_right_arithmetic3A = arith.constant 12 : i32
          %shift_right_arithmetic3A_344 = vector.broadcast %shift_right_arithmetic3A : i32 to vector<16xi32>
          %shift_right_arithmetic3A_345 = arith.shrsi %gather3A, %shift_right_arithmetic3A_344 : vector<16xi32>
          %sub3A_346 = vector.broadcast %mul3A_305 : i32 to vector<16xi32>
          %sub3A_347 = arith.subi %shift_right_arithmetic3A_345, %sub3A_346 : vector<16xi32>
          %and3A_348 = arith.constant 4095 : i32
          %and3A_349 = vector.broadcast %and3A_348 : i32 to vector<16xi32>
          %and3A_350 = arith.andi %gather3A, %and3A_349 : vector<16xi32>
          %mul3A_351 = arith.constant 26 : i32
          %mul3A_352 = vector.broadcast %mul3A_351 : i32 to vector<16xi32>
          %mul3A_353 = arith.muli %and3A_350, %mul3A_352 : vector<16xi32>
          %add3A_354 = vector.broadcast %while3A_126 : i32 to vector<16xi32>
          %add3A_355 = arith.addi %mul3A_353, %add3A_354 : vector<16xi32>
          %add3A_356 = arith.constant 0 : i32
          %add3A_357 = vector.broadcast %add3A_356 : i32 to vector<16xi32>
          %add3A_358 = arith.addi %iota3A, %add3A_357 : vector<16xi32>
          %gather3A_359 = arith.constant 0 : i32
          %gather3A_360 = arith.constant 0 : i32
          %gather3A_361 = tpu.memref_slice %arg8[%rem3A_189, %gather3A_359, %gather3A_360] : memref<4x64x256xf32, #tpu.memory_space<vmem>> -> memref<1x64x256xf32, #tpu.memory_space<vmem>>
          %gather3A_362 = tpu.memref_squeeze %gather3A_361 : memref<1x64x256xf32, #tpu.memory_space<vmem>> -> memref<64x256xf32, #tpu.memory_space<vmem>>
          %gather3A_363 = tpu.vector_load_idx %gather3A_362[%add3A_358, %sub3A_347] : memref<64x256xf32, #tpu.memory_space<vmem>>[vector<16xi32>, vector<16xi32>], vector<16xf32>,
          %add3A_364 = arith.addf %gather3A_363, %get3A_136 : vector<16xf32>
          %add3A_365 = arith.constant 16 : i32
          %add3A_366 = vector.broadcast %add3A_365 : i32 to vector<16xi32>
          %add3A_367 = arith.addi %iota3A, %add3A_366 : vector<16xi32>
          %gather3A_368 = arith.constant 0 : i32
          %gather3A_369 = arith.constant 0 : i32
          %gather3A_370 = tpu.memref_slice %arg8[%rem3A_189, %gather3A_368, %gather3A_369] : memref<4x64x256xf32, #tpu.memory_space<vmem>> -> memref<1x64x256xf32, #tpu.memory_space<vmem>>
          %gather3A_371 = tpu.memref_squeeze %gather3A_370 : memref<1x64x256xf32, #tpu.memory_space<vmem>> -> memref<64x256xf32, #tpu.memory_space<vmem>>
          %gather3A_372 = tpu.vector_load_idx %gather3A_371[%add3A_367, %sub3A_347] : memref<64x256xf32, #tpu.memory_space<vmem>>[vector<16xi32>, vector<16xi32>], vector<16xf32>,
          %add3A_373 = arith.addf %gather3A_372, %get3A_139 : vector<16xf32>
          %add3A_374 = arith.constant 32 : i32
          %add3A_375 = vector.broadcast %add3A_374 : i32 to vector<16xi32>
          %add3A_376 = arith.addi %iota3A, %add3A_375 : vector<16xi32>
          %gather3A_377 = arith.constant 0 : i32
          %gather3A_378 = arith.constant 0 : i32
          %gather3A_379 = tpu.memref_slice %arg8[%rem3A_189, %gather3A_377, %gather3A_378] : memref<4x64x256xf32, #tpu.memory_space<vmem>> -> memref<1x64x256xf32, #tpu.memory_space<vmem>>
          %gather3A_380 = tpu.memref_squeeze %gather3A_379 : memref<1x64x256xf32, #tpu.memory_space<vmem>> -> memref<64x256xf32, #tpu.memory_space<vmem>>
          %gather3A_381 = tpu.vector_load_idx %gather3A_380[%add3A_376, %sub3A_347] : memref<64x256xf32, #tpu.memory_space<vmem>>[vector<16xi32>, vector<16xi32>], vector<16xf32>,
          %add3A_382 = arith.addf %gather3A_381, %get3A_142 : vector<16xf32>
          %add3A_383 = arith.constant 48 : i32
          %add3A_384 = vector.broadcast %add3A_383 : i32 to vector<16xi32>
          %add3A_385 = arith.addi %iota3A, %add3A_384 : vector<16xi32>
          %gather3A_386 = arith.constant 0 : i32
          %gather3A_387 = arith.constant 0 : i32
          %gather3A_388 = tpu.memref_slice %arg8[%rem3A_189, %gather3A_386, %gather3A_387] : memref<4x64x256xf32, #tpu.memory_space<vmem>> -> memref<1x64x256xf32, #tpu.memory_space<vmem>>
          %gather3A_389 = tpu.memref_squeeze %gather3A_388 : memref<1x64x256xf32, #tpu.memory_space<vmem>> -> memref<64x256xf32, #tpu.memory_space<vmem>>
          %gather3A_390 = tpu.vector_load_idx %gather3A_389[%add3A_385, %sub3A_347] : memref<64x256xf32, #tpu.memory_space<vmem>>[vector<16xi32>, vector<16xi32>], vector<16xf32>,
          %add3A_391 = arith.addf %gather3A_390, %get3A_145 : vector<16xf32>
          %jit3A_392 = arith.constant 128 : i32
          %eq3A_393 = arith.constant 0 : i32
          %eq3A_394 = arith.cmpi eq, %jit3A_392, %eq3A_393 : i32
          %jit3A_395 = arith.constant 1 : i32
          %select_n3A_396 = arith.select %eq3A_394, %jit3A_395, %jit3A_392 : i32
          %rem3A_397 = arith.remsi %while3A_342, %select_n3A_396 : i32
          %ne3A_398 = arith.constant 0 : i32
          %ne3A_399 = arith.cmpi ne, %rem3A_397, %ne3A_398 : i32
          %lt3A_400 = arith.constant 0 : i32
          %lt3A_401 = arith.cmpi slt, %rem3A_397, %lt3A_400 : i32
          %lt3A_402 = arith.constant 0 : i32
          %lt3A_403 = arith.cmpi slt, %select_n3A_396, %lt3A_402 : i32
          %ne3A_404 = arith.xori %lt3A_401, %lt3A_403 : i1
          %and3A_405 = arith.andi %ne3A_404, %ne3A_399 : i1
          %add3A_406 = arith.addi %rem3A_397, %select_n3A_396 : i32
          %select_n3A_407 = arith.select %and3A_405, %add3A_406, %rem3A_397 : i32
          %jit3A_408 = arith.constant 128 : i32
          %div3A_409 = arith.divsi %while3A_342, %jit3A_408 : i32
          %sign3A_410 = arith.constant 0 : i32
          %sign3A_411 = arith.cmpi sgt, %while3A_342, %sign3A_410 : i32
          %sign3A_412 = arith.extui %sign3A_411 : i1 to i32
          %sign3A_413 = arith.constant 0 : i32
          %sign3A_414 = arith.cmpi slt, %while3A_342, %sign3A_413 : i32
          %sign3A_415 = arith.extui %sign3A_414 : i1 to i32
          %sign3A_416 = arith.subi %sign3A_412, %sign3A_415 : i32
          %sign3A_417 = arith.constant 0 : i32
          %sign3A_418 = arith.cmpi sgt, %jit3A_408, %sign3A_417 : i32
          %sign3A_419 = arith.extui %sign3A_418 : i1 to i32
          %sign3A_420 = arith.constant 0 : i32
          %sign3A_421 = arith.cmpi slt, %jit3A_408, %sign3A_420 : i32
          %sign3A_422 = arith.extui %sign3A_421 : i1 to i32
          %sign3A_423 = arith.subi %sign3A_419, %sign3A_422 : i32
          %ne3A_424 = arith.cmpi ne, %sign3A_416, %sign3A_423 : i32
          %rem3A_425 = arith.remsi %while3A_342, %jit3A_408 : i32
          %ne3A_426 = arith.constant 0 : i32
          %ne3A_427 = arith.cmpi ne, %rem3A_425, %ne3A_426 : i32
          %and3A_428 = arith.andi %ne3A_424, %ne3A_427 : i1
          %sub3A_429 = arith.constant 1 : i32
          %sub3A_430 = arith.subi %div3A_409, %sub3A_429 : i32
          %select_n3A_431 = arith.select %and3A_428, %sub3A_430, %div3A_409 : i32
          %rem3A_432 = arith.constant 2 : i32
          %rem3A_433 = arith.remsi %select_n3A_431, %rem3A_432 : i32
          %broadcast_in_dim3A_434 = vector.broadcast %select_n3A_407 : i32 to vector<16xi32>
          %eq3A_435 = arith.constant 0 : i32
          %eq3A_436 = arith.cmpi eq, %select_n3A_407, %eq3A_435 : i32
          %ge3A_437 = arith.constant 2 : i32
          %ge3A_438 = arith.cmpi sge, %select_n3A_431, %ge3A_437 : i32
          %and3A_439 = arith.andi %eq3A_436, %ge3A_438 : i1
          %convert_element_type3A_440 = arith.extui %and3A_439 : i1 to i32
          %cond3A_441 = arith.constant 0 : i32
          %cond3A_442 = arith.cmpi ne, %convert_element_type3A_440, %cond3A_441 : i32
          scf.if %cond3A_442 {
            %dma_wait3A_467 = arith.constant 0 : i32
            %dma_wait3A_468 = arith.constant 0 : i32
            %dma_wait3A_469 = arith.constant 0 : i32
            %dma_wait3A_470 = tpu.memref_slice %arg9[%rem3A_433, %dma_wait3A_468, %dma_wait3A_469] : memref<2x128x128xf32, #tpu.memory_space<vmem>> -> memref<1x128x128xf32, #tpu.memory_space<vmem>>
            %dma_wait3A_471 = tpu.memref_squeeze %dma_wait3A_470 : memref<1x128x128xf32, #tpu.memory_space<vmem>> -> memref<128x128xf32, #tpu.memory_space<vmem>>
            %dma_wait3A_472 = arith.constant 0 : i32
            %dma_wait3A_473 = arith.constant 0 : i32
            %dma_wait3A_474 = tpu.memref_slice %arg4[%dma_wait3A_467, %dma_wait3A_472, %dma_wait3A_473] : memref<26x64x100000xf32, #tpu.memory_space<hbm>> -> memref<1x64x256xf32, #tpu.memory_space<hbm>>
            %dma_wait3A_475 = tpu.memref_squeeze %dma_wait3A_474 : memref<1x64x256xf32, #tpu.memory_space<hbm>> -> memref<64x256xf32, #tpu.memory_space<hbm>>
            %dma_wait3A_476 = tpu.memref_slice %arg17[%rem3A_433] : memref<2x!tpu.dma_semaphore, #tpu.memory_space<semaphore_mem>> -> memref<1x!tpu.dma_semaphore, #tpu.memory_space<semaphore_mem>>
            %dma_wait3A_477 = tpu.memref_squeeze %dma_wait3A_476 : memref<1x!tpu.dma_semaphore, #tpu.memory_space<semaphore_mem>> -> memref<!tpu.dma_semaphore, #tpu.memory_space<semaphore_mem>>
            %dma_wait3A_478 = arith.constant 0 : i32
            %dma_wait3A_479 = arith.constant 0 : i32
            %dma_wait3A_480 = tpu.memref_slice %arg9[%rem3A_433, %dma_wait3A_478, %dma_wait3A_479] : memref<2x128x128xf32, #tpu.memory_space<vmem>> -> memref<1x128x128xf32, #tpu.memory_space<vmem>>
            %dma_wait3A_481 = tpu.memref_squeeze %dma_wait3A_480 : memref<1x128x128xf32, #tpu.memory_space<vmem>> -> memref<128x128xf32, #tpu.memory_space<vmem>>
            %dma_wait3A_482 = arith.constant 0 : i32
            %dma_wait3A_483 = arith.constant 0 : i32
            %dma_wait3A_484 = tpu.memref_slice %arg4[%dma_wait3A_467, %dma_wait3A_482, %dma_wait3A_483] : memref<26x64x100000xf32, #tpu.memory_space<hbm>> -> memref<1x64x256xf32, #tpu.memory_space<hbm>>
            %dma_wait3A_485 = tpu.memref_squeeze %dma_wait3A_484 : memref<1x64x256xf32, #tpu.memory_space<hbm>> -> memref<64x256xf32, #tpu.memory_space<hbm>>
            tpu.wait_dma2 semaphore(%dma_wait3A_477 : memref<!tpu.dma_semaphore, #tpu.memory_space<semaphore_mem>>) src(%dma_wait3A_485 : memref<64x256xf32, #tpu.memory_space<hbm>>) dst(%dma_wait3A_481 : memref<128x128xf32, #tpu.memory_space<vmem>>)
          } else {
          }
          %swap3A = arith.index_cast %rem3A_433 : i32 to index
          %swap3A_443 = arith.index_cast %select_n3A_407 : i32 to index
          %swap3A_444 = arith.constant 0 : index
          %swap3A_445 = tpu.vector_load %arg9[%swap3A, %swap3A_443, %swap3A_444] {strides = array<i32>} : memref<2x128x128xf32, #tpu.memory_space<vmem>>, vector<16xf32>,
          tpu.vector_store %arg9[%swap3A, %swap3A_443, %swap3A_444], %add3A_364 {strides = array<i32>} : memref<2x128x128xf32, #tpu.memory_space<vmem>>, vector<16xf32>,
          %swap3A_446 = arith.index_cast %rem3A_433 : i32 to index
          %swap3A_447 = arith.index_cast %select_n3A_407 : i32 to index
          %swap3A_448 = arith.constant 16 : index
          %swap3A_449 = tpu.vector_load %arg9[%swap3A_446, %swap3A_447, %swap3A_448] {strides = array<i32>} : memref<2x128x128xf32, #tpu.memory_space<vmem>>, vector<16xf32>,
          tpu.vector_store %arg9[%swap3A_446, %swap3A_447, %swap3A_448], %add3A_373 {strides = array<i32>} : memref<2x128x128xf32, #tpu.memory_space<vmem>>, vector<16xf32>,
          %swap3A_450 = arith.index_cast %rem3A_433 : i32 to index
          %swap3A_451 = arith.index_cast %select_n3A_407 : i32 to index
          %swap3A_452 = arith.constant 32 : index
          %swap3A_453 = tpu.vector_load %arg9[%swap3A_450, %swap3A_451, %swap3A_452] {strides = array<i32>} : memref<2x128x128xf32, #tpu.memory_space<vmem>>, vector<16xf32>,
          tpu.vector_store %arg9[%swap3A_450, %swap3A_451, %swap3A_452], %add3A_382 {strides = array<i32>} : memref<2x128x128xf32, #tpu.memory_space<vmem>>, vector<16xf32>,
          %swap3A_454 = arith.index_cast %rem3A_433 : i32 to index
          %swap3A_455 = arith.index_cast %select_n3A_407 : i32 to index
          %swap3A_456 = arith.constant 48 : index
          %swap3A_457 = tpu.vector_load %arg9[%swap3A_454, %swap3A_455, %swap3A_456] {strides = array<i32>} : memref<2x128x128xf32, #tpu.memory_space<vmem>>, vector<16xf32>,
          tpu.vector_store %arg9[%swap3A_454, %swap3A_455, %swap3A_456], %add3A_391 {strides = array<i32>} : memref<2x128x128xf32, #tpu.memory_space<vmem>>, vector<16xf32>,
          %scatter3A = arith.constant 0 : i32
          %scatter3A_458 = tpu.memref_slice %arg11[%rem3A_433, %scatter3A] : memref<2x128xi32, #tpu.memory_space<vmem>> -> memref<1x128xi32, #tpu.memory_space<vmem>>
          %scatter3A_459 = tpu.memref_squeeze %scatter3A_458 : memref<1x128xi32, #tpu.memory_space<vmem>> -> memref<128xi32, #tpu.memory_space<vmem>>
          tpu.vector_store_idx %scatter3A_459[%broadcast_in_dim3A_434], %add3A_355 masked %eq3A_51 : memref<128xi32, #tpu.memory_space<vmem>>[vector<16xi32>], vector<16xi32>, vector<16xi1>
          %eq3A_460 = arith.constant 127 : i32
          %eq3A_461 = arith.cmpi eq, %select_n3A_407, %eq3A_460 : i32
          %convert_element_type3A_462 = arith.extui %eq3A_461 : i1 to i32
          %cond3A_463 = arith.constant 0 : i32
          %cond3A_464 = arith.cmpi ne, %convert_element_type3A_462, %cond3A_463 : i32
          scf.if %cond3A_464 {
            %dma_start3A = arith.constant 0 : i32
            %dma_start3A_467 = arith.constant 0 : i32
            %dma_start3A_468 = tpu.memref_slice %arg9[%rem3A_433, %dma_start3A, %dma_start3A_467] : memref<2x128x128xf32, #tpu.memory_space<vmem>> -> memref<1x128x128xf32, #tpu.memory_space<vmem>>
            %dma_start3A_469 = tpu.memref_squeeze %dma_start3A_468 : memref<1x128x128xf32, #tpu.memory_space<vmem>> -> memref<128x128xf32, #tpu.memory_space<vmem>>
            %dma_start3A_470 = arith.constant 0 : i32
            %dma_start3A_471 = tpu.memref_slice %arg11[%rem3A_433, %dma_start3A_470] : memref<2x128xi32, #tpu.memory_space<vmem>> -> memref<1x128xi32, #tpu.memory_space<vmem>>
            %dma_start3A_472 = tpu.memref_squeeze %dma_start3A_471 : memref<1x128xi32, #tpu.memory_space<vmem>> -> memref<128xi32, #tpu.memory_space<vmem>>
            %dma_start3A_473 = arith.constant 0 : i32
            %dma_start3A_474 = arith.constant 0 : i32
            %dma_start3A_475 = tpu.memref_slice %arg7[%dma_start3A_473, %dma_start3A_474] : memref<106504x128xf32, #tpu.memory_space<hbm>> -> memref<106504x128xf32, #tpu.memory_space<hbm>>
            %dma_start3A_476 = tpu.memref_slice %arg17[%rem3A_433] : memref<2x!tpu.dma_semaphore, #tpu.memory_space<semaphore_mem>> -> memref<1x!tpu.dma_semaphore, #tpu.memory_space<semaphore_mem>>
            %dma_start3A_477 = tpu.memref_squeeze %dma_start3A_476 : memref<1x!tpu.dma_semaphore, #tpu.memory_space<semaphore_mem>> -> memref<!tpu.dma_semaphore, #tpu.memory_space<semaphore_mem>>
            tpu.enqueue_indirect_dma source(%dma_start3A_469 : memref<128x128xf32, #tpu.memory_space<vmem>>) target(%dma_start3A_475 : memref<106504x128xf32, #tpu.memory_space<hbm>>) offsets(%dma_start3A_472 : memref<128xi32, #tpu.memory_space<vmem>>) semaphore(%dma_start3A_477 : memref<!tpu.dma_semaphore, #tpu.memory_space<semaphore_mem>>)
          } else {
          }
          %add3A_465 = arith.constant 1 : i32
          %add3A_466 = arith.addi %while3A_342, %add3A_465 : i32
          scf.yield %add3A_466 : i32
        }
        %add3A_334 = arith.constant 4 : i32
        %add3A_335 = arith.addi %while3A_185, %add3A_334 : i32
        %add3A_336 = arith.addi %sub3A_130, %sub3A_148 : i32
        %lt3A_337 = arith.cmpi slt, %add3A_335, %add3A_336 : i32
        %convert_element_type3A_338 = arith.extui %lt3A_337 : i1 to i32
        %cond3A_339 = arith.constant 0 : i32
        %cond3A_340 = arith.cmpi ne, %convert_element_type3A_338, %cond3A_339 : i32
        scf.if %cond3A_340 {
          %add3A_341 = arith.constant 4 : i32
          %add3A_342 = arith.addi %while3A_185, %add3A_341 : i32
          %mul3A_343 = arith.constant 256 : i32
          %mul3A_344 = arith.muli %add3A_342, %mul3A_343 : i32
          %multiple_of3A = tpu.assume_multiple %mul3A_344, 128 : i32
          %dma_start3A = arith.constant 0 : i32
          %dma_start3A_345 = arith.constant 0 : i32
          %dma_start3A_346 = tpu.memref_slice %arg8[%rem3A_189, %dma_start3A, %dma_start3A_345] : memref<4x64x256xf32, #tpu.memory_space<vmem>> -> memref<1x64x256xf32, #tpu.memory_space<vmem>>
          %dma_start3A_347 = tpu.memref_squeeze %dma_start3A_346 : memref<1x64x256xf32, #tpu.memory_space<vmem>> -> memref<64x256xf32, #tpu.memory_space<vmem>>
          %dma_start3A_348 = arith.constant 0 : i32
          %dma_start3A_349 = tpu.memref_slice %arg4[%while3A_126, %dma_start3A_348, %multiple_of3A] : memref<26x64x100000xf32, #tpu.memory_space<hbm>> -> memref<1x64x256xf32, #tpu.memory_space<hbm>>
          %dma_start3A_350 = tpu.memref_squeeze %dma_start3A_349 : memref<1x64x256xf32, #tpu.memory_space<hbm>> -> memref<64x256xf32, #tpu.memory_space<hbm>>
          %dma_start3A_351 = tpu.memref_slice %arg16[%rem3A_189] : memref<4x!tpu.dma_semaphore, #tpu.memory_space<semaphore_mem>> -> memref<1x!tpu.dma_semaphore, #tpu.memory_space<semaphore_mem>>
          %dma_start3A_352 = tpu.memref_squeeze %dma_start3A_351 : memref<1x!tpu.dma_semaphore, #tpu.memory_space<semaphore_mem>> -> memref<!tpu.dma_semaphore, #tpu.memory_space<semaphore_mem>>
          %dma_start3A_353 = arith.constant 0 : i32
          %dma_start3A_354 = arith.constant 0 : i32
          %dma_start3A_355 = tpu.memref_slice %arg8[%rem3A_189, %dma_start3A_353, %dma_start3A_354] : memref<4x64x256xf32, #tpu.memory_space<vmem>> -> memref<1x64x256xf32, #tpu.memory_space<vmem>>
          %dma_start3A_356 = tpu.memref_squeeze %dma_start3A_355 : memref<1x64x256xf32, #tpu.memory_space<vmem>> -> memref<64x256xf32, #tpu.memory_space<vmem>>
          %dma_start3A_357 = arith.constant 0 : i32
          %dma_start3A_358 = tpu.memref_slice %arg4[%while3A_126, %dma_start3A_357, %multiple_of3A] : memref<26x64x100000xf32, #tpu.memory_space<hbm>> -> memref<1x64x256xf32, #tpu.memory_space<hbm>>
          %dma_start3A_359 = tpu.memref_squeeze %dma_start3A_358 : memref<1x64x256xf32, #tpu.memory_space<hbm>> -> memref<64x256xf32, #tpu.memory_space<hbm>>
          tpu.enqueue_dma source(%dma_start3A_359 : memref<64x256xf32, #tpu.memory_space<hbm>>) target(%dma_start3A_356 : memref<64x256xf32, #tpu.memory_space<vmem>>) target_semaphore(%dma_start3A_352 : memref<!tpu.dma_semaphore, #tpu.memory_space<semaphore_mem>>)
        } else {
        }
        scf.yield %while3A_333 : i32
      }
      %eq3A_179 = arith.constant 391 : i32
      %eq3A_180 = arith.cmpi eq, %sub3A_134, %eq3A_179 : i32
      %convert_element_type3A_181 = arith.extui %eq3A_180 : i1 to i32
      %cond3A_182 = arith.constant 0 : i32
      %cond3A_183 = arith.cmpi ne, %convert_element_type3A_181, %cond3A_182 : i32
      %cond3A_184 = scf.if %cond3A_183 -> (i32) {
        %get3A_185 = arith.constant 384 : index
        %get3A_186 = tpu.vector_load %arg15[%get3A_185] {strides = array<i32>} : memref<512xi32, #tpu.memory_space<vmem>>, vector<16xi32>,
        %eq3A_187 = arith.constant 6 : i32
        %eq3A_188 = vector.broadcast %eq3A_187 : i32 to vector<16xi32>
        %eq3A_189 = arith.cmpi eq, %iota3A, %eq3A_188 : vector<16xi32>
        %jit3A_190 = arith.constant -2147483648 : i32
        %broadcast_in_dim3A = vector.broadcast %jit3A_190 : i32 to vector<16xi32>
        %select_n3A_191 = arith.select %eq3A_189, %get3A_186, %broadcast_in_dim3A : vector<16xi1>, vector<16xi32>
        %reduce_max3A = arith.constant true
        %reduce_max3A_192 = vector.broadcast %reduce_max3A : i1 to vector<16xi1>
        %reduce_max3A_193 = arith.constant -2147483648 : i32
        %reduce_max3A_194 = vector.broadcast %reduce_max3A_193 : i32 to vector<16xi32>
        %reduce_max3A_195 = arith.xori %select_n3A_191, %reduce_max3A_194 : vector<16xi32>
        %reduce_max3A_196 = tpu.scan <max>, %reduce_max3A_195 masked %reduce_max3A_192 : vector<16xi32>, vector<16xi1> -> vector<16xi32>
        %reduce_max3A_197 = arith.xori %reduce_max3A_196, %reduce_max3A_194 : vector<16xi32>
        %reduce_max3A_198 = vector.extract %reduce_max3A_197[15] : i32 from vector<16xi32>
        %get3A_199 = arith.constant 384 : index
        %get3A_200 = tpu.vector_load %arg15[%get3A_199] {strides = array<i32>} : memref<512xi32, #tpu.memory_space<vmem>>, vector<16xi32>,
        %eq3A_201 = arith.constant 7 : i32
        %eq3A_202 = vector.broadcast %eq3A_201 : i32 to vector<16xi32>
        %eq3A_203 = arith.cmpi eq, %iota3A, %eq3A_202 : vector<16xi32>
        %jit3A_204 = arith.constant -2147483648 : i32
        %broadcast_in_dim3A_205 = vector.broadcast %jit3A_204 : i32 to vector<16xi32>
        %select_n3A_206 = arith.select %eq3A_203, %get3A_200, %broadcast_in_dim3A_205 : vector<16xi1>, vector<16xi32>
        %reduce_max3A_207 = arith.constant true
        %reduce_max3A_208 = vector.broadcast %reduce_max3A_207 : i1 to vector<16xi1>
        %reduce_max3A_209 = arith.constant -2147483648 : i32
        %reduce_max3A_210 = vector.broadcast %reduce_max3A_209 : i32 to vector<16xi32>
        %reduce_max3A_211 = arith.xori %select_n3A_206, %reduce_max3A_210 : vector<16xi32>
        %reduce_max3A_212 = tpu.scan <max>, %reduce_max3A_211 masked %reduce_max3A_208 : vector<16xi32>, vector<16xi1> -> vector<16xi32>
        %reduce_max3A_213 = arith.xori %reduce_max3A_212, %reduce_max3A_210 : vector<16xi32>
        %reduce_max3A_214 = vector.extract %reduce_max3A_213[15] : i32 from vector<16xi32>
        %add3A_215 = arith.constant 0 : i32
        %add3A_216 = vector.broadcast %add3A_215 : i32 to vector<16xi32>
        %add3A_217 = arith.addi %iota3A, %add3A_216 : vector<16xi32>
        %mul3A_218 = arith.constant 4 : i32
        %mul3A_219 = arith.muli %add3A, %mul3A_218 : i32
        %broadcast_in_dim3A_220 = vector.broadcast %mul3A_219 : i32 to vector<16xi32>
        %scatter3A = arith.constant 0 : i32
        %scatter3A_221 = arith.constant 0 : i32
        %scatter3A_222 = tpu.memref_slice %arg12[%scatter3A, %scatter3A_221] : memref<1x128xi32, #tpu.memory_space<vmem>> -> memref<1x128xi32, #tpu.memory_space<vmem>>
        %scatter3A_223 = tpu.memref_squeeze %scatter3A_222 : memref<1x128xi32, #tpu.memory_space<vmem>> -> memref<128xi32, #tpu.memory_space<vmem>>
        tpu.vector_store_idx %scatter3A_223[%add3A_217], %broadcast_in_dim3A_220 : memref<128xi32, #tpu.memory_space<vmem>>[vector<16xi32>], vector<16xi32>,
        %add3A_224 = arith.constant 16 : i32
        %add3A_225 = vector.broadcast %add3A_224 : i32 to vector<16xi32>
        %add3A_226 = arith.addi %iota3A, %add3A_225 : vector<16xi32>
        %mul3A_227 = arith.constant 4 : i32
        %mul3A_228 = arith.muli %add3A, %mul3A_227 : i32
        %broadcast_in_dim3A_229 = vector.broadcast %mul3A_228 : i32 to vector<16xi32>
        %scatter3A_230 = arith.constant 0 : i32
        %scatter3A_231 = arith.constant 0 : i32
        %scatter3A_232 = tpu.memref_slice %arg12[%scatter3A_230, %scatter3A_231] : memref<1x128xi32, #tpu.memory_space<vmem>> -> memref<1x128xi32, #tpu.memory_space<vmem>>
        %scatter3A_233 = tpu.memref_squeeze %scatter3A_232 : memref<1x128xi32, #tpu.memory_space<vmem>> -> memref<128xi32, #tpu.memory_space<vmem>>
        tpu.vector_store_idx %scatter3A_233[%add3A_226], %broadcast_in_dim3A_229 : memref<128xi32, #tpu.memory_space<vmem>>[vector<16xi32>], vector<16xi32>,
        %add3A_234 = arith.constant 32 : i32
        %add3A_235 = vector.broadcast %add3A_234 : i32 to vector<16xi32>
        %add3A_236 = arith.addi %iota3A, %add3A_235 : vector<16xi32>
        %mul3A_237 = arith.constant 4 : i32
        %mul3A_238 = arith.muli %add3A, %mul3A_237 : i32
        %broadcast_in_dim3A_239 = vector.broadcast %mul3A_238 : i32 to vector<16xi32>
        %scatter3A_240 = arith.constant 0 : i32
        %scatter3A_241 = arith.constant 0 : i32
        %scatter3A_242 = tpu.memref_slice %arg12[%scatter3A_240, %scatter3A_241] : memref<1x128xi32, #tpu.memory_space<vmem>> -> memref<1x128xi32, #tpu.memory_space<vmem>>
        %scatter3A_243 = tpu.memref_squeeze %scatter3A_242 : memref<1x128xi32, #tpu.memory_space<vmem>> -> memref<128xi32, #tpu.memory_space<vmem>>
        tpu.vector_store_idx %scatter3A_243[%add3A_236], %broadcast_in_dim3A_239 : memref<128xi32, #tpu.memory_space<vmem>>[vector<16xi32>], vector<16xi32>,
        %add3A_244 = arith.constant 48 : i32
        %add3A_245 = vector.broadcast %add3A_244 : i32 to vector<16xi32>
        %add3A_246 = arith.addi %iota3A, %add3A_245 : vector<16xi32>
        %mul3A_247 = arith.constant 4 : i32
        %mul3A_248 = arith.muli %add3A, %mul3A_247 : i32
        %broadcast_in_dim3A_249 = vector.broadcast %mul3A_248 : i32 to vector<16xi32>
        %scatter3A_250 = arith.constant 0 : i32
        %scatter3A_251 = arith.constant 0 : i32
        %scatter3A_252 = tpu.memref_slice %arg12[%scatter3A_250, %scatter3A_251] : memref<1x128xi32, #tpu.memory_space<vmem>> -> memref<1x128xi32, #tpu.memory_space<vmem>>
        %scatter3A_253 = tpu.memref_squeeze %scatter3A_252 : memref<1x128xi32, #tpu.memory_space<vmem>> -> memref<128xi32, #tpu.memory_space<vmem>>
        tpu.vector_store_idx %scatter3A_253[%add3A_246], %broadcast_in_dim3A_249 : memref<128xi32, #tpu.memory_space<vmem>>[vector<16xi32>], vector<16xi32>,
        %add3A_254 = arith.constant 64 : i32
        %add3A_255 = vector.broadcast %add3A_254 : i32 to vector<16xi32>
        %add3A_256 = arith.addi %iota3A, %add3A_255 : vector<16xi32>
        %mul3A_257 = arith.constant 4 : i32
        %mul3A_258 = arith.muli %add3A, %mul3A_257 : i32
        %broadcast_in_dim3A_259 = vector.broadcast %mul3A_258 : i32 to vector<16xi32>
        %scatter3A_260 = arith.constant 0 : i32
        %scatter3A_261 = arith.constant 0 : i32
        %scatter3A_262 = tpu.memref_slice %arg12[%scatter3A_260, %scatter3A_261] : memref<1x128xi32, #tpu.memory_space<vmem>> -> memref<1x128xi32, #tpu.memory_space<vmem>>
        %scatter3A_263 = tpu.memref_squeeze %scatter3A_262 : memref<1x128xi32, #tpu.memory_space<vmem>> -> memref<128xi32, #tpu.memory_space<vmem>>
        tpu.vector_store_idx %scatter3A_263[%add3A_256], %broadcast_in_dim3A_259 : memref<128xi32, #tpu.memory_space<vmem>>[vector<16xi32>], vector<16xi32>,
        %add3A_264 = arith.constant 80 : i32
        %add3A_265 = vector.broadcast %add3A_264 : i32 to vector<16xi32>
        %add3A_266 = arith.addi %iota3A, %add3A_265 : vector<16xi32>
        %mul3A_267 = arith.constant 4 : i32
        %mul3A_268 = arith.muli %add3A, %mul3A_267 : i32
        %broadcast_in_dim3A_269 = vector.broadcast %mul3A_268 : i32 to vector<16xi32>
        %scatter3A_270 = arith.constant 0 : i32
        %scatter3A_271 = arith.constant 0 : i32
        %scatter3A_272 = tpu.memref_slice %arg12[%scatter3A_270, %scatter3A_271] : memref<1x128xi32, #tpu.memory_space<vmem>> -> memref<1x128xi32, #tpu.memory_space<vmem>>
        %scatter3A_273 = tpu.memref_squeeze %scatter3A_272 : memref<1x128xi32, #tpu.memory_space<vmem>> -> memref<128xi32, #tpu.memory_space<vmem>>
        tpu.vector_store_idx %scatter3A_273[%add3A_266], %broadcast_in_dim3A_269 : memref<128xi32, #tpu.memory_space<vmem>>[vector<16xi32>], vector<16xi32>,
        %add3A_274 = arith.constant 96 : i32
        %add3A_275 = vector.broadcast %add3A_274 : i32 to vector<16xi32>
        %add3A_276 = arith.addi %iota3A, %add3A_275 : vector<16xi32>
        %mul3A_277 = arith.constant 4 : i32
        %mul3A_278 = arith.muli %add3A, %mul3A_277 : i32
        %broadcast_in_dim3A_279 = vector.broadcast %mul3A_278 : i32 to vector<16xi32>
        %scatter3A_280 = arith.constant 0 : i32
        %scatter3A_281 = arith.constant 0 : i32
        %scatter3A_282 = tpu.memref_slice %arg12[%scatter3A_280, %scatter3A_281] : memref<1x128xi32, #tpu.memory_space<vmem>> -> memref<1x128xi32, #tpu.memory_space<vmem>>
        %scatter3A_283 = tpu.memref_squeeze %scatter3A_282 : memref<1x128xi32, #tpu.memory_space<vmem>> -> memref<128xi32, #tpu.memory_space<vmem>>
        tpu.vector_store_idx %scatter3A_283[%add3A_276], %broadcast_in_dim3A_279 : memref<128xi32, #tpu.memory_space<vmem>>[vector<16xi32>], vector<16xi32>,
        %add3A_284 = arith.constant 112 : i32
        %add3A_285 = vector.broadcast %add3A_284 : i32 to vector<16xi32>
        %add3A_286 = arith.addi %iota3A, %add3A_285 : vector<16xi32>
        %mul3A_287 = arith.constant 4 : i32
        %mul3A_288 = arith.muli %add3A, %mul3A_287 : i32
        %broadcast_in_dim3A_289 = vector.broadcast %mul3A_288 : i32 to vector<16xi32>
        %scatter3A_290 = arith.constant 0 : i32
        %scatter3A_291 = arith.constant 0 : i32
        %scatter3A_292 = tpu.memref_slice %arg12[%scatter3A_290, %scatter3A_291] : memref<1x128xi32, #tpu.memory_space<vmem>> -> memref<1x128xi32, #tpu.memory_space<vmem>>
        %scatter3A_293 = tpu.memref_squeeze %scatter3A_292 : memref<1x128xi32, #tpu.memory_space<vmem>> -> memref<128xi32, #tpu.memory_space<vmem>>
        tpu.vector_store_idx %scatter3A_293[%add3A_286], %broadcast_in_dim3A_289 : memref<128xi32, #tpu.memory_space<vmem>>[vector<16xi32>], vector<16xi32>,
        %while3A_294 = arith.constant 0 : i32
        %while3A_295 = arith.subi %reduce_max3A_214, %reduce_max3A_198 : i32
        %while3A_296 = arith.addi %reduce_max3A_198, %while3A_295 : i32
        %while3A_297 = arith.constant 1 : i32
        %while3A_298 = arith.divsi %while3A_295, %while3A_297 : i32
        %while3A_299 = arith.muli %while3A_298, %while3A_297 : i32
        %while3A_300 = arith.addi %reduce_max3A_198, %while3A_299 : i32
        %while3A_301 = arith.constant 1 : i32
        scf.for %while3A_325 = %reduce_max3A_198 to %while3A_300 step %while3A_301  : i32 {
          %broadcast_in_dim3A_326 = vector.broadcast %while3A_325 : i32 to vector<16xi32>
          %gather3A = tpu.vector_load_idx %arg14[%broadcast_in_dim3A_326] : memref<4096xi32, #tpu.memory_space<vmem>>[vector<16xi32>], vector<16xi32>,
          %shift_right_arithmetic3A = arith.constant 12 : i32
          %shift_right_arithmetic3A_327 = vector.broadcast %shift_right_arithmetic3A : i32 to vector<16xi32>
          %shift_right_arithmetic3A_328 = arith.shrsi %gather3A, %shift_right_arithmetic3A_327 : vector<16xi32>
          %sub3A_329 = arith.constant 99840 : i32
          %sub3A_330 = vector.broadcast %sub3A_329 : i32 to vector<16xi32>
          %sub3A_331 = arith.subi %shift_right_arithmetic3A_328, %sub3A_330 : vector<16xi32>
          %mul3A_332 = arith.constant 160 : i32
          %mul3A_333 = arith.muli %while3A_126, %mul3A_332 : i32
          %add3A_334 = vector.broadcast %mul3A_333 : i32 to vector<16xi32>
          %add3A_335 = arith.addi %sub3A_331, %add3A_334 : vector<16xi32>
          %sub3A_336 = arith.subi %while3A_325, %reduce_max3A_198 : i32
          %broadcast_in_dim3A_337 = vector.broadcast %sub3A_336 : i32 to vector<16xi32>
          %scatter3A_338 = arith.constant 0 : i32
          %scatter3A_339 = arith.constant 0 : i32
          %scatter3A_340 = tpu.memref_slice %arg12[%scatter3A_338, %scatter3A_339] : memref<1x128xi32, #tpu.memory_space<vmem>> -> memref<1x128xi32, #tpu.memory_space<vmem>>
          %scatter3A_341 = tpu.memref_squeeze %scatter3A_340 : memref<1x128xi32, #tpu.memory_space<vmem>> -> memref<128xi32, #tpu.memory_space<vmem>>
          tpu.vector_store_idx %scatter3A_341[%broadcast_in_dim3A_337], %add3A_335 masked %eq3A_51 : memref<128xi32, #tpu.memory_space<vmem>>[vector<16xi32>], vector<16xi32>, vector<16xi1>
        }
        %while3A_302 = arith.constant 1 : i32
        scf.for %while3A_325 = %while3A_300 to %while3A_296 step %while3A_302  : i32 {
          %broadcast_in_dim3A_326 = vector.broadcast %while3A_325 : i32 to vector<16xi32>
          %gather3A = tpu.vector_load_idx %arg14[%broadcast_in_dim3A_326] : memref<4096xi32, #tpu.memory_space<vmem>>[vector<16xi32>], vector<16xi32>,
          %shift_right_arithmetic3A = arith.constant 12 : i32
          %shift_right_arithmetic3A_327 = vector.broadcast %shift_right_arithmetic3A : i32 to vector<16xi32>
          %shift_right_arithmetic3A_328 = arith.shrsi %gather3A, %shift_right_arithmetic3A_327 : vector<16xi32>
          %sub3A_329 = arith.constant 99840 : i32
          %sub3A_330 = vector.broadcast %sub3A_329 : i32 to vector<16xi32>
          %sub3A_331 = arith.subi %shift_right_arithmetic3A_328, %sub3A_330 : vector<16xi32>
          %mul3A_332 = arith.constant 160 : i32
          %mul3A_333 = arith.muli %while3A_126, %mul3A_332 : i32
          %add3A_334 = vector.broadcast %mul3A_333 : i32 to vector<16xi32>
          %add3A_335 = arith.addi %sub3A_331, %add3A_334 : vector<16xi32>
          %sub3A_336 = arith.subi %while3A_325, %reduce_max3A_198 : i32
          %broadcast_in_dim3A_337 = vector.broadcast %sub3A_336 : i32 to vector<16xi32>
          %scatter3A_338 = arith.constant 0 : i32
          %scatter3A_339 = arith.constant 0 : i32
          %scatter3A_340 = tpu.memref_slice %arg12[%scatter3A_338, %scatter3A_339] : memref<1x128xi32, #tpu.memory_space<vmem>> -> memref<1x128xi32, #tpu.memory_space<vmem>>
          %scatter3A_341 = tpu.memref_squeeze %scatter3A_340 : memref<1x128xi32, #tpu.memory_space<vmem>> -> memref<128xi32, #tpu.memory_space<vmem>>
          tpu.vector_store_idx %scatter3A_341[%broadcast_in_dim3A_337], %add3A_335 masked %eq3A_51 : memref<128xi32, #tpu.memory_space<vmem>>[vector<16xi32>], vector<16xi32>, vector<16xi1>
        }
        %dma_start3A = arith.constant 0 : i32
        %dma_start3A_303 = arith.constant 0 : i32
        %dma_start3A_304 = tpu.memref_slice %arg12[%dma_start3A, %dma_start3A_303] : memref<1x128xi32, #tpu.memory_space<vmem>> -> memref<1x128xi32, #tpu.memory_space<vmem>>
        %dma_start3A_305 = tpu.memref_squeeze %dma_start3A_304 : memref<1x128xi32, #tpu.memory_space<vmem>> -> memref<128xi32, #tpu.memory_space<vmem>>
        %dma_start3A_306 = arith.constant 0 : i32
        %dma_start3A_307 = arith.constant 0 : i32
        %dma_start3A_308 = tpu.memref_slice %arg5[%dma_start3A_306, %dma_start3A_307] : memref<4160x128xf32, #tpu.memory_space<hbm>> -> memref<4160x128xf32, #tpu.memory_space<hbm>>
        tpu.enqueue_indirect_dma source(%dma_start3A_308 : memref<4160x128xf32, #tpu.memory_space<hbm>>) target(%arg10 : memref<128x128xf32, #tpu.memory_space<vmem>>) offsets(%dma_start3A_305 : memref<128xi32, #tpu.memory_space<vmem>>) semaphore(%arg18 : memref<!tpu.dma_semaphore, #tpu.memory_space<semaphore_mem>>)
        %dma_wait3A = arith.constant 0 : i32
        %dma_wait3A_309 = arith.constant 0 : i32
        %dma_wait3A_310 = tpu.memref_slice %arg12[%dma_wait3A, %dma_wait3A_309] : memref<1x128xi32, #tpu.memory_space<vmem>> -> memref<1x128xi32, #tpu.memory_space<vmem>>
        %dma_wait3A_311 = tpu.memref_squeeze %dma_wait3A_310 : memref<1x128xi32, #tpu.memory_space<vmem>> -> memref<128xi32, #tpu.memory_space<vmem>>
        %dma_wait3A_312 = arith.constant 0 : i32
        %dma_wait3A_313 = arith.constant 0 : i32
        %dma_wait3A_314 = tpu.memref_slice %arg5[%dma_wait3A_312, %dma_wait3A_313] : memref<4160x128xf32, #tpu.memory_space<hbm>> -> memref<4160x128xf32, #tpu.memory_space<hbm>>
        tpu.wait_indirect_dma semaphore(%arg18 : memref<!tpu.dma_semaphore, #tpu.memory_space<semaphore_mem>>) src(%dma_wait3A_314 : memref<4160x128xf32, #tpu.memory_space<hbm>>) dst(%arg10 : memref<128x128xf32, #tpu.memory_space<vmem>>)
        %while3A_315 = arith.subi %reduce_max3A_214, %reduce_max3A_198 : i32
        %while3A_316 = arith.addi %reduce_max3A_198, %while3A_315 : i32
        %while3A_317 = arith.constant 1 : i32
        %while3A_318 = arith.divsi %while3A_315, %while3A_317 : i32
        %while3A_319 = arith.muli %while3A_318, %while3A_317 : i32
        %while3A_320 = arith.addi %reduce_max3A_198, %while3A_319 : i32
        %while3A_321 = arith.constant 1 : i32
        %while3A_322 = scf.for %while3A_325 = %reduce_max3A_198 to %while3A_320 step %while3A_321 iter_args(%while3A_326 = %while3A_178) -> (i32)  : i32 {
          %broadcast_in_dim3A_327 = vector.broadcast %while3A_325 : i32 to vector<16xi32>
          %gather3A = tpu.vector_load_idx %arg14[%broadcast_in_dim3A_327] : memref<4096xi32, #tpu.memory_space<vmem>>[vector<16xi32>], vector<16xi32>,
          %and3A_328 = arith.constant 4095 : i32
          %and3A_329 = vector.broadcast %and3A_328 : i32 to vector<16xi32>
          %and3A_330 = arith.andi %gather3A, %and3A_329 : vector<16xi32>
          %mul3A_331 = arith.constant 26 : i32
          %mul3A_332 = vector.broadcast %mul3A_331 : i32 to vector<16xi32>
          %mul3A_333 = arith.muli %and3A_330, %mul3A_332 : vector<16xi32>
          %add3A_334 = vector.broadcast %while3A_126 : i32 to vector<16xi32>
          %add3A_335 = arith.addi %mul3A_333, %add3A_334 : vector<16xi32>
          %sub3A_336 = arith.subi %while3A_325, %reduce_max3A_198 : i32
          %get3A_337 = arith.index_cast %sub3A_336 : i32 to index
          %get3A_338 = arith.constant 0 : index
          %get3A_339 = tpu.vector_load %arg10[%get3A_337, %get3A_338] {strides = array<i32>} : memref<128x128xf32, #tpu.memory_space<vmem>>, vector<16xf32>,
          %add3A_340 = arith.addf %get3A_339, %get3A_136 : vector<16xf32>
          %get3A_341 = arith.index_cast %sub3A_336 : i32 to index
          %get3A_342 = arith.constant 16 : index
          %get3A_343 = tpu.vector_load %arg10[%get3A_341, %get3A_342] {strides = array<i32>} : memref<128x128xf32, #tpu.memory_space<vmem>>, vector<16xf32>,
          %add3A_344 = arith.addf %get3A_343, %get3A_139 : vector<16xf32>
          %get3A_345 = arith.index_cast %sub3A_336 : i32 to index
          %get3A_346 = arith.constant 32 : index
          %get3A_347 = tpu.vector_load %arg10[%get3A_345, %get3A_346] {strides = array<i32>} : memref<128x128xf32, #tpu.memory_space<vmem>>, vector<16xf32>,
          %add3A_348 = arith.addf %get3A_347, %get3A_142 : vector<16xf32>
          %get3A_349 = arith.index_cast %sub3A_336 : i32 to index
          %get3A_350 = arith.constant 48 : index
          %get3A_351 = tpu.vector_load %arg10[%get3A_349, %get3A_350] {strides = array<i32>} : memref<128x128xf32, #tpu.memory_space<vmem>>, vector<16xf32>,
          %add3A_352 = arith.addf %get3A_351, %get3A_145 : vector<16xf32>
          %jit3A_353 = arith.constant 128 : i32
          %eq3A_354 = arith.constant 0 : i32
          %eq3A_355 = arith.cmpi eq, %jit3A_353, %eq3A_354 : i32
          %jit3A_356 = arith.constant 1 : i32
          %select_n3A_357 = arith.select %eq3A_355, %jit3A_356, %jit3A_353 : i32
          %rem3A_358 = arith.remsi %while3A_326, %select_n3A_357 : i32
          %ne3A_359 = arith.constant 0 : i32
          %ne3A_360 = arith.cmpi ne, %rem3A_358, %ne3A_359 : i32
          %lt3A_361 = arith.constant 0 : i32
          %lt3A_362 = arith.cmpi slt, %rem3A_358, %lt3A_361 : i32
          %lt3A_363 = arith.constant 0 : i32
          %lt3A_364 = arith.cmpi slt, %select_n3A_357, %lt3A_363 : i32
          %ne3A_365 = arith.xori %lt3A_362, %lt3A_364 : i1
          %and3A_366 = arith.andi %ne3A_365, %ne3A_360 : i1
          %add3A_367 = arith.addi %rem3A_358, %select_n3A_357 : i32
          %select_n3A_368 = arith.select %and3A_366, %add3A_367, %rem3A_358 : i32
          %jit3A_369 = arith.constant 128 : i32
          %div3A_370 = arith.divsi %while3A_326, %jit3A_369 : i32
          %sign3A_371 = arith.constant 0 : i32
          %sign3A_372 = arith.cmpi sgt, %while3A_326, %sign3A_371 : i32
          %sign3A_373 = arith.extui %sign3A_372 : i1 to i32
          %sign3A_374 = arith.constant 0 : i32
          %sign3A_375 = arith.cmpi slt, %while3A_326, %sign3A_374 : i32
          %sign3A_376 = arith.extui %sign3A_375 : i1 to i32
          %sign3A_377 = arith.subi %sign3A_373, %sign3A_376 : i32
          %sign3A_378 = arith.constant 0 : i32
          %sign3A_379 = arith.cmpi sgt, %jit3A_369, %sign3A_378 : i32
          %sign3A_380 = arith.extui %sign3A_379 : i1 to i32
          %sign3A_381 = arith.constant 0 : i32
          %sign3A_382 = arith.cmpi slt, %jit3A_369, %sign3A_381 : i32
          %sign3A_383 = arith.extui %sign3A_382 : i1 to i32
          %sign3A_384 = arith.subi %sign3A_380, %sign3A_383 : i32
          %ne3A_385 = arith.cmpi ne, %sign3A_377, %sign3A_384 : i32
          %rem3A_386 = arith.remsi %while3A_326, %jit3A_369 : i32
          %ne3A_387 = arith.constant 0 : i32
          %ne3A_388 = arith.cmpi ne, %rem3A_386, %ne3A_387 : i32
          %and3A_389 = arith.andi %ne3A_385, %ne3A_388 : i1
          %sub3A_390 = arith.constant 1 : i32
          %sub3A_391 = arith.subi %div3A_370, %sub3A_390 : i32
          %select_n3A_392 = arith.select %and3A_389, %sub3A_391, %div3A_370 : i32
          %rem3A_393 = arith.constant 2 : i32
          %rem3A_394 = arith.remsi %select_n3A_392, %rem3A_393 : i32
          %broadcast_in_dim3A_395 = vector.broadcast %select_n3A_368 : i32 to vector<16xi32>
          %eq3A_396 = arith.constant 0 : i32
          %eq3A_397 = arith.cmpi eq, %select_n3A_368, %eq3A_396 : i32
          %ge3A_398 = arith.constant 2 : i32
          %ge3A_399 = arith.cmpi sge, %select_n3A_392, %ge3A_398 : i32
          %and3A_400 = arith.andi %eq3A_397, %ge3A_399 : i1
          %convert_element_type3A_401 = arith.extui %and3A_400 : i1 to i32
          %cond3A_402 = arith.constant 0 : i32
          %cond3A_403 = arith.cmpi ne, %convert_element_type3A_401, %cond3A_402 : i32
          scf.if %cond3A_403 {
            %dma_wait3A_429 = arith.constant 0 : i32
            %dma_wait3A_430 = arith.constant 0 : i32
            %dma_wait3A_431 = arith.constant 0 : i32
            %dma_wait3A_432 = tpu.memref_slice %arg9[%rem3A_394, %dma_wait3A_430, %dma_wait3A_431] : memref<2x128x128xf32, #tpu.memory_space<vmem>> -> memref<1x128x128xf32, #tpu.memory_space<vmem>>
            %dma_wait3A_433 = tpu.memref_squeeze %dma_wait3A_432 : memref<1x128x128xf32, #tpu.memory_space<vmem>> -> memref<128x128xf32, #tpu.memory_space<vmem>>
            %dma_wait3A_434 = arith.constant 0 : i32
            %dma_wait3A_435 = arith.constant 0 : i32
            %dma_wait3A_436 = tpu.memref_slice %arg4[%dma_wait3A_429, %dma_wait3A_434, %dma_wait3A_435] : memref<26x64x100000xf32, #tpu.memory_space<hbm>> -> memref<1x64x256xf32, #tpu.memory_space<hbm>>
            %dma_wait3A_437 = tpu.memref_squeeze %dma_wait3A_436 : memref<1x64x256xf32, #tpu.memory_space<hbm>> -> memref<64x256xf32, #tpu.memory_space<hbm>>
            %dma_wait3A_438 = tpu.memref_slice %arg17[%rem3A_394] : memref<2x!tpu.dma_semaphore, #tpu.memory_space<semaphore_mem>> -> memref<1x!tpu.dma_semaphore, #tpu.memory_space<semaphore_mem>>
            %dma_wait3A_439 = tpu.memref_squeeze %dma_wait3A_438 : memref<1x!tpu.dma_semaphore, #tpu.memory_space<semaphore_mem>> -> memref<!tpu.dma_semaphore, #tpu.memory_space<semaphore_mem>>
            %dma_wait3A_440 = arith.constant 0 : i32
            %dma_wait3A_441 = arith.constant 0 : i32
            %dma_wait3A_442 = tpu.memref_slice %arg9[%rem3A_394, %dma_wait3A_440, %dma_wait3A_441] : memref<2x128x128xf32, #tpu.memory_space<vmem>> -> memref<1x128x128xf32, #tpu.memory_space<vmem>>
            %dma_wait3A_443 = tpu.memref_squeeze %dma_wait3A_442 : memref<1x128x128xf32, #tpu.memory_space<vmem>> -> memref<128x128xf32, #tpu.memory_space<vmem>>
            %dma_wait3A_444 = arith.constant 0 : i32
            %dma_wait3A_445 = arith.constant 0 : i32
            %dma_wait3A_446 = tpu.memref_slice %arg4[%dma_wait3A_429, %dma_wait3A_444, %dma_wait3A_445] : memref<26x64x100000xf32, #tpu.memory_space<hbm>> -> memref<1x64x256xf32, #tpu.memory_space<hbm>>
            %dma_wait3A_447 = tpu.memref_squeeze %dma_wait3A_446 : memref<1x64x256xf32, #tpu.memory_space<hbm>> -> memref<64x256xf32, #tpu.memory_space<hbm>>
            tpu.wait_dma2 semaphore(%dma_wait3A_439 : memref<!tpu.dma_semaphore, #tpu.memory_space<semaphore_mem>>) src(%dma_wait3A_447 : memref<64x256xf32, #tpu.memory_space<hbm>>) dst(%dma_wait3A_443 : memref<128x128xf32, #tpu.memory_space<vmem>>)
          } else {
          }
          %swap3A = arith.index_cast %rem3A_394 : i32 to index
          %swap3A_404 = arith.index_cast %select_n3A_368 : i32 to index
          %swap3A_405 = arith.constant 0 : index
          %swap3A_406 = tpu.vector_load %arg9[%swap3A, %swap3A_404, %swap3A_405] {strides = array<i32>} : memref<2x128x128xf32, #tpu.memory_space<vmem>>, vector<16xf32>,
          tpu.vector_store %arg9[%swap3A, %swap3A_404, %swap3A_405], %add3A_340 {strides = array<i32>} : memref<2x128x128xf32, #tpu.memory_space<vmem>>, vector<16xf32>,
          %swap3A_407 = arith.index_cast %rem3A_394 : i32 to index
          %swap3A_408 = arith.index_cast %select_n3A_368 : i32 to index
          %swap3A_409 = arith.constant 16 : index
          %swap3A_410 = tpu.vector_load %arg9[%swap3A_407, %swap3A_408, %swap3A_409] {strides = array<i32>} : memref<2x128x128xf32, #tpu.memory_space<vmem>>, vector<16xf32>,
          tpu.vector_store %arg9[%swap3A_407, %swap3A_408, %swap3A_409], %add3A_344 {strides = array<i32>} : memref<2x128x128xf32, #tpu.memory_space<vmem>>, vector<16xf32>,
          %swap3A_411 = arith.index_cast %rem3A_394 : i32 to index
          %swap3A_412 = arith.index_cast %select_n3A_368 : i32 to index
          %swap3A_413 = arith.constant 32 : index
          %swap3A_414 = tpu.vector_load %arg9[%swap3A_411, %swap3A_412, %swap3A_413] {strides = array<i32>} : memref<2x128x128xf32, #tpu.memory_space<vmem>>, vector<16xf32>,
          tpu.vector_store %arg9[%swap3A_411, %swap3A_412, %swap3A_413], %add3A_348 {strides = array<i32>} : memref<2x128x128xf32, #tpu.memory_space<vmem>>, vector<16xf32>,
          %swap3A_415 = arith.index_cast %rem3A_394 : i32 to index
          %swap3A_416 = arith.index_cast %select_n3A_368 : i32 to index
          %swap3A_417 = arith.constant 48 : index
          %swap3A_418 = tpu.vector_load %arg9[%swap3A_415, %swap3A_416, %swap3A_417] {strides = array<i32>} : memref<2x128x128xf32, #tpu.memory_space<vmem>>, vector<16xf32>,
          tpu.vector_store %arg9[%swap3A_415, %swap3A_416, %swap3A_417], %add3A_352 {strides = array<i32>} : memref<2x128x128xf32, #tpu.memory_space<vmem>>, vector<16xf32>,
          %scatter3A_419 = arith.constant 0 : i32
          %scatter3A_420 = tpu.memref_slice %arg11[%rem3A_394, %scatter3A_419] : memref<2x128xi32, #tpu.memory_space<vmem>> -> memref<1x128xi32, #tpu.memory_space<vmem>>
          %scatter3A_421 = tpu.memref_squeeze %scatter3A_420 : memref<1x128xi32, #tpu.memory_space<vmem>> -> memref<128xi32, #tpu.memory_space<vmem>>
          tpu.vector_store_idx %scatter3A_421[%broadcast_in_dim3A_395], %add3A_335 masked %eq3A_51 : memref<128xi32, #tpu.memory_space<vmem>>[vector<16xi32>], vector<16xi32>, vector<16xi1>
          %eq3A_422 = arith.constant 127 : i32
          %eq3A_423 = arith.cmpi eq, %select_n3A_368, %eq3A_422 : i32
          %convert_element_type3A_424 = arith.extui %eq3A_423 : i1 to i32
          %cond3A_425 = arith.constant 0 : i32
          %cond3A_426 = arith.cmpi ne, %convert_element_type3A_424, %cond3A_425 : i32
          scf.if %cond3A_426 {
            %dma_start3A_429 = arith.constant 0 : i32
            %dma_start3A_430 = arith.constant 0 : i32
            %dma_start3A_431 = tpu.memref_slice %arg9[%rem3A_394, %dma_start3A_429, %dma_start3A_430] : memref<2x128x128xf32, #tpu.memory_space<vmem>> -> memref<1x128x128xf32, #tpu.memory_space<vmem>>
            %dma_start3A_432 = tpu.memref_squeeze %dma_start3A_431 : memref<1x128x128xf32, #tpu.memory_space<vmem>> -> memref<128x128xf32, #tpu.memory_space<vmem>>
            %dma_start3A_433 = arith.constant 0 : i32
            %dma_start3A_434 = tpu.memref_slice %arg11[%rem3A_394, %dma_start3A_433] : memref<2x128xi32, #tpu.memory_space<vmem>> -> memref<1x128xi32, #tpu.memory_space<vmem>>
            %dma_start3A_435 = tpu.memref_squeeze %dma_start3A_434 : memref<1x128xi32, #tpu.memory_space<vmem>> -> memref<128xi32, #tpu.memory_space<vmem>>
            %dma_start3A_436 = arith.constant 0 : i32
            %dma_start3A_437 = arith.constant 0 : i32
            %dma_start3A_438 = tpu.memref_slice %arg7[%dma_start3A_436, %dma_start3A_437] : memref<106504x128xf32, #tpu.memory_space<hbm>> -> memref<106504x128xf32, #tpu.memory_space<hbm>>
            %dma_start3A_439 = tpu.memref_slice %arg17[%rem3A_394] : memref<2x!tpu.dma_semaphore, #tpu.memory_space<semaphore_mem>> -> memref<1x!tpu.dma_semaphore, #tpu.memory_space<semaphore_mem>>
            %dma_start3A_440 = tpu.memref_squeeze %dma_start3A_439 : memref<1x!tpu.dma_semaphore, #tpu.memory_space<semaphore_mem>> -> memref<!tpu.dma_semaphore, #tpu.memory_space<semaphore_mem>>
            tpu.enqueue_indirect_dma source(%dma_start3A_432 : memref<128x128xf32, #tpu.memory_space<vmem>>) target(%dma_start3A_438 : memref<106504x128xf32, #tpu.memory_space<hbm>>) offsets(%dma_start3A_435 : memref<128xi32, #tpu.memory_space<vmem>>) semaphore(%dma_start3A_440 : memref<!tpu.dma_semaphore, #tpu.memory_space<semaphore_mem>>)
          } else {
          }
          %add3A_427 = arith.constant 1 : i32
          %add3A_428 = arith.addi %while3A_326, %add3A_427 : i32
          scf.yield %add3A_428 : i32
        }
        %while3A_323 = arith.constant 1 : i32
        %while3A_324 = scf.for %while3A_325 = %while3A_320 to %while3A_316 step %while3A_323 iter_args(%while3A_326 = %while3A_322) -> (i32)  : i32 {
          %broadcast_in_dim3A_327 = vector.broadcast %while3A_325 : i32 to vector<16xi32>
          %gather3A = tpu.vector_load_idx %arg14[%broadcast_in_dim3A_327] : memref<4096xi32, #tpu.memory_space<vmem>>[vector<16xi32>], vector<16xi32>,
          %and3A_328 = arith.constant 4095 : i32
          %and3A_329 = vector.broadcast %and3A_328 : i32 to vector<16xi32>
          %and3A_330 = arith.andi %gather3A, %and3A_329 : vector<16xi32>
          %mul3A_331 = arith.constant 26 : i32
          %mul3A_332 = vector.broadcast %mul3A_331 : i32 to vector<16xi32>
          %mul3A_333 = arith.muli %and3A_330, %mul3A_332 : vector<16xi32>
          %add3A_334 = vector.broadcast %while3A_126 : i32 to vector<16xi32>
          %add3A_335 = arith.addi %mul3A_333, %add3A_334 : vector<16xi32>
          %sub3A_336 = arith.subi %while3A_325, %reduce_max3A_198 : i32
          %get3A_337 = arith.index_cast %sub3A_336 : i32 to index
          %get3A_338 = arith.constant 0 : index
          %get3A_339 = tpu.vector_load %arg10[%get3A_337, %get3A_338] {strides = array<i32>} : memref<128x128xf32, #tpu.memory_space<vmem>>, vector<16xf32>,
          %add3A_340 = arith.addf %get3A_339, %get3A_136 : vector<16xf32>
          %get3A_341 = arith.index_cast %sub3A_336 : i32 to index
          %get3A_342 = arith.constant 16 : index
          %get3A_343 = tpu.vector_load %arg10[%get3A_341, %get3A_342] {strides = array<i32>} : memref<128x128xf32, #tpu.memory_space<vmem>>, vector<16xf32>,
          %add3A_344 = arith.addf %get3A_343, %get3A_139 : vector<16xf32>
          %get3A_345 = arith.index_cast %sub3A_336 : i32 to index
          %get3A_346 = arith.constant 32 : index
          %get3A_347 = tpu.vector_load %arg10[%get3A_345, %get3A_346] {strides = array<i32>} : memref<128x128xf32, #tpu.memory_space<vmem>>, vector<16xf32>,
          %add3A_348 = arith.addf %get3A_347, %get3A_142 : vector<16xf32>
          %get3A_349 = arith.index_cast %sub3A_336 : i32 to index
          %get3A_350 = arith.constant 48 : index
          %get3A_351 = tpu.vector_load %arg10[%get3A_349, %get3A_350] {strides = array<i32>} : memref<128x128xf32, #tpu.memory_space<vmem>>, vector<16xf32>,
          %add3A_352 = arith.addf %get3A_351, %get3A_145 : vector<16xf32>
          %jit3A_353 = arith.constant 128 : i32
          %eq3A_354 = arith.constant 0 : i32
          %eq3A_355 = arith.cmpi eq, %jit3A_353, %eq3A_354 : i32
          %jit3A_356 = arith.constant 1 : i32
          %select_n3A_357 = arith.select %eq3A_355, %jit3A_356, %jit3A_353 : i32
          %rem3A_358 = arith.remsi %while3A_326, %select_n3A_357 : i32
          %ne3A_359 = arith.constant 0 : i32
          %ne3A_360 = arith.cmpi ne, %rem3A_358, %ne3A_359 : i32
          %lt3A_361 = arith.constant 0 : i32
          %lt3A_362 = arith.cmpi slt, %rem3A_358, %lt3A_361 : i32
          %lt3A_363 = arith.constant 0 : i32
          %lt3A_364 = arith.cmpi slt, %select_n3A_357, %lt3A_363 : i32
          %ne3A_365 = arith.xori %lt3A_362, %lt3A_364 : i1
          %and3A_366 = arith.andi %ne3A_365, %ne3A_360 : i1
          %add3A_367 = arith.addi %rem3A_358, %select_n3A_357 : i32
          %select_n3A_368 = arith.select %and3A_366, %add3A_367, %rem3A_358 : i32
          %jit3A_369 = arith.constant 128 : i32
          %div3A_370 = arith.divsi %while3A_326, %jit3A_369 : i32
          %sign3A_371 = arith.constant 0 : i32
          %sign3A_372 = arith.cmpi sgt, %while3A_326, %sign3A_371 : i32
          %sign3A_373 = arith.extui %sign3A_372 : i1 to i32
          %sign3A_374 = arith.constant 0 : i32
          %sign3A_375 = arith.cmpi slt, %while3A_326, %sign3A_374 : i32
          %sign3A_376 = arith.extui %sign3A_375 : i1 to i32
          %sign3A_377 = arith.subi %sign3A_373, %sign3A_376 : i32
          %sign3A_378 = arith.constant 0 : i32
          %sign3A_379 = arith.cmpi sgt, %jit3A_369, %sign3A_378 : i32
          %sign3A_380 = arith.extui %sign3A_379 : i1 to i32
          %sign3A_381 = arith.constant 0 : i32
          %sign3A_382 = arith.cmpi slt, %jit3A_369, %sign3A_381 : i32
          %sign3A_383 = arith.extui %sign3A_382 : i1 to i32
          %sign3A_384 = arith.subi %sign3A_380, %sign3A_383 : i32
          %ne3A_385 = arith.cmpi ne, %sign3A_377, %sign3A_384 : i32
          %rem3A_386 = arith.remsi %while3A_326, %jit3A_369 : i32
          %ne3A_387 = arith.constant 0 : i32
          %ne3A_388 = arith.cmpi ne, %rem3A_386, %ne3A_387 : i32
          %and3A_389 = arith.andi %ne3A_385, %ne3A_388 : i1
          %sub3A_390 = arith.constant 1 : i32
          %sub3A_391 = arith.subi %div3A_370, %sub3A_390 : i32
          %select_n3A_392 = arith.select %and3A_389, %sub3A_391, %div3A_370 : i32
          %rem3A_393 = arith.constant 2 : i32
          %rem3A_394 = arith.remsi %select_n3A_392, %rem3A_393 : i32
          %broadcast_in_dim3A_395 = vector.broadcast %select_n3A_368 : i32 to vector<16xi32>
          %eq3A_396 = arith.constant 0 : i32
          %eq3A_397 = arith.cmpi eq, %select_n3A_368, %eq3A_396 : i32
          %ge3A_398 = arith.constant 2 : i32
          %ge3A_399 = arith.cmpi sge, %select_n3A_392, %ge3A_398 : i32
          %and3A_400 = arith.andi %eq3A_397, %ge3A_399 : i1
          %convert_element_type3A_401 = arith.extui %and3A_400 : i1 to i32
          %cond3A_402 = arith.constant 0 : i32
          %cond3A_403 = arith.cmpi ne, %convert_element_type3A_401, %cond3A_402 : i32
          scf.if %cond3A_403 {
            %dma_wait3A_429 = arith.constant 0 : i32
            %dma_wait3A_430 = arith.constant 0 : i32
            %dma_wait3A_431 = arith.constant 0 : i32
            %dma_wait3A_432 = tpu.memref_slice %arg9[%rem3A_394, %dma_wait3A_430, %dma_wait3A_431] : memref<2x128x128xf32, #tpu.memory_space<vmem>> -> memref<1x128x128xf32, #tpu.memory_space<vmem>>
            %dma_wait3A_433 = tpu.memref_squeeze %dma_wait3A_432 : memref<1x128x128xf32, #tpu.memory_space<vmem>> -> memref<128x128xf32, #tpu.memory_space<vmem>>
            %dma_wait3A_434 = arith.constant 0 : i32
            %dma_wait3A_435 = arith.constant 0 : i32
            %dma_wait3A_436 = tpu.memref_slice %arg4[%dma_wait3A_429, %dma_wait3A_434, %dma_wait3A_435] : memref<26x64x100000xf32, #tpu.memory_space<hbm>> -> memref<1x64x256xf32, #tpu.memory_space<hbm>>
            %dma_wait3A_437 = tpu.memref_squeeze %dma_wait3A_436 : memref<1x64x256xf32, #tpu.memory_space<hbm>> -> memref<64x256xf32, #tpu.memory_space<hbm>>
            %dma_wait3A_438 = tpu.memref_slice %arg17[%rem3A_394] : memref<2x!tpu.dma_semaphore, #tpu.memory_space<semaphore_mem>> -> memref<1x!tpu.dma_semaphore, #tpu.memory_space<semaphore_mem>>
            %dma_wait3A_439 = tpu.memref_squeeze %dma_wait3A_438 : memref<1x!tpu.dma_semaphore, #tpu.memory_space<semaphore_mem>> -> memref<!tpu.dma_semaphore, #tpu.memory_space<semaphore_mem>>
            %dma_wait3A_440 = arith.constant 0 : i32
            %dma_wait3A_441 = arith.constant 0 : i32
            %dma_wait3A_442 = tpu.memref_slice %arg9[%rem3A_394, %dma_wait3A_440, %dma_wait3A_441] : memref<2x128x128xf32, #tpu.memory_space<vmem>> -> memref<1x128x128xf32, #tpu.memory_space<vmem>>
            %dma_wait3A_443 = tpu.memref_squeeze %dma_wait3A_442 : memref<1x128x128xf32, #tpu.memory_space<vmem>> -> memref<128x128xf32, #tpu.memory_space<vmem>>
            %dma_wait3A_444 = arith.constant 0 : i32
            %dma_wait3A_445 = arith.constant 0 : i32
            %dma_wait3A_446 = tpu.memref_slice %arg4[%dma_wait3A_429, %dma_wait3A_444, %dma_wait3A_445] : memref<26x64x100000xf32, #tpu.memory_space<hbm>> -> memref<1x64x256xf32, #tpu.memory_space<hbm>>
            %dma_wait3A_447 = tpu.memref_squeeze %dma_wait3A_446 : memref<1x64x256xf32, #tpu.memory_space<hbm>> -> memref<64x256xf32, #tpu.memory_space<hbm>>
            tpu.wait_dma2 semaphore(%dma_wait3A_439 : memref<!tpu.dma_semaphore, #tpu.memory_space<semaphore_mem>>) src(%dma_wait3A_447 : memref<64x256xf32, #tpu.memory_space<hbm>>) dst(%dma_wait3A_443 : memref<128x128xf32, #tpu.memory_space<vmem>>)
          } else {
          }
          %swap3A = arith.index_cast %rem3A_394 : i32 to index
          %swap3A_404 = arith.index_cast %select_n3A_368 : i32 to index
          %swap3A_405 = arith.constant 0 : index
          %swap3A_406 = tpu.vector_load %arg9[%swap3A, %swap3A_404, %swap3A_405] {strides = array<i32>} : memref<2x128x128xf32, #tpu.memory_space<vmem>>, vector<16xf32>,
          tpu.vector_store %arg9[%swap3A, %swap3A_404, %swap3A_405], %add3A_340 {strides = array<i32>} : memref<2x128x128xf32, #tpu.memory_space<vmem>>, vector<16xf32>,
          %swap3A_407 = arith.index_cast %rem3A_394 : i32 to index
          %swap3A_408 = arith.index_cast %select_n3A_368 : i32 to index
          %swap3A_409 = arith.constant 16 : index
          %swap3A_410 = tpu.vector_load %arg9[%swap3A_407, %swap3A_408, %swap3A_409] {strides = array<i32>} : memref<2x128x128xf32, #tpu.memory_space<vmem>>, vector<16xf32>,
          tpu.vector_store %arg9[%swap3A_407, %swap3A_408, %swap3A_409], %add3A_344 {strides = array<i32>} : memref<2x128x128xf32, #tpu.memory_space<vmem>>, vector<16xf32>,
          %swap3A_411 = arith.index_cast %rem3A_394 : i32 to index
          %swap3A_412 = arith.index_cast %select_n3A_368 : i32 to index
          %swap3A_413 = arith.constant 32 : index
          %swap3A_414 = tpu.vector_load %arg9[%swap3A_411, %swap3A_412, %swap3A_413] {strides = array<i32>} : memref<2x128x128xf32, #tpu.memory_space<vmem>>, vector<16xf32>,
          tpu.vector_store %arg9[%swap3A_411, %swap3A_412, %swap3A_413], %add3A_348 {strides = array<i32>} : memref<2x128x128xf32, #tpu.memory_space<vmem>>, vector<16xf32>,
          %swap3A_415 = arith.index_cast %rem3A_394 : i32 to index
          %swap3A_416 = arith.index_cast %select_n3A_368 : i32 to index
          %swap3A_417 = arith.constant 48 : index
          %swap3A_418 = tpu.vector_load %arg9[%swap3A_415, %swap3A_416, %swap3A_417] {strides = array<i32>} : memref<2x128x128xf32, #tpu.memory_space<vmem>>, vector<16xf32>,
          tpu.vector_store %arg9[%swap3A_415, %swap3A_416, %swap3A_417], %add3A_352 {strides = array<i32>} : memref<2x128x128xf32, #tpu.memory_space<vmem>>, vector<16xf32>,
          %scatter3A_419 = arith.constant 0 : i32
          %scatter3A_420 = tpu.memref_slice %arg11[%rem3A_394, %scatter3A_419] : memref<2x128xi32, #tpu.memory_space<vmem>> -> memref<1x128xi32, #tpu.memory_space<vmem>>
          %scatter3A_421 = tpu.memref_squeeze %scatter3A_420 : memref<1x128xi32, #tpu.memory_space<vmem>> -> memref<128xi32, #tpu.memory_space<vmem>>
          tpu.vector_store_idx %scatter3A_421[%broadcast_in_dim3A_395], %add3A_335 masked %eq3A_51 : memref<128xi32, #tpu.memory_space<vmem>>[vector<16xi32>], vector<16xi32>, vector<16xi1>
          %eq3A_422 = arith.constant 127 : i32
          %eq3A_423 = arith.cmpi eq, %select_n3A_368, %eq3A_422 : i32
          %convert_element_type3A_424 = arith.extui %eq3A_423 : i1 to i32
          %cond3A_425 = arith.constant 0 : i32
          %cond3A_426 = arith.cmpi ne, %convert_element_type3A_424, %cond3A_425 : i32
          scf.if %cond3A_426 {
            %dma_start3A_429 = arith.constant 0 : i32
            %dma_start3A_430 = arith.constant 0 : i32
            %dma_start3A_431 = tpu.memref_slice %arg9[%rem3A_394, %dma_start3A_429, %dma_start3A_430] : memref<2x128x128xf32, #tpu.memory_space<vmem>> -> memref<1x128x128xf32, #tpu.memory_space<vmem>>
            %dma_start3A_432 = tpu.memref_squeeze %dma_start3A_431 : memref<1x128x128xf32, #tpu.memory_space<vmem>> -> memref<128x128xf32, #tpu.memory_space<vmem>>
            %dma_start3A_433 = arith.constant 0 : i32
            %dma_start3A_434 = tpu.memref_slice %arg11[%rem3A_394, %dma_start3A_433] : memref<2x128xi32, #tpu.memory_space<vmem>> -> memref<1x128xi32, #tpu.memory_space<vmem>>
            %dma_start3A_435 = tpu.memref_squeeze %dma_start3A_434 : memref<1x128xi32, #tpu.memory_space<vmem>> -> memref<128xi32, #tpu.memory_space<vmem>>
            %dma_start3A_436 = arith.constant 0 : i32
            %dma_start3A_437 = arith.constant 0 : i32
            %dma_start3A_438 = tpu.memref_slice %arg7[%dma_start3A_436, %dma_start3A_437] : memref<106504x128xf32, #tpu.memory_space<hbm>> -> memref<106504x128xf32, #tpu.memory_space<hbm>>
            %dma_start3A_439 = tpu.memref_slice %arg17[%rem3A_394] : memref<2x!tpu.dma_semaphore, #tpu.memory_space<semaphore_mem>> -> memref<1x!tpu.dma_semaphore, #tpu.memory_space<semaphore_mem>>
            %dma_start3A_440 = tpu.memref_squeeze %dma_start3A_439 : memref<1x!tpu.dma_semaphore, #tpu.memory_space<semaphore_mem>> -> memref<!tpu.dma_semaphore, #tpu.memory_space<semaphore_mem>>
            tpu.enqueue_indirect_dma source(%dma_start3A_432 : memref<128x128xf32, #tpu.memory_space<vmem>>) target(%dma_start3A_438 : memref<106504x128xf32, #tpu.memory_space<hbm>>) offsets(%dma_start3A_435 : memref<128xi32, #tpu.memory_space<vmem>>) semaphore(%dma_start3A_440 : memref<!tpu.dma_semaphore, #tpu.memory_space<semaphore_mem>>)
          } else {
          }
          %add3A_427 = arith.constant 1 : i32
          %add3A_428 = arith.addi %while3A_326, %add3A_427 : i32
          scf.yield %add3A_428 : i32
        }
        scf.yield %while3A_324 : i32
      } else {
        scf.yield %while3A_178 : i32
      }
      scf.yield %cond3A_184 : i32
    }
    %jit3A_79 = arith.constant 128 : i32
    %div3A_80 = arith.divsi %while3A_78, %jit3A_79 : i32
    %sign3A_81 = arith.constant 0 : i32
    %sign3A_82 = arith.cmpi sgt, %while3A_78, %sign3A_81 : i32
    %sign3A_83 = arith.extui %sign3A_82 : i1 to i32
    %sign3A_84 = arith.constant 0 : i32
    %sign3A_85 = arith.cmpi slt, %while3A_78, %sign3A_84 : i32
    %sign3A_86 = arith.extui %sign3A_85 : i1 to i32
    %sign3A_87 = arith.subi %sign3A_83, %sign3A_86 : i32
    %sign3A_88 = arith.constant 0 : i32
    %sign3A_89 = arith.cmpi sgt, %jit3A_79, %sign3A_88 : i32
    %sign3A_90 = arith.extui %sign3A_89 : i1 to i32
    %sign3A_91 = arith.constant 0 : i32
    %sign3A_92 = arith.cmpi slt, %jit3A_79, %sign3A_91 : i32
    %sign3A_93 = arith.extui %sign3A_92 : i1 to i32
    %sign3A_94 = arith.subi %sign3A_90, %sign3A_93 : i32
    %ne3A_95 = arith.cmpi ne, %sign3A_87, %sign3A_94 : i32
    %rem3A_96 = arith.remsi %while3A_78, %jit3A_79 : i32
    %ne3A_97 = arith.constant 0 : i32
    %ne3A_98 = arith.cmpi ne, %rem3A_96, %ne3A_97 : i32
    %and3A_99 = arith.andi %ne3A_95, %ne3A_98 : i1
    %sub3A_100 = arith.constant 1 : i32
    %sub3A_101 = arith.subi %div3A_80, %sub3A_100 : i32
    %select_n3A_102 = arith.select %and3A_99, %sub3A_101, %div3A_80 : i32
    %ge3A = arith.constant 1 : i32
    %ge3A_103 = arith.cmpi sge, %select_n3A_102, %ge3A : i32
    %convert_element_type3A = arith.extui %ge3A_103 : i1 to i32
    %cond3A = arith.constant 0 : i32
    %cond3A_104 = arith.cmpi ne, %convert_element_type3A, %cond3A : i32
    scf.if %cond3A_104 {
      %sub3A_126 = arith.constant 1 : i32
      %sub3A_127 = arith.subi %select_n3A_102, %sub3A_126 : i32
      %rem3A_128 = arith.constant 2 : i32
      %rem3A_129 = arith.remsi %sub3A_127, %rem3A_128 : i32
      %sub3A_130 = arith.constant 1 : i32
      %sub3A_131 = arith.subi %select_n3A_102, %sub3A_130 : i32
      %rem3A_132 = arith.constant 2 : i32
      %rem3A_133 = arith.remsi %sub3A_131, %rem3A_132 : i32
      %dma_wait3A = arith.constant 0 : i32
      %dma_wait3A_134 = arith.constant 0 : i32
      %dma_wait3A_135 = arith.constant 0 : i32
      %dma_wait3A_136 = tpu.memref_slice %arg9[%rem3A_129, %dma_wait3A_134, %dma_wait3A_135] : memref<2x128x128xf32, #tpu.memory_space<vmem>> -> memref<1x128x128xf32, #tpu.memory_space<vmem>>
      %dma_wait3A_137 = tpu.memref_squeeze %dma_wait3A_136 : memref<1x128x128xf32, #tpu.memory_space<vmem>> -> memref<128x128xf32, #tpu.memory_space<vmem>>
      %dma_wait3A_138 = arith.constant 0 : i32
      %dma_wait3A_139 = arith.constant 0 : i32
      %dma_wait3A_140 = tpu.memref_slice %arg4[%dma_wait3A, %dma_wait3A_138, %dma_wait3A_139] : memref<26x64x100000xf32, #tpu.memory_space<hbm>> -> memref<1x64x256xf32, #tpu.memory_space<hbm>>
      %dma_wait3A_141 = tpu.memref_squeeze %dma_wait3A_140 : memref<1x64x256xf32, #tpu.memory_space<hbm>> -> memref<64x256xf32, #tpu.memory_space<hbm>>
      %dma_wait3A_142 = tpu.memref_slice %arg17[%rem3A_133] : memref<2x!tpu.dma_semaphore, #tpu.memory_space<semaphore_mem>> -> memref<1x!tpu.dma_semaphore, #tpu.memory_space<semaphore_mem>>
      %dma_wait3A_143 = tpu.memref_squeeze %dma_wait3A_142 : memref<1x!tpu.dma_semaphore, #tpu.memory_space<semaphore_mem>> -> memref<!tpu.dma_semaphore, #tpu.memory_space<semaphore_mem>>
      %dma_wait3A_144 = arith.constant 0 : i32
      %dma_wait3A_145 = arith.constant 0 : i32
      %dma_wait3A_146 = tpu.memref_slice %arg9[%rem3A_129, %dma_wait3A_144, %dma_wait3A_145] : memref<2x128x128xf32, #tpu.memory_space<vmem>> -> memref<1x128x128xf32, #tpu.memory_space<vmem>>
      %dma_wait3A_147 = tpu.memref_squeeze %dma_wait3A_146 : memref<1x128x128xf32, #tpu.memory_space<vmem>> -> memref<128x128xf32, #tpu.memory_space<vmem>>
      %dma_wait3A_148 = arith.constant 0 : i32
      %dma_wait3A_149 = arith.constant 0 : i32
      %dma_wait3A_150 = tpu.memref_slice %arg4[%dma_wait3A, %dma_wait3A_148, %dma_wait3A_149] : memref<26x64x100000xf32, #tpu.memory_space<hbm>> -> memref<1x64x256xf32, #tpu.memory_space<hbm>>
      %dma_wait3A_151 = tpu.memref_squeeze %dma_wait3A_150 : memref<1x64x256xf32, #tpu.memory_space<hbm>> -> memref<64x256xf32, #tpu.memory_space<hbm>>
      tpu.wait_dma2 semaphore(%dma_wait3A_143 : memref<!tpu.dma_semaphore, #tpu.memory_space<semaphore_mem>>) src(%dma_wait3A_151 : memref<64x256xf32, #tpu.memory_space<hbm>>) dst(%dma_wait3A_147 : memref<128x128xf32, #tpu.memory_space<vmem>>)
    } else {
    }
    %jit3A_105 = arith.constant 128 : i32
    %eq3A_106 = arith.constant 0 : i32
    %eq3A_107 = arith.cmpi eq, %jit3A_105, %eq3A_106 : i32
    %jit3A_108 = arith.constant 1 : i32
    %select_n3A_109 = arith.select %eq3A_107, %jit3A_108, %jit3A_105 : i32
    %rem3A_110 = arith.remsi %while3A_78, %select_n3A_109 : i32
    %ne3A_111 = arith.constant 0 : i32
    %ne3A_112 = arith.cmpi ne, %rem3A_110, %ne3A_111 : i32
    %lt3A_113 = arith.constant 0 : i32
    %lt3A_114 = arith.cmpi slt, %rem3A_110, %lt3A_113 : i32
    %lt3A_115 = arith.constant 0 : i32
    %lt3A_116 = arith.cmpi slt, %select_n3A_109, %lt3A_115 : i32
    %ne3A_117 = arith.xori %lt3A_114, %lt3A_116 : i1
    %and3A_118 = arith.andi %ne3A_117, %ne3A_112 : i1
    %add3A_119 = arith.addi %rem3A_110, %select_n3A_109 : i32
    %select_n3A_120 = arith.select %and3A_118, %add3A_119, %rem3A_110 : i32
    %ne3A_121 = arith.constant 0 : i32
    %ne3A_122 = arith.cmpi ne, %select_n3A_120, %ne3A_121 : i32
    %convert_element_type3A_123 = arith.extui %ne3A_122 : i1 to i32
    %cond3A_124 = arith.constant 0 : i32
    %cond3A_125 = arith.cmpi ne, %convert_element_type3A_123, %cond3A_124 : i32
    scf.if %cond3A_125 {
      %rem3A_126 = arith.constant 2 : i32
      %rem3A_127 = arith.remsi %select_n3A_102, %rem3A_126 : i32
      %jit3A_128 = arith.constant 128 : i32
      %eq3A_129 = arith.constant 0 : i32
      %eq3A_130 = arith.cmpi eq, %jit3A_128, %eq3A_129 : i32
      %jit3A_131 = arith.constant 1 : i32
      %select_n3A_132 = arith.select %eq3A_130, %jit3A_131, %jit3A_128 : i32
      %rem3A_133 = arith.remsi %while3A_78, %select_n3A_132 : i32
      %ne3A_134 = arith.constant 0 : i32
      %ne3A_135 = arith.cmpi ne, %rem3A_133, %ne3A_134 : i32
      %lt3A_136 = arith.constant 0 : i32
      %lt3A_137 = arith.cmpi slt, %rem3A_133, %lt3A_136 : i32
      %lt3A_138 = arith.constant 0 : i32
      %lt3A_139 = arith.cmpi slt, %select_n3A_132, %lt3A_138 : i32
      %ne3A_140 = arith.xori %lt3A_137, %lt3A_139 : i1
      %and3A_141 = arith.andi %ne3A_140, %ne3A_135 : i1
      %add3A_142 = arith.addi %rem3A_133, %select_n3A_132 : i32
      %select_n3A_143 = arith.select %and3A_141, %add3A_142, %rem3A_133 : i32
      %broadcast_in_dim3A = vector.broadcast %select_n3A_143 : i32 to vector<16xi32>
      %add3A_144 = arith.constant 0 : i32
      %add3A_145 = vector.broadcast %add3A_144 : i32 to vector<16xi32>
      %add3A_146 = arith.addi %iota3A, %add3A_145 : vector<16xi32>
      %broadcast_in_dim3A_147 = vector.broadcast %add3A_68 : i32 to vector<16xi32>
      %ge3A_148 = arith.cmpi sge, %add3A_146, %broadcast_in_dim3A : vector<16xi32>
      %scatter3A = arith.constant 0 : i32
      %scatter3A_149 = tpu.memref_slice %arg11[%rem3A_127, %scatter3A] : memref<2x128xi32, #tpu.memory_space<vmem>> -> memref<1x128xi32, #tpu.memory_space<vmem>>
      %scatter3A_150 = tpu.memref_squeeze %scatter3A_149 : memref<1x128xi32, #tpu.memory_space<vmem>> -> memref<128xi32, #tpu.memory_space<vmem>>
      tpu.vector_store_idx %scatter3A_150[%add3A_146], %broadcast_in_dim3A_147 masked %ge3A_148 : memref<128xi32, #tpu.memory_space<vmem>>[vector<16xi32>], vector<16xi32>, vector<16xi1>
      %add3A_151 = arith.constant 16 : i32
      %add3A_152 = vector.broadcast %add3A_151 : i32 to vector<16xi32>
      %add3A_153 = arith.addi %iota3A, %add3A_152 : vector<16xi32>
      %broadcast_in_dim3A_154 = vector.broadcast %add3A_68 : i32 to vector<16xi32>
      %ge3A_155 = arith.cmpi sge, %add3A_153, %broadcast_in_dim3A : vector<16xi32>
      %scatter3A_156 = arith.constant 0 : i32
      %scatter3A_157 = tpu.memref_slice %arg11[%rem3A_127, %scatter3A_156] : memref<2x128xi32, #tpu.memory_space<vmem>> -> memref<1x128xi32, #tpu.memory_space<vmem>>
      %scatter3A_158 = tpu.memref_squeeze %scatter3A_157 : memref<1x128xi32, #tpu.memory_space<vmem>> -> memref<128xi32, #tpu.memory_space<vmem>>
      tpu.vector_store_idx %scatter3A_158[%add3A_153], %broadcast_in_dim3A_154 masked %ge3A_155 : memref<128xi32, #tpu.memory_space<vmem>>[vector<16xi32>], vector<16xi32>, vector<16xi1>
      %add3A_159 = arith.constant 32 : i32
      %add3A_160 = vector.broadcast %add3A_159 : i32 to vector<16xi32>
      %add3A_161 = arith.addi %iota3A, %add3A_160 : vector<16xi32>
      %broadcast_in_dim3A_162 = vector.broadcast %add3A_68 : i32 to vector<16xi32>
      %ge3A_163 = arith.cmpi sge, %add3A_161, %broadcast_in_dim3A : vector<16xi32>
      %scatter3A_164 = arith.constant 0 : i32
      %scatter3A_165 = tpu.memref_slice %arg11[%rem3A_127, %scatter3A_164] : memref<2x128xi32, #tpu.memory_space<vmem>> -> memref<1x128xi32, #tpu.memory_space<vmem>>
      %scatter3A_166 = tpu.memref_squeeze %scatter3A_165 : memref<1x128xi32, #tpu.memory_space<vmem>> -> memref<128xi32, #tpu.memory_space<vmem>>
      tpu.vector_store_idx %scatter3A_166[%add3A_161], %broadcast_in_dim3A_162 masked %ge3A_163 : memref<128xi32, #tpu.memory_space<vmem>>[vector<16xi32>], vector<16xi32>, vector<16xi1>
      %add3A_167 = arith.constant 48 : i32
      %add3A_168 = vector.broadcast %add3A_167 : i32 to vector<16xi32>
      %add3A_169 = arith.addi %iota3A, %add3A_168 : vector<16xi32>
      %broadcast_in_dim3A_170 = vector.broadcast %add3A_68 : i32 to vector<16xi32>
      %ge3A_171 = arith.cmpi sge, %add3A_169, %broadcast_in_dim3A : vector<16xi32>
      %scatter3A_172 = arith.constant 0 : i32
      %scatter3A_173 = tpu.memref_slice %arg11[%rem3A_127, %scatter3A_172] : memref<2x128xi32, #tpu.memory_space<vmem>> -> memref<1x128xi32, #tpu.memory_space<vmem>>
      %scatter3A_174 = tpu.memref_squeeze %scatter3A_173 : memref<1x128xi32, #tpu.memory_space<vmem>> -> memref<128xi32, #tpu.memory_space<vmem>>
      tpu.vector_store_idx %scatter3A_174[%add3A_169], %broadcast_in_dim3A_170 masked %ge3A_171 : memref<128xi32, #tpu.memory_space<vmem>>[vector<16xi32>], vector<16xi32>, vector<16xi1>
      %add3A_175 = arith.constant 64 : i32
      %add3A_176 = vector.broadcast %add3A_175 : i32 to vector<16xi32>
      %add3A_177 = arith.addi %iota3A, %add3A_176 : vector<16xi32>
      %broadcast_in_dim3A_178 = vector.broadcast %add3A_68 : i32 to vector<16xi32>
      %ge3A_179 = arith.cmpi sge, %add3A_177, %broadcast_in_dim3A : vector<16xi32>
      %scatter3A_180 = arith.constant 0 : i32
      %scatter3A_181 = tpu.memref_slice %arg11[%rem3A_127, %scatter3A_180] : memref<2x128xi32, #tpu.memory_space<vmem>> -> memref<1x128xi32, #tpu.memory_space<vmem>>
      %scatter3A_182 = tpu.memref_squeeze %scatter3A_181 : memref<1x128xi32, #tpu.memory_space<vmem>> -> memref<128xi32, #tpu.memory_space<vmem>>
      tpu.vector_store_idx %scatter3A_182[%add3A_177], %broadcast_in_dim3A_178 masked %ge3A_179 : memref<128xi32, #tpu.memory_space<vmem>>[vector<16xi32>], vector<16xi32>, vector<16xi1>
      %add3A_183 = arith.constant 80 : i32
      %add3A_184 = vector.broadcast %add3A_183 : i32 to vector<16xi32>
      %add3A_185 = arith.addi %iota3A, %add3A_184 : vector<16xi32>
      %broadcast_in_dim3A_186 = vector.broadcast %add3A_68 : i32 to vector<16xi32>
      %ge3A_187 = arith.cmpi sge, %add3A_185, %broadcast_in_dim3A : vector<16xi32>
      %scatter3A_188 = arith.constant 0 : i32
      %scatter3A_189 = tpu.memref_slice %arg11[%rem3A_127, %scatter3A_188] : memref<2x128xi32, #tpu.memory_space<vmem>> -> memref<1x128xi32, #tpu.memory_space<vmem>>
      %scatter3A_190 = tpu.memref_squeeze %scatter3A_189 : memref<1x128xi32, #tpu.memory_space<vmem>> -> memref<128xi32, #tpu.memory_space<vmem>>
      tpu.vector_store_idx %scatter3A_190[%add3A_185], %broadcast_in_dim3A_186 masked %ge3A_187 : memref<128xi32, #tpu.memory_space<vmem>>[vector<16xi32>], vector<16xi32>, vector<16xi1>
      %add3A_191 = arith.constant 96 : i32
      %add3A_192 = vector.broadcast %add3A_191 : i32 to vector<16xi32>
      %add3A_193 = arith.addi %iota3A, %add3A_192 : vector<16xi32>
      %broadcast_in_dim3A_194 = vector.broadcast %add3A_68 : i32 to vector<16xi32>
      %ge3A_195 = arith.cmpi sge, %add3A_193, %broadcast_in_dim3A : vector<16xi32>
      %scatter3A_196 = arith.constant 0 : i32
      %scatter3A_197 = tpu.memref_slice %arg11[%rem3A_127, %scatter3A_196] : memref<2x128xi32, #tpu.memory_space<vmem>> -> memref<1x128xi32, #tpu.memory_space<vmem>>
      %scatter3A_198 = tpu.memref_squeeze %scatter3A_197 : memref<1x128xi32, #tpu.memory_space<vmem>> -> memref<128xi32, #tpu.memory_space<vmem>>
      tpu.vector_store_idx %scatter3A_198[%add3A_193], %broadcast_in_dim3A_194 masked %ge3A_195 : memref<128xi32, #tpu.memory_space<vmem>>[vector<16xi32>], vector<16xi32>, vector<16xi1>
      %add3A_199 = arith.constant 112 : i32
      %add3A_200 = vector.broadcast %add3A_199 : i32 to vector<16xi32>
      %add3A_201 = arith.addi %iota3A, %add3A_200 : vector<16xi32>
      %broadcast_in_dim3A_202 = vector.broadcast %add3A_68 : i32 to vector<16xi32>
      %ge3A_203 = arith.cmpi sge, %add3A_201, %broadcast_in_dim3A : vector<16xi32>
      %scatter3A_204 = arith.constant 0 : i32
      %scatter3A_205 = tpu.memref_slice %arg11[%rem3A_127, %scatter3A_204] : memref<2x128xi32, #tpu.memory_space<vmem>> -> memref<1x128xi32, #tpu.memory_space<vmem>>
      %scatter3A_206 = tpu.memref_squeeze %scatter3A_205 : memref<1x128xi32, #tpu.memory_space<vmem>> -> memref<128xi32, #tpu.memory_space<vmem>>
      tpu.vector_store_idx %scatter3A_206[%add3A_201], %broadcast_in_dim3A_202 masked %ge3A_203 : memref<128xi32, #tpu.memory_space<vmem>>[vector<16xi32>], vector<16xi32>, vector<16xi1>
      %dma_start3A = arith.constant 0 : i32
      %dma_start3A_207 = arith.constant 0 : i32
      %dma_start3A_208 = tpu.memref_slice %arg9[%rem3A_127, %dma_start3A, %dma_start3A_207] : memref<2x128x128xf32, #tpu.memory_space<vmem>> -> memref<1x128x128xf32, #tpu.memory_space<vmem>>
      %dma_start3A_209 = tpu.memref_squeeze %dma_start3A_208 : memref<1x128x128xf32, #tpu.memory_space<vmem>> -> memref<128x128xf32, #tpu.memory_space<vmem>>
      %dma_start3A_210 = arith.constant 0 : i32
      %dma_start3A_211 = tpu.memref_slice %arg11[%rem3A_127, %dma_start3A_210] : memref<2x128xi32, #tpu.memory_space<vmem>> -> memref<1x128xi32, #tpu.memory_space<vmem>>
      %dma_start3A_212 = tpu.memref_squeeze %dma_start3A_211 : memref<1x128xi32, #tpu.memory_space<vmem>> -> memref<128xi32, #tpu.memory_space<vmem>>
      %dma_start3A_213 = arith.constant 0 : i32
      %dma_start3A_214 = arith.constant 0 : i32
      %dma_start3A_215 = tpu.memref_slice %arg7[%dma_start3A_213, %dma_start3A_214] : memref<106504x128xf32, #tpu.memory_space<hbm>> -> memref<106504x128xf32, #tpu.memory_space<hbm>>
      %dma_start3A_216 = tpu.memref_slice %arg17[%rem3A_127] : memref<2x!tpu.dma_semaphore, #tpu.memory_space<semaphore_mem>> -> memref<1x!tpu.dma_semaphore, #tpu.memory_space<semaphore_mem>>
      %dma_start3A_217 = tpu.memref_squeeze %dma_start3A_216 : memref<1x!tpu.dma_semaphore, #tpu.memory_space<semaphore_mem>> -> memref<!tpu.dma_semaphore, #tpu.memory_space<semaphore_mem>>
      tpu.enqueue_indirect_dma source(%dma_start3A_209 : memref<128x128xf32, #tpu.memory_space<vmem>>) target(%dma_start3A_215 : memref<106504x128xf32, #tpu.memory_space<hbm>>) offsets(%dma_start3A_212 : memref<128xi32, #tpu.memory_space<vmem>>) semaphore(%dma_start3A_217 : memref<!tpu.dma_semaphore, #tpu.memory_space<semaphore_mem>>)
      %dma_wait3A = arith.constant 0 : i32
      %dma_wait3A_218 = arith.constant 0 : i32
      %dma_wait3A_219 = tpu.memref_slice %arg9[%rem3A_127, %dma_wait3A, %dma_wait3A_218] : memref<2x128x128xf32, #tpu.memory_space<vmem>> -> memref<1x128x128xf32, #tpu.memory_space<vmem>>
      %dma_wait3A_220 = tpu.memref_squeeze %dma_wait3A_219 : memref<1x128x128xf32, #tpu.memory_space<vmem>> -> memref<128x128xf32, #tpu.memory_space<vmem>>
      %dma_wait3A_221 = arith.constant 0 : i32
      %dma_wait3A_222 = tpu.memref_slice %arg11[%rem3A_127, %dma_wait3A_221] : memref<2x128xi32, #tpu.memory_space<vmem>> -> memref<1x128xi32, #tpu.memory_space<vmem>>
      %dma_wait3A_223 = tpu.memref_squeeze %dma_wait3A_222 : memref<1x128xi32, #tpu.memory_space<vmem>> -> memref<128xi32, #tpu.memory_space<vmem>>
      %dma_wait3A_224 = arith.constant 0 : i32
      %dma_wait3A_225 = arith.constant 0 : i32
      %dma_wait3A_226 = tpu.memref_slice %arg7[%dma_wait3A_224, %dma_wait3A_225] : memref<106504x128xf32, #tpu.memory_space<hbm>> -> memref<106504x128xf32, #tpu.memory_space<hbm>>
      %dma_wait3A_227 = tpu.memref_slice %arg17[%rem3A_127] : memref<2x!tpu.dma_semaphore, #tpu.memory_space<semaphore_mem>> -> memref<1x!tpu.dma_semaphore, #tpu.memory_space<semaphore_mem>>
      %dma_wait3A_228 = tpu.memref_squeeze %dma_wait3A_227 : memref<1x!tpu.dma_semaphore, #tpu.memory_space<semaphore_mem>> -> memref<!tpu.dma_semaphore, #tpu.memory_space<semaphore_mem>>
      tpu.wait_indirect_dma semaphore(%dma_wait3A_228 : memref<!tpu.dma_semaphore, #tpu.memory_space<semaphore_mem>>) src(%dma_wait3A_220 : memref<128x128xf32, #tpu.memory_space<vmem>>) dst(%dma_wait3A_226 : memref<106504x128xf32, #tpu.memory_space<hbm>>)
    } else {
    }
    return
  }
}

module attributes {stable_mosaic.version = 14 : i64} {
  func.func @_num_body(%arg0: i32, %arg1: memref<1024x13xf32, #tpu.memory_space<vmem>>, %arg2: memref<13x64xf32, #tpu.memory_space<vmem>>, %arg3: memref<13x64xf32, #tpu.memory_space<vmem>>, %arg4: memref<1024x13x64xf32, #tpu.memory_space<vmem>>) attributes {dimension_semantics = [#tpu.dimension_semantics<arbitrary>], iteration_bounds = array<i64: 4>, scalar_prefetch = 0 : i64, scratch_operands = 0 : i64, tpu.core_type = #tpu.core_type<tc>, window_params = [{transform_indices = @transform_0, window_bounds = array<i64: 1024, 13>}, {pipeline_mode = #tpu.pipeline_mode<synchronous>, transform_indices = @transform_1, window_bounds = array<i64: 13, 64>}, {pipeline_mode = #tpu.pipeline_mode<synchronous>, transform_indices = @transform_2, window_bounds = array<i64: 13, 64>}, {transform_indices = @transform_3, window_bounds = array<i64: 1024, 13, 64>}]} {
    %get3A = arith.constant 0 : index
    %get3A_0 = arith.constant 0 : index
    %get3A_1 = vector.load %arg1[%get3A, %get3A_0] : memref<1024x13xf32, #tpu.memory_space<vmem>>, vector<1024x13xf32>
    %broadcast_in_dim3A = vector.shape_cast %get3A_1 : vector<1024x13xf32> to vector<1024x13x1xf32>
    %get3A_2 = arith.constant 0 : index
    %get3A_3 = arith.constant 0 : index
    %get3A_4 = vector.load %arg2[%get3A_2, %get3A_3] : memref<13x64xf32, #tpu.memory_space<vmem>>, vector<13x64xf32>
    %broadcast_in_dim3A_5 = vector.shape_cast %get3A_4 : vector<13x64xf32> to vector<1x13x64xf32>
    %mul3A = vector.broadcast %broadcast_in_dim3A : vector<1024x13x1xf32> to vector<1024x13x64xf32>
    %mul3A_6 = vector.broadcast %broadcast_in_dim3A_5 : vector<1x13x64xf32> to vector<1024x13x64xf32>
    %mul3A_7 = arith.mulf %mul3A, %mul3A_6 : vector<1024x13x64xf32>
    %get3A_8 = arith.constant 0 : index
    %get3A_9 = arith.constant 0 : index
    %get3A_10 = vector.load %arg3[%get3A_8, %get3A_9] : memref<13x64xf32, #tpu.memory_space<vmem>>, vector<13x64xf32>
    %broadcast_in_dim3A_11 = vector.shape_cast %get3A_10 : vector<13x64xf32> to vector<1x13x64xf32>
    %add3A = vector.broadcast %broadcast_in_dim3A_11 : vector<1x13x64xf32> to vector<1024x13x64xf32>
    %add3A_12 = arith.addf %mul3A_7, %add3A : vector<1024x13x64xf32>
    %swap3A = arith.constant 0 : index
    %swap3A_13 = arith.constant 0 : index
    %swap3A_14 = arith.constant 0 : index
    %swap3A_15 = vector.load %arg4[%swap3A, %swap3A_13, %swap3A_14] : memref<1024x13x64xf32, #tpu.memory_space<vmem>>, vector<1024x13x64xf32>
    tpu.vector_store %arg4[%swap3A, %swap3A_13, %swap3A_14], %add3A_12 {strides = array<i32>} : memref<1024x13x64xf32, #tpu.memory_space<vmem>>, vector<1024x13x64xf32>,
    return
  }
  func.func @transform_0(%arg0: i32) -> (i32, i32) {
    %c0_i32 = arith.constant 0 : i32
    %c0_i32_0 = arith.constant 0 : i32
    return %arg0, %c0_i32 : i32, i32
  }
  func.func @transform_1(%arg0: i32) -> (i32, i32) {
    %c0_i32 = arith.constant 0 : i32
    %c0_i32_0 = arith.constant 0 : i32
    %c0_i32_1 = arith.constant 0 : i32
    return %c0_i32, %c0_i32_0 : i32, i32
  }
  func.func @transform_2(%arg0: i32) -> (i32, i32) {
    %c0_i32 = arith.constant 0 : i32
    %c0_i32_0 = arith.constant 0 : i32
    %c0_i32_1 = arith.constant 0 : i32
    return %c0_i32, %c0_i32_0 : i32, i32
  }
  func.func @transform_3(%arg0: i32) -> (i32, i32, i32) {
    %c0_i32 = arith.constant 0 : i32
    %c0_i32_0 = arith.constant 0 : i32
    %c0_i32_1 = arith.constant 0 : i32
    return %arg0, %c0_i32, %c0_i32_0 : i32, i32, i32
  }
}

</mosaic_0001>

<sc_bundles>
// kernel: kernel.4.cloned.1.call-start
scs
__scs_entry_jumppad:
0x0: {  	(pc) =	sbr.rel $0x88, $3  }
0x1: {  	(tag) =	ssettag $0x0;
	lr =	simm.s32 $0x1  }
0x2: {  	[smem:$0x3F99] =	sst lr;
	_ =	strace $0xD0000000  }
0x3: {  	_ = 	snop  }
0x4: {  	_ = 	snop  }
0x5: {  	_ = 	snop  }
0x6: {  	_ = 	snop  }
0x7: {  	_ = 	snop  }
__scs_overlays_trampoline_lowered:
0x8: {  	[smem:$0x3FA8] =	sst s0  }
0x9: {  	[smem:$0x3FA9] =	sst s1  }
0xa: {  	[smem:$0x3FAA] =	sst s2  }
0xb: {  	[smem:$0x3FAB] =	sst s3  }
0xc: {  	[smem:$0x3FAC] =	sst s4  }
0xd: {  	[smem:$0x3FAD] =	sst s5  }
0xe: {  	[smem:$0x3FAE] =	sst s6  }
0xf: {  	[smem:$0x3FAF] =	sst s7  }
0x10: {  	[smem:$0x3FB0] =	sst s8  }
0x11: {  	[smem:$0x3FB1] =	sst s9;
	s0 =	simm.s32 @!p0 $0x0  }
0x12: {  	s1 =	sld [smem:$0x3F97];
	s0 =	simm.s32 @p0 $0x1  }
0x13: {  	[smem:$0x3FB2] =	sst s0;
	s0 =	simm.s32 @!p1 $0x0  }
0x14: {  	s2 =	sld [smem:$0x3F96];
	s0 =	simm.s32 @p1 $0x1  }
0x15: {  	[smem:$0x3FB3] =	sst s0;
	s0 =	simm.s32 @!p2 $0x0  }
0x16: {  	s3 =	sld [smem:$0x3FDB];
	s0 =	simm.s32 @p2 $0x1  }
0x17: {  	s4 =	simm.s32 $0x1BF5;
	[smem:$0x3FB5] =	sst s0  }
0x18: {  	s0 =	sld [smem:$0x3F98];
	_ =	swait.ge [sflag:s4], $0x0  }
0x19: {  	s7 =	sld [smem:$0x3F99]  }
0x1a: {  	s8 =	sadd.s32 $0xFFFFE003, lr  }
0x1b: {  	s9 =	sadd.s32 $0xFFFFFEF7, lr;
	s5 =	simm.s32 $0xFFFFFFFF;
	p2 =	slt.u32 s8, $0xFFFFF086  }
0x1c: {  	p1 =	slt.u32 s9, $0xF7A;
	s5 =	simm.s32 @!p2 $0x0  }
0x1d: {  	s5 =	simm.s32 @p1 $0x1;
	p0 =	seq.s32 s7, s2  }
0x1e: {  	s7 =	smul.u32 @!p0 $0xF7A, s2;
	p2 =	seq.s32 @!p0 s5, $0x0  }
0x1f: {  	s9 =	smul.u32 $0xF7A, s1;
	s8 =	simm.s32 @!p0 $0x1BF5;
	p2 =	por !p2, p0  }
0x20: {  	[sflag:s8] =	ssyncset.s32 @!p0 $0xFFFFF086;
	s6 =	sadd.s32 @!p0 s3, s7;
	s7 =	simm.s32 @!p0 $0x108  }
0x21: {  	s3 =	sadd.s32 s3, s9;
	s6 =	sadd.s32 @!p0 $0x88, s6;
	s7 =	simm.s32 @p2 $0x1082  }
0x22: {  	[simem:s7], [sflag:s8] =	dma.local @!p0 [hbm:s6], $0xF7A  }
0x23: {  	s9 =	sor.u32 $0xD0000000, s2;
	s6 =	simm.s32 $0x108;
	_ =	swait.ge @!p0 [sflag:s8], $0x0  }
0x24: {  	s3 =	sadd.s32 $0x88, s3;
	s6 =	simm.s32 @!p1 $0x1082;
	[sflag:s4] =	ssyncset.s32 $0xFFFFF086  }
0x25: {  	[simem:s6], [sflag:s4] =	dma.local [hbm:s3], $0xF7A  }
0x26: {  	[smem:$0x3F99] =	sst s1;
	(tag) =	ssettag s2;
	_ =	strace s9  }
0x27: {  	s1 =	sld [smem:$0x3FA9]  }
0x28: {  	s2 =	sld [smem:$0x3FAA]  }
0x29: {  	s4 =	sld [smem:$0x3FAC]  }
0x2a: {  	p0 =	seq.s32 s5, $0x0;
	s5 =	sld [smem:$0x3FAD]  }
0x2b: {  	s6 =	sld [smem:$0x3FAE]  }
0x2c: {  	s7 =	sld [smem:$0x3FAF]  }
0x2d: {  	s3 =	simm.s32 $0x108;
	s8 =	sld [smem:$0x3FB0]  }
0x2e: {  	s3 =	simm.s32 @!p0 $0x1082;
	s9 =	sld [smem:$0x3FB1]  }
0x2f: {  	lr =	sadd.s32 s0, s3;
	s0 =	sld [smem:$0x3FA8]  }
0x30: {  	s3 =	sld [smem:$0x3FAB]  }
0x31: {  	[smem:$0x3FB4] =	sst s10  }
0x32: {  	s10 =	sld [smem:$0x3FB2];
	_ =	sdelay $0x3  }
0x33: {  	p0 =	seq.s32 s10, $0x1;
	s10 =	sld [smem:$0x3FB4];
	_ =	sdelay $0x3  }
0x34: {  	[smem:$0x3FB4] =	sst s10  }
0x35: {  	s10 =	sld [smem:$0x3FB3];
	_ =	sdelay $0x3  }
0x36: {  	p1 =	seq.s32 s10, $0x1;
	s10 =	sld [smem:$0x3FB4];
	_ =	sdelay $0x3  }
0x37: {  	[smem:$0x3FB4] =	sst s10  }
0x38: {  	s10 =	sld [smem:$0x3FB5]  }
0x39: {  	_ = 	snop;
	(pc) =	sbr.ind lr, $3  }
0x3a: {  	_ = 	snop  }
0x3b: {  	_ = 	snop  }
0x3c: {  	p2 =	seq.s32 s10, $0x1;
	s10 =	sld [smem:$0x3FB4]  }
0x3d: {  	_ =	shalt  }
0x3e: {  	_ =	shalt  }
0x3f: {  	_ =	shalt  }
0x40: {  	_ =	shalt  }
0x41: {  	_ =	shalt  }
0x42: {  	_ =	shalt  }
0x43: {  	_ =	shalt  }
0x44: {  	_ =	shalt  }
0x45: {  	_ =	shalt  }
0x46: {  	_ =	shalt  }
0x47: {  	_ =	shalt  }
0x48: {  	_ =	shalt  }
0x49: {  	_ =	shalt  }
0x4a: {  	_ =	shalt  }
0x4b: {  	_ =	shalt  }
0x4c: {  	_ =	shalt  }
0x4d: {  	_ =	shalt  }
0x4e: {  	_ =	shalt  }
0x4f: {  	_ =	shalt  }
0x50: {  	_ =	shalt  }
0x51: {  	_ =	shalt  }
0x52: {  	_ =	shalt  }
0x53: {  	_ =	shalt  }
0x54: {  	_ =	shalt  }
0x55: {  	_ =	shalt  }
0x56: {  	_ =	shalt  }
0x57: {  	_ =	shalt  }
0x58: {  	_ =	shalt  }
0x59: {  	_ =	shalt  }
0x5a: {  	_ =	shalt  }
0x5b: {  	_ =	shalt  }
0x5c: {  	_ =	shalt  }
0x5d: {  	_ =	shalt  }
0x5e: {  	_ =	shalt  }
0x5f: {  	_ =	shalt  }
0x60: {  	_ =	shalt  }
0x61: {  	_ =	shalt  }
0x62: {  	_ =	shalt  }
0x63: {  	_ =	shalt  }
0x64: {  	_ =	shalt  }
0x65: {  	_ =	shalt  }
0x66: {  	_ =	shalt  }
0x67: {  	_ =	shalt  }
0x68: {  	_ =	shalt  }
0x69: {  	_ =	shalt  }
0x6a: {  	_ =	shalt  }
0x6b: {  	_ =	shalt  }
0x6c: {  	_ =	shalt  }
0x6d: {  	_ =	shalt  }
0x6e: {  	_ =	shalt  }
0x6f: {  	_ =	shalt  }
0x70: {  	_ =	shalt  }
0x71: {  	_ =	shalt  }
0x72: {  	_ =	shalt  }
0x73: {  	_ =	shalt  }
0x74: {  	_ =	shalt  }
0x75: {  	_ =	shalt  }
0x76: {  	_ =	shalt  }
0x77: {  	_ =	shalt  }
0x78: {  	_ =	shalt  }
0x79: {  	_ =	shalt  }
0x7a: {  	_ =	shalt  }
0x7b: {  	_ =	shalt  }
0x7c: {  	_ =	shalt  }
0x7d: {  	_ =	shalt  }
0x7e: {  	_ =	shalt  }
0x7f: {  	_ =	shalt  }
0x80: {  	_ =	shalt  }
0x81: {  	_ =	shalt  }
0x82: {  	_ =	shalt  }
0x83: {  	_ =	shalt  }
0x84: {  	_ =	shalt  }
0x85: {  	_ =	shalt  }
0x86: {  	_ =	shalt  }
0x87: {  	_ =	shalt  }
.Lfunc_end0:
.L_simem_size_0:
called_computation_lowered:
.L_overlay_start_0:
0x88: {  	s2 =	sld [smem:$0x3FD9]  }
0x89: {  	s3 =	sld [smem:$0x3FFE];
	_ =	sdelay $0x1  }
0x8a: {  	s1 =	srdreg.scid  }
0x8b: {  	s0 =	sand.u32 $0x1, s1  }
0x8c: {  	s17 =	sshll.u32 s0, $0xA;
	s2 =	sadd.s32 s3, s2  }
0x8d: {  	s2 =	sadd.s32 s2, s17  }
0x8e: {  	[smem:$0x3FC0] =	sst s2  }
0x8f: {  	_ = 	snop  }
0x90: {  	s2 =	sld [smem:$0x3FC5];
	(tm) =	ssettm $0x1  }
0x91: {  	s18 =	sld [smem:$0x3FFB];
	_ =	sdelay $0x3  }
0x92: {  	_ =	strace s18  }
0x93: {  	s3 =	sld [smem:$0x3FFC];
	_ =	sdelay $0x3  }
0x94: {  	_ =	strace s3  }
0x95: {  	s3 =	sld [smem:$0x3FFD];
	_ =	sdelay $0x3  }
0x96: {  	_ =	strace s3  }
0x97: {  	_ =	strace $0x8FFFFFFF  }
0x98: {  	s19 =	sld [smem:$0x3FDB];
	_ =	sdelay $0x1  }
0x99: {  	s4 =	simm.s32 $_scs_section_size  }
0x9a: {  	s5 =	simm.s32 $_size__tile_overlayer_lowered;
	s6 =	simm.s32 $_tile_overlayer_lowered  }
0x9b: {  	s22 =	simm.s32 $0x1BFF;
	s21 =	sshll.u32 s6, $0x1;
	s3 =	sadd.s32 s4, s19  }
0x9c: {  	s7 =	simm.s32 $0x0;
	s20 =	sshll.u32 s5, $0x1;
	s5 =	sadd.s32 s21, s3  }
0x9d: {  	[timem:s7], [sflag:s22] =	dma.local [hbm:s5], s20  }
0x9e: {  	_ =	swait.ge [sflag:s22], s20  }
0x9f: {  	s4 =	ssub.s32 $0x0, s20;
	[sflag:s22] =	ssyncset.done $0x0  }
0xa0: {  	[sflag:s22] =	ssyncadd.s32 s4;
	_ =	sdelay $0x1  }
0xa1: {  	s23 =	simm.s32 $0x1B8B  }
0xa2: {  	_ =	swait.ge [sflag:s23], $0x1  }
0xa3: {  	[sflag:s23] =	ssyncset.done $0x0  }
0xa4: {  	s25 =	simm.s32 $0x1B8E;
	s24 =	sld [smem:$0x3FFE];
	[sflag:s23] =	ssyncadd.s32 $0xFFFFFFFF  }
0xa5: {  	s26 =	simm.s32 $execute0_lowered;
	[smem:$0x3FD2] =	sst s25  }
0xa6: {  	s5 =	sshll.u32 s26, $0x1;
	_ =	strace $0x80000046;
	[dreg:$0x1] =	wrdreg $0xFFFFFFFF  }
0xa7: {  	s28 =	simm.s32 $_size_execute0_lowered;
	s3 =	sadd.s32 s3, s5;
	[dreg:$0x0] =	wrdreg $0x0  }
0xa8: {  	s5 =	sshll.u32 s28, $0x1;
	[dreg:$0x2] =	wrdreg s3  }
0xa9: {  	[dreg:$0x3] =	wrdreg s5  }
0xaa: {  	[dreg:$0x4] =	wrdreg $0xC0  }
0xab: {  	_ =	task [dreg:s7], $0x5FFFF  }
0xac: {  	[dreg:$0x1] =	wrdreg $0xFFFFFFFF  }
0xad: {  	[dreg:$0x0] =	wrdreg $0x60  }
0xae: {  	[dreg:$0x2] =	wrdreg s24  }
0xaf: {  	[dreg:$0x3] =	wrdreg s2  }
0xb0: {  	[dreg:$0x4] =	wrdreg $0x9  }
0xb1: {  	_ =	task.clear_ibuf [dreg:s7], $0x5FFFF;
	_ =	strace $0x90000046  }
0xb2: {  	s29 =	simm.s32 $0x9;
	_ =	strace $0x80000048  }
0xb3: {  	_ =	swait.ge [sflag:s29], $0x1  }
0xb4: {  	[sflag:s29] =	ssyncadd.s32 $0xFFFFFFFF  }
0xb5: {  	_ =	strace $0x90000048  }
0xb6: {  	_ =	sfence  }
0xb7: {  	s30 =	sld [smem:$0x0];
	_ =	sdelay $0x2  }
0xb8: {  	s31 =	sshll.u32 s1, $0xD;
	s1 =	sshrl.u32 s1, $0x2  }
0xb9: {  	s3 =	sand.u32 $0x4000, s31;
	s1 =	sadd.s32 s1, s30  }
0xba: {  	s0 =	sor.u32 s3, s0;
	s1 =	sshll.u32 s1, $0x11  }
0xbb: {  	s0 =	sor.u32 s1, s0  }
0xbc: {  	s0 =	sadd.s32 $0x8F2B, s0  }
0xbd: {  	[sflag:s0] =	ssyncadd.remote.s32 $0x1  }
0xbe: {  	_ =	sfence.sel $0xFFFF  }
0xbf: {  	[dreg:$0x0] =	wrdreg $0xFFFFFFFF;
	(pc) =	sbr.abs _section_cstart, $3  }
0xc0: {  	[dreg:$0x1] =	wrdreg $0xFFFFFFFF  }
0xc1: {  	_ =	task.clear_ibuf [dreg:s7], $0x2FFFF;
	_ =	strace $0x9FFFFFFF  }
0xc2: {  	(tm) =	ssettm $0x7FFFFFFF  }
0xc3: {  	_ =	shalt  }
tec
execute0_lowered:
.L_overlay_start_1:
0x0: {  	(tag) =	ssettag $0x1  }
0x1: {  	v0 =	vimm.s32 $0xB80  }
0x2: {  	vm14 =	vcmask $0x300;
	vm13 =	vcmask $0x704;
	vm12 =	vcmask $0xB08  }
0x3: {  	vm11 =	vcmask $0xF0C;
	vm10 =	vcmask $0x1310;
	vm9 =	vcmask $0x1714  }
0x4: {  	vm8 =	vcmask $0x1B18;
	vm7 =	vcmask $0x1F1C;
	vm6 =	vcmask $0x2320  }
0x5: {  	vm5 =	vcmask $0x2724;
	vm4 =	vcmask $0x2B28;
	vm3 =	vcmask $0x2F2C  }
0x6: {  	vm2 =	vcmask $0x3330;
	vm1 =	vcmask $0x3734;
	vm0 =	vcmask $0x3B38  }
0x7: {  	v2 =	vlaneseq.u32;
	v4 =	vimm.s32 $0x1B80;
	v5 =	vimm.s32 $0x2B80  }
0x8: {  	v6 =	vimm.s32 $0x3B80;
	v0 =	vsel vm14, $0x0, v0;
	v4 =	vsel vm14, $0x1000, v4  }
0x9: {  	v5 =	vsel vm14, $0x2000, v5;
	v6 =	vsel vm14, $0x3000, v6;
	v7 =	vor.u32 $0x10, v2  }
0xa: {  	v8 =	vor.u32 $0x20, v2;
	v9 =	vor.u32 $0x30, v2;
	v10 =	vor.u32 $0x40, v2  }
0xb: {  	v11 =	vor.u32 $0x50, v2;
	v12 =	vor.u32 $0x60, v2;
	v13 =	vor.u32 $0x70, v2  }
0xc: {  	v0 =	vsel vm13, $0x80, v0;
	v4 =	vsel vm13, $0x1080, v4;
	v5 =	vsel vm13, $0x2080, v5  }
0xd: {  	v6 =	vsel vm13, $0x3080, v6;
	v0 =	vsel vm12, $0x100, v0;
	v4 =	vsel vm12, $0x1100, v4  }
0xe: {  	v5 =	vsel vm12, $0x2100, v5;
	v6 =	vsel vm12, $0x3100, v6;
	v0 =	vsel vm11, $0x180, v0  }
0xf: {  	v4 =	vsel vm11, $0x1180, v4;
	v5 =	vsel vm11, $0x2180, v5;
	v6 =	vsel vm11, $0x3180, v6  }
0x10: {  	v0 =	vsel vm10, $0x200, v0;
	v4 =	vsel vm10, $0x1200, v4;
	v5 =	vsel vm10, $0x2200, v5  }
0x11: {  	v6 =	vsel vm10, $0x3200, v6;
	v0 =	vsel vm9, $0x280, v0;
	v4 =	vsel vm9, $0x1280, v4  }
0x12: {  	s0 =	srdreg.scid;
	s2 =	stileid.u32;
	v5 =	vsel vm9, $0x2280, v5;
	v6 =	vsel vm9, $0x3280, v6;
	v0 =	vsel vm8, $0x300, v0  }
0x13: {  	s6 =	rddreg [dreg:$0x0];
	s28 =	simm.s32 $0x0;
	s15 =	simm.s32 $0x8;
	v4 =	vsel vm8, $0x1300, v4;
	v5 =	vsel vm8, $0x2300, v5;
	v6 =	vsel vm8, $0x3300, v6  }
0x14: {  	s16 =	simm.s32 $0x80;
	s17 =	simm.s32 $0x400;
	s18 =	simm.s32 $0x1D180;
	v0 =	vsel vm7, $0x380, v0;
	v4 =	vsel vm7, $0x1380, v4;
	v5 =	vsel vm7, $0x2380, v5  }
0x15: {  	s20 =	simm.s32 $0x1C100;
	s1 =	sand.u32 $0x1, s0;
	s25 =	sshll.u32 s2, $0x1;
	v6 =	vsel vm7, $0x3380, v6;
	v0 =	vsel vm6, $0x800, v0;
	v4 =	vsel vm6, $0x1800, v4  }
0x16: {  	[smem:$0x7FF] =	sst s28;
	s29 =	sadd.s32 $0x10600, s6;
	s0 =	sor.u32 s1, s25;
	v5 =	vsel vm6, $0x2800, v5;
	v6 =	vsel vm6, $0x3800, v6;
	v0 =	vsel vm5, $0x880, v0  }
0x17: {  	s7 =	sadd.s32 $0x14600, s6;
	s8 =	sadd.s32 $0x10400, s6;
	s5 =	smul.u32 $0x13E, s0;
	v4 =	vsel vm5, $0x1880, v4;
	v5 =	vsel vm5, $0x2880, v5;
	v6 =	vsel vm5, $0x3880, v6  }
0x18: {  	s9 =	sadd.s32 $0x14E00, s6;
	s1 =	ssub.s32 $0x2, s1;
	s26 =	sand.u32 $0x7, s0;
	v0 =	vsel vm4, $0x900, v0;
	v4 =	vsel vm4, $0x1900, v4;
	v5 =	vsel vm4, $0x2900, v5  }
0x19: {  	s3 =	sshll.u32 s0, $0x2;
	s0 =	smul.u32 $0x681B22, s0;
	s30 =	smin.u32 s5, $0x2678;
	v6 =	vsel vm4, $0x3900, v6;
	v0 =	vsel vm3, $0x980, v0;
	v4 =	vsel vm3, $0x1980, v4  }
0x1a: {  	s31 =	sshrl.u32 s1, $0x1;
	s2 =	sor.u32 $0x1A000, s26;
	s4 =	smul.u32 $0xA79D, s30;
	v5 =	vsel vm3, $0x2980, v5;
	v6 =	vsel vm3, $0x3980, v6;
	v1 =	vsel vm2, $0xA00, v0  }
.Ltmp0:
0x1b: {  	s1 =	ssub.s32 s1, s31;
	v0 =	vmov s3;
	s3 =	rddreg [dreg:$0x1];
	v4 =	vsel vm2, $0x1A00, v4;
	v5 =	vsel vm2, $0x2A00, v5;
	(pc) =	sbr.rel .LBB2_1-.Ltmp0, $4  }
0x1c: {  	s0 =	sshrl.u32 s0, $0x17;
	_ =	strace $0x80000047;
	[dreg:$0x3] =	wrdreg s29;
	v6 =	vsel vm2, $0x3A00, v6;
	v3 =	vsel vm1, $0xA80, v1;
	v1 =	vmov s2  }
0x1d: {  	s1 =	smax.u32 s1, $0x1;
	s4 =	sadd.s32 $0xCF8D69, s4;
	[dreg:$0x4] =	wrdreg s8;
	v4 =	vsel vm1, $0x1A80, v4;
	v5 =	vsel vm1, $0x2A80, v5;
	v6 =	vsel vm1, $0x3A80, v6  }
0x1e: {  	s10 =	sadd.s32 $0x13E, s30;
	s12 =	sshrl.u32 s4, $0x18;
	[dreg:$0x6] =	wrdreg s1;
	vm1 =	vcmask $0x1B20;
	v3 =	vsel vm0, $0xB00, v3;
	v4 =	vsel vm0, $0x1B00, v4  }
0x1f: {  	p0 =	sgt.u32 s0, s12;
	[dreg:$0x5] =	wrdreg s0;
	s2 =	simm.s32 $0x0;
	v5 =	vsel vm0, $0x2B00, v5;
	v6 =	vsel vm0, $0x3B00, v6;
	vm0 =	vcmask $0x171C  }
.LBB2_25:
0x20: {  	s0 =	sshra.s32 s8, $0x1F  }
0x21: {  	s0 =	sshrl.u32 s0, $0x19  }
0x22: {  	s0 =	sadd.s32 s0, s8  }
0x23: {  	s1 =	sand.u32 $0xFFFFFF80, s0  }
0x24: {  	p1 =	slt.s32 s8, $0x1;
	p2 =	sne.s32 s8, s1  }
0x25: {  	p1 =	por !p1, !p2  }
0x26: {  	s2 =	sand.u32 $0x7F, s8;
	s1 =	simm.s32 $0x1;
	p1 =	por !p1, !p1  }
0x27: {  	s0 =	sshra.s32 s0, $0x7;
	s1 =	simm.s32 @!p1 $0x0;
	p1 =	seq.s32 s2, $0x0  }
0x28: {  	s0 =	ssub.s32 s0, s1;
	v14 =	vlaneseq.u32 @!p1  }
0x29: {  	v15 =	vmov @!p1 s2;
	p2 =	slt.s32 s0, $0x1;
	v16 =	vadd.s32 @!p1 $0x1, v14  }
0x2a: {  	s2 =	sshrl.u32 @!p1 s0, $0x1F;
	s1 =	sxor.u32 @!p2 $0xFFFFFFFF, s0;
	vm2 =	vlt.u32 @!p1 v15, v16;
	v16 =	vadd.s32 @!p1 $0x11, v14  }
0x2b: {  	s2 =	sadd.s32 @!p1 s2, s0;
	s1 =	sand.u32 @!p2 $0x1, s1;
	vm3 =	vlt.u32 @!p1 v15, v16;
	v16 =	vadd.s32 @!p1 $0x21, v14  }
0x2c: {  	v17 =	vor.u32 @!p1 $0x10, v14;
	s2 =	sand.u32 @!p1 $0xFFFFFFFE, s2;
	s1 =	sadd.s32 @!p2 $0x5, s1;
	vm4 =	vlt.u32 @!p1 v15, v16;
	v16 =	vadd.s32 @!p1 $0x31, v14  }
0x2d: {  	v18 =	vor.u32 @!p1 $0x20, v14;
	s0 =	ssub.s32 @!p1 s0, s2;
	_ =	swait.ge @!p2 [sflag:s1], $0x4000;
	vm5 =	vlt.u32 @!p1 v15, v16;
	v16 =	vadd.s32 @!p1 $0x41, v14  }
0x2e: {  	v19 =	vor.u32 @!p1 $0x30, v14;
	s2 =	sshll.u32 @!p1 s0, $0x9;
	[sflag:s1] =	ssyncset.done @!p2 $0x0;
	vm6 =	vlt.u32 @!p1 v15, v16;
	v16 =	vadd.s32 @!p1 $0x51, v14  }
0x2f: {  	v20 =	vor.u32 @!p1 $0x40, v14;
	[sflag:s1] =	ssyncadd.s32 @!p2 $0xFFFFC000;
	s1 =	sshra.s32 @!p1 s2, $0x2;
	vm7 =	vlt.u32 @!p1 v15, v16;
	v16 =	vadd.s32 @!p1 $0x61, v14  }
0x30: {  	v21 =	vor.u32 @!p1 $0x50, v14;
	[tilespmem:v14+s1+$0x1C000] =	vst.idx.msk @!p1 vm2, v1;
	vm2 =	vlt.u32 @!p1 v15, v16;
	v16 =	vadd.s32 @!p1 $0x71, v14  }
0x31: {  	[tilespmem:v17+s1+$0x1C000] =	vst.idx.msk @!p1 vm3, v1;
	vm3 =	vlt.u32 @!p1 v15, v16;
	v15 =	vor.u32 @!p1 $0x60, v14  }
0x32: {  	v14 =	vor.u32 @!p1 $0x70, v14;
	[tilespmem:v18+s1+$0x1C000] =	vst.idx.msk @!p1 vm4, v1  }
0x33: {  	[tilespmem:v19+s1+$0x1C000] =	vst.idx.msk @!p1 vm5, v1  }
0x34: {  	[tilespmem:v20+s1+$0x1C000] =	vst.idx.msk @!p1 vm6, v1  }
0x35: {  	s2 =	sshll.u32 @!p1 s0, $0x10;
	[tilespmem:v21+s1+$0x1C000] =	vst.idx.msk @!p1 vm7, v1  }
0x36: {  	s0 =	sadd.s32 @!p1 $0x5, s0;
	s2 =	sshra.s32 @!p1 s2, $0x2;
	[tilespmem:v15+s1+$0x1C000] =	vst.idx.msk @!p1 vm2, v1  }
0x37: {  	s4 =	sadd.s32 @!p1 $0x1C000, s1;
	[tilespmem:v14+s1+$0x1C000] =	vst.idx.msk @!p1 vm3, v1;
	s1 =	sadd.s32 @!p1 $0x10000, s2;
	s2 =	simm.s32 @!p1 $0x80  }
0x38: {  	[hbm4b:s9+s2] =	stream.indirect.scatter @!p1 [tilespmem:s1], [sflag:s0], $0x80, s4, s2, $0xb8;
	[tilespmem:$0x1E380] =	vst v63  }
0x39: {  	_ =	swait.ge @!p1 [sflag:s0], $0x4000  }
0x3a: {  	s30 =	rddreg [dreg:$0x7]  }
0x3b: {  	s31 =	rddreg [dreg:$0x6];
	s2 =	sadd.s32 $0x1, s30  }
0x3c: {  	p2 =	sne.s32 s2, s31  }
.Ltmp1:
0x3d: {  	_ = 	snop;
	(pc) =	sbr.rel @!p2 .LBB2_26-.Ltmp1, $3  }
0x3e: {  	_ =	sdelay $0x1  }
0x3f: {  	[sflag:s0] =	ssyncset.done @!p1 $0x0  }
0x40: {  	[sflag:s0] =	ssyncadd.s32 @!p1 $0xFFFFC000  }
.LBB2_1:
0x41: {  	s0 =	simm.s32 $0x0;
	s1 =	rddreg [dreg:$0x4];
	s31 =	simm.s32 $0x1C180  }
0x42: {  	[tilespmem:s31], [sflag:$0x8] =	stream.linear.gather [hbm4b:s1+s0], $0xD00, $0x38;
	[tilespmem:$0x1E380] =	vst v63  }
.Ltmp2:
0x43: {  	_ = 	snop;
	(pc) =	sbr.rel @p0 .LBB2_25-.Ltmp2, $4  }
.Ltmp3:
0x44: {  	[dreg:$0x7] =	wrdreg s2;
	(pc) =	sbr.rel @!p0 .LBB2_2-.Ltmp3, $4  }
0x45: {  	_ =	swait.ge [sflag:s15], $0xD00  }
0x46: {  	[sflag:s15] =	ssyncset.done $0x0  }
0x47: {  	s8 =	simm.s32 $0x0;
	s25 =	rddreg [dreg:$0x5];
	[sflag:s15] =	ssyncadd.s32 $0xFFFFF300  }
0x48: {  	_ = 	snop  }
.LBB2_23:
0x49: {  	s0 =	rddreg [dreg:$0x0];
	s1 =	simm.s32 $0x18000;
	s31 =	simm.s32 $0x7  }
0x4a: {  	[tilespmem:s1], [sflag:$0x7] =	stream.indirect.gather [hbm4b:s0+s16], $0x80, s20, s16, $0xb8;
	[tilespmem:$0x1E380] =	vst v63  }
0x4b: {  	_ =	swait.ge [sflag:s31], $0x4000  }
0x4c: {  	[sflag:s31] =	ssyncset.done $0x0  }
0x4d: {  	[sflag:s31] =	ssyncadd.s32 $0xFFFFC000  }
.LBB2_24:
0x4e: {  	p1 =	slt.u32 s25, s12  }
.Ltmp4:
0x4f: {  	_ = 	snop;
	(pc) =	sbr.rel @!p1 .LBB2_25-.Ltmp4, $3  }
0x50: {  	_ =	sdelay $0x1  }
0x51: {  	s0 =	sadd.s32 $0x1, s25  }
0x52: {  	s25 =	smov.u32 s0  }
.LBB2_2:
0x53: {  	s0 =	sshrl.u32 s25, $0x3;
	s1 =	sshll.u32 s25, $0x7  }
0x54: {  	s2 =	sshll.u32 s0, $0xF;
	s4 =	sand.u32 $0x380, s1  }
0x55: {  	s2 =	sor.u32 s4, s2  }
0x56: {  	s11 =	smul.u32 $0x187, s25;
	s6 =	rddreg [dreg:$0x3];
	s2 =	sshrl.u32 s2, $0x3  }
0x57: {  	s31 =	simm.s32 $0x1E180;
	s0 =	sshll.u32 s0, $0xC;
	s2 =	sadd.s32 s6, s2  }
0x58: {  	[tilespmem:s18], [sflag:$0x8] =	stream.strided.gather [hbm4b:s2+s16], $0x1000, s17, s16, $0x38;
	[tilespmem:$0x1E380] =	vst v63  }
0x59: {  	p1 =	sgt.s32 s5, s11;
	s0 =	sor.u32 s4, s0;
	s2 =	sadd.s32 $0x187, s11  }
0x5a: {  	s0 =	sshrl.u32 s0, $0x3;
	p2 =	slt.s32 s10, s2;
	_ =	swait.ge [sflag:s15], $0x1000  }
0x5b: {  	s0 =	sadd.s32 s7, s0;
	s2 =	smov.u32 @p2 s10;
	[sflag:s15] =	ssyncset.done $0x0  }
0x5c: {  	s26 =	ssub.s32 s2, s11;
	[sflag:s15] =	ssyncadd.s32 $0xFFFFF000;
	s2 =	smov.u32 s11  }
0x5d: {  	[tilespmem:s31], [sflag:$0x8] =	stream.strided.gather [hbm4b:s0+s16], $0x200, s17, s16, $0x38;
	[tilespmem:$0x1E380] =	vst v63  }
0x5e: {  	s2 =	smov.u32 @p1 s5  }
0x5f: {  	p1 =	slt.s32 s26, $0x186;
	s28 =	smov.u32 s26;
	_ =	swait.ge [sflag:s15], $0x200  }
0x60: {  	s29 =	ssub.s32 s2, s11;
	s28 =	simm.s32 @!p1 $0x186;
	[sflag:s15] =	ssyncset.done $0x0  }
0x61: {  	s0 =	ssub.s32 s28, s29;
	[sflag:s15] =	ssyncadd.s32 $0xFFFFFE00  }
0x62: {  	p1 =	slt.s32 s0, $0x1;
	v15 =	vld [tilespmem:s1+$0x1C180]  }
0x63: {  	s2 =	smul.u32 @!p1 $0x61C000, s25;
	v17 =	vld [tilespmem:s1+$0x1C190]  }
0x64: {  	s4 =	sshll.u32 @!p1 s29, $0xB;
	v16 =	vld [tilespmem:s1+$0x1C1A0]  }
0x65: {  	v14 =	vld [tilespmem:s1+$0x1C1B0];
	s1 =	simm.s32 @!p1 $0x800;
	s11 =	sadd.s32 @!p1 s2, s4  }
0x66: {  	s13 =	simm.s32 @!p1 $0xC3800;
	p2 =	seq.s32 @!p1 s0, $0x1;
	s11 =	sshrl.u32 @!p1 s11, $0x3  }
0x67: {  	s14 =	simm.s32 @!p1 $0x0;
	p3 =	por p2, p1;
	s11 =	sadd.s32 @!p1 s3, s11  }
0x68: {  	[tilespmem:s14], [sflag:$0x1] =	stream.strided.gather @!p1 [hbm4b:s11+s1], $0x4000, s13, s1, $0x38;
	[tilespmem:$0x1E380] =	vst v63  }
0x69: {  	p4 =	slt.u32 @!p3 s0, $0x3;
	s1 =	sadd.s32 @!p3 s2, s4  }
0x6a: {  	p5 =	por @!p1 p4, p2;
	s1 =	sadd.s32 @!p3 $0x800, s1  }
0x6b: {  	p5 =	por p5, p1;
	s11 =	simm.s32 @!p3 $0x800;
	s1 =	sshrl.u32 @!p3 s1, $0x3  }
0x6c: {  	s13 =	simm.s32 @!p3 $0xC3800;
	s14 =	simm.s32 @!p3 $0x4000;
	s1 =	sadd.s32 @!p3 s3, s1  }
0x6d: {  	[tilespmem:s14], [sflag:$0x2] =	stream.strided.gather @!p3 [hbm4b:s1+s11], $0x4000, s13, s11, $0x38;
	[tilespmem:$0x1E380] =	vst v63  }
0x6e: {  	s1 =	sadd.s32 @!p5 s2, s4  }
0x6f: {  	s1 =	sadd.s32 @!p5 $0x1000, s1  }
0x70: {  	s11 =	simm.s32 @!p5 $0x800;
	s1 =	sshrl.u32 @!p5 s1, $0x3  }
0x71: {  	s13 =	simm.s32 @!p5 $0xC3800;
	s14 =	simm.s32 @!p5 $0x8000;
	s1 =	sadd.s32 @!p5 s3, s1  }
0x72: {  	[tilespmem:s14], [sflag:$0x3] =	stream.strided.gather @!p5 [hbm4b:s1+s11], $0x4000, s13, s11, $0x38;
	[tilespmem:$0x1E380] =	vst v63  }
0x73: {  	p5 =	seq.s32 @!p5 s0, $0x3  }
0x74: {  	p3 =	por @!p3 p5, p4  }
0x75: {  	p2 =	por @!p1 p3, p2  }
0x76: {  	p1 =	por p2, p1  }
0x77: {  	s0 =	sadd.s32 @!p1 s2, s4  }
0x78: {  	s0 =	sadd.s32 @!p1 $0x1800, s0  }
0x79: {  	s1 =	simm.s32 @!p1 $0x800;
	s0 =	sshrl.u32 @!p1 s0, $0x3  }
0x7a: {  	s2 =	simm.s32 @!p1 $0xC3800;
	s4 =	simm.s32 @!p1 $0xC000;
	s0 =	sadd.s32 @!p1 s3, s0  }
0x7b: {  	[tilespmem:s4], [sflag:$0x4] =	stream.strided.gather @!p1 [hbm4b:s0+s1], $0x4000, s2, s1, $0x38;
	[tilespmem:$0x1E380] =	vst v63  }
0x7c: {  	p1 =	sle.s32 s28, s29  }
.Ltmp5:
0x7d: {  	_ = 	snop;
	(pc) =	sbr.rel @p1 .LBB2_12-.Ltmp5, $1  }
0x7e: {  	_ =	sdelay $0x3  }
.Ltmp6:
0x7f: {  	(pc) =	sbr.rel .LBB2_4-.Ltmp6, $2  }
0x80: {  	_ =	sdelay $0x2  }
0x81: {  	v18 =	vmov s25;
	s30 =	smul.u32 $0x61C000, s25;
	s31 =	smov.u32 s29  }
.LBB2_6:
0x82: {  	s24 =	smov.u32 s8  }
.LBB2_10:
0x83: {  	_ = 	snop  }
0x84: {  	v21 =	vadd.f32 @p1 v21, v15;
	[tilespmem:s22+$0x20] =	vst @p1 v24  }
0x85: {  	[tilespmem:s22+$0x30] =	vst @p1 v25;
	p2 =	sne.s32 @p1 s11, $0x7F  }
0x86: {  	v20 =	vadd.s32 @p1 v18, v20;
	s1 =	sshra.s32 @p1 s19, $0x2;
	p2 =	por p2, !p1;
	[tilespmem:s22+$0x0] =	vst @p1 v21  }
0x87: {  	s6 =	sadd.s32 @p1 $0x1C000, s1;
	s11 =	sadd.s32 @!p2 $0x5, s21;
	s13 =	simm.s32 @!p2 $0x80;
	[tilespmem:v23+s1+$0x1C000] =	vst.idx.msk @p1 $0x1, v20  }
0x88: {  	[hbm4b:s9+s13] =	stream.indirect.scatter @!p2 [tilespmem:s23], [sflag:s11], $0x80, s6, s13, $0xb8;
	[tilespmem:$0x1E380] =	vst v63  }
0x89: {  	v20 =	vld.idx.msk [tilespmem:v22+s18+$0x0], $0xffff;
	_ =	sdelay $0x2  }
0x8a: {  	s1 =	sadd.s32 @p1 $0x1, s24  }
0x8b: {  	s8 =	smov.u32 @p1 s1  }
0x8c: {  	s1 =	sshra.s32 s8, $0x1F;
	v60 =	vshra.s32 v20, $0xC  }
0x8d: {  	s1 =	sshrl.u32 s1, $0x19;
	v19 =	vsub.s32 v60, v19  }
0x8e: {  	s1 =	sadd.s32 s1, s8;
	v19 =	vshll.u32 v19, $0x3  }
0x8f: {  	s14 =	sand.u32 $0xFFFFFF80, s1;
	v21 =	vand.u32 $0x7F, v60;
	v19 =	vand.u32 $0xFFFFFC00, v19  }
0x90: {  	p6 =	slt.s32 s8, $0x1;
	p1 =	sne.s32 s8, s14;
	v19 =	vor.u32 v21, v19  }
0x91: {  	p1 =	por !p6, !p1;
	v21 =	vadd.s32 v4, v19  }
0x92: {  	s6 =	simm.s32 $0x1;
	p1 =	por !p1, !p1;
	v61 =	vadd.s32 v5, v19  }
0x93: {  	s1 =	sshra.s32 s1, $0x7;
	s6 =	simm.s32 @!p1 $0x0;
	v62 =	vadd.s32 v6, v19  }
0x94: {  	s1 =	ssub.s32 s1, s6;
	v19 =	vadd.s32 v3, v19  }
0x95: {  	s19 =	sand.u32 $0x7F, s8;
	s21 =	sshrl.u32 s1, $0x1F  }
0x96: {  	p1 =	sne.s32 s19, $0x0;
	s11 =	sadd.s32 s21, s1;
	v21 =	vld.idx.msk [tilespmem:v21+s4+$0x0], $0xffff  }
0x97: {  	p2 =	slt.s32 @!p1 s1, $0x2;
	s11 =	sand.u32 $0xFFFFFFFE, s11;
	v22 =	vld.idx.msk [tilespmem:v61+s4+$0x0], $0xffff  }
0x98: {  	p1 =	por p2, p1;
	s1 =	ssub.s32 s1, s11;
	v23 =	vld.idx.msk [tilespmem:v62+s4+$0x0], $0xffff  }
0x99: {  	s11 =	sadd.s32 @!p1 $0x5, s1;
	s22 =	sshll.u32 s1, $0x10;
	v19 =	vld.idx.msk [tilespmem:v19+s4+$0x0], $0xffff  }
0x9a: {  	s13 =	sshra.s32 s22, $0x2;
	_ =	swait.ge @!p1 [sflag:s11], $0x4000  }
0x9b: {  	s14 =	sshll.u32 s19, $0x7;
	s13 =	sadd.s32 $0x10000, s13;
	[sflag:s11] =	ssyncset.done @!p1 $0x0;
	v21 =	vadd.f32 v21, v17  }
0x9c: {  	v63 =	vmov s19;
	s23 =	sor.u32 s14, s13;
	[sflag:s11] =	ssyncadd.s32 @!p1 $0xFFFFC000;
	v22 =	vadd.f32 v22, v16  }
0x9d: {  	v20 =	vand.u32 $0xFFF, v20;
	v23 =	vadd.f32 v23, v14;
	[tilespmem:s23+$0x10] =	vst v21  }
0x9e: {  	v20 =	vmul.u32 $0x1A, v20;
	v19 =	vadd.f32 v19, v15;
	[tilespmem:s23+$0x20] =	vst v22  }
0x9f: {  	s24 =	sshll.u32 s1, $0x9;
	[tilespmem:s23+$0x30] =	vst v23  }
0xa0: {  	s8 =	sadd.s32 $0x1, s8;
	v20 =	vadd.s32 v18, v20;
	s14 =	sshra.s32 s24, $0x2;
	p1 =	sne.s32 s19, $0x7F;
	[tilespmem:s23+$0x0] =	vst v19  }
0xa1: {  	s6 =	sadd.s32 $0x1C000, s14;
	s1 =	sadd.s32 @!p1 $0x5, s1;
	s11 =	simm.s32 @!p1 $0x80;
	[tilespmem:v63+s14+$0x1C000] =	vst.idx.msk $0x1, v20  }
0xa2: {  	[hbm4b:s9+s11] =	stream.indirect.scatter @!p1 [tilespmem:s13], [sflag:s1], $0x80, s6, s11, $0xb8;
	[tilespmem:$0x1E380] =	vst v63  }
.LBB2_11:
0xa3: {  	s1 =	sadd.s32 $0x4, s31  }
0xa4: {  	p1 =	sge.s32 s1, s28  }
0xa5: {  	s1 =	sshll.u32 @!p1 s1, $0xB  }
0xa6: {  	s1 =	sadd.s32 @!p1 s30, s1  }
0xa7: {  	s1 =	sshrl.u32 @!p1 s1, $0x3  }
0xa8: {  	s6 =	simm.s32 @!p1 $0x800;
	s11 =	simm.s32 @!p1 $0xC3800;
	s1 =	sadd.s32 @!p1 s3, s1  }
0xa9: {  	[tilespmem:s4], [sflag:s0] =	stream.strided.gather @!p1 [hbm4b:s1+s6], $0x4000, s11, s6, $0x38;
	[tilespmem:$0x1E380] =	vst v63  }
0xaa: {  	p1 =	slt.s32 s2, s28  }
.Ltmp7:
0xab: {  	_ = 	snop;
	(pc) =	sbr.rel @!p1 .LBB2_12-.Ltmp7, $2  }
0xac: {  	_ =	sdelay $0x2  }
0xad: {  	s31 =	smov.u32 s2  }
.LBB2_4:
0xae: {  	s0 =	sshra.s32 s31, $0x1F  }
0xaf: {  	s2 =	sadd.s32 $0x1, s31;
	p1 =	slt.u32 s31, $0x7FFFFFFF;
	s11 =	simm.s32 $0x1  }
0xb0: {  	p2 =	slt.s32 s31, $0x1;
	s0 =	sshrl.u32 s0, $0x1C;
	s1 =	sshra.s32 s2, $0x1F  }
0xb1: {  	s11 =	simm.s32 @!p1 $0x0;
	s0 =	sadd.s32 s0, s31;
	s4 =	sshrl.u32 s1, $0x1C  }
0xb2: {  	s1 =	sadd.s32 s11, s1;
	s4 =	sadd.s32 s4, s2;
	s13 =	sand.u32 $0xFFFFFFF0, s0  }
0xb3: {  	s11 =	simm.s32 $0x1;
	s24 =	sand.u32 $0xFFFFFFF0, s4;
	p5 =	sne.s32 s31, s13  }
0xb4: {  	p3 =	sne.s32 s1, $0x1;
	p4 =	sne.s32 s2, s24;
	p1 =	por !p2, !p5  }
0xb5: {  	s1 =	simm.s32 $0x1;
	p6 =	por !p4, !p3;
	p1 =	por !p1, !p1  }
0xb6: {  	s0 =	sshrl.u32 s0, $0x4;
	s1 =	simm.s32 @!p1 $0x0;
	p1 =	por !p6, !p6  }
0xb7: {  	s6 =	sshrl.u32 s4, $0x4;
	s0 =	ssub.s32 s0, s1;
	s11 =	simm.s32 @!p1 $0x0  }
0xb8: {  	s0 =	sshll.u32 s0, $0x6;
	s1 =	ssub.s32 s6, s11  }
0xb9: {  	s0 =	sshra.s32 s0, $0x2;
	s1 =	sshll.u32 s1, $0x6  }
0xba: {  	v19 =	vld [tilespmem:s0+$0x1E180];
	s13 =	sshra.s32 s1, $0x2  }
0xbb: {  	v20 =	vld [tilespmem:s13+$0x1E180];
	_ =	sdelay $0x1  }
0xbc: {  	s14 =	sand.u32 $0xF, s31  }
0xbd: {  	v21 =	vmov s14;
	s19 =	sand.u32 $0xF, s2  }
0xbe: {  	vm2 =	veq.s32 v21, v2;
	v63 =	vmov s19;
	v19 =	vxor.u32 $0x80000000, v19  }
0xbf: {  	v19 =	vnsel vm2, $0x0, v19;
	vm2 =	veq.s32 v63, v2;
	v20 =	vxor.u32 $0x80000000, v20  }
0xc0: {  	(xrf0) =	vmax.scan.msk.u32 $0xffff, v19;
	v19 =	vnsel vm2, $0x0, v20  }
0xc1: {  	(xrf0) =	vmax.scan.msk.u32 $0xffff, v19;
	_ =	sdelay $0x4  }
0xc2: {  	v19, _, _ =	vpop (xrf0)  }
0xc3: {  	(v2sf) =	vpush v19, $0xF;
	v19, _, _ =	vpop (xrf0)  }
0xc4: {  	(v2sf) =	vpush v19, $0xF;
	_ =	sdelay $0xd  }
0xc5: {  	s11 =	spop (v2sf)  }
0xc6: {  	s14 =	spop (v2sf)  }
0xc7: {  	s23 =	sxor.u32 $0x80000000, s11;
	s24 =	sxor.u32 $0x80000000, s14  }
0xc8: {  	s21 =	ssub.s32 s31, s29;
	p1 =	sge.s32 s23, s24  }
.Ltmp8:
0xc9: {  	s22 =	sand.u32 $0x3, s21;
	(pc) =	sbr.rel @p1 .LBB2_11-.Ltmp8, $4  }
0xca: {  	s0 =	sadd.s32 $0x1, s22  }
0xcb: {  	_ =	swait.ge [sflag:s0], $0x4000  }
0xcc: {  	[sflag:s0] =	ssyncset.done $0x0  }
0xcd: {  	s4 =	sshll.u32 s22, $0xE;
	[sflag:s0] =	ssyncadd.s32 $0xFFFFC000  }
0xce: {  	s1 =	sadd.s32 $0x1, s11  }
0xcf: {  	p2 =	sne.s32 s14, s1  }
.Ltmp9:
0xd0: {  	_ = 	snop;
	(pc) =	sbr.rel @!p2 .LBB2_6-.Ltmp9, $3  }
0xd1: {  	_ =	sdelay $0x1  }
0xd2: {  	s13 =	sshll.u32 s31, $0x8;
	s24 =	sadd.s32 $0x80000000, s11  }
0xd3: {  	p1 =	por $0x0, $0x0;
	v19 =	vmov s13;
	v22 =	vmov s24  }
0xd4: {  	_ =	sdelay $0x3  }
0xd5: {  	v20 =	vld.idx.msk [tilespmem:v22+s18+$0x0], $0xffff;
	_ =	sdelay $0x3  }
0xd6: {  	s11 =	sshra.s32 s8, $0x1F  }
0xd7: {  	s11 =	sshrl.u32 s11, $0x19;
	v21 =	vshra.s32 v20, $0xC  }
0xd8: {  	s11 =	sadd.s32 s11, s8;
	v22 =	vsub.s32 v21, v19  }
0xd9: {  	s13 =	sand.u32 $0xFFFFFF80, s11;
	v22 =	vshll.u32 v22, $0x3  }
0xda: {  	p2 =	slt.s32 s8, $0x1;
	p1 =	sne.s32 s8, s13;
	v21 =	vand.u32 $0x7F, v21;
	v22 =	vand.u32 $0xFFFFFC00, v22  }
0xdb: {  	p1 =	por !p2, !p1;
	v21 =	vor.u32 v21, v22  }
0xdc: {  	s13 =	simm.s32 $0x1;
	p1 =	por !p1, !p1;
	v22 =	vadd.s32 v4, v21  }
0xdd: {  	s11 =	sshra.s32 s11, $0x7;
	s13 =	simm.s32 @!p1 $0x0;
	v23 =	vadd.s32 v5, v21  }
0xde: {  	s13 =	ssub.s32 s11, s13;
	v24 =	vadd.s32 v6, v21  }
0xdf: {  	s19 =	sshrl.u32 s13, $0x1F;
	v21 =	vadd.s32 v3, v21  }
0xe0: {  	s11 =	sand.u32 $0x7F, s8;
	s19 =	sadd.s32 s19, s13  }
0xe1: {  	p1 =	sne.s32 s11, $0x0;
	s19 =	sand.u32 $0xFFFFFFFE, s19;
	v22 =	vld.idx.msk [tilespmem:v22+s4+$0x0], $0xffff  }
0xe2: {  	p2 =	slt.s32 @!p1 s13, $0x2;
	s21 =	ssub.s32 s13, s19;
	s13 =	sadd.s32 $0x1, s1;
	v25 =	vld.idx.msk [tilespmem:v23+s4+$0x0], $0xffff  }
0xe3: {  	p1 =	por p2, p1;
	p2 =	sne.s32 s14, s13;
	v26 =	vld.idx.msk [tilespmem:v24+s4+$0x0], $0xffff  }
.Ltmp10:
0xe4: {  	s19 =	sadd.s32 @!p1 $0x5, s21;
	s22 =	sshll.u32 s21, $0x10;
	v21 =	vld.idx.msk [tilespmem:v21+s4+$0x0], $0xffff;
	(pc) =	sbr.rel @!p2 .LBB2_8-.Ltmp10, $4  }
0xe5: {  	s22 =	sshra.s32 s22, $0x2;
	_ =	swait.ge @!p1 [sflag:s19], $0x4000  }
0xe6: {  	s6 =	sshll.u32 s11, $0x7;
	s23 =	sadd.s32 $0x10000, s22;
	[sflag:s19] =	ssyncset.done @!p1 $0x0;
	v27 =	vadd.f32 v22, v17  }
0xe7: {  	s24 =	sadd.s32 $0x80000000, s1;
	v20 =	vand.u32 $0xFFF, v20;
	v23 =	vmov s11;
	s22 =	sor.u32 s6, s23;
	[sflag:s19] =	ssyncadd.s32 @!p1 $0xFFFFC000;
	v24 =	vadd.f32 v25, v16  }
0xe8: {  	v20 =	vmul.u32 $0x1A, v20;
	s19 =	sshll.u32 s21, $0x9;
	p1 =	por $0x1, $0x1;
	v22 =	vmov s24;
	v25 =	vadd.f32 v26, v14;
	s24 =	smov.u32 s8;
	[tilespmem:s22+$0x10] =	vst v27  }
.LBB2_9:
0xe9: {  	v21 =	vadd.f32 v21, v15;
	[tilespmem:s22+$0x20] =	vst v24;
	s24 =	sadd.s32 $0x1, s24;
	s1 =	smov.u32 s13;
	s13 =	sadd.s32 $0x1, s13  }
0xea: {  	v20 =	vadd.s32 v18, v20;
	s19 =	sshra.s32 s19, $0x2;
	p3 =	sne.s32 s11, $0x7F;
	p2 =	sne.s32 s14, s13;
	[tilespmem:s22+$0x30] =	vst v25  }
0xeb: {  	s11 =	sadd.s32 $0x1C000, s19;
	s21 =	sadd.s32 @!p3 $0x5, s21;
	[tilespmem:s22+$0x0] =	vst v21;
	s22 =	simm.s32 @!p3 $0x80  }
0xec: {  	[tilespmem:v23+s19+$0x1C000] =	vst.idx.msk $0x1, v20  }
0xed: {  	[hbm4b:s9+s22] =	stream.indirect.scatter @!p3 [tilespmem:s23], [sflag:s21], $0x80, s11, s22, $0xb8;
	[tilespmem:$0x1E380] =	vst v63  }
0xee: {  	v20 =	vld.idx.msk [tilespmem:v22+s18+$0x0], $0xffff;
	_ =	sdelay $0x5  }
0xef: {  	s11 =	sshra.s32 s24, $0x1F;
	v21 =	vshra.s32 v20, $0xC;
	v20 =	vand.u32 $0xFFF, v20  }
0xf0: {  	s11 =	sshrl.u32 s11, $0x19;
	v22 =	vsub.s32 v21, v19;
	v20 =	vmul.u32 $0x1A, v20  }
0xf1: {  	s11 =	sadd.s32 s11, s24;
	v21 =	vand.u32 $0x7F, v21;
	v22 =	vshll.u32 v22, $0x3  }
0xf2: {  	s19 =	sand.u32 $0xFFFFFF80, s11;
	v22 =	vand.u32 $0xFFFFFC00, v22  }
0xf3: {  	p4 =	slt.s32 s24, $0x1;
	p3 =	sne.s32 s24, s19;
	v21 =	vor.u32 v21, v22  }
0xf4: {  	p3 =	por !p4, !p3;
	v22 =	vadd.s32 v3, v21;
	v23 =	vadd.s32 v4, v21;
	v24 =	vadd.s32 v6, v21  }
0xf5: {  	s21 =	simm.s32 $0x1;
	p3 =	por !p3, !p3;
	v21 =	vadd.s32 v5, v21  }
0xf6: {  	s19 =	sshra.s32 s11, $0x7;
	s21 =	simm.s32 @!p3 $0x0  }
0xf7: {  	s11 =	sand.u32 $0x7F, s24;
	s19 =	ssub.s32 s19, s21  }
0xf8: {  	p3 =	sne.s32 s11, $0x0;
	s21 =	sshrl.u32 s19, $0x1F  }
0xf9: {  	p4 =	slt.s32 @!p3 s19, $0x2;
	s21 =	sadd.s32 s21, s19;
	v23 =	vld.idx.msk [tilespmem:v23+s4+$0x0], $0xffff  }
0xfa: {  	s21 =	sand.u32 $0xFFFFFFFE, s21;
	v25 =	vld.idx.msk [tilespmem:v21+s4+$0x0], $0xffff  }
0xfb: {  	p3 =	por p4, p3;
	s21 =	ssub.s32 s19, s21;
	v26 =	vld.idx.msk [tilespmem:v24+s4+$0x0], $0xffff  }
0xfc: {  	s22 =	sadd.s32 @!p3 $0x5, s21;
	v21 =	vld.idx.msk [tilespmem:v22+s4+$0x0], $0xffff  }
.Ltmp11:
0xfd: {  	s23 =	sshll.u32 s21, $0x10;
	s19 =	sshll.u32 s21, $0x9;
	(pc) =	sbr.rel @p2 .LBB2_9-.Ltmp11, $4  }
0xfe: {  	s23 =	sshra.s32 s23, $0x2;
	_ =	swait.ge @!p3 [sflag:s22], $0x4000  }
0xff: {  	s6 =	sshll.u32 s11, $0x7;
	s23 =	sadd.s32 $0x10000, s23;
	v27 =	vadd.f32 v23, v17;
	v23 =	vmov s11;
	[sflag:s22] =	ssyncset.done @!p3 $0x0  }
0x100: {  	s1 =	sadd.s32 $0x80000000, s1;
	v24 =	vadd.f32 v25, v16;
	[sflag:s22] =	ssyncadd.s32 @!p3 $0xFFFFC000;
	s22 =	sor.u32 s6, s23  }
0x101: {  	v22 =	vmov s1;
	v25 =	vadd.f32 v26, v14;
	[tilespmem:s22+$0x10] =	vst v27  }
.Ltmp12:
0x102: {  	_ = 	snop;
	(pc) =	sbr.rel .LBB2_10-.Ltmp12, $1  }
0x103: {  	_ =	sdelay $0x3  }
.LBB2_8:
.Ltmp13:
0x104: {  	(pc) =	sbr.rel .LBB2_10-.Ltmp13, $2  }
0x105: {  	_ =	sdelay $0x2  }
0x106: {  	s24 =	smov.u32 s8  }
.LBB2_12:
0x107: {  	p1 =	sne.s32 s26, $0x187  }
.Ltmp14:
0x108: {  	_ = 	snop;
	(pc) =	sbr.rel @p1 .LBB2_24-.Ltmp14, $1  }
0x109: {  	_ =	sdelay $0x3  }
0x10a: {  	v18 =	vld [tilespmem:$0x1E300];
	_ =	sdelay $0x4  }
0x10b: {  	v19 =	vsel vm0, $0x80000000, v18  }
0x10c: {  	v18 =	vsel vm1, $0x80000000, v18;
	v19 =	vxor.u32 $0x80000000, v19  }
0x10d: {  	v18 =	vxor.u32 $0x80000000, v18;
	(xrf0) =	vmax.scan.msk.u32 $0xffff, v19  }
0x10e: {  	(xrf0) =	vmax.scan.msk.u32 $0xffff, v18;
	_ =	sdelay $0x4  }
0x10f: {  	v18, _, _ =	vpop (xrf0)  }
0x110: {  	(v2sf) =	vpush v18, $0xF;
	v18, _, _ =	vpop (xrf0)  }
0x111: {  	(v2sf) =	vpush v18, $0xF;
	_ =	sdelay $0xd  }
0x112: {  	s24 =	spop (v2sf)  }
0x113: {  	[tilespmem:v2+s20+$0x0] =	vst.idx.msk $0xffff, v0;
	s2 =	spop (v2sf)  }
0x114: {  	[tilespmem:v7+s20+$0x0] =	vst.idx.msk $0xffff, v0;
	s0 =	sxor.u32 $0x80000000, s24;
	s1 =	sxor.u32 $0x80000000, s2  }
0x115: {  	[tilespmem:v8+s20+$0x0] =	vst.idx.msk $0xffff, v0;
	p1 =	sge.s32 s0, s1  }
.Ltmp15:
0x116: {  	[tilespmem:v9+s20+$0x0] =	vst.idx.msk $0xffff, v0;
	(pc) =	sbr.rel @p1 .LBB2_23-.Ltmp15, $4  }
0x117: {  	[tilespmem:v10+s20+$0x0] =	vst.idx.msk $0xffff, v0  }
0x118: {  	[tilespmem:v11+s20+$0x0] =	vst.idx.msk $0xffff, v0  }
0x119: {  	[tilespmem:v12+s20+$0x0] =	vst.idx.msk $0xffff, v0  }
0x11a: {  	[tilespmem:v13+s20+$0x0] =	vst.idx.msk $0xffff, v0  }
0x11b: {  	s1 =	sadd.s32 $0x0, s0  }
0x11c: {  	v19 =	vmov s1;
	s1 =	ssub.s32 s2, s24  }
0x11d: {  	s31 =	smul.u32 $0xA0, s25;
	p1 =	sne.s32 s1, $0x1  }
.Ltmp16:
0x11e: {  	_ = 	snop;
	(pc) =	sbr.rel @!p1 .LBB2_16-.Ltmp16, $4  }
0x11f: {  	_ = 	snop  }
0x120: {  	v18 =	vmov s31  }
0x121: {  	v18 =	vadd.s32 $0xFFFE7A00, v18  }
0x122: {  	s4 =	simm.s32 $0x0;
	s11 =	simm.s32 $0x1;
	v18 =	vbroadcast v18, $0x0;
	v19 =	vld.idx.msk [tilespmem:v19+s18+$0x0], $0xffff  }
.LBB2_15:
0x123: {  	_ = 	snop  }
0x124: {  	s6 =	sadd.s32 s11, s0;
	v20 =	vmov s4;
	s4 =	smov.u32 s11;
	s11 =	sadd.s32 $0x1, s11  }
0x125: {  	v21 =	vmov s6;
	p1 =	sne.s32 s1, s11  }
.Ltmp17:
0x126: {  	(pc) =	sbr.rel @p1 .LBB2_15-.Ltmp17, $4  }
0x127: {  	v19 =	vshra.s32 v19, $0xC  }
0x128: {  	v19 =	vadd.s32 v18, v19  }
0x129: {  	[tilespmem:v20+s20+$0x0] =	vst.idx.msk $0x1, v19  }
0x12a: {  	v19 =	vld.idx.msk [tilespmem:v21+s18+$0x0], $0xffff  }
.LBB2_16:
0x12b: {  	_ = 	snop  }
0x12c: {  	v20 =	vmov s4;
	_ =	sdelay $0x2  }
0x12d: {  	s14 =	sadd.s32 $0x1, s24;
	v19 =	vshra.s32 v19, $0xC  }
0x12e: {  	s0 =	rddreg [dreg:$0x0];
	p2 =	seq.s32 s2, s14;
	v18 =	vadd.s32 v18, v19  }
.Ltmp18:
0x12f: {  	s1 =	simm.s32 $0x18000;
	s29 =	simm.s32 $0x7;
	[tilespmem:v20+s20+$0x0] =	vst.idx.msk $0x1, v18;
	(pc) =	sbr.rel @p2 .LBB2_17-.Ltmp18, $4  }
0x130: {  	[tilespmem:s1], [sflag:$0x7] =	stream.indirect.gather [hbm4b:s0+s16], $0x80, s20, s16, $0xb8;
	[tilespmem:$0x1E380] =	vst v63  }
0x131: {  	s30 =	sshra.s32 s8, $0x1F;
	_ =	swait.ge [sflag:s29], $0x4000  }
0x132: {  	p1 =	por $0x0, $0x0;
	s31 =	sshrl.u32 s30, $0x19;
	[sflag:s29] =	ssyncset.done $0x0  }
0x133: {  	s11 =	sadd.s32 s31, s8;
	v18 =	vmov s25;
	s0 =	simm.s32 $0x18020;
	[sflag:s29] =	ssyncadd.s32 $0xFFFFC000  }
0x134: {  	s1 =	sand.u32 $0xFFFFFF80, s11  }
0x135: {  	p2 =	slt.s32 s8, $0x1;
	p1 =	sne.s32 s8, s1  }
0x136: {  	p1 =	por !p2, !p1  }
0x137: {  	s1 =	simm.s32 $0x1;
	p1 =	por !p1, !p1  }
0x138: {  	s4 =	sshra.s32 s11, $0x7;
	s1 =	simm.s32 @!p1 $0x0  }
0x139: {  	s26 =	sadd.s32 $0x1, s14;
	s6 =	sadd.s32 $0x80000000, s24;
	s1 =	ssub.s32 s4, s1  }
0x13a: {  	s13 =	sand.u32 $0x7F, s8;
	s23 =	simm.s32 $0x18020;
	s4 =	sshrl.u32 s1, $0x1F  }
0x13b: {  	s28 =	simm.s32 $0x18020;
	p3 =	seq.s32 s2, s26;
	s4 =	sadd.s32 s4, s1  }
.Ltmp19:
0x13c: {  	s8 =	sadd.s32 $0x1, s8;
	s4 =	sand.u32 $0xFFFFFFFE, s4;
	(pc) =	sbr.rel @p3 .LBB2_19-.Ltmp19, $4  }
0x13d: {  	s31 =	sshra.s32 s8, $0x1F;
	p1 =	sne.s32 s13, $0x0;
	s4 =	ssub.s32 s1, s4  }
0x13e: {  	s11 =	sshrl.u32 s31, $0x19;
	p2 =	slt.s32 @!p1 s1, $0x2;
	s30 =	sshll.u32 s4, $0x10  }
0x13f: {  	v20 =	vmov s6;
	s11 =	sadd.s32 s11, s8;
	p2 =	por p2, p1;
	s19 =	sshra.s32 s30, $0x2  }
0x140: {  	v19 =	vld [tilespmem:s0+$0x0];
	p1 =	por $0x1, $0x1;
	s1 =	sshll.u32 s4, $0x9;
	s29 =	sadd.s32 $0x10000, s19  }
.LBB2_20:
0x141: {  	s6 =	sand.u32 $0xFFFFFF80, s11;
	s28 =	sadd.s32 $0x80, s28;
	s19 =	smov.u32 s26  }
0x142: {  	v21 =	vld [tilespmem:s23+$0xFFFFFFE0];
	s26 =	sadd.s32 $0x1, s26;
	s22 =	smov.u32 s1;
	s21 =	smov.u32 s29  }
0x143: {  	p5 =	slt.s32 s8, $0x1;
	p3 =	seq.s32 s2, s26;
	p4 =	sne.s32 s8, s6;
	v22 =	vld [tilespmem:s23+$0xFFFFFFF0]  }
0x144: {  	s1 =	sshra.s32 s11, $0x7;
	s11 =	simm.s32 $0x1;
	p4 =	por !p5, !p4;
	v20 =	vld.idx.msk [tilespmem:v20+s18+$0x0], $0xffff  }
0x145: {  	s6 =	sadd.s32 $0x80000000, s14;
	s14 =	smov.u32 s19;
	p4 =	por !p4, !p4  }
0x146: {  	s24 =	sand.u32 $0x7F, s8;
	s19 =	sshll.u32 s13, $0x7;
	s11 =	simm.s32 @!p4 $0x0;
	v19 =	vadd.f32 v19, v16;
	v23 =	vld [tilespmem:s23+$0x10]  }
0x147: {  	s19 =	sor.u32 s19, s21;
	s1 =	ssub.s32 s1, s11;
	v21 =	vadd.f32 v21, v15;
	s11 =	sadd.s32 @!p2 $0x5, s4  }
0x148: {  	s8 =	sadd.s32 $0x1, s8;
	s23 =	sshrl.u32 s1, $0x1F;
	v22 =	vadd.f32 v22, v17;
	_ =	swait.ge @!p2 [sflag:s11], $0x4000  }
0x149: {  	v24 =	vmov s13;
	p4 =	sne.s32 s24, $0x0;
	s23 =	sadd.s32 s23, s1;
	[sflag:s11] =	ssyncset.done @!p2 $0x0  }
0x14a: {  	p5 =	slt.s32 @!p4 s1, $0x2;
	v20 =	vand.u32 $0xFFF, v20;
	s23 =	sand.u32 $0xFFFFFFFE, s23;
	[sflag:s11] =	ssyncadd.s32 @!p2 $0xFFFFC000  }
0x14b: {  	p2 =	por p5, p4;
	v20 =	vmul.u32 $0x1A, v20;
	p4 =	sne.s32 s13, $0x7F;
	s30 =	ssub.s32 s1, s23;
	v23 =	vadd.f32 v23, v14;
	[tilespmem:s19+$0x10] =	vst v22  }
0x14c: {  	s13 =	sshra.s32 s22, $0x2;
	s11 =	sshll.u32 s30, $0x10;
	s1 =	sshll.u32 s30, $0x9;
	[tilespmem:s19+$0x0] =	vst v21  }
.Ltmp20:
0x14d: {  	s22 =	simm.s32 @!p4 $0x80;
	v21 =	vadd.s32 v18, v20;
	s11 =	sshra.s32 s11, $0x2;
	[tilespmem:s19+$0x20] =	vst v19;
	(pc) =	sbr.rel @!p3 .LBB2_20-.Ltmp20, $4  }
0x14e: {  	s23 =	sshra.s32 s8, $0x1F;
	s29 =	sadd.s32 $0x10000, s11;
	[tilespmem:s19+$0x30] =	vst v23;
	s11 =	sadd.s32 $0x1C000, s13  }
0x14f: {  	s4 =	sadd.s32 @!p4 $0x5, s4;
	v20 =	vmov s6;
	s19 =	sshrl.u32 s23, $0x19;
	s23 =	smov.u32 s28;
	[tilespmem:v24+s13+$0x1C000] =	vst.idx.msk $0x1, v21  }
0x150: {  	[hbm4b:s9+s22] =	stream.indirect.scatter @!p4 [tilespmem:s21], [sflag:s4], $0x80, s11, s22, $0xb8;
	[tilespmem:$0x1E380] =	vst v63  }
0x151: {  	s13 =	smov.u32 s24;
	s11 =	sadd.s32 s19, s8;
	s4 =	smov.u32 s30;
	v19 =	vld [tilespmem:s28+$0x0]  }
0x152: {  	s24 =	smov.u32 s14  }
.LBB2_22:
0x153: {  	_ =	sdelay $0x1  }
0x154: {  	v21 =	vld @p1 [tilespmem:s23+$0xFFFFFFF0]  }
0x155: {  	v22 =	vld @p1 [tilespmem:s23+$0xFFFFFFE0]  }
0x156: {  	v20 =	vld.idx.msk @p1 [tilespmem:v20+s18+$0x0], $0xffff;
	p2 =	por p2, !p1  }
0x157: {  	v23 =	vld @p1 [tilespmem:s23+$0x10];
	s6 =	sadd.s32 @!p2 $0x5, s4  }
0x158: {  	s2 =	sand.u32 $0xFFFFFF80, s11;
	s19 =	smov.u32 @p1 s29;
	_ =	swait.ge @!p2 [sflag:s6], $0x4000  }
0x159: {  	p3 =	sne.s32 s8, s2;
	s2 =	sshll.u32 @p1 s13, $0x7;
	[sflag:s6] =	ssyncset.done @!p2 $0x0;
	v19 =	vadd.f32 @p1 v19, v16  }
0x15a: {  	p4 =	slt.s32 s8, $0x1;
	v24 =	vmov @p1 s13;
	s2 =	sor.u32 @p1 s2, s19;
	[sflag:s6] =	ssyncadd.s32 @!p2 $0xFFFFC000;
	v21 =	vadd.f32 @p1 v21, v17  }
0x15b: {  	s14 =	sadd.s32 @p1 $0x80, s28;
	s23 =	sadd.s32 $0x80000000, s24;
	p6 =	por !p4, !p3;
	v22 =	vadd.f32 @p1 v22, v15;
	v20 =	vand.u32 @p1 $0xFFF, v20;
	[tilespmem:s2+$0x20] =	vst @p1 v19  }
0x15c: {  	s21 =	simm.s32 $0x1;
	s24 =	sshra.s32 s11, $0x7;
	p2 =	por !p6, !p6;
	v20 =	vmul.u32 @p1 $0x1A, v20;
	[tilespmem:s2+$0x10] =	vst @p1 v21;
	v21 =	vadd.f32 @p1 v23, v14  }
0x15d: {  	s1 =	sshra.s32 @p1 s1, $0x2;
	p3 =	sne.s32 @p1 s13, $0x7F;
	s21 =	simm.s32 @!p2 $0x0;
	[tilespmem:s2+$0x0] =	vst @p1 v22  }
0x15e: {  	s0 =	smov.u32 @p1 s14;
	p2 =	por p3, !p1;
	s11 =	ssub.s32 s24, s21;
	v19 =	vadd.s32 @p1 v18, v20;
	[tilespmem:s2+$0x30] =	vst @p1 v21  }
0x15f: {  	v57 =	vmov s23;
	s13 =	simm.s32 @!p2 $0x80;
	s2 =	sadd.s32 @p1 $0x1C000, s1;
	[tilespmem:v24+s1+$0x1C000] =	vst.idx.msk @p1 $0x1, v19;
	s1 =	sadd.s32 @!p2 $0x5, s4  }
0x160: {  	[hbm4b:s9+s13] =	stream.indirect.scatter @!p2 [tilespmem:s19], [sflag:s1], $0x80, s2, s13, $0xb8;
	[tilespmem:$0x1E380] =	vst v63  }
0x161: {  	s26 =	sand.u32 $0x7F, s8;
	s28 =	sshrl.u32 s11, $0x1F;
	v19 =	vld [tilespmem:s0+$0x0]  }
0x162: {  	p1 =	sne.s32 s26, $0x0;
	s2 =	sadd.s32 s28, s11;
	v21 =	vld [tilespmem:s0+$0xFFFFFFF0]  }
0x163: {  	p2 =	slt.s32 @!p1 s11, $0x2;
	s2 =	sand.u32 $0xFFFFFFFE, s2;
	v22 =	vld [tilespmem:s0+$0xFFFFFFE0]  }
0x164: {  	p1 =	por p2, p1;
	v20 =	vld.idx.msk [tilespmem:v57+s18+$0x0], $0xffff;
	s2 =	ssub.s32 s11, s2  }
0x165: {  	v58 =	vld [tilespmem:s0+$0x10];
	s29 =	sshll.u32 s2, $0x10;
	s0 =	sadd.s32 @!p1 $0x5, s2  }
0x166: {  	s4 =	sshra.s32 s29, $0x2;
	_ =	swait.ge @!p1 [sflag:s0], $0x4000  }
0x167: {  	s30 =	sshll.u32 s26, $0x7;
	s4 =	sadd.s32 $0x10000, s4;
	[sflag:s0] =	ssyncset.done @!p1 $0x0;
	v59 =	vadd.f32 v21, v17  }
0x168: {  	v60 =	vmov s26;
	v15 =	vadd.f32 v22, v15;
	s6 =	sor.u32 s30, s4;
	[sflag:s0] =	ssyncadd.s32 @!p1 $0xFFFFC000  }
0x169: {  	v61 =	vadd.f32 v19, v16;
	v62 =	vand.u32 $0xFFF, v20;
	[tilespmem:s6+$0x10] =	vst v59  }
.Ltmp21:
0x16a: {  	v14 =	vadd.f32 v58, v14;
	v63 =	vmul.u32 $0x1A, v62;
	[tilespmem:s6+$0x0] =	vst v15;
	(pc) =	sbr.rel .LBB2_24-.Ltmp21, $4  }
0x16b: {  	s31 =	sshll.u32 s2, $0x9;
	[tilespmem:s6+$0x20] =	vst v61  }
0x16c: {  	s8 =	sadd.s32 $0x1, s8;
	p1 =	sne.s32 s26, $0x7F;
	s0 =	sshra.s32 s31, $0x2;
	[tilespmem:s6+$0x30] =	vst v14;
	v15 =	vadd.s32 v18, v63  }
0x16d: {  	s1 =	simm.s32 @!p1 $0x80;
	s6 =	sadd.s32 $0x1C000, s0;
	[tilespmem:v60+s0+$0x1C000] =	vst.idx.msk $0x1, v15;
	s0 =	sadd.s32 @!p1 $0x5, s2  }
0x16e: {  	[hbm4b:s9+s1] =	stream.indirect.scatter @!p1 [tilespmem:s4], [sflag:s0], $0x80, s6, s1, $0xb8;
	[tilespmem:$0x1E380] =	vst v63  }
.LBB2_17:
.Ltmp22:
0x16f: {  	(pc) =	sbr.rel .LBB2_22-.Ltmp22, $2  }
0x170: {  	_ =	sdelay $0x2  }
0x171: {  	s28 =	simm.s32 $0x18020  }
.LBB2_19:
.Ltmp23:
0x172: {  	(pc) =	sbr.rel .LBB2_22-.Ltmp23, $2  }
0x173: {  	_ =	sdelay $0x2  }
0x174: {  	s23 =	simm.s32 $0x18020;
	s28 =	simm.s32 $0x18020;
	s24 =	smov.u32 s14  }
.LBB2_26:
0x175: {  	_ =	sfence.sel $0x180000  }
0x176: {  	[bflag:$0x0] =	sbarrier.arrive $0xFFFF  }
0x177: {  	_ =	strace $0x90000047  }
0x178: {  	s0 =	stileid.u32;
	[bflag:$0x2] =	sbarrier.arrive $0xFFFF  }
0x179: {  	p0 =	sne.s32 s0, $0x0;
	s0 =	rddreg [dreg:$0x2]  }
0x17a: {  	s0 =	sadd.s32 @!p0 $0x100000, s0  }
0x17b: {  	[sflag:s0] =	ssyncadd.tile.s32 @!p0 $0x1;
	_ =	shalt  }
.Lfunc_end2:
_tile_overlayer_lowered:
.L_overlay_start_2:
0x17c: {  	(tag) =	ssettag $0x2  }
0x17d: {  	s0 =	rddreg [dreg:$0x0];
	s2 =	stileid.u32  }
0x17e: {  	s1 =	rddreg [dreg:$0x1];
	p0 =	sne.s32 s2, $0x0  }
0x17f: {  	s3 =	rddreg [dreg:$0x2];
	[bflag:$0x3] =	sbarrier.arrive $0xFFFF;
	s2 =	simm.s32 @!p0 $0x1C08  }
0x180: {  	[timem:s3], [sflag:s2] =	dma.local @!p0 [hbm:s0], s1  }
0x181: {  	s0 =	simm.s32 @!p0 $0x8  }
0x182: {  	_ =	swait.ge @!p0 [sflag:s0], s1  }
0x183: {  	s1 =	ssub.s32 @!p0 $0x0, s1;
	[sflag:s0] =	ssyncset.done @!p0 $0x0  }
0x184: {  	[sflag:s0] =	ssyncadd.s32 @!p0 s1  }
0x185: {  	[bflag:$0x3] =	sbarrier.arrive $0xFFFF  }
0x186: {  	_ =	shalt  }

</sc_bundles>
